<compile_context>
chip_gen: v7x
topology: tpu7x:2x2x1
jax: 0.10.2.dev20260603
libtpu: 0.0.44.dev20260713+nightly
codegen_flags: <defaults>
</compile_context>

<pallas_src>
import functools

import jax
import jax.numpy as jnp
from jax import lax
from jax.experimental import pallas as pl
from jax.experimental.pallas import tpu as pltpu
from jax.experimental.pallas import tpu_sc as plsc

f32 = jnp.float32
i32 = jnp.int32

_NC = 2
_NS = 16
_CH = 128
_BLK = 4
_ROWS = 640


def _sc_mesh():
  return plsc.VectorSubcoreMesh(
      core_axis_name="c", subcore_axis_name="s",
      num_cores=_NC, num_subcores=_NS)


@functools.cache
def _make_deg_kernel(npad, ep):
  stripe = npad // _NS
  et = ep // (_NC * _NS)
  nch = et // _CH

  @functools.partial(
      pl.kernel,
      out_type=jax.ShapeDtypeStruct((_NC * npad,), f32),
      mesh=_sc_mesh(),
      scratch_types=[
          pltpu.VMEM_SHARED((npad + 8,), f32),
          pltpu.VMEM((_CH,), i32),
          pltpu.VMEM((_CH,), f32),
          pltpu.VMEM((stripe,), f32),
      ],
  )
  def deg_kernel(dst_hbm, out_hbm, acc, idxv, onesv, zerov):
    cid = lax.axis_index("c")
    sid = lax.axis_index("s")

    @pl.loop(0, _CH // 16)
    def _(i):
      onesv[pl.ds(i * 16, 16)] = jnp.ones((16,), f32)

    @pl.loop(0, stripe // 16)
    def _(i):
      zerov[pl.ds(i * 16, 16)] = jnp.zeros((16,), f32)

    pltpu.sync_copy(zerov, acc.at[pl.ds(sid * stripe, stripe)])
    plsc.subcore_barrier()

    base = (cid * _NS + sid) * et

    @pl.loop(0, nch)
    def _(g):
      off = base + g * _CH
      pltpu.sync_copy(dst_hbm.at[pl.ds(off, _CH)], idxv)
      pltpu.sync_copy(
          onesv, acc.at[plsc.Indices(idxv, ignored_value=-1)], add=True)

    plsc.subcore_barrier()
    pltpu.sync_copy(acc.at[pl.ds(sid * stripe, stripe)], zerov)
    pltpu.sync_copy(zerov,
                    out_hbm.at[pl.ds(cid * npad + sid * stripe, stripe)])

  return deg_kernel


@functools.cache
def _make_agg_kernel(n, dh, ep, feature_split):
  stripe = n // _NS
  if feature_split:
    et = ep // _NS
  else:
    et = ep // (_NC * _NS)
  nch = et // _CH

  @functools.partial(
      pl.kernel,
      out_type=(jax.ShapeDtypeStruct((n, dh), f32),) * 2,
      mesh=_sc_mesh(),
      scratch_types=[
          pltpu.VMEM_SHARED((n, dh), f32),
          pltpu.VMEM((_CH,), i32),
          pltpu.VMEM((_CH,), i32),
          pltpu.VMEM((_CH,), i32),
          pltpu.VMEM((_CH,), i32),
          pltpu.VMEM((_CH, dh), f32),
          pltpu.VMEM((_CH, dh), f32),
          pltpu.SemaphoreType.DMA,
          pltpu.SemaphoreType.DMA,
          pltpu.SemaphoreType.DMA,
          pltpu.SemaphoreType.DMA,
      ],
  )
  def agg_kernel(in0_hbm, in1_hbm, src_hbm, dst_hbm, o0_hbm, o1_hbm,
                 acc, siv0, siv1, div0, div1, rows0, rows1, sem0, sem1,
                 ssem0, ssem1):
    cid = lax.axis_index("c")
    sid = lax.axis_index("s")
    sivs = (siv0, siv1)
    divs = (div0, div1)
    rows_b = (rows0, rows1)
    sems = (sem0, sem1)
    ssems = (ssem0, ssem1)

    for half in range(2):
      init_hbm = (in0_hbm, in1_hbm)[half]
      g_hbm = init_hbm if feature_split else in0_hbm
      o_hbm = (o0_hbm, o1_hbm)[half]
      if feature_split:
        base = sid * et
      else:
        base = half * (ep // _NC) + sid * et

      @pl.when(cid == half)
      def _():
        @pl.loop(0, stripe // _CH)
        def _(i):
          roff = sid * stripe + i * _CH
          pltpu.sync_copy(init_hbm.at[pl.ds(roff, _CH)], rows0)
          pltpu.sync_copy(rows0, acc.at[pl.ds(roff, _CH)])

        plsc.subcore_barrier()

        def load_idx(sl, c):
          off = base + c * _CH
          pltpu.sync_copy(src_hbm.at[pl.ds(off, _CH)], sivs[sl])
          pltpu.sync_copy(dst_hbm.at[pl.ds(off, _CH)], divs[sl])

        def gather(sl):
          return pltpu.make_async_copy(
              g_hbm.at[plsc.Indices(sivs[sl], ignored_value=-1)],
              rows_b[sl], sems[sl])

        def scatter(sl):
          return pltpu.make_async_copy(
              rows_b[sl],
              acc.at[plsc.Indices(divs[sl], ignored_value=-1)], ssems[sl])

        nb2 = nch // 2
        load_idx(0, 0)
        gather(0).start()

        @pl.loop(0, nb2)
        def _(i):
          @pl.when(i > 0)
          def _():
            scatter(1).wait()
          load_idx(1, 2 * i + 1)
          gather(0).wait()
          gather(1).start()
          scatter(0).start(add=True)

          @pl.when(i < nb2 - 1)
          def _():
            scatter(0).wait()
            load_idx(0, 2 * i + 2)
          gather(1).wait()

          @pl.when(i < nb2 - 1)
          def _():
            gather(0).start()
          scatter(1).start(add=True)

        scatter(0).wait()
        scatter(1).wait()
        plsc.subcore_barrier()

        @pl.loop(0, stripe // _CH)
        def _(i):
          roff = sid * stripe + i * _CH
          pltpu.sync_copy(acc.at[pl.ds(roff, _CH)], rows0)
          pltpu.sync_copy(rows0, o_hbm.at[pl.ds(roff, _CH)])

  return agg_kernel


def _silu(t):
  return t * (1.0 / (1.0 + jnp.exp(-t)))


@functools.cache
def _make_tc0(n, din):
  grid = n // _ROWS

  def body(parts_ref, x_ref, dinv_ref, s_ref):
    deg = jnp.sum(parts_ref[...], axis=1, keepdims=True) + 1.0
    dinv = lax.rsqrt(deg)
    dinv_ref[...] = dinv
    s_ref[...] = x_ref[...] * dinv

  return pl.pallas_call(
      body,
      grid=(grid,),
      in_specs=[
          pl.BlockSpec((_ROWS, _NC), lambda i: (i, 0)),
          pl.BlockSpec((_ROWS, din), lambda i: (i, 0)),
      ],
      out_specs=[
          pl.BlockSpec((_ROWS, 1), lambda i: (i, 0)),
          pl.BlockSpec((_ROWS, din), lambda i: (i, 0)),
      ],
      out_shape=[
          jax.ShapeDtypeStruct((n, 1), f32),
          jax.ShapeDtypeStruct((n, din), f32),
      ],
  )


@functools.cache
def _make_tc_mid(n, dh_in, dout, sum_partials):
  din = dh_in if sum_partials else 2 * dh_in
  dho = dout // 2
  grid = n // _ROWS

  def body(a0_ref, a1_ref, dinv_ref, w_ref, b_ref, ol_ref, or_ref):
    dinv = dinv_ref[...]
    w = w_ref[...]
    if sum_partials:
      t0 = (a0_ref[...] + a1_ref[...]) * dinv
      t = jnp.dot(t0, w, preferred_element_type=f32) + b_ref[...]
    else:
      tl = a0_ref[...] * dinv
      tr = a1_ref[...] * dinv
      t = (jnp.dot(tl, w[:dh_in], preferred_element_type=f32)
           + jnp.dot(tr, w[dh_in:], preferred_element_type=f32)
           + b_ref[...])
    s = _silu(t) * dinv
    ol_ref[...] = s[:, :dho]
    or_ref[...] = s[:, dho:]

  return pl.pallas_call(
      body,
      grid=(grid,),
      in_specs=[
          pl.BlockSpec((_ROWS, dh_in), lambda i: (i, 0)),
          pl.BlockSpec((_ROWS, dh_in), lambda i: (i, 0)),
          pl.BlockSpec((_ROWS, 1), lambda i: (i, 0)),
          pl.BlockSpec((din, dout), lambda i: (0, 0)),
          pl.BlockSpec((1, dout), lambda i: (0, 0)),
      ],
      out_specs=[
          pl.BlockSpec((_ROWS, dho), lambda i: (i, 0)),
          pl.BlockSpec((_ROWS, dho), lambda i: (i, 0)),
      ],
      out_shape=[
          jax.ShapeDtypeStruct((n, dho), f32),
          jax.ShapeDtypeStruct((n, dho), f32),
      ],
  )


@functools.cache
def _make_tc_fin(n, dh_in, dout):
  grid = n // _ROWS

  def body(al_ref, ar_ref, dinv_ref, wm_ref, bm_ref, wl_ref, bl_ref,
           mu_ref, lv_ref):
    dinv = dinv_ref[...]
    tl = al_ref[...] * dinv
    tr = ar_ref[...] * dinv
    wm = wm_ref[...]
    wl = wl_ref[...]
    mu_ref[...] = (jnp.dot(tl, wm[:dh_in], preferred_element_type=f32)
                   + jnp.dot(tr, wm[dh_in:], preferred_element_type=f32)
                   + bm_ref[...])
    lv_ref[...] = (jnp.dot(tl, wl[:dh_in], preferred_element_type=f32)
                   + jnp.dot(tr, wl[dh_in:], preferred_element_type=f32)
                   + bl_ref[...])

  din = 2 * dh_in
  return pl.pallas_call(
      body,
      grid=(grid,),
      in_specs=[
          pl.BlockSpec((_ROWS, dh_in), lambda i: (i, 0)),
          pl.BlockSpec((_ROWS, dh_in), lambda i: (i, 0)),
          pl.BlockSpec((_ROWS, 1), lambda i: (i, 0)),
          pl.BlockSpec((din, dout), lambda i: (0, 0)),
          pl.BlockSpec((1, dout), lambda i: (0, 0)),
          pl.BlockSpec((din, dout), lambda i: (0, 0)),
          pl.BlockSpec((1, dout), lambda i: (0, 0)),
      ],
      out_specs=[
          pl.BlockSpec((_ROWS, dout), lambda i: (i, 0)),
          pl.BlockSpec((_ROWS, dout), lambda i: (i, 0)),
      ],
      out_shape=[
          jax.ShapeDtypeStruct((n, dout), f32),
          jax.ShapeDtypeStruct((n, dout), f32),
      ],
  )


def kernel(x, edge_index, W0, b0, W1, b1, W2, b2, Wmu, bmu, Wlv, blv):
  n0, din = x.shape
  hid = W0.shape[1]
  e = edge_index.shape[1]

  n = ((n0 + _ROWS - 1) // _ROWS) * _ROWS
  if n != n0:
    x = jnp.pad(x, ((0, n - n0), (0, 0)))

  unit = _NC * _NS * _CH * _BLK
  ep = ((e + unit - 1) // unit) * unit
  pad = ep - e
  src = edge_index[0].astype(i32)
  dst = edge_index[1].astype(i32)
  if pad:
    fill = jnp.full((pad,), -1, i32)
    srcp = jnp.concatenate([src, fill])
    dstp = jnp.concatenate([dst, fill])
  else:
    srcp, dstp = src, dst

  npad = n

  parts = _make_deg_kernel(npad, ep)(dstp)
  parts_t = parts.reshape(_NC, npad).T

  dinv, s0 = _make_tc0(n, din)(parts_t, x)

  zeros0 = jnp.zeros((n, din), f32)
  a0, a1 = _make_agg_kernel(n, din, ep, False)(s0, zeros0, srcp, dstp)
  sl, sr = _make_tc_mid(n, din, hid, True)(a0, a1, dinv, W0, b0.reshape(1, -1))

  agg_hid = _make_agg_kernel(n, hid // 2, ep, True)
  tc_mid = _make_tc_mid(n, hid // 2, hid, False)
  al, ar = agg_hid(sl, sr, srcp, dstp)
  sl, sr = tc_mid(al, ar, dinv, W1, b1.reshape(1, -1))
  al, ar = agg_hid(sl, sr, srcp, dstp)
  sl, sr = tc_mid(al, ar, dinv, W2, b2.reshape(1, -1))
  al, ar = agg_hid(sl, sr, srcp, dstp)

  mu, lv = _make_tc_fin(n, hid // 2, Wmu.shape[1])(
      al, ar, dinv, Wmu, bmu.reshape(1, -1), Wlv, blv.reshape(1, -1))
  return (mu[:n0], lv[:n0])

# --- scband reference (transcript-rebuilt; emitter-appended) ---
"""Pipeline reference for scband-encoder-19542101197379 (READ-ONLY COPY).

The authoritative reference and input builder live on the scoring server;
editing this copy changes nothing except your own understanding.
"""

import jax, jax.numpy as jnp
import numpy as np

N = 10000
E = 320000
IN, HID, OUT = 128, 256, 64


def _glorot(key, shape):
    fan_in, fan_out = shape[0], shape[1]
    scale = jnp.sqrt(6.0 / (fan_in + fan_out))
    return jax.random.uniform(key, shape, dtype=jnp.float32, minval=-scale, maxval=scale)


def setup_inputs(seed: int = 0) -> dict:
    key = jax.random.key(seed)
    ks = jax.random.split(key, 12)
    x = jax.random.normal(ks[0], (N, IN), dtype=jnp.float32)
    edge_index = jax.random.randint(ks[1], (2, E), 0, N).astype(jnp.int64)
    params = {
        'W0': _glorot(ks[2], (IN, HID)),  'b0': jnp.zeros((HID,), jnp.float32),
        'W1': _glorot(ks[3], (HID, HID)), 'b1': jnp.zeros((HID,), jnp.float32),
        'W2': _glorot(ks[4], (HID, HID)), 'b2': jnp.zeros((HID,), jnp.float32),
        'Wmu': _glorot(ks[5], (HID, OUT)), 'bmu': jnp.zeros((OUT,), jnp.float32),
        'Wlv': _glorot(ks[6], (HID, OUT)), 'blv': jnp.zeros((OUT,), jnp.float32),
    }
    return {'x': x, 'edge_index': edge_index, **params}


def _gcn_conv(x, src, dst, n, W, b):
    # x' = D^{-1/2} (A + I) D^{-1/2} (x W) + b  (PyG GCNConv with add_self_loops=True)
    h = x @ W
    deg = jnp.zeros((n,), jnp.float32).at[dst].add(jnp.ones_like(dst, dtype=jnp.float32))
    deg_inv_sqrt = jnp.where(deg > 0, 1.0 / jnp.sqrt(deg), 0.0)
    norm = deg_inv_sqrt[src] * deg_inv_sqrt[dst]
    msgs = h[src] * norm[:, None]
    out = jnp.zeros((n, W.shape[1]), jnp.float32).at[dst].add(msgs)
    return out + b


def reference(x, edge_index, W0, b0, W1, b1, W2, b2, Wmu, bmu, Wlv, blv):
    n = x.shape[0]
    loop = jnp.arange(n, dtype=edge_index.dtype)
    src = jnp.concatenate([edge_index[0], loop])
    dst = jnp.concatenate([edge_index[1], loop])
    h = x
    for W, b in ((W0, b0), (W1, b1), (W2, b2)):
        h = jax.nn.silu(_gcn_conv(h, src, dst, n, W, b))
    mu_z = _gcn_conv(h, src, dst, n, Wmu, bmu)
    logvar_z = _gcn_conv(h, src, dst, n, Wlv, blv)
    return (mu_z, logvar_z)

if __name__ == "__main__":
    import jax
    _d = setup_inputs()
    print(jax.jit(kernel)(*tuple(_d.values())))

</pallas_src>

<mosaic_0001>
#map = affine_map<(d0, d1) -> (0, 0)>
#map1 = affine_map<(d0, d1) -> (0)>
module attributes {stable_mosaic.version = 14 : i64} {
  func.func @agg_kernel(%arg0: i32, %arg1: i32, %arg2: memref<10240x128xf32, #tpu.memory_space<hbm>>, %arg3: memref<10240x128xf32, #tpu.memory_space<hbm>>, %arg4: memref<327680xi32, #tpu.memory_space<hbm>>, %arg5: memref<327680xi32, #tpu.memory_space<hbm>>, %arg6: memref<10240x128xf32, #tpu.memory_space<hbm>>, %arg7: memref<10240x128xf32, #tpu.memory_space<hbm>>, %arg8: memref<10240x128xf32, #tpu.memory_space<vmem_shared>>, %arg9: memref<128xi32, #tpu.memory_space<vmem>>, %arg10: memref<128xi32, #tpu.memory_space<vmem>>, %arg11: memref<128xi32, #tpu.memory_space<vmem>>, %arg12: memref<128xi32, #tpu.memory_space<vmem>>, %arg13: memref<128x128xf32, #tpu.memory_space<vmem>>, %arg14: memref<128x128xf32, #tpu.memory_space<vmem>>, %arg15: memref<!tpu.dma_semaphore, #tpu.memory_space<semaphore_mem>>, %arg16: memref<!tpu.dma_semaphore, #tpu.memory_space<semaphore_mem>>, %arg17: memref<!tpu.dma_semaphore, #tpu.memory_space<semaphore_mem>>, %arg18: memref<!tpu.dma_semaphore, #tpu.memory_space<semaphore_mem>>) attributes {dimension_semantics = [#tpu.dimension_semantics<core_parallel>, #tpu.dimension_semantics<subcore_parallel>], iteration_bounds = array<i64: 2, 16>, scalar_prefetch = 0 : i64, scratch_operands = 11 : i64, tpu.core_type = #tpu.core_type<sc_vector_subcore>, window_params = [{transform_indices = #map}, {transform_indices = #map}, {transform_indices = #map1}, {transform_indices = #map1}, {transform_indices = #map}, {transform_indices = #map}]} {
    %mul3A = arith.constant 20480 : i32
    %mul3A_0 = arith.muli %arg1, %mul3A : i32
    %eq3A = arith.constant 0 : i32
    %eq3A_1 = arith.cmpi eq, %arg0, %eq3A : i32
    %convert_element_type3A = arith.extui %eq3A_1 : i1 to i32
    %cond3A = arith.constant 0 : i32
    %cond3A_2 = arith.cmpi ne, %convert_element_type3A, %cond3A : i32
    scf.if %cond3A_2 {
      %scan3A = arith.constant 0 : i32
      %scan3A_10 = arith.constant 5 : i32
      %scan3A_11 = arith.addi %scan3A, %scan3A_10 : i32
      %scan3A_12 = arith.constant 1 : i32
      scf.for %scan3A_34 = %scan3A to %scan3A_11 step %scan3A_12  : i32 {
        %mul3A_35 = arith.constant 1 : i32
        %mul3A_36 = arith.muli %scan3A_34, %mul3A_35 : i32
        %add3A_37 = arith.constant 0 : i32
        %add3A_38 = arith.addi %add3A_37, %mul3A_36 : i32
        %mul3A_39 = arith.constant 640 : i32
        %mul3A_40 = arith.muli %arg1, %mul3A_39 : i32
        %mul3A_41 = arith.constant 128 : i32
        %mul3A_42 = arith.muli %add3A_38, %mul3A_41 : i32
        %add3A_43 = arith.addi %mul3A_40, %mul3A_42 : i32
        "tpu.region"() ({
          %run_scoped3A = tpu.sem_alloc : memref<!tpu.dma_semaphore, #tpu.memory_space<semaphore_mem>>
          %dma_start3A_44 = arith.constant 0 : i32
          %dma_start3A_45 = tpu.memref_slice %arg2[%add3A_43, %dma_start3A_44] : memref<10240x128xf32, #tpu.memory_space<hbm>> -> memref<128x128xf32, #tpu.memory_space<hbm>>
          %dma_start3A_46 = arith.constant 0 : i32
          %dma_start3A_47 = tpu.memref_slice %arg2[%add3A_43, %dma_start3A_46] : memref<10240x128xf32, #tpu.memory_space<hbm>> -> memref<128x128xf32, #tpu.memory_space<hbm>>
          tpu.enqueue_dma source(%dma_start3A_47 : memref<128x128xf32, #tpu.memory_space<hbm>>) target(%arg13 : memref<128x128xf32, #tpu.memory_space<vmem>>) target_semaphore(%run_scoped3A : memref<!tpu.dma_semaphore, #tpu.memory_space<semaphore_mem>>)
          %dma_wait3A_48 = arith.constant 0 : i32
          %dma_wait3A_49 = tpu.memref_slice %arg2[%add3A_43, %dma_wait3A_48] : memref<10240x128xf32, #tpu.memory_space<hbm>> -> memref<128x128xf32, #tpu.memory_space<hbm>>
          %dma_wait3A_50 = arith.constant 0 : i32
          %dma_wait3A_51 = tpu.memref_slice %arg2[%add3A_43, %dma_wait3A_50] : memref<10240x128xf32, #tpu.memory_space<hbm>> -> memref<128x128xf32, #tpu.memory_space<hbm>>
          tpu.wait_dma2 semaphore(%run_scoped3A : memref<!tpu.dma_semaphore, #tpu.memory_space<semaphore_mem>>) src(%dma_wait3A_51 : memref<128x128xf32, #tpu.memory_space<hbm>>) dst(%arg13 : memref<128x128xf32, #tpu.memory_space<vmem>>)
          tpu.yield
        }) : () -> ()
        "tpu.region"() ({
          %run_scoped3A = tpu.sem_alloc : memref<!tpu.dma_semaphore, #tpu.memory_space<semaphore_mem>>
          %dma_start3A_44 = arith.constant 0 : i32
          %dma_start3A_45 = tpu.memref_slice %arg8[%add3A_43, %dma_start3A_44] : memref<10240x128xf32, #tpu.memory_space<vmem_shared>> -> memref<128x128xf32, #tpu.memory_space<vmem_shared>>
          %dma_start3A_46 = arith.constant 0 : i32
          %dma_start3A_47 = tpu.memref_slice %arg8[%add3A_43, %dma_start3A_46] : memref<10240x128xf32, #tpu.memory_space<vmem_shared>> -> memref<128x128xf32, #tpu.memory_space<vmem_shared>>
          tpu.enqueue_dma source(%arg13 : memref<128x128xf32, #tpu.memory_space<vmem>>) target(%dma_start3A_47 : memref<128x128xf32, #tpu.memory_space<vmem_shared>>) target_semaphore(%run_scoped3A : memref<!tpu.dma_semaphore, #tpu.memory_space<semaphore_mem>>)
          %dma_wait3A_48 = arith.constant 0 : i32
          %dma_wait3A_49 = tpu.memref_slice %arg8[%add3A_43, %dma_wait3A_48] : memref<10240x128xf32, #tpu.memory_space<vmem_shared>> -> memref<128x128xf32, #tpu.memory_space<vmem_shared>>
          %dma_wait3A_50 = arith.constant 0 : i32
          %dma_wait3A_51 = tpu.memref_slice %arg8[%add3A_43, %dma_wait3A_50] : memref<10240x128xf32, #tpu.memory_space<vmem_shared>> -> memref<128x128xf32, #tpu.memory_space<vmem_shared>>
          tpu.wait_dma2 semaphore(%run_scoped3A : memref<!tpu.dma_semaphore, #tpu.memory_space<semaphore_mem>>) src(%arg13 : memref<128x128xf32, #tpu.memory_space<vmem>>) dst(%dma_wait3A_51 : memref<128x128xf32, #tpu.memory_space<vmem_shared>>)
          tpu.yield
        }) : () -> ()
      }
      %scan3A_13 = arith.constant 5 : i32
      %barrier3A = arith.constant 0 : index
      tpu.barrier barrier_id(%barrier3A)
      %add3A = arith.constant 0 : i32
      %add3A_14 = arith.addi %mul3A_0, %add3A : i32
      "tpu.region"() ({
        %run_scoped3A = tpu.sem_alloc : memref<!tpu.dma_semaphore, #tpu.memory_space<semaphore_mem>>
        %dma_start3A_34 = tpu.memref_slice %arg4[%add3A_14] : memref<327680xi32, #tpu.memory_space<hbm>> -> memref<128xi32, #tpu.memory_space<hbm>>
        %dma_start3A_35 = tpu.memref_slice %arg4[%add3A_14] : memref<327680xi32, #tpu.memory_space<hbm>> -> memref<128xi32, #tpu.memory_space<hbm>>
        tpu.enqueue_dma source(%dma_start3A_35 : memref<128xi32, #tpu.memory_space<hbm>>) target(%arg9 : memref<128xi32, #tpu.memory_space<vmem>>) target_semaphore(%run_scoped3A : memref<!tpu.dma_semaphore, #tpu.memory_space<semaphore_mem>>)
        %dma_wait3A_36 = tpu.memref_slice %arg4[%add3A_14] : memref<327680xi32, #tpu.memory_space<hbm>> -> memref<128xi32, #tpu.memory_space<hbm>>
        %dma_wait3A_37 = tpu.memref_slice %arg4[%add3A_14] : memref<327680xi32, #tpu.memory_space<hbm>> -> memref<128xi32, #tpu.memory_space<hbm>>
        tpu.wait_dma2 semaphore(%run_scoped3A : memref<!tpu.dma_semaphore, #tpu.memory_space<semaphore_mem>>) src(%dma_wait3A_37 : memref<128xi32, #tpu.memory_space<hbm>>) dst(%arg9 : memref<128xi32, #tpu.memory_space<vmem>>)
        tpu.yield
      }) : () -> ()
      "tpu.region"() ({
        %run_scoped3A = tpu.sem_alloc : memref<!tpu.dma_semaphore, #tpu.memory_space<semaphore_mem>>
        %dma_start3A_34 = tpu.memref_slice %arg5[%add3A_14] : memref<327680xi32, #tpu.memory_space<hbm>> -> memref<128xi32, #tpu.memory_space<hbm>>
        %dma_start3A_35 = tpu.memref_slice %arg5[%add3A_14] : memref<327680xi32, #tpu.memory_space<hbm>> -> memref<128xi32, #tpu.memory_space<hbm>>
        tpu.enqueue_dma source(%dma_start3A_35 : memref<128xi32, #tpu.memory_space<hbm>>) target(%arg11 : memref<128xi32, #tpu.memory_space<vmem>>) target_semaphore(%run_scoped3A : memref<!tpu.dma_semaphore, #tpu.memory_space<semaphore_mem>>)
        %dma_wait3A_36 = tpu.memref_slice %arg5[%add3A_14] : memref<327680xi32, #tpu.memory_space<hbm>> -> memref<128xi32, #tpu.memory_space<hbm>>
        %dma_wait3A_37 = tpu.memref_slice %arg5[%add3A_14] : memref<327680xi32, #tpu.memory_space<hbm>> -> memref<128xi32, #tpu.memory_space<hbm>>
        tpu.wait_dma2 semaphore(%run_scoped3A : memref<!tpu.dma_semaphore, #tpu.memory_space<semaphore_mem>>) src(%dma_wait3A_37 : memref<128xi32, #tpu.memory_space<hbm>>) dst(%arg11 : memref<128xi32, #tpu.memory_space<vmem>>)
        tpu.yield
      }) : () -> ()
      %dma_start3A = arith.constant 0 : i32
      %dma_start3A_15 = arith.constant 0 : i32
      %dma_start3A_16 = tpu.memref_slice %arg2[%dma_start3A, %dma_start3A_15] : memref<10240x128xf32, #tpu.memory_space<hbm>> -> memref<10240x128xf32, #tpu.memory_space<hbm>>
      %dma_start3A_17 = arith.constant -1 : i32
      tpu.enqueue_indirect_dma source(%dma_start3A_16 : memref<10240x128xf32, #tpu.memory_space<hbm>>) target(%arg13 : memref<128x128xf32, #tpu.memory_space<vmem>>) offsets(%arg9 : memref<128xi32, #tpu.memory_space<vmem>>) offset_filter(%dma_start3A_17) semaphore(%arg15 : memref<!tpu.dma_semaphore, #tpu.memory_space<semaphore_mem>>)
      %scan3A_18 = arith.constant 0 : i32
      %scan3A_19 = arith.constant 80 : i32
      %scan3A_20 = arith.addi %scan3A_18, %scan3A_19 : i32
      %scan3A_21 = arith.constant 1 : i32
      scf.for %scan3A_34 = %scan3A_18 to %scan3A_20 step %scan3A_21  : i32 {
        %mul3A_35 = arith.constant 1 : i32
        %mul3A_36 = arith.muli %scan3A_34, %mul3A_35 : i32
        %add3A_37 = arith.constant 0 : i32
        %add3A_38 = arith.addi %add3A_37, %mul3A_36 : i32
        %gt3A = arith.constant 0 : i32
        %gt3A_39 = arith.cmpi sgt, %add3A_38, %gt3A : i32
        %convert_element_type3A_40 = arith.extui %gt3A_39 : i1 to i32
        %cond3A_41 = arith.constant 0 : i32
        %cond3A_42 = arith.cmpi ne, %convert_element_type3A_40, %cond3A_41 : i32
        scf.if %cond3A_42 {
          %dma_wait3A_77 = arith.constant 0 : i32
          %dma_wait3A_78 = arith.constant 0 : i32
          %dma_wait3A_79 = tpu.memref_slice %arg8[%dma_wait3A_77, %dma_wait3A_78] : memref<10240x128xf32, #tpu.memory_space<vmem_shared>> -> memref<10240x128xf32, #tpu.memory_space<vmem_shared>>
          tpu.wait_indirect_dma semaphore(%arg18 : memref<!tpu.dma_semaphore, #tpu.memory_space<semaphore_mem>>) src(%arg14 : memref<128x128xf32, #tpu.memory_space<vmem>>) dst(%dma_wait3A_79 : memref<10240x128xf32, #tpu.memory_space<vmem_shared>>)
        } else {
        }
        %mul3A_43 = arith.constant 2 : i32
        %mul3A_44 = arith.muli %mul3A_43, %add3A_38 : i32
        %add3A_45 = arith.constant 1 : i32
        %add3A_46 = arith.addi %mul3A_44, %add3A_45 : i32
        %mul3A_47 = arith.constant 128 : i32
        %mul3A_48 = arith.muli %add3A_46, %mul3A_47 : i32
        %add3A_49 = arith.addi %mul3A_0, %mul3A_48 : i32
        "tpu.region"() ({
          %run_scoped3A = tpu.sem_alloc : memref<!tpu.dma_semaphore, #tpu.memory_space<semaphore_mem>>
          %dma_start3A_77 = tpu.memref_slice %arg4[%add3A_49] : memref<327680xi32, #tpu.memory_space<hbm>> -> memref<128xi32, #tpu.memory_space<hbm>>
          %dma_start3A_78 = tpu.memref_slice %arg4[%add3A_49] : memref<327680xi32, #tpu.memory_space<hbm>> -> memref<128xi32, #tpu.memory_space<hbm>>
          tpu.enqueue_dma source(%dma_start3A_78 : memref<128xi32, #tpu.memory_space<hbm>>) target(%arg10 : memref<128xi32, #tpu.memory_space<vmem>>) target_semaphore(%run_scoped3A : memref<!tpu.dma_semaphore, #tpu.memory_space<semaphore_mem>>)
          %dma_wait3A_79 = tpu.memref_slice %arg4[%add3A_49] : memref<327680xi32, #tpu.memory_space<hbm>> -> memref<128xi32, #tpu.memory_space<hbm>>
          %dma_wait3A_80 = tpu.memref_slice %arg4[%add3A_49] : memref<327680xi32, #tpu.memory_space<hbm>> -> memref<128xi32, #tpu.memory_space<hbm>>
          tpu.wait_dma2 semaphore(%run_scoped3A : memref<!tpu.dma_semaphore, #tpu.memory_space<semaphore_mem>>) src(%dma_wait3A_80 : memref<128xi32, #tpu.memory_space<hbm>>) dst(%arg10 : memref<128xi32, #tpu.memory_space<vmem>>)
          tpu.yield
        }) : () -> ()
        "tpu.region"() ({
          %run_scoped3A = tpu.sem_alloc : memref<!tpu.dma_semaphore, #tpu.memory_space<semaphore_mem>>
          %dma_start3A_77 = tpu.memref_slice %arg5[%add3A_49] : memref<327680xi32, #tpu.memory_space<hbm>> -> memref<128xi32, #tpu.memory_space<hbm>>
          %dma_start3A_78 = tpu.memref_slice %arg5[%add3A_49] : memref<327680xi32, #tpu.memory_space<hbm>> -> memref<128xi32, #tpu.memory_space<hbm>>
          tpu.enqueue_dma source(%dma_start3A_78 : memref<128xi32, #tpu.memory_space<hbm>>) target(%arg12 : memref<128xi32, #tpu.memory_space<vmem>>) target_semaphore(%run_scoped3A : memref<!tpu.dma_semaphore, #tpu.memory_space<semaphore_mem>>)
          %dma_wait3A_79 = tpu.memref_slice %arg5[%add3A_49] : memref<327680xi32, #tpu.memory_space<hbm>> -> memref<128xi32, #tpu.memory_space<hbm>>
          %dma_wait3A_80 = tpu.memref_slice %arg5[%add3A_49] : memref<327680xi32, #tpu.memory_space<hbm>> -> memref<128xi32, #tpu.memory_space<hbm>>
          tpu.wait_dma2 semaphore(%run_scoped3A : memref<!tpu.dma_semaphore, #tpu.memory_space<semaphore_mem>>) src(%dma_wait3A_80 : memref<128xi32, #tpu.memory_space<hbm>>) dst(%arg12 : memref<128xi32, #tpu.memory_space<vmem>>)
          tpu.yield
        }) : () -> ()
        %dma_wait3A_50 = arith.constant 0 : i32
        %dma_wait3A_51 = arith.constant 0 : i32
        %dma_wait3A_52 = tpu.memref_slice %arg2[%dma_wait3A_50, %dma_wait3A_51] : memref<10240x128xf32, #tpu.memory_space<hbm>> -> memref<10240x128xf32, #tpu.memory_space<hbm>>
        tpu.wait_indirect_dma semaphore(%arg15 : memref<!tpu.dma_semaphore, #tpu.memory_space<semaphore_mem>>) src(%dma_wait3A_52 : memref<10240x128xf32, #tpu.memory_space<hbm>>) dst(%arg13 : memref<128x128xf32, #tpu.memory_space<vmem>>)
        %dma_start3A_53 = arith.constant 0 : i32
        %dma_start3A_54 = arith.constant 0 : i32
        %dma_start3A_55 = tpu.memref_slice %arg2[%dma_start3A_53, %dma_start3A_54] : memref<10240x128xf32, #tpu.memory_space<hbm>> -> memref<10240x128xf32, #tpu.memory_space<hbm>>
        %dma_start3A_56 = arith.constant -1 : i32
        tpu.enqueue_indirect_dma source(%dma_start3A_55 : memref<10240x128xf32, #tpu.memory_space<hbm>>) target(%arg14 : memref<128x128xf32, #tpu.memory_space<vmem>>) offsets(%arg10 : memref<128xi32, #tpu.memory_space<vmem>>) offset_filter(%dma_start3A_56) semaphore(%arg16 : memref<!tpu.dma_semaphore, #tpu.memory_space<semaphore_mem>>)
        %dma_start3A_57 = arith.constant 0 : i32
        %dma_start3A_58 = arith.constant 0 : i32
        %dma_start3A_59 = tpu.memref_slice %arg8[%dma_start3A_57, %dma_start3A_58] : memref<10240x128xf32, #tpu.memory_space<vmem_shared>> -> memref<10240x128xf32, #tpu.memory_space<vmem_shared>>
        %dma_start3A_60 = arith.constant -1 : i32
        tpu.enqueue_indirect_dma source(%arg13 : memref<128x128xf32, #tpu.memory_space<vmem>>) target(%dma_start3A_59 : memref<10240x128xf32, #tpu.memory_space<vmem_shared>>) offsets(%arg11 : memref<128xi32, #tpu.memory_space<vmem>>) offset_filter(%dma_start3A_60) semaphore(%arg17 : memref<!tpu.dma_semaphore, #tpu.memory_space<semaphore_mem>>) {add = true}
        %lt3A = arith.constant 79 : i32
        %lt3A_61 = arith.cmpi slt, %add3A_38, %lt3A : i32
        %convert_element_type3A_62 = arith.extui %lt3A_61 : i1 to i32
        %cond3A_63 = arith.constant 0 : i32
        %cond3A_64 = arith.cmpi ne, %convert_element_type3A_62, %cond3A_63 : i32
        scf.if %cond3A_64 {
          %dma_wait3A_77 = arith.constant 0 : i32
          %dma_wait3A_78 = arith.constant 0 : i32
          %dma_wait3A_79 = tpu.memref_slice %arg8[%dma_wait3A_77, %dma_wait3A_78] : memref<10240x128xf32, #tpu.memory_space<vmem_shared>> -> memref<10240x128xf32, #tpu.memory_space<vmem_shared>>
          tpu.wait_indirect_dma semaphore(%arg17 : memref<!tpu.dma_semaphore, #tpu.memory_space<semaphore_mem>>) src(%arg13 : memref<128x128xf32, #tpu.memory_space<vmem>>) dst(%dma_wait3A_79 : memref<10240x128xf32, #tpu.memory_space<vmem_shared>>)
          %mul3A_80 = arith.constant 2 : i32
          %mul3A_81 = arith.muli %mul3A_80, %add3A_38 : i32
          %add3A_82 = arith.constant 2 : i32
          %add3A_83 = arith.addi %mul3A_81, %add3A_82 : i32
          %mul3A_84 = arith.constant 128 : i32
          %mul3A_85 = arith.muli %add3A_83, %mul3A_84 : i32
          %add3A_86 = arith.addi %mul3A_0, %mul3A_85 : i32
          "tpu.region"() ({
            %run_scoped3A = tpu.sem_alloc : memref<!tpu.dma_semaphore, #tpu.memory_space<semaphore_mem>>
            %dma_start3A_87 = tpu.memref_slice %arg4[%add3A_86] : memref<327680xi32, #tpu.memory_space<hbm>> -> memref<128xi32, #tpu.memory_space<hbm>>
            %dma_start3A_88 = tpu.memref_slice %arg4[%add3A_86] : memref<327680xi32, #tpu.memory_space<hbm>> -> memref<128xi32, #tpu.memory_space<hbm>>
            tpu.enqueue_dma source(%dma_start3A_88 : memref<128xi32, #tpu.memory_space<hbm>>) target(%arg9 : memref<128xi32, #tpu.memory_space<vmem>>) target_semaphore(%run_scoped3A : memref<!tpu.dma_semaphore, #tpu.memory_space<semaphore_mem>>)
            %dma_wait3A_89 = tpu.memref_slice %arg4[%add3A_86] : memref<327680xi32, #tpu.memory_space<hbm>> -> memref<128xi32, #tpu.memory_space<hbm>>
            %dma_wait3A_90 = tpu.memref_slice %arg4[%add3A_86] : memref<327680xi32, #tpu.memory_space<hbm>> -> memref<128xi32, #tpu.memory_space<hbm>>
            tpu.wait_dma2 semaphore(%run_scoped3A : memref<!tpu.dma_semaphore, #tpu.memory_space<semaphore_mem>>) src(%dma_wait3A_90 : memref<128xi32, #tpu.memory_space<hbm>>) dst(%arg9 : memref<128xi32, #tpu.memory_space<vmem>>)
            tpu.yield
          }) : () -> ()
          "tpu.region"() ({
            %run_scoped3A = tpu.sem_alloc : memref<!tpu.dma_semaphore, #tpu.memory_space<semaphore_mem>>
            %dma_start3A_87 = tpu.memref_slice %arg5[%add3A_86] : memref<327680xi32, #tpu.memory_space<hbm>> -> memref<128xi32, #tpu.memory_space<hbm>>
            %dma_start3A_88 = tpu.memref_slice %arg5[%add3A_86] : memref<327680xi32, #tpu.memory_space<hbm>> -> memref<128xi32, #tpu.memory_space<hbm>>
            tpu.enqueue_dma source(%dma_start3A_88 : memref<128xi32, #tpu.memory_space<hbm>>) target(%arg11 : memref<128xi32, #tpu.memory_space<vmem>>) target_semaphore(%run_scoped3A : memref<!tpu.dma_semaphore, #tpu.memory_space<semaphore_mem>>)
            %dma_wait3A_89 = tpu.memref_slice %arg5[%add3A_86] : memref<327680xi32, #tpu.memory_space<hbm>> -> memref<128xi32, #tpu.memory_space<hbm>>
            %dma_wait3A_90 = tpu.memref_slice %arg5[%add3A_86] : memref<327680xi32, #tpu.memory_space<hbm>> -> memref<128xi32, #tpu.memory_space<hbm>>
            tpu.wait_dma2 semaphore(%run_scoped3A : memref<!tpu.dma_semaphore, #tpu.memory_space<semaphore_mem>>) src(%dma_wait3A_90 : memref<128xi32, #tpu.memory_space<hbm>>) dst(%arg11 : memref<128xi32, #tpu.memory_space<vmem>>)
            tpu.yield
          }) : () -> ()
        } else {
        }
        %dma_wait3A_65 = arith.constant 0 : i32
        %dma_wait3A_66 = arith.constant 0 : i32
        %dma_wait3A_67 = tpu.memref_slice %arg2[%dma_wait3A_65, %dma_wait3A_66] : memref<10240x128xf32, #tpu.memory_space<hbm>> -> memref<10240x128xf32, #tpu.memory_space<hbm>>
        tpu.wait_indirect_dma semaphore(%arg16 : memref<!tpu.dma_semaphore, #tpu.memory_space<semaphore_mem>>) src(%dma_wait3A_67 : memref<10240x128xf32, #tpu.memory_space<hbm>>) dst(%arg14 : memref<128x128xf32, #tpu.memory_space<vmem>>)
        %lt3A_68 = arith.constant 79 : i32
        %lt3A_69 = arith.cmpi slt, %add3A_38, %lt3A_68 : i32
        %convert_element_type3A_70 = arith.extui %lt3A_69 : i1 to i32
        %cond3A_71 = arith.constant 0 : i32
        %cond3A_72 = arith.cmpi ne, %convert_element_type3A_70, %cond3A_71 : i32
        scf.if %cond3A_72 {
          %dma_start3A_77 = arith.constant 0 : i32
          %dma_start3A_78 = arith.constant 0 : i32
          %dma_start3A_79 = tpu.memref_slice %arg2[%dma_start3A_77, %dma_start3A_78] : memref<10240x128xf32, #tpu.memory_space<hbm>> -> memref<10240x128xf32, #tpu.memory_space<hbm>>
          %dma_start3A_80 = arith.constant -1 : i32
          tpu.enqueue_indirect_dma source(%dma_start3A_79 : memref<10240x128xf32, #tpu.memory_space<hbm>>) target(%arg13 : memref<128x128xf32, #tpu.memory_space<vmem>>) offsets(%arg9 : memref<128xi32, #tpu.memory_space<vmem>>) offset_filter(%dma_start3A_80) semaphore(%arg15 : memref<!tpu.dma_semaphore, #tpu.memory_space<semaphore_mem>>)
        } else {
        }
        %dma_start3A_73 = arith.constant 0 : i32
        %dma_start3A_74 = arith.constant 0 : i32
        %dma_start3A_75 = tpu.memref_slice %arg8[%dma_start3A_73, %dma_start3A_74] : memref<10240x128xf32, #tpu.memory_space<vmem_shared>> -> memref<10240x128xf32, #tpu.memory_space<vmem_shared>>
        %dma_start3A_76 = arith.constant -1 : i32
        tpu.enqueue_indirect_dma source(%arg14 : memref<128x128xf32, #tpu.memory_space<vmem>>) target(%dma_start3A_75 : memref<10240x128xf32, #tpu.memory_space<vmem_shared>>) offsets(%arg12 : memref<128xi32, #tpu.memory_space<vmem>>) offset_filter(%dma_start3A_76) semaphore(%arg18 : memref<!tpu.dma_semaphore, #tpu.memory_space<semaphore_mem>>) {add = true}
      }
      %scan3A_22 = arith.constant 80 : i32
      %dma_wait3A = arith.constant 0 : i32
      %dma_wait3A_23 = arith.constant 0 : i32
      %dma_wait3A_24 = tpu.memref_slice %arg8[%dma_wait3A, %dma_wait3A_23] : memref<10240x128xf32, #tpu.memory_space<vmem_shared>> -> memref<10240x128xf32, #tpu.memory_space<vmem_shared>>
      tpu.wait_indirect_dma semaphore(%arg17 : memref<!tpu.dma_semaphore, #tpu.memory_space<semaphore_mem>>) src(%arg13 : memref<128x128xf32, #tpu.memory_space<vmem>>) dst(%dma_wait3A_24 : memref<10240x128xf32, #tpu.memory_space<vmem_shared>>)
      %dma_wait3A_25 = arith.constant 0 : i32
      %dma_wait3A_26 = arith.constant 0 : i32
      %dma_wait3A_27 = tpu.memref_slice %arg8[%dma_wait3A_25, %dma_wait3A_26] : memref<10240x128xf32, #tpu.memory_space<vmem_shared>> -> memref<10240x128xf32, #tpu.memory_space<vmem_shared>>
      tpu.wait_indirect_dma semaphore(%arg18 : memref<!tpu.dma_semaphore, #tpu.memory_space<semaphore_mem>>) src(%arg14 : memref<128x128xf32, #tpu.memory_space<vmem>>) dst(%dma_wait3A_27 : memref<10240x128xf32, #tpu.memory_space<vmem_shared>>)
      %barrier3A_28 = arith.constant 0 : index
      tpu.barrier barrier_id(%barrier3A_28)
      %scan3A_29 = arith.constant 0 : i32
      %scan3A_30 = arith.constant 5 : i32
      %scan3A_31 = arith.addi %scan3A_29, %scan3A_30 : i32
      %scan3A_32 = arith.constant 1 : i32
      scf.for %scan3A_34 = %scan3A_29 to %scan3A_31 step %scan3A_32  : i32 {
        %mul3A_35 = arith.constant 1 : i32
        %mul3A_36 = arith.muli %scan3A_34, %mul3A_35 : i32
        %add3A_37 = arith.constant 0 : i32
        %add3A_38 = arith.addi %add3A_37, %mul3A_36 : i32
        %mul3A_39 = arith.constant 640 : i32
        %mul3A_40 = arith.muli %arg1, %mul3A_39 : i32
        %mul3A_41 = arith.constant 128 : i32
        %mul3A_42 = arith.muli %add3A_38, %mul3A_41 : i32
        %add3A_43 = arith.addi %mul3A_40, %mul3A_42 : i32
        "tpu.region"() ({
          %run_scoped3A = tpu.sem_alloc : memref<!tpu.dma_semaphore, #tpu.memory_space<semaphore_mem>>
          %dma_start3A_44 = arith.constant 0 : i32
          %dma_start3A_45 = tpu.memref_slice %arg8[%add3A_43, %dma_start3A_44] : memref<10240x128xf32, #tpu.memory_space<vmem_shared>> -> memref<128x128xf32, #tpu.memory_space<vmem_shared>>
          %dma_start3A_46 = arith.constant 0 : i32
          %dma_start3A_47 = tpu.memref_slice %arg8[%add3A_43, %dma_start3A_46] : memref<10240x128xf32, #tpu.memory_space<vmem_shared>> -> memref<128x128xf32, #tpu.memory_space<vmem_shared>>
          tpu.enqueue_dma source(%dma_start3A_47 : memref<128x128xf32, #tpu.memory_space<vmem_shared>>) target(%arg13 : memref<128x128xf32, #tpu.memory_space<vmem>>) target_semaphore(%run_scoped3A : memref<!tpu.dma_semaphore, #tpu.memory_space<semaphore_mem>>)
          %dma_wait3A_48 = arith.constant 0 : i32
          %dma_wait3A_49 = tpu.memref_slice %arg8[%add3A_43, %dma_wait3A_48] : memref<10240x128xf32, #tpu.memory_space<vmem_shared>> -> memref<128x128xf32, #tpu.memory_space<vmem_shared>>
          %dma_wait3A_50 = arith.constant 0 : i32
          %dma_wait3A_51 = tpu.memref_slice %arg8[%add3A_43, %dma_wait3A_50] : memref<10240x128xf32, #tpu.memory_space<vmem_shared>> -> memref<128x128xf32, #tpu.memory_space<vmem_shared>>
          tpu.wait_dma2 semaphore(%run_scoped3A : memref<!tpu.dma_semaphore, #tpu.memory_space<semaphore_mem>>) src(%dma_wait3A_51 : memref<128x128xf32, #tpu.memory_space<vmem_shared>>) dst(%arg13 : memref<128x128xf32, #tpu.memory_space<vmem>>)
          tpu.yield
        }) : () -> ()
        "tpu.region"() ({
          %run_scoped3A = tpu.sem_alloc : memref<!tpu.dma_semaphore, #tpu.memory_space<semaphore_mem>>
          %dma_start3A_44 = arith.constant 0 : i32
          %dma_start3A_45 = tpu.memref_slice %arg6[%add3A_43, %dma_start3A_44] : memref<10240x128xf32, #tpu.memory_space<hbm>> -> memref<128x128xf32, #tpu.memory_space<hbm>>
          %dma_start3A_46 = arith.constant 0 : i32
          %dma_start3A_47 = tpu.memref_slice %arg6[%add3A_43, %dma_start3A_46] : memref<10240x128xf32, #tpu.memory_space<hbm>> -> memref<128x128xf32, #tpu.memory_space<hbm>>
          tpu.enqueue_dma source(%arg13 : memref<128x128xf32, #tpu.memory_space<vmem>>) target(%dma_start3A_47 : memref<128x128xf32, #tpu.memory_space<hbm>>) target_semaphore(%run_scoped3A : memref<!tpu.dma_semaphore, #tpu.memory_space<semaphore_mem>>)
          %dma_wait3A_48 = arith.constant 0 : i32
          %dma_wait3A_49 = tpu.memref_slice %arg6[%add3A_43, %dma_wait3A_48] : memref<10240x128xf32, #tpu.memory_space<hbm>> -> memref<128x128xf32, #tpu.memory_space<hbm>>
          %dma_wait3A_50 = arith.constant 0 : i32
          %dma_wait3A_51 = tpu.memref_slice %arg6[%add3A_43, %dma_wait3A_50] : memref<10240x128xf32, #tpu.memory_space<hbm>> -> memref<128x128xf32, #tpu.memory_space<hbm>>
          tpu.wait_dma2 semaphore(%run_scoped3A : memref<!tpu.dma_semaphore, #tpu.memory_space<semaphore_mem>>) src(%arg13 : memref<128x128xf32, #tpu.memory_space<vmem>>) dst(%dma_wait3A_51 : memref<128x128xf32, #tpu.memory_space<hbm>>)
          tpu.yield
        }) : () -> ()
      }
      %scan3A_33 = arith.constant 5 : i32
    } else {
    }
    %mul3A_3 = arith.constant 20480 : i32
    %mul3A_4 = arith.muli %arg1, %mul3A_3 : i32
    %eq3A_5 = arith.constant 1 : i32
    %eq3A_6 = arith.cmpi eq, %arg0, %eq3A_5 : i32
    %convert_element_type3A_7 = arith.extui %eq3A_6 : i1 to i32
    %cond3A_8 = arith.constant 0 : i32
    %cond3A_9 = arith.cmpi ne, %convert_element_type3A_7, %cond3A_8 : i32
    scf.if %cond3A_9 {
      %scan3A = arith.constant 0 : i32
      %scan3A_10 = arith.constant 5 : i32
      %scan3A_11 = arith.addi %scan3A, %scan3A_10 : i32
      %scan3A_12 = arith.constant 1 : i32
      scf.for %scan3A_34 = %scan3A to %scan3A_11 step %scan3A_12  : i32 {
        %mul3A_35 = arith.constant 1 : i32
        %mul3A_36 = arith.muli %scan3A_34, %mul3A_35 : i32
        %add3A_37 = arith.constant 0 : i32
        %add3A_38 = arith.addi %add3A_37, %mul3A_36 : i32
        %mul3A_39 = arith.constant 640 : i32
        %mul3A_40 = arith.muli %arg1, %mul3A_39 : i32
        %mul3A_41 = arith.constant 128 : i32
        %mul3A_42 = arith.muli %add3A_38, %mul3A_41 : i32
        %add3A_43 = arith.addi %mul3A_40, %mul3A_42 : i32
        "tpu.region"() ({
          %run_scoped3A = tpu.sem_alloc : memref<!tpu.dma_semaphore, #tpu.memory_space<semaphore_mem>>
          %dma_start3A_44 = arith.constant 0 : i32
          %dma_start3A_45 = tpu.memref_slice %arg3[%add3A_43, %dma_start3A_44] : memref<10240x128xf32, #tpu.memory_space<hbm>> -> memref<128x128xf32, #tpu.memory_space<hbm>>
          %dma_start3A_46 = arith.constant 0 : i32
          %dma_start3A_47 = tpu.memref_slice %arg3[%add3A_43, %dma_start3A_46] : memref<10240x128xf32, #tpu.memory_space<hbm>> -> memref<128x128xf32, #tpu.memory_space<hbm>>
          tpu.enqueue_dma source(%dma_start3A_47 : memref<128x128xf32, #tpu.memory_space<hbm>>) target(%arg13 : memref<128x128xf32, #tpu.memory_space<vmem>>) target_semaphore(%run_scoped3A : memref<!tpu.dma_semaphore, #tpu.memory_space<semaphore_mem>>)
          %dma_wait3A_48 = arith.constant 0 : i32
          %dma_wait3A_49 = tpu.memref_slice %arg3[%add3A_43, %dma_wait3A_48] : memref<10240x128xf32, #tpu.memory_space<hbm>> -> memref<128x128xf32, #tpu.memory_space<hbm>>
          %dma_wait3A_50 = arith.constant 0 : i32
          %dma_wait3A_51 = tpu.memref_slice %arg3[%add3A_43, %dma_wait3A_50] : memref<10240x128xf32, #tpu.memory_space<hbm>> -> memref<128x128xf32, #tpu.memory_space<hbm>>
          tpu.wait_dma2 semaphore(%run_scoped3A : memref<!tpu.dma_semaphore, #tpu.memory_space<semaphore_mem>>) src(%dma_wait3A_51 : memref<128x128xf32, #tpu.memory_space<hbm>>) dst(%arg13 : memref<128x128xf32, #tpu.memory_space<vmem>>)
          tpu.yield
        }) : () -> ()
        "tpu.region"() ({
          %run_scoped3A = tpu.sem_alloc : memref<!tpu.dma_semaphore, #tpu.memory_space<semaphore_mem>>
          %dma_start3A_44 = arith.constant 0 : i32
          %dma_start3A_45 = tpu.memref_slice %arg8[%add3A_43, %dma_start3A_44] : memref<10240x128xf32, #tpu.memory_space<vmem_shared>> -> memref<128x128xf32, #tpu.memory_space<vmem_shared>>
          %dma_start3A_46 = arith.constant 0 : i32
          %dma_start3A_47 = tpu.memref_slice %arg8[%add3A_43, %dma_start3A_46] : memref<10240x128xf32, #tpu.memory_space<vmem_shared>> -> memref<128x128xf32, #tpu.memory_space<vmem_shared>>
          tpu.enqueue_dma source(%arg13 : memref<128x128xf32, #tpu.memory_space<vmem>>) target(%dma_start3A_47 : memref<128x128xf32, #tpu.memory_space<vmem_shared>>) target_semaphore(%run_scoped3A : memref<!tpu.dma_semaphore, #tpu.memory_space<semaphore_mem>>)
          %dma_wait3A_48 = arith.constant 0 : i32
          %dma_wait3A_49 = tpu.memref_slice %arg8[%add3A_43, %dma_wait3A_48] : memref<10240x128xf32, #tpu.memory_space<vmem_shared>> -> memref<128x128xf32, #tpu.memory_space<vmem_shared>>
          %dma_wait3A_50 = arith.constant 0 : i32
          %dma_wait3A_51 = tpu.memref_slice %arg8[%add3A_43, %dma_wait3A_50] : memref<10240x128xf32, #tpu.memory_space<vmem_shared>> -> memref<128x128xf32, #tpu.memory_space<vmem_shared>>
          tpu.wait_dma2 semaphore(%run_scoped3A : memref<!tpu.dma_semaphore, #tpu.memory_space<semaphore_mem>>) src(%arg13 : memref<128x128xf32, #tpu.memory_space<vmem>>) dst(%dma_wait3A_51 : memref<128x128xf32, #tpu.memory_space<vmem_shared>>)
          tpu.yield
        }) : () -> ()
      }
      %scan3A_13 = arith.constant 5 : i32
      %barrier3A = arith.constant 0 : index
      tpu.barrier barrier_id(%barrier3A)
      %add3A = arith.constant 0 : i32
      %add3A_14 = arith.addi %mul3A_4, %add3A : i32
      "tpu.region"() ({
        %run_scoped3A = tpu.sem_alloc : memref<!tpu.dma_semaphore, #tpu.memory_space<semaphore_mem>>
        %dma_start3A_34 = tpu.memref_slice %arg4[%add3A_14] : memref<327680xi32, #tpu.memory_space<hbm>> -> memref<128xi32, #tpu.memory_space<hbm>>
        %dma_start3A_35 = tpu.memref_slice %arg4[%add3A_14] : memref<327680xi32, #tpu.memory_space<hbm>> -> memref<128xi32, #tpu.memory_space<hbm>>
        tpu.enqueue_dma source(%dma_start3A_35 : memref<128xi32, #tpu.memory_space<hbm>>) target(%arg9 : memref<128xi32, #tpu.memory_space<vmem>>) target_semaphore(%run_scoped3A : memref<!tpu.dma_semaphore, #tpu.memory_space<semaphore_mem>>)
        %dma_wait3A_36 = tpu.memref_slice %arg4[%add3A_14] : memref<327680xi32, #tpu.memory_space<hbm>> -> memref<128xi32, #tpu.memory_space<hbm>>
        %dma_wait3A_37 = tpu.memref_slice %arg4[%add3A_14] : memref<327680xi32, #tpu.memory_space<hbm>> -> memref<128xi32, #tpu.memory_space<hbm>>
        tpu.wait_dma2 semaphore(%run_scoped3A : memref<!tpu.dma_semaphore, #tpu.memory_space<semaphore_mem>>) src(%dma_wait3A_37 : memref<128xi32, #tpu.memory_space<hbm>>) dst(%arg9 : memref<128xi32, #tpu.memory_space<vmem>>)
        tpu.yield
      }) : () -> ()
      "tpu.region"() ({
        %run_scoped3A = tpu.sem_alloc : memref<!tpu.dma_semaphore, #tpu.memory_space<semaphore_mem>>
        %dma_start3A_34 = tpu.memref_slice %arg5[%add3A_14] : memref<327680xi32, #tpu.memory_space<hbm>> -> memref<128xi32, #tpu.memory_space<hbm>>
        %dma_start3A_35 = tpu.memref_slice %arg5[%add3A_14] : memref<327680xi32, #tpu.memory_space<hbm>> -> memref<128xi32, #tpu.memory_space<hbm>>
        tpu.enqueue_dma source(%dma_start3A_35 : memref<128xi32, #tpu.memory_space<hbm>>) target(%arg11 : memref<128xi32, #tpu.memory_space<vmem>>) target_semaphore(%run_scoped3A : memref<!tpu.dma_semaphore, #tpu.memory_space<semaphore_mem>>)
        %dma_wait3A_36 = tpu.memref_slice %arg5[%add3A_14] : memref<327680xi32, #tpu.memory_space<hbm>> -> memref<128xi32, #tpu.memory_space<hbm>>
        %dma_wait3A_37 = tpu.memref_slice %arg5[%add3A_14] : memref<327680xi32, #tpu.memory_space<hbm>> -> memref<128xi32, #tpu.memory_space<hbm>>
        tpu.wait_dma2 semaphore(%run_scoped3A : memref<!tpu.dma_semaphore, #tpu.memory_space<semaphore_mem>>) src(%dma_wait3A_37 : memref<128xi32, #tpu.memory_space<hbm>>) dst(%arg11 : memref<128xi32, #tpu.memory_space<vmem>>)
        tpu.yield
      }) : () -> ()
      %dma_start3A = arith.constant 0 : i32
      %dma_start3A_15 = arith.constant 0 : i32
      %dma_start3A_16 = tpu.memref_slice %arg3[%dma_start3A, %dma_start3A_15] : memref<10240x128xf32, #tpu.memory_space<hbm>> -> memref<10240x128xf32, #tpu.memory_space<hbm>>
      %dma_start3A_17 = arith.constant -1 : i32
      tpu.enqueue_indirect_dma source(%dma_start3A_16 : memref<10240x128xf32, #tpu.memory_space<hbm>>) target(%arg13 : memref<128x128xf32, #tpu.memory_space<vmem>>) offsets(%arg9 : memref<128xi32, #tpu.memory_space<vmem>>) offset_filter(%dma_start3A_17) semaphore(%arg15 : memref<!tpu.dma_semaphore, #tpu.memory_space<semaphore_mem>>)
      %scan3A_18 = arith.constant 0 : i32
      %scan3A_19 = arith.constant 80 : i32
      %scan3A_20 = arith.addi %scan3A_18, %scan3A_19 : i32
      %scan3A_21 = arith.constant 1 : i32
      scf.for %scan3A_34 = %scan3A_18 to %scan3A_20 step %scan3A_21  : i32 {
        %mul3A_35 = arith.constant 1 : i32
        %mul3A_36 = arith.muli %scan3A_34, %mul3A_35 : i32
        %add3A_37 = arith.constant 0 : i32
        %add3A_38 = arith.addi %add3A_37, %mul3A_36 : i32
        %gt3A = arith.constant 0 : i32
        %gt3A_39 = arith.cmpi sgt, %add3A_38, %gt3A : i32
        %convert_element_type3A_40 = arith.extui %gt3A_39 : i1 to i32
        %cond3A_41 = arith.constant 0 : i32
        %cond3A_42 = arith.cmpi ne, %convert_element_type3A_40, %cond3A_41 : i32
        scf.if %cond3A_42 {
          %dma_wait3A_77 = arith.constant 0 : i32
          %dma_wait3A_78 = arith.constant 0 : i32
          %dma_wait3A_79 = tpu.memref_slice %arg8[%dma_wait3A_77, %dma_wait3A_78] : memref<10240x128xf32, #tpu.memory_space<vmem_shared>> -> memref<10240x128xf32, #tpu.memory_space<vmem_shared>>
          tpu.wait_indirect_dma semaphore(%arg18 : memref<!tpu.dma_semaphore, #tpu.memory_space<semaphore_mem>>) src(%arg14 : memref<128x128xf32, #tpu.memory_space<vmem>>) dst(%dma_wait3A_79 : memref<10240x128xf32, #tpu.memory_space<vmem_shared>>)
        } else {
        }
        %mul3A_43 = arith.constant 2 : i32
        %mul3A_44 = arith.muli %mul3A_43, %add3A_38 : i32
        %add3A_45 = arith.constant 1 : i32
        %add3A_46 = arith.addi %mul3A_44, %add3A_45 : i32
        %mul3A_47 = arith.constant 128 : i32
        %mul3A_48 = arith.muli %add3A_46, %mul3A_47 : i32
        %add3A_49 = arith.addi %mul3A_4, %mul3A_48 : i32
        "tpu.region"() ({
          %run_scoped3A = tpu.sem_alloc : memref<!tpu.dma_semaphore, #tpu.memory_space<semaphore_mem>>
          %dma_start3A_77 = tpu.memref_slice %arg4[%add3A_49] : memref<327680xi32, #tpu.memory_space<hbm>> -> memref<128xi32, #tpu.memory_space<hbm>>
          %dma_start3A_78 = tpu.memref_slice %arg4[%add3A_49] : memref<327680xi32, #tpu.memory_space<hbm>> -> memref<128xi32, #tpu.memory_space<hbm>>
          tpu.enqueue_dma source(%dma_start3A_78 : memref<128xi32, #tpu.memory_space<hbm>>) target(%arg10 : memref<128xi32, #tpu.memory_space<vmem>>) target_semaphore(%run_scoped3A : memref<!tpu.dma_semaphore, #tpu.memory_space<semaphore_mem>>)
          %dma_wait3A_79 = tpu.memref_slice %arg4[%add3A_49] : memref<327680xi32, #tpu.memory_space<hbm>> -> memref<128xi32, #tpu.memory_space<hbm>>
          %dma_wait3A_80 = tpu.memref_slice %arg4[%add3A_49] : memref<327680xi32, #tpu.memory_space<hbm>> -> memref<128xi32, #tpu.memory_space<hbm>>
          tpu.wait_dma2 semaphore(%run_scoped3A : memref<!tpu.dma_semaphore, #tpu.memory_space<semaphore_mem>>) src(%dma_wait3A_80 : memref<128xi32, #tpu.memory_space<hbm>>) dst(%arg10 : memref<128xi32, #tpu.memory_space<vmem>>)
          tpu.yield
        }) : () -> ()
        "tpu.region"() ({
          %run_scoped3A = tpu.sem_alloc : memref<!tpu.dma_semaphore, #tpu.memory_space<semaphore_mem>>
          %dma_start3A_77 = tpu.memref_slice %arg5[%add3A_49] : memref<327680xi32, #tpu.memory_space<hbm>> -> memref<128xi32, #tpu.memory_space<hbm>>
          %dma_start3A_78 = tpu.memref_slice %arg5[%add3A_49] : memref<327680xi32, #tpu.memory_space<hbm>> -> memref<128xi32, #tpu.memory_space<hbm>>
          tpu.enqueue_dma source(%dma_start3A_78 : memref<128xi32, #tpu.memory_space<hbm>>) target(%arg12 : memref<128xi32, #tpu.memory_space<vmem>>) target_semaphore(%run_scoped3A : memref<!tpu.dma_semaphore, #tpu.memory_space<semaphore_mem>>)
          %dma_wait3A_79 = tpu.memref_slice %arg5[%add3A_49] : memref<327680xi32, #tpu.memory_space<hbm>> -> memref<128xi32, #tpu.memory_space<hbm>>
          %dma_wait3A_80 = tpu.memref_slice %arg5[%add3A_49] : memref<327680xi32, #tpu.memory_space<hbm>> -> memref<128xi32, #tpu.memory_space<hbm>>
          tpu.wait_dma2 semaphore(%run_scoped3A : memref<!tpu.dma_semaphore, #tpu.memory_space<semaphore_mem>>) src(%dma_wait3A_80 : memref<128xi32, #tpu.memory_space<hbm>>) dst(%arg12 : memref<128xi32, #tpu.memory_space<vmem>>)
          tpu.yield
        }) : () -> ()
        %dma_wait3A_50 = arith.constant 0 : i32
        %dma_wait3A_51 = arith.constant 0 : i32
        %dma_wait3A_52 = tpu.memref_slice %arg3[%dma_wait3A_50, %dma_wait3A_51] : memref<10240x128xf32, #tpu.memory_space<hbm>> -> memref<10240x128xf32, #tpu.memory_space<hbm>>
        tpu.wait_indirect_dma semaphore(%arg15 : memref<!tpu.dma_semaphore, #tpu.memory_space<semaphore_mem>>) src(%dma_wait3A_52 : memref<10240x128xf32, #tpu.memory_space<hbm>>) dst(%arg13 : memref<128x128xf32, #tpu.memory_space<vmem>>)
        %dma_start3A_53 = arith.constant 0 : i32
        %dma_start3A_54 = arith.constant 0 : i32
        %dma_start3A_55 = tpu.memref_slice %arg3[%dma_start3A_53, %dma_start3A_54] : memref<10240x128xf32, #tpu.memory_space<hbm>> -> memref<10240x128xf32, #tpu.memory_space<hbm>>
        %dma_start3A_56 = arith.constant -1 : i32
        tpu.enqueue_indirect_dma source(%dma_start3A_55 : memref<10240x128xf32, #tpu.memory_space<hbm>>) target(%arg14 : memref<128x128xf32, #tpu.memory_space<vmem>>) offsets(%arg10 : memref<128xi32, #tpu.memory_space<vmem>>) offset_filter(%dma_start3A_56) semaphore(%arg16 : memref<!tpu.dma_semaphore, #tpu.memory_space<semaphore_mem>>)
        %dma_start3A_57 = arith.constant 0 : i32
        %dma_start3A_58 = arith.constant 0 : i32
        %dma_start3A_59 = tpu.memref_slice %arg8[%dma_start3A_57, %dma_start3A_58] : memref<10240x128xf32, #tpu.memory_space<vmem_shared>> -> memref<10240x128xf32, #tpu.memory_space<vmem_shared>>
        %dma_start3A_60 = arith.constant -1 : i32
        tpu.enqueue_indirect_dma source(%arg13 : memref<128x128xf32, #tpu.memory_space<vmem>>) target(%dma_start3A_59 : memref<10240x128xf32, #tpu.memory_space<vmem_shared>>) offsets(%arg11 : memref<128xi32, #tpu.memory_space<vmem>>) offset_filter(%dma_start3A_60) semaphore(%arg17 : memref<!tpu.dma_semaphore, #tpu.memory_space<semaphore_mem>>) {add = true}
        %lt3A = arith.constant 79 : i32
        %lt3A_61 = arith.cmpi slt, %add3A_38, %lt3A : i32
        %convert_element_type3A_62 = arith.extui %lt3A_61 : i1 to i32
        %cond3A_63 = arith.constant 0 : i32
        %cond3A_64 = arith.cmpi ne, %convert_element_type3A_62, %cond3A_63 : i32
        scf.if %cond3A_64 {
          %dma_wait3A_77 = arith.constant 0 : i32
          %dma_wait3A_78 = arith.constant 0 : i32
          %dma_wait3A_79 = tpu.memref_slice %arg8[%dma_wait3A_77, %dma_wait3A_78] : memref<10240x128xf32, #tpu.memory_space<vmem_shared>> -> memref<10240x128xf32, #tpu.memory_space<vmem_shared>>
          tpu.wait_indirect_dma semaphore(%arg17 : memref<!tpu.dma_semaphore, #tpu.memory_space<semaphore_mem>>) src(%arg13 : memref<128x128xf32, #tpu.memory_space<vmem>>) dst(%dma_wait3A_79 : memref<10240x128xf32, #tpu.memory_space<vmem_shared>>)
          %mul3A_80 = arith.constant 2 : i32
          %mul3A_81 = arith.muli %mul3A_80, %add3A_38 : i32
          %add3A_82 = arith.constant 2 : i32
          %add3A_83 = arith.addi %mul3A_81, %add3A_82 : i32
          %mul3A_84 = arith.constant 128 : i32
          %mul3A_85 = arith.muli %add3A_83, %mul3A_84 : i32
          %add3A_86 = arith.addi %mul3A_4, %mul3A_85 : i32
          "tpu.region"() ({
            %run_scoped3A = tpu.sem_alloc : memref<!tpu.dma_semaphore, #tpu.memory_space<semaphore_mem>>
            %dma_start3A_87 = tpu.memref_slice %arg4[%add3A_86] : memref<327680xi32, #tpu.memory_space<hbm>> -> memref<128xi32, #tpu.memory_space<hbm>>
            %dma_start3A_88 = tpu.memref_slice %arg4[%add3A_86] : memref<327680xi32, #tpu.memory_space<hbm>> -> memref<128xi32, #tpu.memory_space<hbm>>
            tpu.enqueue_dma source(%dma_start3A_88 : memref<128xi32, #tpu.memory_space<hbm>>) target(%arg9 : memref<128xi32, #tpu.memory_space<vmem>>) target_semaphore(%run_scoped3A : memref<!tpu.dma_semaphore, #tpu.memory_space<semaphore_mem>>)
            %dma_wait3A_89 = tpu.memref_slice %arg4[%add3A_86] : memref<327680xi32, #tpu.memory_space<hbm>> -> memref<128xi32, #tpu.memory_space<hbm>>
            %dma_wait3A_90 = tpu.memref_slice %arg4[%add3A_86] : memref<327680xi32, #tpu.memory_space<hbm>> -> memref<128xi32, #tpu.memory_space<hbm>>
            tpu.wait_dma2 semaphore(%run_scoped3A : memref<!tpu.dma_semaphore, #tpu.memory_space<semaphore_mem>>) src(%dma_wait3A_90 : memref<128xi32, #tpu.memory_space<hbm>>) dst(%arg9 : memref<128xi32, #tpu.memory_space<vmem>>)
            tpu.yield
          }) : () -> ()
          "tpu.region"() ({
            %run_scoped3A = tpu.sem_alloc : memref<!tpu.dma_semaphore, #tpu.memory_space<semaphore_mem>>
            %dma_start3A_87 = tpu.memref_slice %arg5[%add3A_86] : memref<327680xi32, #tpu.memory_space<hbm>> -> memref<128xi32, #tpu.memory_space<hbm>>
            %dma_start3A_88 = tpu.memref_slice %arg5[%add3A_86] : memref<327680xi32, #tpu.memory_space<hbm>> -> memref<128xi32, #tpu.memory_space<hbm>>
            tpu.enqueue_dma source(%dma_start3A_88 : memref<128xi32, #tpu.memory_space<hbm>>) target(%arg11 : memref<128xi32, #tpu.memory_space<vmem>>) target_semaphore(%run_scoped3A : memref<!tpu.dma_semaphore, #tpu.memory_space<semaphore_mem>>)
            %dma_wait3A_89 = tpu.memref_slice %arg5[%add3A_86] : memref<327680xi32, #tpu.memory_space<hbm>> -> memref<128xi32, #tpu.memory_space<hbm>>
            %dma_wait3A_90 = tpu.memref_slice %arg5[%add3A_86] : memref<327680xi32, #tpu.memory_space<hbm>> -> memref<128xi32, #tpu.memory_space<hbm>>
            tpu.wait_dma2 semaphore(%run_scoped3A : memref<!tpu.dma_semaphore, #tpu.memory_space<semaphore_mem>>) src(%dma_wait3A_90 : memref<128xi32, #tpu.memory_space<hbm>>) dst(%arg11 : memref<128xi32, #tpu.memory_space<vmem>>)
            tpu.yield
          }) : () -> ()
        } else {
        }
        %dma_wait3A_65 = arith.constant 0 : i32
        %dma_wait3A_66 = arith.constant 0 : i32
        %dma_wait3A_67 = tpu.memref_slice %arg3[%dma_wait3A_65, %dma_wait3A_66] : memref<10240x128xf32, #tpu.memory_space<hbm>> -> memref<10240x128xf32, #tpu.memory_space<hbm>>
        tpu.wait_indirect_dma semaphore(%arg16 : memref<!tpu.dma_semaphore, #tpu.memory_space<semaphore_mem>>) src(%dma_wait3A_67 : memref<10240x128xf32, #tpu.memory_space<hbm>>) dst(%arg14 : memref<128x128xf32, #tpu.memory_space<vmem>>)
        %lt3A_68 = arith.constant 79 : i32
        %lt3A_69 = arith.cmpi slt, %add3A_38, %lt3A_68 : i32
        %convert_element_type3A_70 = arith.extui %lt3A_69 : i1 to i32
        %cond3A_71 = arith.constant 0 : i32
        %cond3A_72 = arith.cmpi ne, %convert_element_type3A_70, %cond3A_71 : i32
        scf.if %cond3A_72 {
          %dma_start3A_77 = arith.constant 0 : i32
          %dma_start3A_78 = arith.constant 0 : i32
          %dma_start3A_79 = tpu.memref_slice %arg3[%dma_start3A_77, %dma_start3A_78] : memref<10240x128xf32, #tpu.memory_space<hbm>> -> memref<10240x128xf32, #tpu.memory_space<hbm>>
          %dma_start3A_80 = arith.constant -1 : i32
          tpu.enqueue_indirect_dma source(%dma_start3A_79 : memref<10240x128xf32, #tpu.memory_space<hbm>>) target(%arg13 : memref<128x128xf32, #tpu.memory_space<vmem>>) offsets(%arg9 : memref<128xi32, #tpu.memory_space<vmem>>) offset_filter(%dma_start3A_80) semaphore(%arg15 : memref<!tpu.dma_semaphore, #tpu.memory_space<semaphore_mem>>)
        } else {
        }
        %dma_start3A_73 = arith.constant 0 : i32
        %dma_start3A_74 = arith.constant 0 : i32
        %dma_start3A_75 = tpu.memref_slice %arg8[%dma_start3A_73, %dma_start3A_74] : memref<10240x128xf32, #tpu.memory_space<vmem_shared>> -> memref<10240x128xf32, #tpu.memory_space<vmem_shared>>
        %dma_start3A_76 = arith.constant -1 : i32
        tpu.enqueue_indirect_dma source(%arg14 : memref<128x128xf32, #tpu.memory_space<vmem>>) target(%dma_start3A_75 : memref<10240x128xf32, #tpu.memory_space<vmem_shared>>) offsets(%arg12 : memref<128xi32, #tpu.memory_space<vmem>>) offset_filter(%dma_start3A_76) semaphore(%arg18 : memref<!tpu.dma_semaphore, #tpu.memory_space<semaphore_mem>>) {add = true}
      }
      %scan3A_22 = arith.constant 80 : i32
      %dma_wait3A = arith.constant 0 : i32
      %dma_wait3A_23 = arith.constant 0 : i32
      %dma_wait3A_24 = tpu.memref_slice %arg8[%dma_wait3A, %dma_wait3A_23] : memref<10240x128xf32, #tpu.memory_space<vmem_shared>> -> memref<10240x128xf32, #tpu.memory_space<vmem_shared>>
      tpu.wait_indirect_dma semaphore(%arg17 : memref<!tpu.dma_semaphore, #tpu.memory_space<semaphore_mem>>) src(%arg13 : memref<128x128xf32, #tpu.memory_space<vmem>>) dst(%dma_wait3A_24 : memref<10240x128xf32, #tpu.memory_space<vmem_shared>>)
      %dma_wait3A_25 = arith.constant 0 : i32
      %dma_wait3A_26 = arith.constant 0 : i32
      %dma_wait3A_27 = tpu.memref_slice %arg8[%dma_wait3A_25, %dma_wait3A_26] : memref<10240x128xf32, #tpu.memory_space<vmem_shared>> -> memref<10240x128xf32, #tpu.memory_space<vmem_shared>>
      tpu.wait_indirect_dma semaphore(%arg18 : memref<!tpu.dma_semaphore, #tpu.memory_space<semaphore_mem>>) src(%arg14 : memref<128x128xf32, #tpu.memory_space<vmem>>) dst(%dma_wait3A_27 : memref<10240x128xf32, #tpu.memory_space<vmem_shared>>)
      %barrier3A_28 = arith.constant 0 : index
      tpu.barrier barrier_id(%barrier3A_28)
      %scan3A_29 = arith.constant 0 : i32
      %scan3A_30 = arith.constant 5 : i32
      %scan3A_31 = arith.addi %scan3A_29, %scan3A_30 : i32
      %scan3A_32 = arith.constant 1 : i32
      scf.for %scan3A_34 = %scan3A_29 to %scan3A_31 step %scan3A_32  : i32 {
        %mul3A_35 = arith.constant 1 : i32
        %mul3A_36 = arith.muli %scan3A_34, %mul3A_35 : i32
        %add3A_37 = arith.constant 0 : i32
        %add3A_38 = arith.addi %add3A_37, %mul3A_36 : i32
        %mul3A_39 = arith.constant 640 : i32
        %mul3A_40 = arith.muli %arg1, %mul3A_39 : i32
        %mul3A_41 = arith.constant 128 : i32
        %mul3A_42 = arith.muli %add3A_38, %mul3A_41 : i32
        %add3A_43 = arith.addi %mul3A_40, %mul3A_42 : i32
        "tpu.region"() ({
          %run_scoped3A = tpu.sem_alloc : memref<!tpu.dma_semaphore, #tpu.memory_space<semaphore_mem>>
          %dma_start3A_44 = arith.constant 0 : i32
          %dma_start3A_45 = tpu.memref_slice %arg8[%add3A_43, %dma_start3A_44] : memref<10240x128xf32, #tpu.memory_space<vmem_shared>> -> memref<128x128xf32, #tpu.memory_space<vmem_shared>>
          %dma_start3A_46 = arith.constant 0 : i32
          %dma_start3A_47 = tpu.memref_slice %arg8[%add3A_43, %dma_start3A_46] : memref<10240x128xf32, #tpu.memory_space<vmem_shared>> -> memref<128x128xf32, #tpu.memory_space<vmem_shared>>
          tpu.enqueue_dma source(%dma_start3A_47 : memref<128x128xf32, #tpu.memory_space<vmem_shared>>) target(%arg13 : memref<128x128xf32, #tpu.memory_space<vmem>>) target_semaphore(%run_scoped3A : memref<!tpu.dma_semaphore, #tpu.memory_space<semaphore_mem>>)
          %dma_wait3A_48 = arith.constant 0 : i32
          %dma_wait3A_49 = tpu.memref_slice %arg8[%add3A_43, %dma_wait3A_48] : memref<10240x128xf32, #tpu.memory_space<vmem_shared>> -> memref<128x128xf32, #tpu.memory_space<vmem_shared>>
          %dma_wait3A_50 = arith.constant 0 : i32
          %dma_wait3A_51 = tpu.memref_slice %arg8[%add3A_43, %dma_wait3A_50] : memref<10240x128xf32, #tpu.memory_space<vmem_shared>> -> memref<128x128xf32, #tpu.memory_space<vmem_shared>>
          tpu.wait_dma2 semaphore(%run_scoped3A : memref<!tpu.dma_semaphore, #tpu.memory_space<semaphore_mem>>) src(%dma_wait3A_51 : memref<128x128xf32, #tpu.memory_space<vmem_shared>>) dst(%arg13 : memref<128x128xf32, #tpu.memory_space<vmem>>)
          tpu.yield
        }) : () -> ()
        "tpu.region"() ({
          %run_scoped3A = tpu.sem_alloc : memref<!tpu.dma_semaphore, #tpu.memory_space<semaphore_mem>>
          %dma_start3A_44 = arith.constant 0 : i32
          %dma_start3A_45 = tpu.memref_slice %arg7[%add3A_43, %dma_start3A_44] : memref<10240x128xf32, #tpu.memory_space<hbm>> -> memref<128x128xf32, #tpu.memory_space<hbm>>
          %dma_start3A_46 = arith.constant 0 : i32
          %dma_start3A_47 = tpu.memref_slice %arg7[%add3A_43, %dma_start3A_46] : memref<10240x128xf32, #tpu.memory_space<hbm>> -> memref<128x128xf32, #tpu.memory_space<hbm>>
          tpu.enqueue_dma source(%arg13 : memref<128x128xf32, #tpu.memory_space<vmem>>) target(%dma_start3A_47 : memref<128x128xf32, #tpu.memory_space<hbm>>) target_semaphore(%run_scoped3A : memref<!tpu.dma_semaphore, #tpu.memory_space<semaphore_mem>>)
          %dma_wait3A_48 = arith.constant 0 : i32
          %dma_wait3A_49 = tpu.memref_slice %arg7[%add3A_43, %dma_wait3A_48] : memref<10240x128xf32, #tpu.memory_space<hbm>> -> memref<128x128xf32, #tpu.memory_space<hbm>>
          %dma_wait3A_50 = arith.constant 0 : i32
          %dma_wait3A_51 = tpu.memref_slice %arg7[%add3A_43, %dma_wait3A_50] : memref<10240x128xf32, #tpu.memory_space<hbm>> -> memref<128x128xf32, #tpu.memory_space<hbm>>
          tpu.wait_dma2 semaphore(%run_scoped3A : memref<!tpu.dma_semaphore, #tpu.memory_space<semaphore_mem>>) src(%arg13 : memref<128x128xf32, #tpu.memory_space<vmem>>) dst(%dma_wait3A_51 : memref<128x128xf32, #tpu.memory_space<hbm>>)
          tpu.yield
        }) : () -> ()
      }
      %scan3A_33 = arith.constant 5 : i32
    } else {
    }
    return
  }
}

#map = affine_map<(d0, d1) -> (0, 0)>
#map1 = affine_map<(d0, d1) -> (0)>
module attributes {stable_mosaic.version = 14 : i64} {
  func.func @agg_kernel(%arg0: i32, %arg1: i32, %arg2: memref<10240x128xf32, #tpu.memory_space<hbm>>, %arg3: memref<10240x128xf32, #tpu.memory_space<hbm>>, %arg4: memref<327680xi32, #tpu.memory_space<hbm>>, %arg5: memref<327680xi32, #tpu.memory_space<hbm>>, %arg6: memref<10240x128xf32, #tpu.memory_space<hbm>>, %arg7: memref<10240x128xf32, #tpu.memory_space<hbm>>, %arg8: memref<10240x128xf32, #tpu.memory_space<vmem_shared>>, %arg9: memref<128xi32, #tpu.memory_space<vmem>>, %arg10: memref<128xi32, #tpu.memory_space<vmem>>, %arg11: memref<128xi32, #tpu.memory_space<vmem>>, %arg12: memref<128xi32, #tpu.memory_space<vmem>>, %arg13: memref<128x128xf32, #tpu.memory_space<vmem>>, %arg14: memref<128x128xf32, #tpu.memory_space<vmem>>, %arg15: memref<!tpu.dma_semaphore, #tpu.memory_space<semaphore_mem>>, %arg16: memref<!tpu.dma_semaphore, #tpu.memory_space<semaphore_mem>>, %arg17: memref<!tpu.dma_semaphore, #tpu.memory_space<semaphore_mem>>, %arg18: memref<!tpu.dma_semaphore, #tpu.memory_space<semaphore_mem>>) attributes {dimension_semantics = [#tpu.dimension_semantics<core_parallel>, #tpu.dimension_semantics<subcore_parallel>], iteration_bounds = array<i64: 2, 16>, scalar_prefetch = 0 : i64, scratch_operands = 11 : i64, tpu.core_type = #tpu.core_type<sc_vector_subcore>, window_params = [{transform_indices = #map}, {transform_indices = #map}, {transform_indices = #map1}, {transform_indices = #map1}, {transform_indices = #map}, {transform_indices = #map}]} {
    %mul3A = arith.constant 20480 : i32
    %mul3A_0 = arith.muli %arg1, %mul3A : i32
    %eq3A = arith.constant 0 : i32
    %eq3A_1 = arith.cmpi eq, %arg0, %eq3A : i32
    %convert_element_type3A = arith.extui %eq3A_1 : i1 to i32
    %cond3A = arith.constant 0 : i32
    %cond3A_2 = arith.cmpi ne, %convert_element_type3A, %cond3A : i32
    scf.if %cond3A_2 {
      %scan3A = arith.constant 0 : i32
      %scan3A_10 = arith.constant 5 : i32
      %scan3A_11 = arith.addi %scan3A, %scan3A_10 : i32
      %scan3A_12 = arith.constant 1 : i32
      scf.for %scan3A_34 = %scan3A to %scan3A_11 step %scan3A_12  : i32 {
        %mul3A_35 = arith.constant 1 : i32
        %mul3A_36 = arith.muli %scan3A_34, %mul3A_35 : i32
        %add3A_37 = arith.constant 0 : i32
        %add3A_38 = arith.addi %add3A_37, %mul3A_36 : i32
        %mul3A_39 = arith.constant 640 : i32
        %mul3A_40 = arith.muli %arg1, %mul3A_39 : i32
        %mul3A_41 = arith.constant 128 : i32
        %mul3A_42 = arith.muli %add3A_38, %mul3A_41 : i32
        %add3A_43 = arith.addi %mul3A_40, %mul3A_42 : i32
        "tpu.region"() ({
          %run_scoped3A = tpu.sem_alloc : memref<!tpu.dma_semaphore, #tpu.memory_space<semaphore_mem>>
          %dma_start3A_44 = arith.constant 0 : i32
          %dma_start3A_45 = tpu.memref_slice %arg2[%add3A_43, %dma_start3A_44] : memref<10240x128xf32, #tpu.memory_space<hbm>> -> memref<128x128xf32, #tpu.memory_space<hbm>>
          %dma_start3A_46 = arith.constant 0 : i32
          %dma_start3A_47 = tpu.memref_slice %arg2[%add3A_43, %dma_start3A_46] : memref<10240x128xf32, #tpu.memory_space<hbm>> -> memref<128x128xf32, #tpu.memory_space<hbm>>
          tpu.enqueue_dma source(%dma_start3A_47 : memref<128x128xf32, #tpu.memory_space<hbm>>) target(%arg13 : memref<128x128xf32, #tpu.memory_space<vmem>>) target_semaphore(%run_scoped3A : memref<!tpu.dma_semaphore, #tpu.memory_space<semaphore_mem>>)
          %dma_wait3A_48 = arith.constant 0 : i32
          %dma_wait3A_49 = tpu.memref_slice %arg2[%add3A_43, %dma_wait3A_48] : memref<10240x128xf32, #tpu.memory_space<hbm>> -> memref<128x128xf32, #tpu.memory_space<hbm>>
          %dma_wait3A_50 = arith.constant 0 : i32
          %dma_wait3A_51 = tpu.memref_slice %arg2[%add3A_43, %dma_wait3A_50] : memref<10240x128xf32, #tpu.memory_space<hbm>> -> memref<128x128xf32, #tpu.memory_space<hbm>>
          tpu.wait_dma2 semaphore(%run_scoped3A : memref<!tpu.dma_semaphore, #tpu.memory_space<semaphore_mem>>) src(%dma_wait3A_51 : memref<128x128xf32, #tpu.memory_space<hbm>>) dst(%arg13 : memref<128x128xf32, #tpu.memory_space<vmem>>)
          tpu.yield
        }) : () -> ()
        "tpu.region"() ({
          %run_scoped3A = tpu.sem_alloc : memref<!tpu.dma_semaphore, #tpu.memory_space<semaphore_mem>>
          %dma_start3A_44 = arith.constant 0 : i32
          %dma_start3A_45 = tpu.memref_slice %arg8[%add3A_43, %dma_start3A_44] : memref<10240x128xf32, #tpu.memory_space<vmem_shared>> -> memref<128x128xf32, #tpu.memory_space<vmem_shared>>
          %dma_start3A_46 = arith.constant 0 : i32
          %dma_start3A_47 = tpu.memref_slice %arg8[%add3A_43, %dma_start3A_46] : memref<10240x128xf32, #tpu.memory_space<vmem_shared>> -> memref<128x128xf32, #tpu.memory_space<vmem_shared>>
          tpu.enqueue_dma source(%arg13 : memref<128x128xf32, #tpu.memory_space<vmem>>) target(%dma_start3A_47 : memref<128x128xf32, #tpu.memory_space<vmem_shared>>) target_semaphore(%run_scoped3A : memref<!tpu.dma_semaphore, #tpu.memory_space<semaphore_mem>>)
          %dma_wait3A_48 = arith.constant 0 : i32
          %dma_wait3A_49 = tpu.memref_slice %arg8[%add3A_43, %dma_wait3A_48] : memref<10240x128xf32, #tpu.memory_space<vmem_shared>> -> memref<128x128xf32, #tpu.memory_space<vmem_shared>>
          %dma_wait3A_50 = arith.constant 0 : i32
          %dma_wait3A_51 = tpu.memref_slice %arg8[%add3A_43, %dma_wait3A_50] : memref<10240x128xf32, #tpu.memory_space<vmem_shared>> -> memref<128x128xf32, #tpu.memory_space<vmem_shared>>
          tpu.wait_dma2 semaphore(%run_scoped3A : memref<!tpu.dma_semaphore, #tpu.memory_space<semaphore_mem>>) src(%arg13 : memref<128x128xf32, #tpu.memory_space<vmem>>) dst(%dma_wait3A_51 : memref<128x128xf32, #tpu.memory_space<vmem_shared>>)
          tpu.yield
        }) : () -> ()
      }
      %scan3A_13 = arith.constant 5 : i32
      %barrier3A = arith.constant 0 : index
      tpu.barrier barrier_id(%barrier3A)
      %add3A = arith.constant 0 : i32
      %add3A_14 = arith.addi %mul3A_0, %add3A : i32
      "tpu.region"() ({
        %run_scoped3A = tpu.sem_alloc : memref<!tpu.dma_semaphore, #tpu.memory_space<semaphore_mem>>
        %dma_start3A_34 = tpu.memref_slice %arg4[%add3A_14] : memref<327680xi32, #tpu.memory_space<hbm>> -> memref<128xi32, #tpu.memory_space<hbm>>
        %dma_start3A_35 = tpu.memref_slice %arg4[%add3A_14] : memref<327680xi32, #tpu.memory_space<hbm>> -> memref<128xi32, #tpu.memory_space<hbm>>
        tpu.enqueue_dma source(%dma_start3A_35 : memref<128xi32, #tpu.memory_space<hbm>>) target(%arg9 : memref<128xi32, #tpu.memory_space<vmem>>) target_semaphore(%run_scoped3A : memref<!tpu.dma_semaphore, #tpu.memory_space<semaphore_mem>>)
        %dma_wait3A_36 = tpu.memref_slice %arg4[%add3A_14] : memref<327680xi32, #tpu.memory_space<hbm>> -> memref<128xi32, #tpu.memory_space<hbm>>
        %dma_wait3A_37 = tpu.memref_slice %arg4[%add3A_14] : memref<327680xi32, #tpu.memory_space<hbm>> -> memref<128xi32, #tpu.memory_space<hbm>>
        tpu.wait_dma2 semaphore(%run_scoped3A : memref<!tpu.dma_semaphore, #tpu.memory_space<semaphore_mem>>) src(%dma_wait3A_37 : memref<128xi32, #tpu.memory_space<hbm>>) dst(%arg9 : memref<128xi32, #tpu.memory_space<vmem>>)
        tpu.yield
      }) : () -> ()
      "tpu.region"() ({
        %run_scoped3A = tpu.sem_alloc : memref<!tpu.dma_semaphore, #tpu.memory_space<semaphore_mem>>
        %dma_start3A_34 = tpu.memref_slice %arg5[%add3A_14] : memref<327680xi32, #tpu.memory_space<hbm>> -> memref<128xi32, #tpu.memory_space<hbm>>
        %dma_start3A_35 = tpu.memref_slice %arg5[%add3A_14] : memref<327680xi32, #tpu.memory_space<hbm>> -> memref<128xi32, #tpu.memory_space<hbm>>
        tpu.enqueue_dma source(%dma_start3A_35 : memref<128xi32, #tpu.memory_space<hbm>>) target(%arg11 : memref<128xi32, #tpu.memory_space<vmem>>) target_semaphore(%run_scoped3A : memref<!tpu.dma_semaphore, #tpu.memory_space<semaphore_mem>>)
        %dma_wait3A_36 = tpu.memref_slice %arg5[%add3A_14] : memref<327680xi32, #tpu.memory_space<hbm>> -> memref<128xi32, #tpu.memory_space<hbm>>
        %dma_wait3A_37 = tpu.memref_slice %arg5[%add3A_14] : memref<327680xi32, #tpu.memory_space<hbm>> -> memref<128xi32, #tpu.memory_space<hbm>>
        tpu.wait_dma2 semaphore(%run_scoped3A : memref<!tpu.dma_semaphore, #tpu.memory_space<semaphore_mem>>) src(%dma_wait3A_37 : memref<128xi32, #tpu.memory_space<hbm>>) dst(%arg11 : memref<128xi32, #tpu.memory_space<vmem>>)
        tpu.yield
      }) : () -> ()
      %dma_start3A = arith.constant 0 : i32
      %dma_start3A_15 = arith.constant 0 : i32
      %dma_start3A_16 = tpu.memref_slice %arg2[%dma_start3A, %dma_start3A_15] : memref<10240x128xf32, #tpu.memory_space<hbm>> -> memref<10240x128xf32, #tpu.memory_space<hbm>>
      %dma_start3A_17 = arith.constant -1 : i32
      tpu.enqueue_indirect_dma source(%dma_start3A_16 : memref<10240x128xf32, #tpu.memory_space<hbm>>) target(%arg13 : memref<128x128xf32, #tpu.memory_space<vmem>>) offsets(%arg9 : memref<128xi32, #tpu.memory_space<vmem>>) offset_filter(%dma_start3A_17) semaphore(%arg15 : memref<!tpu.dma_semaphore, #tpu.memory_space<semaphore_mem>>)
      %scan3A_18 = arith.constant 0 : i32
      %scan3A_19 = arith.constant 80 : i32
      %scan3A_20 = arith.addi %scan3A_18, %scan3A_19 : i32
      %scan3A_21 = arith.constant 1 : i32
      scf.for %scan3A_34 = %scan3A_18 to %scan3A_20 step %scan3A_21  : i32 {
        %mul3A_35 = arith.constant 1 : i32
        %mul3A_36 = arith.muli %scan3A_34, %mul3A_35 : i32
        %add3A_37 = arith.constant 0 : i32
        %add3A_38 = arith.addi %add3A_37, %mul3A_36 : i32
        %gt3A = arith.constant 0 : i32
        %gt3A_39 = arith.cmpi sgt, %add3A_38, %gt3A : i32
        %convert_element_type3A_40 = arith.extui %gt3A_39 : i1 to i32
        %cond3A_41 = arith.constant 0 : i32
        %cond3A_42 = arith.cmpi ne, %convert_element_type3A_40, %cond3A_41 : i32
        scf.if %cond3A_42 {
          %dma_wait3A_77 = arith.constant 0 : i32
          %dma_wait3A_78 = arith.constant 0 : i32
          %dma_wait3A_79 = tpu.memref_slice %arg8[%dma_wait3A_77, %dma_wait3A_78] : memref<10240x128xf32, #tpu.memory_space<vmem_shared>> -> memref<10240x128xf32, #tpu.memory_space<vmem_shared>>
          tpu.wait_indirect_dma semaphore(%arg18 : memref<!tpu.dma_semaphore, #tpu.memory_space<semaphore_mem>>) src(%arg14 : memref<128x128xf32, #tpu.memory_space<vmem>>) dst(%dma_wait3A_79 : memref<10240x128xf32, #tpu.memory_space<vmem_shared>>)
        } else {
        }
        %mul3A_43 = arith.constant 2 : i32
        %mul3A_44 = arith.muli %mul3A_43, %add3A_38 : i32
        %add3A_45 = arith.constant 1 : i32
        %add3A_46 = arith.addi %mul3A_44, %add3A_45 : i32
        %mul3A_47 = arith.constant 128 : i32
        %mul3A_48 = arith.muli %add3A_46, %mul3A_47 : i32
        %add3A_49 = arith.addi %mul3A_0, %mul3A_48 : i32
        "tpu.region"() ({
          %run_scoped3A = tpu.sem_alloc : memref<!tpu.dma_semaphore, #tpu.memory_space<semaphore_mem>>
          %dma_start3A_77 = tpu.memref_slice %arg4[%add3A_49] : memref<327680xi32, #tpu.memory_space<hbm>> -> memref<128xi32, #tpu.memory_space<hbm>>
          %dma_start3A_78 = tpu.memref_slice %arg4[%add3A_49] : memref<327680xi32, #tpu.memory_space<hbm>> -> memref<128xi32, #tpu.memory_space<hbm>>
          tpu.enqueue_dma source(%dma_start3A_78 : memref<128xi32, #tpu.memory_space<hbm>>) target(%arg10 : memref<128xi32, #tpu.memory_space<vmem>>) target_semaphore(%run_scoped3A : memref<!tpu.dma_semaphore, #tpu.memory_space<semaphore_mem>>)
          %dma_wait3A_79 = tpu.memref_slice %arg4[%add3A_49] : memref<327680xi32, #tpu.memory_space<hbm>> -> memref<128xi32, #tpu.memory_space<hbm>>
          %dma_wait3A_80 = tpu.memref_slice %arg4[%add3A_49] : memref<327680xi32, #tpu.memory_space<hbm>> -> memref<128xi32, #tpu.memory_space<hbm>>
          tpu.wait_dma2 semaphore(%run_scoped3A : memref<!tpu.dma_semaphore, #tpu.memory_space<semaphore_mem>>) src(%dma_wait3A_80 : memref<128xi32, #tpu.memory_space<hbm>>) dst(%arg10 : memref<128xi32, #tpu.memory_space<vmem>>)
          tpu.yield
        }) : () -> ()
        "tpu.region"() ({
          %run_scoped3A = tpu.sem_alloc : memref<!tpu.dma_semaphore, #tpu.memory_space<semaphore_mem>>
          %dma_start3A_77 = tpu.memref_slice %arg5[%add3A_49] : memref<327680xi32, #tpu.memory_space<hbm>> -> memref<128xi32, #tpu.memory_space<hbm>>
          %dma_start3A_78 = tpu.memref_slice %arg5[%add3A_49] : memref<327680xi32, #tpu.memory_space<hbm>> -> memref<128xi32, #tpu.memory_space<hbm>>
          tpu.enqueue_dma source(%dma_start3A_78 : memref<128xi32, #tpu.memory_space<hbm>>) target(%arg12 : memref<128xi32, #tpu.memory_space<vmem>>) target_semaphore(%run_scoped3A : memref<!tpu.dma_semaphore, #tpu.memory_space<semaphore_mem>>)
          %dma_wait3A_79 = tpu.memref_slice %arg5[%add3A_49] : memref<327680xi32, #tpu.memory_space<hbm>> -> memref<128xi32, #tpu.memory_space<hbm>>
          %dma_wait3A_80 = tpu.memref_slice %arg5[%add3A_49] : memref<327680xi32, #tpu.memory_space<hbm>> -> memref<128xi32, #tpu.memory_space<hbm>>
          tpu.wait_dma2 semaphore(%run_scoped3A : memref<!tpu.dma_semaphore, #tpu.memory_space<semaphore_mem>>) src(%dma_wait3A_80 : memref<128xi32, #tpu.memory_space<hbm>>) dst(%arg12 : memref<128xi32, #tpu.memory_space<vmem>>)
          tpu.yield
        }) : () -> ()
        %dma_wait3A_50 = arith.constant 0 : i32
        %dma_wait3A_51 = arith.constant 0 : i32
        %dma_wait3A_52 = tpu.memref_slice %arg2[%dma_wait3A_50, %dma_wait3A_51] : memref<10240x128xf32, #tpu.memory_space<hbm>> -> memref<10240x128xf32, #tpu.memory_space<hbm>>
        tpu.wait_indirect_dma semaphore(%arg15 : memref<!tpu.dma_semaphore, #tpu.memory_space<semaphore_mem>>) src(%dma_wait3A_52 : memref<10240x128xf32, #tpu.memory_space<hbm>>) dst(%arg13 : memref<128x128xf32, #tpu.memory_space<vmem>>)
        %dma_start3A_53 = arith.constant 0 : i32
        %dma_start3A_54 = arith.constant 0 : i32
        %dma_start3A_55 = tpu.memref_slice %arg2[%dma_start3A_53, %dma_start3A_54] : memref<10240x128xf32, #tpu.memory_space<hbm>> -> memref<10240x128xf32, #tpu.memory_space<hbm>>
        %dma_start3A_56 = arith.constant -1 : i32
        tpu.enqueue_indirect_dma source(%dma_start3A_55 : memref<10240x128xf32, #tpu.memory_space<hbm>>) target(%arg14 : memref<128x128xf32, #tpu.memory_space<vmem>>) offsets(%arg10 : memref<128xi32, #tpu.memory_space<vmem>>) offset_filter(%dma_start3A_56) semaphore(%arg16 : memref<!tpu.dma_semaphore, #tpu.memory_space<semaphore_mem>>)
        %dma_start3A_57 = arith.constant 0 : i32
        %dma_start3A_58 = arith.constant 0 : i32
        %dma_start3A_59 = tpu.memref_slice %arg8[%dma_start3A_57, %dma_start3A_58] : memref<10240x128xf32, #tpu.memory_space<vmem_shared>> -> memref<10240x128xf32, #tpu.memory_space<vmem_shared>>
        %dma_start3A_60 = arith.constant -1 : i32
        tpu.enqueue_indirect_dma source(%arg13 : memref<128x128xf32, #tpu.memory_space<vmem>>) target(%dma_start3A_59 : memref<10240x128xf32, #tpu.memory_space<vmem_shared>>) offsets(%arg11 : memref<128xi32, #tpu.memory_space<vmem>>) offset_filter(%dma_start3A_60) semaphore(%arg17 : memref<!tpu.dma_semaphore, #tpu.memory_space<semaphore_mem>>) {add = true}
        %lt3A = arith.constant 79 : i32
        %lt3A_61 = arith.cmpi slt, %add3A_38, %lt3A : i32
        %convert_element_type3A_62 = arith.extui %lt3A_61 : i1 to i32
        %cond3A_63 = arith.constant 0 : i32
        %cond3A_64 = arith.cmpi ne, %convert_element_type3A_62, %cond3A_63 : i32
        scf.if %cond3A_64 {
          %dma_wait3A_77 = arith.constant 0 : i32
          %dma_wait3A_78 = arith.constant 0 : i32
          %dma_wait3A_79 = tpu.memref_slice %arg8[%dma_wait3A_77, %dma_wait3A_78] : memref<10240x128xf32, #tpu.memory_space<vmem_shared>> -> memref<10240x128xf32, #tpu.memory_space<vmem_shared>>
          tpu.wait_indirect_dma semaphore(%arg17 : memref<!tpu.dma_semaphore, #tpu.memory_space<semaphore_mem>>) src(%arg13 : memref<128x128xf32, #tpu.memory_space<vmem>>) dst(%dma_wait3A_79 : memref<10240x128xf32, #tpu.memory_space<vmem_shared>>)
          %mul3A_80 = arith.constant 2 : i32
          %mul3A_81 = arith.muli %mul3A_80, %add3A_38 : i32
          %add3A_82 = arith.constant 2 : i32
          %add3A_83 = arith.addi %mul3A_81, %add3A_82 : i32
          %mul3A_84 = arith.constant 128 : i32
          %mul3A_85 = arith.muli %add3A_83, %mul3A_84 : i32
          %add3A_86 = arith.addi %mul3A_0, %mul3A_85 : i32
          "tpu.region"() ({
            %run_scoped3A = tpu.sem_alloc : memref<!tpu.dma_semaphore, #tpu.memory_space<semaphore_mem>>
            %dma_start3A_87 = tpu.memref_slice %arg4[%add3A_86] : memref<327680xi32, #tpu.memory_space<hbm>> -> memref<128xi32, #tpu.memory_space<hbm>>
            %dma_start3A_88 = tpu.memref_slice %arg4[%add3A_86] : memref<327680xi32, #tpu.memory_space<hbm>> -> memref<128xi32, #tpu.memory_space<hbm>>
            tpu.enqueue_dma source(%dma_start3A_88 : memref<128xi32, #tpu.memory_space<hbm>>) target(%arg9 : memref<128xi32, #tpu.memory_space<vmem>>) target_semaphore(%run_scoped3A : memref<!tpu.dma_semaphore, #tpu.memory_space<semaphore_mem>>)
            %dma_wait3A_89 = tpu.memref_slice %arg4[%add3A_86] : memref<327680xi32, #tpu.memory_space<hbm>> -> memref<128xi32, #tpu.memory_space<hbm>>
            %dma_wait3A_90 = tpu.memref_slice %arg4[%add3A_86] : memref<327680xi32, #tpu.memory_space<hbm>> -> memref<128xi32, #tpu.memory_space<hbm>>
            tpu.wait_dma2 semaphore(%run_scoped3A : memref<!tpu.dma_semaphore, #tpu.memory_space<semaphore_mem>>) src(%dma_wait3A_90 : memref<128xi32, #tpu.memory_space<hbm>>) dst(%arg9 : memref<128xi32, #tpu.memory_space<vmem>>)
            tpu.yield
          }) : () -> ()
          "tpu.region"() ({
            %run_scoped3A = tpu.sem_alloc : memref<!tpu.dma_semaphore, #tpu.memory_space<semaphore_mem>>
            %dma_start3A_87 = tpu.memref_slice %arg5[%add3A_86] : memref<327680xi32, #tpu.memory_space<hbm>> -> memref<128xi32, #tpu.memory_space<hbm>>
            %dma_start3A_88 = tpu.memref_slice %arg5[%add3A_86] : memref<327680xi32, #tpu.memory_space<hbm>> -> memref<128xi32, #tpu.memory_space<hbm>>
            tpu.enqueue_dma source(%dma_start3A_88 : memref<128xi32, #tpu.memory_space<hbm>>) target(%arg11 : memref<128xi32, #tpu.memory_space<vmem>>) target_semaphore(%run_scoped3A : memref<!tpu.dma_semaphore, #tpu.memory_space<semaphore_mem>>)
            %dma_wait3A_89 = tpu.memref_slice %arg5[%add3A_86] : memref<327680xi32, #tpu.memory_space<hbm>> -> memref<128xi32, #tpu.memory_space<hbm>>
            %dma_wait3A_90 = tpu.memref_slice %arg5[%add3A_86] : memref<327680xi32, #tpu.memory_space<hbm>> -> memref<128xi32, #tpu.memory_space<hbm>>
            tpu.wait_dma2 semaphore(%run_scoped3A : memref<!tpu.dma_semaphore, #tpu.memory_space<semaphore_mem>>) src(%dma_wait3A_90 : memref<128xi32, #tpu.memory_space<hbm>>) dst(%arg11 : memref<128xi32, #tpu.memory_space<vmem>>)
            tpu.yield
          }) : () -> ()
        } else {
        }
        %dma_wait3A_65 = arith.constant 0 : i32
        %dma_wait3A_66 = arith.constant 0 : i32
        %dma_wait3A_67 = tpu.memref_slice %arg2[%dma_wait3A_65, %dma_wait3A_66] : memref<10240x128xf32, #tpu.memory_space<hbm>> -> memref<10240x128xf32, #tpu.memory_space<hbm>>
        tpu.wait_indirect_dma semaphore(%arg16 : memref<!tpu.dma_semaphore, #tpu.memory_space<semaphore_mem>>) src(%dma_wait3A_67 : memref<10240x128xf32, #tpu.memory_space<hbm>>) dst(%arg14 : memref<128x128xf32, #tpu.memory_space<vmem>>)
        %lt3A_68 = arith.constant 79 : i32
        %lt3A_69 = arith.cmpi slt, %add3A_38, %lt3A_68 : i32
        %convert_element_type3A_70 = arith.extui %lt3A_69 : i1 to i32
        %cond3A_71 = arith.constant 0 : i32
        %cond3A_72 = arith.cmpi ne, %convert_element_type3A_70, %cond3A_71 : i32
        scf.if %cond3A_72 {
          %dma_start3A_77 = arith.constant 0 : i32
          %dma_start3A_78 = arith.constant 0 : i32
          %dma_start3A_79 = tpu.memref_slice %arg2[%dma_start3A_77, %dma_start3A_78] : memref<10240x128xf32, #tpu.memory_space<hbm>> -> memref<10240x128xf32, #tpu.memory_space<hbm>>
          %dma_start3A_80 = arith.constant -1 : i32
          tpu.enqueue_indirect_dma source(%dma_start3A_79 : memref<10240x128xf32, #tpu.memory_space<hbm>>) target(%arg13 : memref<128x128xf32, #tpu.memory_space<vmem>>) offsets(%arg9 : memref<128xi32, #tpu.memory_space<vmem>>) offset_filter(%dma_start3A_80) semaphore(%arg15 : memref<!tpu.dma_semaphore, #tpu.memory_space<semaphore_mem>>)
        } else {
        }
        %dma_start3A_73 = arith.constant 0 : i32
        %dma_start3A_74 = arith.constant 0 : i32
        %dma_start3A_75 = tpu.memref_slice %arg8[%dma_start3A_73, %dma_start3A_74] : memref<10240x128xf32, #tpu.memory_space<vmem_shared>> -> memref<10240x128xf32, #tpu.memory_space<vmem_shared>>
        %dma_start3A_76 = arith.constant -1 : i32
        tpu.enqueue_indirect_dma source(%arg14 : memref<128x128xf32, #tpu.memory_space<vmem>>) target(%dma_start3A_75 : memref<10240x128xf32, #tpu.memory_space<vmem_shared>>) offsets(%arg12 : memref<128xi32, #tpu.memory_space<vmem>>) offset_filter(%dma_start3A_76) semaphore(%arg18 : memref<!tpu.dma_semaphore, #tpu.memory_space<semaphore_mem>>) {add = true}
      }
      %scan3A_22 = arith.constant 80 : i32
      %dma_wait3A = arith.constant 0 : i32
      %dma_wait3A_23 = arith.constant 0 : i32
      %dma_wait3A_24 = tpu.memref_slice %arg8[%dma_wait3A, %dma_wait3A_23] : memref<10240x128xf32, #tpu.memory_space<vmem_shared>> -> memref<10240x128xf32, #tpu.memory_space<vmem_shared>>
      tpu.wait_indirect_dma semaphore(%arg17 : memref<!tpu.dma_semaphore, #tpu.memory_space<semaphore_mem>>) src(%arg13 : memref<128x128xf32, #tpu.memory_space<vmem>>) dst(%dma_wait3A_24 : memref<10240x128xf32, #tpu.memory_space<vmem_shared>>)
      %dma_wait3A_25 = arith.constant 0 : i32
      %dma_wait3A_26 = arith.constant 0 : i32
      %dma_wait3A_27 = tpu.memref_slice %arg8[%dma_wait3A_25, %dma_wait3A_26] : memref<10240x128xf32, #tpu.memory_space<vmem_shared>> -> memref<10240x128xf32, #tpu.memory_space<vmem_shared>>
      tpu.wait_indirect_dma semaphore(%arg18 : memref<!tpu.dma_semaphore, #tpu.memory_space<semaphore_mem>>) src(%arg14 : memref<128x128xf32, #tpu.memory_space<vmem>>) dst(%dma_wait3A_27 : memref<10240x128xf32, #tpu.memory_space<vmem_shared>>)
      %barrier3A_28 = arith.constant 0 : index
      tpu.barrier barrier_id(%barrier3A_28)
      %scan3A_29 = arith.constant 0 : i32
      %scan3A_30 = arith.constant 5 : i32
      %scan3A_31 = arith.addi %scan3A_29, %scan3A_30 : i32
      %scan3A_32 = arith.constant 1 : i32
      scf.for %scan3A_34 = %scan3A_29 to %scan3A_31 step %scan3A_32  : i32 {
        %mul3A_35 = arith.constant 1 : i32
        %mul3A_36 = arith.muli %scan3A_34, %mul3A_35 : i32
        %add3A_37 = arith.constant 0 : i32
        %add3A_38 = arith.addi %add3A_37, %mul3A_36 : i32
        %mul3A_39 = arith.constant 640 : i32
        %mul3A_40 = arith.muli %arg1, %mul3A_39 : i32
        %mul3A_41 = arith.constant 128 : i32
        %mul3A_42 = arith.muli %add3A_38, %mul3A_41 : i32
        %add3A_43 = arith.addi %mul3A_40, %mul3A_42 : i32
        "tpu.region"() ({
          %run_scoped3A = tpu.sem_alloc : memref<!tpu.dma_semaphore, #tpu.memory_space<semaphore_mem>>
          %dma_start3A_44 = arith.constant 0 : i32
          %dma_start3A_45 = tpu.memref_slice %arg8[%add3A_43, %dma_start3A_44] : memref<10240x128xf32, #tpu.memory_space<vmem_shared>> -> memref<128x128xf32, #tpu.memory_space<vmem_shared>>
          %dma_start3A_46 = arith.constant 0 : i32
          %dma_start3A_47 = tpu.memref_slice %arg8[%add3A_43, %dma_start3A_46] : memref<10240x128xf32, #tpu.memory_space<vmem_shared>> -> memref<128x128xf32, #tpu.memory_space<vmem_shared>>
          tpu.enqueue_dma source(%dma_start3A_47 : memref<128x128xf32, #tpu.memory_space<vmem_shared>>) target(%arg13 : memref<128x128xf32, #tpu.memory_space<vmem>>) target_semaphore(%run_scoped3A : memref<!tpu.dma_semaphore, #tpu.memory_space<semaphore_mem>>)
          %dma_wait3A_48 = arith.constant 0 : i32
          %dma_wait3A_49 = tpu.memref_slice %arg8[%add3A_43, %dma_wait3A_48] : memref<10240x128xf32, #tpu.memory_space<vmem_shared>> -> memref<128x128xf32, #tpu.memory_space<vmem_shared>>
          %dma_wait3A_50 = arith.constant 0 : i32
          %dma_wait3A_51 = tpu.memref_slice %arg8[%add3A_43, %dma_wait3A_50] : memref<10240x128xf32, #tpu.memory_space<vmem_shared>> -> memref<128x128xf32, #tpu.memory_space<vmem_shared>>
          tpu.wait_dma2 semaphore(%run_scoped3A : memref<!tpu.dma_semaphore, #tpu.memory_space<semaphore_mem>>) src(%dma_wait3A_51 : memref<128x128xf32, #tpu.memory_space<vmem_shared>>) dst(%arg13 : memref<128x128xf32, #tpu.memory_space<vmem>>)
          tpu.yield
        }) : () -> ()
        "tpu.region"() ({
          %run_scoped3A = tpu.sem_alloc : memref<!tpu.dma_semaphore, #tpu.memory_space<semaphore_mem>>
          %dma_start3A_44 = arith.constant 0 : i32
          %dma_start3A_45 = tpu.memref_slice %arg6[%add3A_43, %dma_start3A_44] : memref<10240x128xf32, #tpu.memory_space<hbm>> -> memref<128x128xf32, #tpu.memory_space<hbm>>
          %dma_start3A_46 = arith.constant 0 : i32
          %dma_start3A_47 = tpu.memref_slice %arg6[%add3A_43, %dma_start3A_46] : memref<10240x128xf32, #tpu.memory_space<hbm>> -> memref<128x128xf32, #tpu.memory_space<hbm>>
          tpu.enqueue_dma source(%arg13 : memref<128x128xf32, #tpu.memory_space<vmem>>) target(%dma_start3A_47 : memref<128x128xf32, #tpu.memory_space<hbm>>) target_semaphore(%run_scoped3A : memref<!tpu.dma_semaphore, #tpu.memory_space<semaphore_mem>>)
          %dma_wait3A_48 = arith.constant 0 : i32
          %dma_wait3A_49 = tpu.memref_slice %arg6[%add3A_43, %dma_wait3A_48] : memref<10240x128xf32, #tpu.memory_space<hbm>> -> memref<128x128xf32, #tpu.memory_space<hbm>>
          %dma_wait3A_50 = arith.constant 0 : i32
          %dma_wait3A_51 = tpu.memref_slice %arg6[%add3A_43, %dma_wait3A_50] : memref<10240x128xf32, #tpu.memory_space<hbm>> -> memref<128x128xf32, #tpu.memory_space<hbm>>
          tpu.wait_dma2 semaphore(%run_scoped3A : memref<!tpu.dma_semaphore, #tpu.memory_space<semaphore_mem>>) src(%arg13 : memref<128x128xf32, #tpu.memory_space<vmem>>) dst(%dma_wait3A_51 : memref<128x128xf32, #tpu.memory_space<hbm>>)
          tpu.yield
        }) : () -> ()
      }
      %scan3A_33 = arith.constant 5 : i32
    } else {
    }
    %mul3A_3 = arith.constant 20480 : i32
    %mul3A_4 = arith.muli %arg1, %mul3A_3 : i32
    %eq3A_5 = arith.constant 1 : i32
    %eq3A_6 = arith.cmpi eq, %arg0, %eq3A_5 : i32
    %convert_element_type3A_7 = arith.extui %eq3A_6 : i1 to i32
    %cond3A_8 = arith.constant 0 : i32
    %cond3A_9 = arith.cmpi ne, %convert_element_type3A_7, %cond3A_8 : i32
    scf.if %cond3A_9 {
      %scan3A = arith.constant 0 : i32
      %scan3A_10 = arith.constant 5 : i32
      %scan3A_11 = arith.addi %scan3A, %scan3A_10 : i32
      %scan3A_12 = arith.constant 1 : i32
      scf.for %scan3A_34 = %scan3A to %scan3A_11 step %scan3A_12  : i32 {
        %mul3A_35 = arith.constant 1 : i32
        %mul3A_36 = arith.muli %scan3A_34, %mul3A_35 : i32
        %add3A_37 = arith.constant 0 : i32
        %add3A_38 = arith.addi %add3A_37, %mul3A_36 : i32
        %mul3A_39 = arith.constant 640 : i32
        %mul3A_40 = arith.muli %arg1, %mul3A_39 : i32
        %mul3A_41 = arith.constant 128 : i32
        %mul3A_42 = arith.muli %add3A_38, %mul3A_41 : i32
        %add3A_43 = arith.addi %mul3A_40, %mul3A_42 : i32
        "tpu.region"() ({
          %run_scoped3A = tpu.sem_alloc : memref<!tpu.dma_semaphore, #tpu.memory_space<semaphore_mem>>
          %dma_start3A_44 = arith.constant 0 : i32
          %dma_start3A_45 = tpu.memref_slice %arg3[%add3A_43, %dma_start3A_44] : memref<10240x128xf32, #tpu.memory_space<hbm>> -> memref<128x128xf32, #tpu.memory_space<hbm>>
          %dma_start3A_46 = arith.constant 0 : i32
          %dma_start3A_47 = tpu.memref_slice %arg3[%add3A_43, %dma_start3A_46] : memref<10240x128xf32, #tpu.memory_space<hbm>> -> memref<128x128xf32, #tpu.memory_space<hbm>>
          tpu.enqueue_dma source(%dma_start3A_47 : memref<128x128xf32, #tpu.memory_space<hbm>>) target(%arg13 : memref<128x128xf32, #tpu.memory_space<vmem>>) target_semaphore(%run_scoped3A : memref<!tpu.dma_semaphore, #tpu.memory_space<semaphore_mem>>)
          %dma_wait3A_48 = arith.constant 0 : i32
          %dma_wait3A_49 = tpu.memref_slice %arg3[%add3A_43, %dma_wait3A_48] : memref<10240x128xf32, #tpu.memory_space<hbm>> -> memref<128x128xf32, #tpu.memory_space<hbm>>
          %dma_wait3A_50 = arith.constant 0 : i32
          %dma_wait3A_51 = tpu.memref_slice %arg3[%add3A_43, %dma_wait3A_50] : memref<10240x128xf32, #tpu.memory_space<hbm>> -> memref<128x128xf32, #tpu.memory_space<hbm>>
          tpu.wait_dma2 semaphore(%run_scoped3A : memref<!tpu.dma_semaphore, #tpu.memory_space<semaphore_mem>>) src(%dma_wait3A_51 : memref<128x128xf32, #tpu.memory_space<hbm>>) dst(%arg13 : memref<128x128xf32, #tpu.memory_space<vmem>>)
          tpu.yield
        }) : () -> ()
        "tpu.region"() ({
          %run_scoped3A = tpu.sem_alloc : memref<!tpu.dma_semaphore, #tpu.memory_space<semaphore_mem>>
          %dma_start3A_44 = arith.constant 0 : i32
          %dma_start3A_45 = tpu.memref_slice %arg8[%add3A_43, %dma_start3A_44] : memref<10240x128xf32, #tpu.memory_space<vmem_shared>> -> memref<128x128xf32, #tpu.memory_space<vmem_shared>>
          %dma_start3A_46 = arith.constant 0 : i32
          %dma_start3A_47 = tpu.memref_slice %arg8[%add3A_43, %dma_start3A_46] : memref<10240x128xf32, #tpu.memory_space<vmem_shared>> -> memref<128x128xf32, #tpu.memory_space<vmem_shared>>
          tpu.enqueue_dma source(%arg13 : memref<128x128xf32, #tpu.memory_space<vmem>>) target(%dma_start3A_47 : memref<128x128xf32, #tpu.memory_space<vmem_shared>>) target_semaphore(%run_scoped3A : memref<!tpu.dma_semaphore, #tpu.memory_space<semaphore_mem>>)
          %dma_wait3A_48 = arith.constant 0 : i32
          %dma_wait3A_49 = tpu.memref_slice %arg8[%add3A_43, %dma_wait3A_48] : memref<10240x128xf32, #tpu.memory_space<vmem_shared>> -> memref<128x128xf32, #tpu.memory_space<vmem_shared>>
          %dma_wait3A_50 = arith.constant 0 : i32
          %dma_wait3A_51 = tpu.memref_slice %arg8[%add3A_43, %dma_wait3A_50] : memref<10240x128xf32, #tpu.memory_space<vmem_shared>> -> memref<128x128xf32, #tpu.memory_space<vmem_shared>>
          tpu.wait_dma2 semaphore(%run_scoped3A : memref<!tpu.dma_semaphore, #tpu.memory_space<semaphore_mem>>) src(%arg13 : memref<128x128xf32, #tpu.memory_space<vmem>>) dst(%dma_wait3A_51 : memref<128x128xf32, #tpu.memory_space<vmem_shared>>)
          tpu.yield
        }) : () -> ()
      }
      %scan3A_13 = arith.constant 5 : i32
      %barrier3A = arith.constant 0 : index
      tpu.barrier barrier_id(%barrier3A)
      %add3A = arith.constant 0 : i32
      %add3A_14 = arith.addi %mul3A_4, %add3A : i32
      "tpu.region"() ({
        %run_scoped3A = tpu.sem_alloc : memref<!tpu.dma_semaphore, #tpu.memory_space<semaphore_mem>>
        %dma_start3A_34 = tpu.memref_slice %arg4[%add3A_14] : memref<327680xi32, #tpu.memory_space<hbm>> -> memref<128xi32, #tpu.memory_space<hbm>>
        %dma_start3A_35 = tpu.memref_slice %arg4[%add3A_14] : memref<327680xi32, #tpu.memory_space<hbm>> -> memref<128xi32, #tpu.memory_space<hbm>>
        tpu.enqueue_dma source(%dma_start3A_35 : memref<128xi32, #tpu.memory_space<hbm>>) target(%arg9 : memref<128xi32, #tpu.memory_space<vmem>>) target_semaphore(%run_scoped3A : memref<!tpu.dma_semaphore, #tpu.memory_space<semaphore_mem>>)
        %dma_wait3A_36 = tpu.memref_slice %arg4[%add3A_14] : memref<327680xi32, #tpu.memory_space<hbm>> -> memref<128xi32, #tpu.memory_space<hbm>>
        %dma_wait3A_37 = tpu.memref_slice %arg4[%add3A_14] : memref<327680xi32, #tpu.memory_space<hbm>> -> memref<128xi32, #tpu.memory_space<hbm>>
        tpu.wait_dma2 semaphore(%run_scoped3A : memref<!tpu.dma_semaphore, #tpu.memory_space<semaphore_mem>>) src(%dma_wait3A_37 : memref<128xi32, #tpu.memory_space<hbm>>) dst(%arg9 : memref<128xi32, #tpu.memory_space<vmem>>)
        tpu.yield
      }) : () -> ()
      "tpu.region"() ({
        %run_scoped3A = tpu.sem_alloc : memref<!tpu.dma_semaphore, #tpu.memory_space<semaphore_mem>>
        %dma_start3A_34 = tpu.memref_slice %arg5[%add3A_14] : memref<327680xi32, #tpu.memory_space<hbm>> -> memref<128xi32, #tpu.memory_space<hbm>>
        %dma_start3A_35 = tpu.memref_slice %arg5[%add3A_14] : memref<327680xi32, #tpu.memory_space<hbm>> -> memref<128xi32, #tpu.memory_space<hbm>>
        tpu.enqueue_dma source(%dma_start3A_35 : memref<128xi32, #tpu.memory_space<hbm>>) target(%arg11 : memref<128xi32, #tpu.memory_space<vmem>>) target_semaphore(%run_scoped3A : memref<!tpu.dma_semaphore, #tpu.memory_space<semaphore_mem>>)
        %dma_wait3A_36 = tpu.memref_slice %arg5[%add3A_14] : memref<327680xi32, #tpu.memory_space<hbm>> -> memref<128xi32, #tpu.memory_space<hbm>>
        %dma_wait3A_37 = tpu.memref_slice %arg5[%add3A_14] : memref<327680xi32, #tpu.memory_space<hbm>> -> memref<128xi32, #tpu.memory_space<hbm>>
        tpu.wait_dma2 semaphore(%run_scoped3A : memref<!tpu.dma_semaphore, #tpu.memory_space<semaphore_mem>>) src(%dma_wait3A_37 : memref<128xi32, #tpu.memory_space<hbm>>) dst(%arg11 : memref<128xi32, #tpu.memory_space<vmem>>)
        tpu.yield
      }) : () -> ()
      %dma_start3A = arith.constant 0 : i32
      %dma_start3A_15 = arith.constant 0 : i32
      %dma_start3A_16 = tpu.memref_slice %arg3[%dma_start3A, %dma_start3A_15] : memref<10240x128xf32, #tpu.memory_space<hbm>> -> memref<10240x128xf32, #tpu.memory_space<hbm>>
      %dma_start3A_17 = arith.constant -1 : i32
      tpu.enqueue_indirect_dma source(%dma_start3A_16 : memref<10240x128xf32, #tpu.memory_space<hbm>>) target(%arg13 : memref<128x128xf32, #tpu.memory_space<vmem>>) offsets(%arg9 : memref<128xi32, #tpu.memory_space<vmem>>) offset_filter(%dma_start3A_17) semaphore(%arg15 : memref<!tpu.dma_semaphore, #tpu.memory_space<semaphore_mem>>)
      %scan3A_18 = arith.constant 0 : i32
      %scan3A_19 = arith.constant 80 : i32
      %scan3A_20 = arith.addi %scan3A_18, %scan3A_19 : i32
      %scan3A_21 = arith.constant 1 : i32
      scf.for %scan3A_34 = %scan3A_18 to %scan3A_20 step %scan3A_21  : i32 {
        %mul3A_35 = arith.constant 1 : i32
        %mul3A_36 = arith.muli %scan3A_34, %mul3A_35 : i32
        %add3A_37 = arith.constant 0 : i32
        %add3A_38 = arith.addi %add3A_37, %mul3A_36 : i32
        %gt3A = arith.constant 0 : i32
        %gt3A_39 = arith.cmpi sgt, %add3A_38, %gt3A : i32
        %convert_element_type3A_40 = arith.extui %gt3A_39 : i1 to i32
        %cond3A_41 = arith.constant 0 : i32
        %cond3A_42 = arith.cmpi ne, %convert_element_type3A_40, %cond3A_41 : i32
        scf.if %cond3A_42 {
          %dma_wait3A_77 = arith.constant 0 : i32
          %dma_wait3A_78 = arith.constant 0 : i32
          %dma_wait3A_79 = tpu.memref_slice %arg8[%dma_wait3A_77, %dma_wait3A_78] : memref<10240x128xf32, #tpu.memory_space<vmem_shared>> -> memref<10240x128xf32, #tpu.memory_space<vmem_shared>>
          tpu.wait_indirect_dma semaphore(%arg18 : memref<!tpu.dma_semaphore, #tpu.memory_space<semaphore_mem>>) src(%arg14 : memref<128x128xf32, #tpu.memory_space<vmem>>) dst(%dma_wait3A_79 : memref<10240x128xf32, #tpu.memory_space<vmem_shared>>)
        } else {
        }
        %mul3A_43 = arith.constant 2 : i32
        %mul3A_44 = arith.muli %mul3A_43, %add3A_38 : i32
        %add3A_45 = arith.constant 1 : i32
        %add3A_46 = arith.addi %mul3A_44, %add3A_45 : i32
        %mul3A_47 = arith.constant 128 : i32
        %mul3A_48 = arith.muli %add3A_46, %mul3A_47 : i32
        %add3A_49 = arith.addi %mul3A_4, %mul3A_48 : i32
        "tpu.region"() ({
          %run_scoped3A = tpu.sem_alloc : memref<!tpu.dma_semaphore, #tpu.memory_space<semaphore_mem>>
          %dma_start3A_77 = tpu.memref_slice %arg4[%add3A_49] : memref<327680xi32, #tpu.memory_space<hbm>> -> memref<128xi32, #tpu.memory_space<hbm>>
          %dma_start3A_78 = tpu.memref_slice %arg4[%add3A_49] : memref<327680xi32, #tpu.memory_space<hbm>> -> memref<128xi32, #tpu.memory_space<hbm>>
          tpu.enqueue_dma source(%dma_start3A_78 : memref<128xi32, #tpu.memory_space<hbm>>) target(%arg10 : memref<128xi32, #tpu.memory_space<vmem>>) target_semaphore(%run_scoped3A : memref<!tpu.dma_semaphore, #tpu.memory_space<semaphore_mem>>)
          %dma_wait3A_79 = tpu.memref_slice %arg4[%add3A_49] : memref<327680xi32, #tpu.memory_space<hbm>> -> memref<128xi32, #tpu.memory_space<hbm>>
          %dma_wait3A_80 = tpu.memref_slice %arg4[%add3A_49] : memref<327680xi32, #tpu.memory_space<hbm>> -> memref<128xi32, #tpu.memory_space<hbm>>
          tpu.wait_dma2 semaphore(%run_scoped3A : memref<!tpu.dma_semaphore, #tpu.memory_space<semaphore_mem>>) src(%dma_wait3A_80 : memref<128xi32, #tpu.memory_space<hbm>>) dst(%arg10 : memref<128xi32, #tpu.memory_space<vmem>>)
          tpu.yield
        }) : () -> ()
        "tpu.region"() ({
          %run_scoped3A = tpu.sem_alloc : memref<!tpu.dma_semaphore, #tpu.memory_space<semaphore_mem>>
          %dma_start3A_77 = tpu.memref_slice %arg5[%add3A_49] : memref<327680xi32, #tpu.memory_space<hbm>> -> memref<128xi32, #tpu.memory_space<hbm>>
          %dma_start3A_78 = tpu.memref_slice %arg5[%add3A_49] : memref<327680xi32, #tpu.memory_space<hbm>> -> memref<128xi32, #tpu.memory_space<hbm>>
          tpu.enqueue_dma source(%dma_start3A_78 : memref<128xi32, #tpu.memory_space<hbm>>) target(%arg12 : memref<128xi32, #tpu.memory_space<vmem>>) target_semaphore(%run_scoped3A : memref<!tpu.dma_semaphore, #tpu.memory_space<semaphore_mem>>)
          %dma_wait3A_79 = tpu.memref_slice %arg5[%add3A_49] : memref<327680xi32, #tpu.memory_space<hbm>> -> memref<128xi32, #tpu.memory_space<hbm>>
          %dma_wait3A_80 = tpu.memref_slice %arg5[%add3A_49] : memref<327680xi32, #tpu.memory_space<hbm>> -> memref<128xi32, #tpu.memory_space<hbm>>
          tpu.wait_dma2 semaphore(%run_scoped3A : memref<!tpu.dma_semaphore, #tpu.memory_space<semaphore_mem>>) src(%dma_wait3A_80 : memref<128xi32, #tpu.memory_space<hbm>>) dst(%arg12 : memref<128xi32, #tpu.memory_space<vmem>>)
          tpu.yield
        }) : () -> ()
        %dma_wait3A_50 = arith.constant 0 : i32
        %dma_wait3A_51 = arith.constant 0 : i32
        %dma_wait3A_52 = tpu.memref_slice %arg3[%dma_wait3A_50, %dma_wait3A_51] : memref<10240x128xf32, #tpu.memory_space<hbm>> -> memref<10240x128xf32, #tpu.memory_space<hbm>>
        tpu.wait_indirect_dma semaphore(%arg15 : memref<!tpu.dma_semaphore, #tpu.memory_space<semaphore_mem>>) src(%dma_wait3A_52 : memref<10240x128xf32, #tpu.memory_space<hbm>>) dst(%arg13 : memref<128x128xf32, #tpu.memory_space<vmem>>)
        %dma_start3A_53 = arith.constant 0 : i32
        %dma_start3A_54 = arith.constant 0 : i32
        %dma_start3A_55 = tpu.memref_slice %arg3[%dma_start3A_53, %dma_start3A_54] : memref<10240x128xf32, #tpu.memory_space<hbm>> -> memref<10240x128xf32, #tpu.memory_space<hbm>>
        %dma_start3A_56 = arith.constant -1 : i32
        tpu.enqueue_indirect_dma source(%dma_start3A_55 : memref<10240x128xf32, #tpu.memory_space<hbm>>) target(%arg14 : memref<128x128xf32, #tpu.memory_space<vmem>>) offsets(%arg10 : memref<128xi32, #tpu.memory_space<vmem>>) offset_filter(%dma_start3A_56) semaphore(%arg16 : memref<!tpu.dma_semaphore, #tpu.memory_space<semaphore_mem>>)
        %dma_start3A_57 = arith.constant 0 : i32
        %dma_start3A_58 = arith.constant 0 : i32
        %dma_start3A_59 = tpu.memref_slice %arg8[%dma_start3A_57, %dma_start3A_58] : memref<10240x128xf32, #tpu.memory_space<vmem_shared>> -> memref<10240x128xf32, #tpu.memory_space<vmem_shared>>
        %dma_start3A_60 = arith.constant -1 : i32
        tpu.enqueue_indirect_dma source(%arg13 : memref<128x128xf32, #tpu.memory_space<vmem>>) target(%dma_start3A_59 : memref<10240x128xf32, #tpu.memory_space<vmem_shared>>) offsets(%arg11 : memref<128xi32, #tpu.memory_space<vmem>>) offset_filter(%dma_start3A_60) semaphore(%arg17 : memref<!tpu.dma_semaphore, #tpu.memory_space<semaphore_mem>>) {add = true}
        %lt3A = arith.constant 79 : i32
        %lt3A_61 = arith.cmpi slt, %add3A_38, %lt3A : i32
        %convert_element_type3A_62 = arith.extui %lt3A_61 : i1 to i32
        %cond3A_63 = arith.constant 0 : i32
        %cond3A_64 = arith.cmpi ne, %convert_element_type3A_62, %cond3A_63 : i32
        scf.if %cond3A_64 {
          %dma_wait3A_77 = arith.constant 0 : i32
          %dma_wait3A_78 = arith.constant 0 : i32
          %dma_wait3A_79 = tpu.memref_slice %arg8[%dma_wait3A_77, %dma_wait3A_78] : memref<10240x128xf32, #tpu.memory_space<vmem_shared>> -> memref<10240x128xf32, #tpu.memory_space<vmem_shared>>
          tpu.wait_indirect_dma semaphore(%arg17 : memref<!tpu.dma_semaphore, #tpu.memory_space<semaphore_mem>>) src(%arg13 : memref<128x128xf32, #tpu.memory_space<vmem>>) dst(%dma_wait3A_79 : memref<10240x128xf32, #tpu.memory_space<vmem_shared>>)
          %mul3A_80 = arith.constant 2 : i32
          %mul3A_81 = arith.muli %mul3A_80, %add3A_38 : i32
          %add3A_82 = arith.constant 2 : i32
          %add3A_83 = arith.addi %mul3A_81, %add3A_82 : i32
          %mul3A_84 = arith.constant 128 : i32
          %mul3A_85 = arith.muli %add3A_83, %mul3A_84 : i32
          %add3A_86 = arith.addi %mul3A_4, %mul3A_85 : i32
          "tpu.region"() ({
            %run_scoped3A = tpu.sem_alloc : memref<!tpu.dma_semaphore, #tpu.memory_space<semaphore_mem>>
            %dma_start3A_87 = tpu.memref_slice %arg4[%add3A_86] : memref<327680xi32, #tpu.memory_space<hbm>> -> memref<128xi32, #tpu.memory_space<hbm>>
            %dma_start3A_88 = tpu.memref_slice %arg4[%add3A_86] : memref<327680xi32, #tpu.memory_space<hbm>> -> memref<128xi32, #tpu.memory_space<hbm>>
            tpu.enqueue_dma source(%dma_start3A_88 : memref<128xi32, #tpu.memory_space<hbm>>) target(%arg9 : memref<128xi32, #tpu.memory_space<vmem>>) target_semaphore(%run_scoped3A : memref<!tpu.dma_semaphore, #tpu.memory_space<semaphore_mem>>)
            %dma_wait3A_89 = tpu.memref_slice %arg4[%add3A_86] : memref<327680xi32, #tpu.memory_space<hbm>> -> memref<128xi32, #tpu.memory_space<hbm>>
            %dma_wait3A_90 = tpu.memref_slice %arg4[%add3A_86] : memref<327680xi32, #tpu.memory_space<hbm>> -> memref<128xi32, #tpu.memory_space<hbm>>
            tpu.wait_dma2 semaphore(%run_scoped3A : memref<!tpu.dma_semaphore, #tpu.memory_space<semaphore_mem>>) src(%dma_wait3A_90 : memref<128xi32, #tpu.memory_space<hbm>>) dst(%arg9 : memref<128xi32, #tpu.memory_space<vmem>>)
            tpu.yield
          }) : () -> ()
          "tpu.region"() ({
            %run_scoped3A = tpu.sem_alloc : memref<!tpu.dma_semaphore, #tpu.memory_space<semaphore_mem>>
            %dma_start3A_87 = tpu.memref_slice %arg5[%add3A_86] : memref<327680xi32, #tpu.memory_space<hbm>> -> memref<128xi32, #tpu.memory_space<hbm>>
            %dma_start3A_88 = tpu.memref_slice %arg5[%add3A_86] : memref<327680xi32, #tpu.memory_space<hbm>> -> memref<128xi32, #tpu.memory_space<hbm>>
            tpu.enqueue_dma source(%dma_start3A_88 : memref<128xi32, #tpu.memory_space<hbm>>) target(%arg11 : memref<128xi32, #tpu.memory_space<vmem>>) target_semaphore(%run_scoped3A : memref<!tpu.dma_semaphore, #tpu.memory_space<semaphore_mem>>)
            %dma_wait3A_89 = tpu.memref_slice %arg5[%add3A_86] : memref<327680xi32, #tpu.memory_space<hbm>> -> memref<128xi32, #tpu.memory_space<hbm>>
            %dma_wait3A_90 = tpu.memref_slice %arg5[%add3A_86] : memref<327680xi32, #tpu.memory_space<hbm>> -> memref<128xi32, #tpu.memory_space<hbm>>
            tpu.wait_dma2 semaphore(%run_scoped3A : memref<!tpu.dma_semaphore, #tpu.memory_space<semaphore_mem>>) src(%dma_wait3A_90 : memref<128xi32, #tpu.memory_space<hbm>>) dst(%arg11 : memref<128xi32, #tpu.memory_space<vmem>>)
            tpu.yield
          }) : () -> ()
        } else {
        }
        %dma_wait3A_65 = arith.constant 0 : i32
        %dma_wait3A_66 = arith.constant 0 : i32
        %dma_wait3A_67 = tpu.memref_slice %arg3[%dma_wait3A_65, %dma_wait3A_66] : memref<10240x128xf32, #tpu.memory_space<hbm>> -> memref<10240x128xf32, #tpu.memory_space<hbm>>
        tpu.wait_indirect_dma semaphore(%arg16 : memref<!tpu.dma_semaphore, #tpu.memory_space<semaphore_mem>>) src(%dma_wait3A_67 : memref<10240x128xf32, #tpu.memory_space<hbm>>) dst(%arg14 : memref<128x128xf32, #tpu.memory_space<vmem>>)
        %lt3A_68 = arith.constant 79 : i32
        %lt3A_69 = arith.cmpi slt, %add3A_38, %lt3A_68 : i32
        %convert_element_type3A_70 = arith.extui %lt3A_69 : i1 to i32
        %cond3A_71 = arith.constant 0 : i32
        %cond3A_72 = arith.cmpi ne, %convert_element_type3A_70, %cond3A_71 : i32
        scf.if %cond3A_72 {
          %dma_start3A_77 = arith.constant 0 : i32
          %dma_start3A_78 = arith.constant 0 : i32
          %dma_start3A_79 = tpu.memref_slice %arg3[%dma_start3A_77, %dma_start3A_78] : memref<10240x128xf32, #tpu.memory_space<hbm>> -> memref<10240x128xf32, #tpu.memory_space<hbm>>
          %dma_start3A_80 = arith.constant -1 : i32
          tpu.enqueue_indirect_dma source(%dma_start3A_79 : memref<10240x128xf32, #tpu.memory_space<hbm>>) target(%arg13 : memref<128x128xf32, #tpu.memory_space<vmem>>) offsets(%arg9 : memref<128xi32, #tpu.memory_space<vmem>>) offset_filter(%dma_start3A_80) semaphore(%arg15 : memref<!tpu.dma_semaphore, #tpu.memory_space<semaphore_mem>>)
        } else {
        }
        %dma_start3A_73 = arith.constant 0 : i32
        %dma_start3A_74 = arith.constant 0 : i32
        %dma_start3A_75 = tpu.memref_slice %arg8[%dma_start3A_73, %dma_start3A_74] : memref<10240x128xf32, #tpu.memory_space<vmem_shared>> -> memref<10240x128xf32, #tpu.memory_space<vmem_shared>>
        %dma_start3A_76 = arith.constant -1 : i32
        tpu.enqueue_indirect_dma source(%arg14 : memref<128x128xf32, #tpu.memory_space<vmem>>) target(%dma_start3A_75 : memref<10240x128xf32, #tpu.memory_space<vmem_shared>>) offsets(%arg12 : memref<128xi32, #tpu.memory_space<vmem>>) offset_filter(%dma_start3A_76) semaphore(%arg18 : memref<!tpu.dma_semaphore, #tpu.memory_space<semaphore_mem>>) {add = true}
      }
      %scan3A_22 = arith.constant 80 : i32
      %dma_wait3A = arith.constant 0 : i32
      %dma_wait3A_23 = arith.constant 0 : i32
      %dma_wait3A_24 = tpu.memref_slice %arg8[%dma_wait3A, %dma_wait3A_23] : memref<10240x128xf32, #tpu.memory_space<vmem_shared>> -> memref<10240x128xf32, #tpu.memory_space<vmem_shared>>
      tpu.wait_indirect_dma semaphore(%arg17 : memref<!tpu.dma_semaphore, #tpu.memory_space<semaphore_mem>>) src(%arg13 : memref<128x128xf32, #tpu.memory_space<vmem>>) dst(%dma_wait3A_24 : memref<10240x128xf32, #tpu.memory_space<vmem_shared>>)
      %dma_wait3A_25 = arith.constant 0 : i32
      %dma_wait3A_26 = arith.constant 0 : i32
      %dma_wait3A_27 = tpu.memref_slice %arg8[%dma_wait3A_25, %dma_wait3A_26] : memref<10240x128xf32, #tpu.memory_space<vmem_shared>> -> memref<10240x128xf32, #tpu.memory_space<vmem_shared>>
      tpu.wait_indirect_dma semaphore(%arg18 : memref<!tpu.dma_semaphore, #tpu.memory_space<semaphore_mem>>) src(%arg14 : memref<128x128xf32, #tpu.memory_space<vmem>>) dst(%dma_wait3A_27 : memref<10240x128xf32, #tpu.memory_space<vmem_shared>>)
      %barrier3A_28 = arith.constant 0 : index
      tpu.barrier barrier_id(%barrier3A_28)
      %scan3A_29 = arith.constant 0 : i32
      %scan3A_30 = arith.constant 5 : i32
      %scan3A_31 = arith.addi %scan3A_29, %scan3A_30 : i32
      %scan3A_32 = arith.constant 1 : i32
      scf.for %scan3A_34 = %scan3A_29 to %scan3A_31 step %scan3A_32  : i32 {
        %mul3A_35 = arith.constant 1 : i32
        %mul3A_36 = arith.muli %scan3A_34, %mul3A_35 : i32
        %add3A_37 = arith.constant 0 : i32
        %add3A_38 = arith.addi %add3A_37, %mul3A_36 : i32
        %mul3A_39 = arith.constant 640 : i32
        %mul3A_40 = arith.muli %arg1, %mul3A_39 : i32
        %mul3A_41 = arith.constant 128 : i32
        %mul3A_42 = arith.muli %add3A_38, %mul3A_41 : i32
        %add3A_43 = arith.addi %mul3A_40, %mul3A_42 : i32
        "tpu.region"() ({
          %run_scoped3A = tpu.sem_alloc : memref<!tpu.dma_semaphore, #tpu.memory_space<semaphore_mem>>
          %dma_start3A_44 = arith.constant 0 : i32
          %dma_start3A_45 = tpu.memref_slice %arg8[%add3A_43, %dma_start3A_44] : memref<10240x128xf32, #tpu.memory_space<vmem_shared>> -> memref<128x128xf32, #tpu.memory_space<vmem_shared>>
          %dma_start3A_46 = arith.constant 0 : i32
          %dma_start3A_47 = tpu.memref_slice %arg8[%add3A_43, %dma_start3A_46] : memref<10240x128xf32, #tpu.memory_space<vmem_shared>> -> memref<128x128xf32, #tpu.memory_space<vmem_shared>>
          tpu.enqueue_dma source(%dma_start3A_47 : memref<128x128xf32, #tpu.memory_space<vmem_shared>>) target(%arg13 : memref<128x128xf32, #tpu.memory_space<vmem>>) target_semaphore(%run_scoped3A : memref<!tpu.dma_semaphore, #tpu.memory_space<semaphore_mem>>)
          %dma_wait3A_48 = arith.constant 0 : i32
          %dma_wait3A_49 = tpu.memref_slice %arg8[%add3A_43, %dma_wait3A_48] : memref<10240x128xf32, #tpu.memory_space<vmem_shared>> -> memref<128x128xf32, #tpu.memory_space<vmem_shared>>
          %dma_wait3A_50 = arith.constant 0 : i32
          %dma_wait3A_51 = tpu.memref_slice %arg8[%add3A_43, %dma_wait3A_50] : memref<10240x128xf32, #tpu.memory_space<vmem_shared>> -> memref<128x128xf32, #tpu.memory_space<vmem_shared>>
          tpu.wait_dma2 semaphore(%run_scoped3A : memref<!tpu.dma_semaphore, #tpu.memory_space<semaphore_mem>>) src(%dma_wait3A_51 : memref<128x128xf32, #tpu.memory_space<vmem_shared>>) dst(%arg13 : memref<128x128xf32, #tpu.memory_space<vmem>>)
          tpu.yield
        }) : () -> ()
        "tpu.region"() ({
          %run_scoped3A = tpu.sem_alloc : memref<!tpu.dma_semaphore, #tpu.memory_space<semaphore_mem>>
          %dma_start3A_44 = arith.constant 0 : i32
          %dma_start3A_45 = tpu.memref_slice %arg7[%add3A_43, %dma_start3A_44] : memref<10240x128xf32, #tpu.memory_space<hbm>> -> memref<128x128xf32, #tpu.memory_space<hbm>>
          %dma_start3A_46 = arith.constant 0 : i32
          %dma_start3A_47 = tpu.memref_slice %arg7[%add3A_43, %dma_start3A_46] : memref<10240x128xf32, #tpu.memory_space<hbm>> -> memref<128x128xf32, #tpu.memory_space<hbm>>
          tpu.enqueue_dma source(%arg13 : memref<128x128xf32, #tpu.memory_space<vmem>>) target(%dma_start3A_47 : memref<128x128xf32, #tpu.memory_space<hbm>>) target_semaphore(%run_scoped3A : memref<!tpu.dma_semaphore, #tpu.memory_space<semaphore_mem>>)
          %dma_wait3A_48 = arith.constant 0 : i32
          %dma_wait3A_49 = tpu.memref_slice %arg7[%add3A_43, %dma_wait3A_48] : memref<10240x128xf32, #tpu.memory_space<hbm>> -> memref<128x128xf32, #tpu.memory_space<hbm>>
          %dma_wait3A_50 = arith.constant 0 : i32
          %dma_wait3A_51 = tpu.memref_slice %arg7[%add3A_43, %dma_wait3A_50] : memref<10240x128xf32, #tpu.memory_space<hbm>> -> memref<128x128xf32, #tpu.memory_space<hbm>>
          tpu.wait_dma2 semaphore(%run_scoped3A : memref<!tpu.dma_semaphore, #tpu.memory_space<semaphore_mem>>) src(%arg13 : memref<128x128xf32, #tpu.memory_space<vmem>>) dst(%dma_wait3A_51 : memref<128x128xf32, #tpu.memory_space<hbm>>)
          tpu.yield
        }) : () -> ()
      }
      %scan3A_33 = arith.constant 5 : i32
    } else {
    }
    return
  }
}

#map = affine_map<(d0, d1) -> (0)>
module attributes {stable_mosaic.version = 14 : i64} {
  func.func @deg_kernel(%arg0: i32, %arg1: i32, %arg2: memref<327680xi32, #tpu.memory_space<hbm>>, %arg3: memref<20480xf32, #tpu.memory_space<hbm>>, %arg4: memref<10248xf32, #tpu.memory_space<vmem_shared>>, %arg5: memref<128xi32, #tpu.memory_space<vmem>>, %arg6: memref<128xf32, #tpu.memory_space<vmem>>, %arg7: memref<640xf32, #tpu.memory_space<vmem>>) attributes {dimension_semantics = [#tpu.dimension_semantics<core_parallel>, #tpu.dimension_semantics<subcore_parallel>], iteration_bounds = array<i64: 2, 16>, scalar_prefetch = 0 : i64, scratch_operands = 4 : i64, tpu.core_type = #tpu.core_type<sc_vector_subcore>, window_params = [{transform_indices = #map}, {transform_indices = #map}]} {
    %scan3A = arith.constant 0 : i32
    %scan3A_0 = arith.constant 8 : i32
    %scan3A_1 = arith.addi %scan3A, %scan3A_0 : i32
    %scan3A_2 = arith.constant 1 : i32
    scf.for %scan3A_27 = %scan3A to %scan3A_1 step %scan3A_2  : i32 {
      %mul3A_28 = arith.constant 1 : i32
      %mul3A_29 = arith.muli %scan3A_27, %mul3A_28 : i32
      %add3A_30 = arith.constant 0 : i32
      %add3A_31 = arith.addi %add3A_30, %mul3A_29 : i32
      %broadcast_in_dim3A = arith.constant 1.000000e+00 : f32
      %broadcast_in_dim3A_32 = vector.broadcast %broadcast_in_dim3A : f32 to vector<16xf32>
      %mul3A_33 = arith.constant 16 : i32
      %mul3A_34 = arith.muli %add3A_31, %mul3A_33 : i32
      %swap3A = arith.index_cast %mul3A_34 : i32 to index
      %swap3A_35 = tpu.vector_load %arg6[%swap3A] {strides = array<i32>} : memref<128xf32, #tpu.memory_space<vmem>>, vector<16xf32>,
      %swap3A_36 = vector.shape_cast %swap3A_35 : vector<16xf32> to vector<16xf32>
      %swap3A_37 = vector.shape_cast %broadcast_in_dim3A_32 : vector<16xf32> to vector<16xf32>
      tpu.vector_store %arg6[%swap3A], %swap3A_37 {strides = array<i32>} : memref<128xf32, #tpu.memory_space<vmem>>, vector<16xf32>,
    }
    %scan3A_3 = arith.constant 8 : i32
    %scan3A_4 = arith.constant 0 : i32
    %scan3A_5 = arith.constant 40 : i32
    %scan3A_6 = arith.addi %scan3A_4, %scan3A_5 : i32
    %scan3A_7 = arith.constant 1 : i32
    scf.for %scan3A_27 = %scan3A_4 to %scan3A_6 step %scan3A_7  : i32 {
      %mul3A_28 = arith.constant 1 : i32
      %mul3A_29 = arith.muli %scan3A_27, %mul3A_28 : i32
      %add3A_30 = arith.constant 0 : i32
      %add3A_31 = arith.addi %add3A_30, %mul3A_29 : i32
      %broadcast_in_dim3A = arith.constant 0.000000e+00 : f32
      %broadcast_in_dim3A_32 = vector.broadcast %broadcast_in_dim3A : f32 to vector<16xf32>
      %mul3A_33 = arith.constant 16 : i32
      %mul3A_34 = arith.muli %add3A_31, %mul3A_33 : i32
      %swap3A = arith.index_cast %mul3A_34 : i32 to index
      %swap3A_35 = tpu.vector_load %arg7[%swap3A] {strides = array<i32>} : memref<640xf32, #tpu.memory_space<vmem>>, vector<16xf32>,
      %swap3A_36 = vector.shape_cast %swap3A_35 : vector<16xf32> to vector<16xf32>
      %swap3A_37 = vector.shape_cast %broadcast_in_dim3A_32 : vector<16xf32> to vector<16xf32>
      tpu.vector_store %arg7[%swap3A], %swap3A_37 {strides = array<i32>} : memref<640xf32, #tpu.memory_space<vmem>>, vector<16xf32>,
    }
    %scan3A_8 = arith.constant 40 : i32
    %mul3A = arith.constant 640 : i32
    %mul3A_9 = arith.muli %arg1, %mul3A : i32
    "tpu.region"() ({
      %run_scoped3A = tpu.sem_alloc : memref<!tpu.dma_semaphore, #tpu.memory_space<semaphore_mem>>
      %dma_start3A = tpu.memref_slice %arg4[%mul3A_9] : memref<10248xf32, #tpu.memory_space<vmem_shared>> -> memref<640xf32, #tpu.memory_space<vmem_shared>>
      %dma_start3A_27 = tpu.memref_slice %arg4[%mul3A_9] : memref<10248xf32, #tpu.memory_space<vmem_shared>> -> memref<640xf32, #tpu.memory_space<vmem_shared>>
      tpu.enqueue_dma source(%arg7 : memref<640xf32, #tpu.memory_space<vmem>>) target(%dma_start3A_27 : memref<640xf32, #tpu.memory_space<vmem_shared>>) target_semaphore(%run_scoped3A : memref<!tpu.dma_semaphore, #tpu.memory_space<semaphore_mem>>)
      %dma_wait3A = tpu.memref_slice %arg4[%mul3A_9] : memref<10248xf32, #tpu.memory_space<vmem_shared>> -> memref<640xf32, #tpu.memory_space<vmem_shared>>
      %dma_wait3A_28 = tpu.memref_slice %arg4[%mul3A_9] : memref<10248xf32, #tpu.memory_space<vmem_shared>> -> memref<640xf32, #tpu.memory_space<vmem_shared>>
      tpu.wait_dma2 semaphore(%run_scoped3A : memref<!tpu.dma_semaphore, #tpu.memory_space<semaphore_mem>>) src(%arg7 : memref<640xf32, #tpu.memory_space<vmem>>) dst(%dma_wait3A_28 : memref<640xf32, #tpu.memory_space<vmem_shared>>)
      tpu.yield
    }) : () -> ()
    %barrier3A = arith.constant 0 : index
    tpu.barrier barrier_id(%barrier3A)
    %mul3A_10 = arith.constant 16 : i32
    %mul3A_11 = arith.muli %arg0, %mul3A_10 : i32
    %add3A = arith.addi %mul3A_11, %arg1 : i32
    %mul3A_12 = arith.constant 10240 : i32
    %mul3A_13 = arith.muli %add3A, %mul3A_12 : i32
    %scan3A_14 = arith.constant 0 : i32
    %scan3A_15 = arith.constant 80 : i32
    %scan3A_16 = arith.addi %scan3A_14, %scan3A_15 : i32
    %scan3A_17 = arith.constant 1 : i32
    scf.for %scan3A_27 = %scan3A_14 to %scan3A_16 step %scan3A_17  : i32 {
      %mul3A_28 = arith.constant 1 : i32
      %mul3A_29 = arith.muli %scan3A_27, %mul3A_28 : i32
      %add3A_30 = arith.constant 0 : i32
      %add3A_31 = arith.addi %add3A_30, %mul3A_29 : i32
      %mul3A_32 = arith.constant 128 : i32
      %mul3A_33 = arith.muli %add3A_31, %mul3A_32 : i32
      %add3A_34 = arith.addi %mul3A_13, %mul3A_33 : i32
      "tpu.region"() ({
        %run_scoped3A = tpu.sem_alloc : memref<!tpu.dma_semaphore, #tpu.memory_space<semaphore_mem>>
        %dma_start3A = tpu.memref_slice %arg2[%add3A_34] : memref<327680xi32, #tpu.memory_space<hbm>> -> memref<128xi32, #tpu.memory_space<hbm>>
        %dma_start3A_35 = tpu.memref_slice %arg2[%add3A_34] : memref<327680xi32, #tpu.memory_space<hbm>> -> memref<128xi32, #tpu.memory_space<hbm>>
        tpu.enqueue_dma source(%dma_start3A_35 : memref<128xi32, #tpu.memory_space<hbm>>) target(%arg5 : memref<128xi32, #tpu.memory_space<vmem>>) target_semaphore(%run_scoped3A : memref<!tpu.dma_semaphore, #tpu.memory_space<semaphore_mem>>)
        %dma_wait3A = tpu.memref_slice %arg2[%add3A_34] : memref<327680xi32, #tpu.memory_space<hbm>> -> memref<128xi32, #tpu.memory_space<hbm>>
        %dma_wait3A_36 = tpu.memref_slice %arg2[%add3A_34] : memref<327680xi32, #tpu.memory_space<hbm>> -> memref<128xi32, #tpu.memory_space<hbm>>
        tpu.wait_dma2 semaphore(%run_scoped3A : memref<!tpu.dma_semaphore, #tpu.memory_space<semaphore_mem>>) src(%dma_wait3A_36 : memref<128xi32, #tpu.memory_space<hbm>>) dst(%arg5 : memref<128xi32, #tpu.memory_space<vmem>>)
        tpu.yield
      }) : () -> ()
      "tpu.region"() ({
        %run_scoped3A = tpu.sem_alloc : memref<!tpu.dma_semaphore, #tpu.memory_space<semaphore_mem>>
        %dma_start3A = arith.constant 0 : i32
        %dma_start3A_35 = tpu.memref_slice %arg4[%dma_start3A] : memref<10248xf32, #tpu.memory_space<vmem_shared>> -> memref<10248xf32, #tpu.memory_space<vmem_shared>>
        %dma_start3A_36 = arith.constant -1 : i32
        tpu.enqueue_indirect_dma source(%arg6 : memref<128xf32, #tpu.memory_space<vmem>>) target(%dma_start3A_35 : memref<10248xf32, #tpu.memory_space<vmem_shared>>) offsets(%arg5 : memref<128xi32, #tpu.memory_space<vmem>>) offset_filter(%dma_start3A_36) semaphore(%run_scoped3A : memref<!tpu.dma_semaphore, #tpu.memory_space<semaphore_mem>>) {add = true}
        %dma_wait3A = arith.constant 0 : i32
        %dma_wait3A_37 = tpu.memref_slice %arg4[%dma_wait3A] : memref<10248xf32, #tpu.memory_space<vmem_shared>> -> memref<10248xf32, #tpu.memory_space<vmem_shared>>
        tpu.wait_indirect_dma semaphore(%run_scoped3A : memref<!tpu.dma_semaphore, #tpu.memory_space<semaphore_mem>>) src(%arg6 : memref<128xf32, #tpu.memory_space<vmem>>) dst(%dma_wait3A_37 : memref<10248xf32, #tpu.memory_space<vmem_shared>>)
        tpu.yield
      }) : () -> ()
    }
    %scan3A_18 = arith.constant 80 : i32
    %barrier3A_19 = arith.constant 0 : index
    tpu.barrier barrier_id(%barrier3A_19)
    %mul3A_20 = arith.constant 640 : i32
    %mul3A_21 = arith.muli %arg1, %mul3A_20 : i32
    "tpu.region"() ({
      %run_scoped3A = tpu.sem_alloc : memref<!tpu.dma_semaphore, #tpu.memory_space<semaphore_mem>>
      %dma_start3A = tpu.memref_slice %arg4[%mul3A_21] : memref<10248xf32, #tpu.memory_space<vmem_shared>> -> memref<640xf32, #tpu.memory_space<vmem_shared>>
      %dma_start3A_27 = tpu.memref_slice %arg4[%mul3A_21] : memref<10248xf32, #tpu.memory_space<vmem_shared>> -> memref<640xf32, #tpu.memory_space<vmem_shared>>
      tpu.enqueue_dma source(%dma_start3A_27 : memref<640xf32, #tpu.memory_space<vmem_shared>>) target(%arg7 : memref<640xf32, #tpu.memory_space<vmem>>) target_semaphore(%run_scoped3A : memref<!tpu.dma_semaphore, #tpu.memory_space<semaphore_mem>>)
      %dma_wait3A = tpu.memref_slice %arg4[%mul3A_21] : memref<10248xf32, #tpu.memory_space<vmem_shared>> -> memref<640xf32, #tpu.memory_space<vmem_shared>>
      %dma_wait3A_28 = tpu.memref_slice %arg4[%mul3A_21] : memref<10248xf32, #tpu.memory_space<vmem_shared>> -> memref<640xf32, #tpu.memory_space<vmem_shared>>
      tpu.wait_dma2 semaphore(%run_scoped3A : memref<!tpu.dma_semaphore, #tpu.memory_space<semaphore_mem>>) src(%dma_wait3A_28 : memref<640xf32, #tpu.memory_space<vmem_shared>>) dst(%arg7 : memref<640xf32, #tpu.memory_space<vmem>>)
      tpu.yield
    }) : () -> ()
    %mul3A_22 = arith.constant 10240 : i32
    %mul3A_23 = arith.muli %arg0, %mul3A_22 : i32
    %mul3A_24 = arith.constant 640 : i32
    %mul3A_25 = arith.muli %arg1, %mul3A_24 : i32
    %add3A_26 = arith.addi %mul3A_23, %mul3A_25 : i32
    "tpu.region"() ({
      %run_scoped3A = tpu.sem_alloc : memref<!tpu.dma_semaphore, #tpu.memory_space<semaphore_mem>>
      %dma_start3A = tpu.memref_slice %arg3[%add3A_26] : memref<20480xf32, #tpu.memory_space<hbm>> -> memref<640xf32, #tpu.memory_space<hbm>>
      %dma_start3A_27 = tpu.memref_slice %arg3[%add3A_26] : memref<20480xf32, #tpu.memory_space<hbm>> -> memref<640xf32, #tpu.memory_space<hbm>>
      tpu.enqueue_dma source(%arg7 : memref<640xf32, #tpu.memory_space<vmem>>) target(%dma_start3A_27 : memref<640xf32, #tpu.memory_space<hbm>>) target_semaphore(%run_scoped3A : memref<!tpu.dma_semaphore, #tpu.memory_space<semaphore_mem>>)
      %dma_wait3A = tpu.memref_slice %arg3[%add3A_26] : memref<20480xf32, #tpu.memory_space<hbm>> -> memref<640xf32, #tpu.memory_space<hbm>>
      %dma_wait3A_28 = tpu.memref_slice %arg3[%add3A_26] : memref<20480xf32, #tpu.memory_space<hbm>> -> memref<640xf32, #tpu.memory_space<hbm>>
      tpu.wait_dma2 semaphore(%run_scoped3A : memref<!tpu.dma_semaphore, #tpu.memory_space<semaphore_mem>>) src(%arg7 : memref<640xf32, #tpu.memory_space<vmem>>) dst(%dma_wait3A_28 : memref<640xf32, #tpu.memory_space<hbm>>)
      tpu.yield
    }) : () -> ()
    return
  }
}

#map = affine_map<(d0, d1) -> (0, 0)>
#map1 = affine_map<(d0, d1) -> (0)>
module attributes {stable_mosaic.version = 14 : i64} {
  func.func @agg_kernel(%arg0: i32, %arg1: i32, %arg2: memref<10240x128xf32, #tpu.memory_space<hbm>>, %arg3: memref<10240x128xf32, #tpu.memory_space<hbm>>, %arg4: memref<327680xi32, #tpu.memory_space<hbm>>, %arg5: memref<327680xi32, #tpu.memory_space<hbm>>, %arg6: memref<10240x128xf32, #tpu.memory_space<hbm>>, %arg7: memref<10240x128xf32, #tpu.memory_space<hbm>>, %arg8: memref<10240x128xf32, #tpu.memory_space<vmem_shared>>, %arg9: memref<128xi32, #tpu.memory_space<vmem>>, %arg10: memref<128xi32, #tpu.memory_space<vmem>>, %arg11: memref<128xi32, #tpu.memory_space<vmem>>, %arg12: memref<128xi32, #tpu.memory_space<vmem>>, %arg13: memref<128x128xf32, #tpu.memory_space<vmem>>, %arg14: memref<128x128xf32, #tpu.memory_space<vmem>>, %arg15: memref<!tpu.dma_semaphore, #tpu.memory_space<semaphore_mem>>, %arg16: memref<!tpu.dma_semaphore, #tpu.memory_space<semaphore_mem>>, %arg17: memref<!tpu.dma_semaphore, #tpu.memory_space<semaphore_mem>>, %arg18: memref<!tpu.dma_semaphore, #tpu.memory_space<semaphore_mem>>) attributes {dimension_semantics = [#tpu.dimension_semantics<core_parallel>, #tpu.dimension_semantics<subcore_parallel>], iteration_bounds = array<i64: 2, 16>, scalar_prefetch = 0 : i64, scratch_operands = 11 : i64, tpu.core_type = #tpu.core_type<sc_vector_subcore>, window_params = [{transform_indices = #map}, {transform_indices = #map}, {transform_indices = #map1}, {transform_indices = #map1}, {transform_indices = #map}, {transform_indices = #map}]} {
    %mul3A = arith.constant 10240 : i32
    %mul3A_0 = arith.muli %arg1, %mul3A : i32
    %add3A = arith.constant 0 : i32
    %add3A_1 = arith.addi %add3A, %mul3A_0 : i32
    %eq3A = arith.constant 0 : i32
    %eq3A_2 = arith.cmpi eq, %arg0, %eq3A : i32
    %convert_element_type3A = arith.extui %eq3A_2 : i1 to i32
    %cond3A = arith.constant 0 : i32
    %cond3A_3 = arith.cmpi ne, %convert_element_type3A, %cond3A : i32
    scf.if %cond3A_3 {
      %scan3A = arith.constant 0 : i32
      %scan3A_13 = arith.constant 5 : i32
      %scan3A_14 = arith.addi %scan3A, %scan3A_13 : i32
      %scan3A_15 = arith.constant 1 : i32
      scf.for %scan3A_38 = %scan3A to %scan3A_14 step %scan3A_15  : i32 {
        %mul3A_39 = arith.constant 1 : i32
        %mul3A_40 = arith.muli %scan3A_38, %mul3A_39 : i32
        %add3A_41 = arith.constant 0 : i32
        %add3A_42 = arith.addi %add3A_41, %mul3A_40 : i32
        %mul3A_43 = arith.constant 640 : i32
        %mul3A_44 = arith.muli %arg1, %mul3A_43 : i32
        %mul3A_45 = arith.constant 128 : i32
        %mul3A_46 = arith.muli %add3A_42, %mul3A_45 : i32
        %add3A_47 = arith.addi %mul3A_44, %mul3A_46 : i32
        "tpu.region"() ({
          %run_scoped3A = tpu.sem_alloc : memref<!tpu.dma_semaphore, #tpu.memory_space<semaphore_mem>>
          %dma_start3A_48 = arith.constant 0 : i32
          %dma_start3A_49 = tpu.memref_slice %arg2[%add3A_47, %dma_start3A_48] : memref<10240x128xf32, #tpu.memory_space<hbm>> -> memref<128x128xf32, #tpu.memory_space<hbm>>
          %dma_start3A_50 = arith.constant 0 : i32
          %dma_start3A_51 = tpu.memref_slice %arg2[%add3A_47, %dma_start3A_50] : memref<10240x128xf32, #tpu.memory_space<hbm>> -> memref<128x128xf32, #tpu.memory_space<hbm>>
          tpu.enqueue_dma source(%dma_start3A_51 : memref<128x128xf32, #tpu.memory_space<hbm>>) target(%arg13 : memref<128x128xf32, #tpu.memory_space<vmem>>) target_semaphore(%run_scoped3A : memref<!tpu.dma_semaphore, #tpu.memory_space<semaphore_mem>>)
          %dma_wait3A_52 = arith.constant 0 : i32
          %dma_wait3A_53 = tpu.memref_slice %arg2[%add3A_47, %dma_wait3A_52] : memref<10240x128xf32, #tpu.memory_space<hbm>> -> memref<128x128xf32, #tpu.memory_space<hbm>>
          %dma_wait3A_54 = arith.constant 0 : i32
          %dma_wait3A_55 = tpu.memref_slice %arg2[%add3A_47, %dma_wait3A_54] : memref<10240x128xf32, #tpu.memory_space<hbm>> -> memref<128x128xf32, #tpu.memory_space<hbm>>
          tpu.wait_dma2 semaphore(%run_scoped3A : memref<!tpu.dma_semaphore, #tpu.memory_space<semaphore_mem>>) src(%dma_wait3A_55 : memref<128x128xf32, #tpu.memory_space<hbm>>) dst(%arg13 : memref<128x128xf32, #tpu.memory_space<vmem>>)
          tpu.yield
        }) : () -> ()
        "tpu.region"() ({
          %run_scoped3A = tpu.sem_alloc : memref<!tpu.dma_semaphore, #tpu.memory_space<semaphore_mem>>
          %dma_start3A_48 = arith.constant 0 : i32
          %dma_start3A_49 = tpu.memref_slice %arg8[%add3A_47, %dma_start3A_48] : memref<10240x128xf32, #tpu.memory_space<vmem_shared>> -> memref<128x128xf32, #tpu.memory_space<vmem_shared>>
          %dma_start3A_50 = arith.constant 0 : i32
          %dma_start3A_51 = tpu.memref_slice %arg8[%add3A_47, %dma_start3A_50] : memref<10240x128xf32, #tpu.memory_space<vmem_shared>> -> memref<128x128xf32, #tpu.memory_space<vmem_shared>>
          tpu.enqueue_dma source(%arg13 : memref<128x128xf32, #tpu.memory_space<vmem>>) target(%dma_start3A_51 : memref<128x128xf32, #tpu.memory_space<vmem_shared>>) target_semaphore(%run_scoped3A : memref<!tpu.dma_semaphore, #tpu.memory_space<semaphore_mem>>)
          %dma_wait3A_52 = arith.constant 0 : i32
          %dma_wait3A_53 = tpu.memref_slice %arg8[%add3A_47, %dma_wait3A_52] : memref<10240x128xf32, #tpu.memory_space<vmem_shared>> -> memref<128x128xf32, #tpu.memory_space<vmem_shared>>
          %dma_wait3A_54 = arith.constant 0 : i32
          %dma_wait3A_55 = tpu.memref_slice %arg8[%add3A_47, %dma_wait3A_54] : memref<10240x128xf32, #tpu.memory_space<vmem_shared>> -> memref<128x128xf32, #tpu.memory_space<vmem_shared>>
          tpu.wait_dma2 semaphore(%run_scoped3A : memref<!tpu.dma_semaphore, #tpu.memory_space<semaphore_mem>>) src(%arg13 : memref<128x128xf32, #tpu.memory_space<vmem>>) dst(%dma_wait3A_55 : memref<128x128xf32, #tpu.memory_space<vmem_shared>>)
          tpu.yield
        }) : () -> ()
      }
      %scan3A_16 = arith.constant 5 : i32
      %barrier3A = arith.constant 0 : index
      tpu.barrier barrier_id(%barrier3A)
      %add3A_17 = arith.constant 0 : i32
      %add3A_18 = arith.addi %add3A_1, %add3A_17 : i32
      "tpu.region"() ({
        %run_scoped3A = tpu.sem_alloc : memref<!tpu.dma_semaphore, #tpu.memory_space<semaphore_mem>>
        %dma_start3A_38 = tpu.memref_slice %arg4[%add3A_18] : memref<327680xi32, #tpu.memory_space<hbm>> -> memref<128xi32, #tpu.memory_space<hbm>>
        %dma_start3A_39 = tpu.memref_slice %arg4[%add3A_18] : memref<327680xi32, #tpu.memory_space<hbm>> -> memref<128xi32, #tpu.memory_space<hbm>>
        tpu.enqueue_dma source(%dma_start3A_39 : memref<128xi32, #tpu.memory_space<hbm>>) target(%arg9 : memref<128xi32, #tpu.memory_space<vmem>>) target_semaphore(%run_scoped3A : memref<!tpu.dma_semaphore, #tpu.memory_space<semaphore_mem>>)
        %dma_wait3A_40 = tpu.memref_slice %arg4[%add3A_18] : memref<327680xi32, #tpu.memory_space<hbm>> -> memref<128xi32, #tpu.memory_space<hbm>>
        %dma_wait3A_41 = tpu.memref_slice %arg4[%add3A_18] : memref<327680xi32, #tpu.memory_space<hbm>> -> memref<128xi32, #tpu.memory_space<hbm>>
        tpu.wait_dma2 semaphore(%run_scoped3A : memref<!tpu.dma_semaphore, #tpu.memory_space<semaphore_mem>>) src(%dma_wait3A_41 : memref<128xi32, #tpu.memory_space<hbm>>) dst(%arg9 : memref<128xi32, #tpu.memory_space<vmem>>)
        tpu.yield
      }) : () -> ()
      "tpu.region"() ({
        %run_scoped3A = tpu.sem_alloc : memref<!tpu.dma_semaphore, #tpu.memory_space<semaphore_mem>>
        %dma_start3A_38 = tpu.memref_slice %arg5[%add3A_18] : memref<327680xi32, #tpu.memory_space<hbm>> -> memref<128xi32, #tpu.memory_space<hbm>>
        %dma_start3A_39 = tpu.memref_slice %arg5[%add3A_18] : memref<327680xi32, #tpu.memory_space<hbm>> -> memref<128xi32, #tpu.memory_space<hbm>>
        tpu.enqueue_dma source(%dma_start3A_39 : memref<128xi32, #tpu.memory_space<hbm>>) target(%arg11 : memref<128xi32, #tpu.memory_space<vmem>>) target_semaphore(%run_scoped3A : memref<!tpu.dma_semaphore, #tpu.memory_space<semaphore_mem>>)
        %dma_wait3A_40 = tpu.memref_slice %arg5[%add3A_18] : memref<327680xi32, #tpu.memory_space<hbm>> -> memref<128xi32, #tpu.memory_space<hbm>>
        %dma_wait3A_41 = tpu.memref_slice %arg5[%add3A_18] : memref<327680xi32, #tpu.memory_space<hbm>> -> memref<128xi32, #tpu.memory_space<hbm>>
        tpu.wait_dma2 semaphore(%run_scoped3A : memref<!tpu.dma_semaphore, #tpu.memory_space<semaphore_mem>>) src(%dma_wait3A_41 : memref<128xi32, #tpu.memory_space<hbm>>) dst(%arg11 : memref<128xi32, #tpu.memory_space<vmem>>)
        tpu.yield
      }) : () -> ()
      %dma_start3A = arith.constant 0 : i32
      %dma_start3A_19 = arith.constant 0 : i32
      %dma_start3A_20 = tpu.memref_slice %arg2[%dma_start3A, %dma_start3A_19] : memref<10240x128xf32, #tpu.memory_space<hbm>> -> memref<10240x128xf32, #tpu.memory_space<hbm>>
      %dma_start3A_21 = arith.constant -1 : i32
      tpu.enqueue_indirect_dma source(%dma_start3A_20 : memref<10240x128xf32, #tpu.memory_space<hbm>>) target(%arg13 : memref<128x128xf32, #tpu.memory_space<vmem>>) offsets(%arg9 : memref<128xi32, #tpu.memory_space<vmem>>) offset_filter(%dma_start3A_21) semaphore(%arg15 : memref<!tpu.dma_semaphore, #tpu.memory_space<semaphore_mem>>)
      %scan3A_22 = arith.constant 0 : i32
      %scan3A_23 = arith.constant 40 : i32
      %scan3A_24 = arith.addi %scan3A_22, %scan3A_23 : i32
      %scan3A_25 = arith.constant 1 : i32
      scf.for %scan3A_38 = %scan3A_22 to %scan3A_24 step %scan3A_25  : i32 {
        %mul3A_39 = arith.constant 1 : i32
        %mul3A_40 = arith.muli %scan3A_38, %mul3A_39 : i32
        %add3A_41 = arith.constant 0 : i32
        %add3A_42 = arith.addi %add3A_41, %mul3A_40 : i32
        %gt3A = arith.constant 0 : i32
        %gt3A_43 = arith.cmpi sgt, %add3A_42, %gt3A : i32
        %convert_element_type3A_44 = arith.extui %gt3A_43 : i1 to i32
        %cond3A_45 = arith.constant 0 : i32
        %cond3A_46 = arith.cmpi ne, %convert_element_type3A_44, %cond3A_45 : i32
        scf.if %cond3A_46 {
          %dma_wait3A_81 = arith.constant 0 : i32
          %dma_wait3A_82 = arith.constant 0 : i32
          %dma_wait3A_83 = tpu.memref_slice %arg8[%dma_wait3A_81, %dma_wait3A_82] : memref<10240x128xf32, #tpu.memory_space<vmem_shared>> -> memref<10240x128xf32, #tpu.memory_space<vmem_shared>>
          tpu.wait_indirect_dma semaphore(%arg18 : memref<!tpu.dma_semaphore, #tpu.memory_space<semaphore_mem>>) src(%arg14 : memref<128x128xf32, #tpu.memory_space<vmem>>) dst(%dma_wait3A_83 : memref<10240x128xf32, #tpu.memory_space<vmem_shared>>)
        } else {
        }
        %mul3A_47 = arith.constant 2 : i32
        %mul3A_48 = arith.muli %mul3A_47, %add3A_42 : i32
        %add3A_49 = arith.constant 1 : i32
        %add3A_50 = arith.addi %mul3A_48, %add3A_49 : i32
        %mul3A_51 = arith.constant 128 : i32
        %mul3A_52 = arith.muli %add3A_50, %mul3A_51 : i32
        %add3A_53 = arith.addi %add3A_1, %mul3A_52 : i32
        "tpu.region"() ({
          %run_scoped3A = tpu.sem_alloc : memref<!tpu.dma_semaphore, #tpu.memory_space<semaphore_mem>>
          %dma_start3A_81 = tpu.memref_slice %arg4[%add3A_53] : memref<327680xi32, #tpu.memory_space<hbm>> -> memref<128xi32, #tpu.memory_space<hbm>>
          %dma_start3A_82 = tpu.memref_slice %arg4[%add3A_53] : memref<327680xi32, #tpu.memory_space<hbm>> -> memref<128xi32, #tpu.memory_space<hbm>>
          tpu.enqueue_dma source(%dma_start3A_82 : memref<128xi32, #tpu.memory_space<hbm>>) target(%arg10 : memref<128xi32, #tpu.memory_space<vmem>>) target_semaphore(%run_scoped3A : memref<!tpu.dma_semaphore, #tpu.memory_space<semaphore_mem>>)
          %dma_wait3A_83 = tpu.memref_slice %arg4[%add3A_53] : memref<327680xi32, #tpu.memory_space<hbm>> -> memref<128xi32, #tpu.memory_space<hbm>>
          %dma_wait3A_84 = tpu.memref_slice %arg4[%add3A_53] : memref<327680xi32, #tpu.memory_space<hbm>> -> memref<128xi32, #tpu.memory_space<hbm>>
          tpu.wait_dma2 semaphore(%run_scoped3A : memref<!tpu.dma_semaphore, #tpu.memory_space<semaphore_mem>>) src(%dma_wait3A_84 : memref<128xi32, #tpu.memory_space<hbm>>) dst(%arg10 : memref<128xi32, #tpu.memory_space<vmem>>)
          tpu.yield
        }) : () -> ()
        "tpu.region"() ({
          %run_scoped3A = tpu.sem_alloc : memref<!tpu.dma_semaphore, #tpu.memory_space<semaphore_mem>>
          %dma_start3A_81 = tpu.memref_slice %arg5[%add3A_53] : memref<327680xi32, #tpu.memory_space<hbm>> -> memref<128xi32, #tpu.memory_space<hbm>>
          %dma_start3A_82 = tpu.memref_slice %arg5[%add3A_53] : memref<327680xi32, #tpu.memory_space<hbm>> -> memref<128xi32, #tpu.memory_space<hbm>>
          tpu.enqueue_dma source(%dma_start3A_82 : memref<128xi32, #tpu.memory_space<hbm>>) target(%arg12 : memref<128xi32, #tpu.memory_space<vmem>>) target_semaphore(%run_scoped3A : memref<!tpu.dma_semaphore, #tpu.memory_space<semaphore_mem>>)
          %dma_wait3A_83 = tpu.memref_slice %arg5[%add3A_53] : memref<327680xi32, #tpu.memory_space<hbm>> -> memref<128xi32, #tpu.memory_space<hbm>>
          %dma_wait3A_84 = tpu.memref_slice %arg5[%add3A_53] : memref<327680xi32, #tpu.memory_space<hbm>> -> memref<128xi32, #tpu.memory_space<hbm>>
          tpu.wait_dma2 semaphore(%run_scoped3A : memref<!tpu.dma_semaphore, #tpu.memory_space<semaphore_mem>>) src(%dma_wait3A_84 : memref<128xi32, #tpu.memory_space<hbm>>) dst(%arg12 : memref<128xi32, #tpu.memory_space<vmem>>)
          tpu.yield
        }) : () -> ()
        %dma_wait3A_54 = arith.constant 0 : i32
        %dma_wait3A_55 = arith.constant 0 : i32
        %dma_wait3A_56 = tpu.memref_slice %arg2[%dma_wait3A_54, %dma_wait3A_55] : memref<10240x128xf32, #tpu.memory_space<hbm>> -> memref<10240x128xf32, #tpu.memory_space<hbm>>
        tpu.wait_indirect_dma semaphore(%arg15 : memref<!tpu.dma_semaphore, #tpu.memory_space<semaphore_mem>>) src(%dma_wait3A_56 : memref<10240x128xf32, #tpu.memory_space<hbm>>) dst(%arg13 : memref<128x128xf32, #tpu.memory_space<vmem>>)
        %dma_start3A_57 = arith.constant 0 : i32
        %dma_start3A_58 = arith.constant 0 : i32
        %dma_start3A_59 = tpu.memref_slice %arg2[%dma_start3A_57, %dma_start3A_58] : memref<10240x128xf32, #tpu.memory_space<hbm>> -> memref<10240x128xf32, #tpu.memory_space<hbm>>
        %dma_start3A_60 = arith.constant -1 : i32
        tpu.enqueue_indirect_dma source(%dma_start3A_59 : memref<10240x128xf32, #tpu.memory_space<hbm>>) target(%arg14 : memref<128x128xf32, #tpu.memory_space<vmem>>) offsets(%arg10 : memref<128xi32, #tpu.memory_space<vmem>>) offset_filter(%dma_start3A_60) semaphore(%arg16 : memref<!tpu.dma_semaphore, #tpu.memory_space<semaphore_mem>>)
        %dma_start3A_61 = arith.constant 0 : i32
        %dma_start3A_62 = arith.constant 0 : i32
        %dma_start3A_63 = tpu.memref_slice %arg8[%dma_start3A_61, %dma_start3A_62] : memref<10240x128xf32, #tpu.memory_space<vmem_shared>> -> memref<10240x128xf32, #tpu.memory_space<vmem_shared>>
        %dma_start3A_64 = arith.constant -1 : i32
        tpu.enqueue_indirect_dma source(%arg13 : memref<128x128xf32, #tpu.memory_space<vmem>>) target(%dma_start3A_63 : memref<10240x128xf32, #tpu.memory_space<vmem_shared>>) offsets(%arg11 : memref<128xi32, #tpu.memory_space<vmem>>) offset_filter(%dma_start3A_64) semaphore(%arg17 : memref<!tpu.dma_semaphore, #tpu.memory_space<semaphore_mem>>) {add = true}
        %lt3A = arith.constant 39 : i32
        %lt3A_65 = arith.cmpi slt, %add3A_42, %lt3A : i32
        %convert_element_type3A_66 = arith.extui %lt3A_65 : i1 to i32
        %cond3A_67 = arith.constant 0 : i32
        %cond3A_68 = arith.cmpi ne, %convert_element_type3A_66, %cond3A_67 : i32
        scf.if %cond3A_68 {
          %dma_wait3A_81 = arith.constant 0 : i32
          %dma_wait3A_82 = arith.constant 0 : i32
          %dma_wait3A_83 = tpu.memref_slice %arg8[%dma_wait3A_81, %dma_wait3A_82] : memref<10240x128xf32, #tpu.memory_space<vmem_shared>> -> memref<10240x128xf32, #tpu.memory_space<vmem_shared>>
          tpu.wait_indirect_dma semaphore(%arg17 : memref<!tpu.dma_semaphore, #tpu.memory_space<semaphore_mem>>) src(%arg13 : memref<128x128xf32, #tpu.memory_space<vmem>>) dst(%dma_wait3A_83 : memref<10240x128xf32, #tpu.memory_space<vmem_shared>>)
          %mul3A_84 = arith.constant 2 : i32
          %mul3A_85 = arith.muli %mul3A_84, %add3A_42 : i32
          %add3A_86 = arith.constant 2 : i32
          %add3A_87 = arith.addi %mul3A_85, %add3A_86 : i32
          %mul3A_88 = arith.constant 128 : i32
          %mul3A_89 = arith.muli %add3A_87, %mul3A_88 : i32
          %add3A_90 = arith.addi %add3A_1, %mul3A_89 : i32
          "tpu.region"() ({
            %run_scoped3A = tpu.sem_alloc : memref<!tpu.dma_semaphore, #tpu.memory_space<semaphore_mem>>
            %dma_start3A_91 = tpu.memref_slice %arg4[%add3A_90] : memref<327680xi32, #tpu.memory_space<hbm>> -> memref<128xi32, #tpu.memory_space<hbm>>
            %dma_start3A_92 = tpu.memref_slice %arg4[%add3A_90] : memref<327680xi32, #tpu.memory_space<hbm>> -> memref<128xi32, #tpu.memory_space<hbm>>
            tpu.enqueue_dma source(%dma_start3A_92 : memref<128xi32, #tpu.memory_space<hbm>>) target(%arg9 : memref<128xi32, #tpu.memory_space<vmem>>) target_semaphore(%run_scoped3A : memref<!tpu.dma_semaphore, #tpu.memory_space<semaphore_mem>>)
            %dma_wait3A_93 = tpu.memref_slice %arg4[%add3A_90] : memref<327680xi32, #tpu.memory_space<hbm>> -> memref<128xi32, #tpu.memory_space<hbm>>
            %dma_wait3A_94 = tpu.memref_slice %arg4[%add3A_90] : memref<327680xi32, #tpu.memory_space<hbm>> -> memref<128xi32, #tpu.memory_space<hbm>>
            tpu.wait_dma2 semaphore(%run_scoped3A : memref<!tpu.dma_semaphore, #tpu.memory_space<semaphore_mem>>) src(%dma_wait3A_94 : memref<128xi32, #tpu.memory_space<hbm>>) dst(%arg9 : memref<128xi32, #tpu.memory_space<vmem>>)
            tpu.yield
          }) : () -> ()
          "tpu.region"() ({
            %run_scoped3A = tpu.sem_alloc : memref<!tpu.dma_semaphore, #tpu.memory_space<semaphore_mem>>
            %dma_start3A_91 = tpu.memref_slice %arg5[%add3A_90] : memref<327680xi32, #tpu.memory_space<hbm>> -> memref<128xi32, #tpu.memory_space<hbm>>
            %dma_start3A_92 = tpu.memref_slice %arg5[%add3A_90] : memref<327680xi32, #tpu.memory_space<hbm>> -> memref<128xi32, #tpu.memory_space<hbm>>
            tpu.enqueue_dma source(%dma_start3A_92 : memref<128xi32, #tpu.memory_space<hbm>>) target(%arg11 : memref<128xi32, #tpu.memory_space<vmem>>) target_semaphore(%run_scoped3A : memref<!tpu.dma_semaphore, #tpu.memory_space<semaphore_mem>>)
            %dma_wait3A_93 = tpu.memref_slice %arg5[%add3A_90] : memref<327680xi32, #tpu.memory_space<hbm>> -> memref<128xi32, #tpu.memory_space<hbm>>
            %dma_wait3A_94 = tpu.memref_slice %arg5[%add3A_90] : memref<327680xi32, #tpu.memory_space<hbm>> -> memref<128xi32, #tpu.memory_space<hbm>>
            tpu.wait_dma2 semaphore(%run_scoped3A : memref<!tpu.dma_semaphore, #tpu.memory_space<semaphore_mem>>) src(%dma_wait3A_94 : memref<128xi32, #tpu.memory_space<hbm>>) dst(%arg11 : memref<128xi32, #tpu.memory_space<vmem>>)
            tpu.yield
          }) : () -> ()
        } else {
        }
        %dma_wait3A_69 = arith.constant 0 : i32
        %dma_wait3A_70 = arith.constant 0 : i32
        %dma_wait3A_71 = tpu.memref_slice %arg2[%dma_wait3A_69, %dma_wait3A_70] : memref<10240x128xf32, #tpu.memory_space<hbm>> -> memref<10240x128xf32, #tpu.memory_space<hbm>>
        tpu.wait_indirect_dma semaphore(%arg16 : memref<!tpu.dma_semaphore, #tpu.memory_space<semaphore_mem>>) src(%dma_wait3A_71 : memref<10240x128xf32, #tpu.memory_space<hbm>>) dst(%arg14 : memref<128x128xf32, #tpu.memory_space<vmem>>)
        %lt3A_72 = arith.constant 39 : i32
        %lt3A_73 = arith.cmpi slt, %add3A_42, %lt3A_72 : i32
        %convert_element_type3A_74 = arith.extui %lt3A_73 : i1 to i32
        %cond3A_75 = arith.constant 0 : i32
        %cond3A_76 = arith.cmpi ne, %convert_element_type3A_74, %cond3A_75 : i32
        scf.if %cond3A_76 {
          %dma_start3A_81 = arith.constant 0 : i32
          %dma_start3A_82 = arith.constant 0 : i32
          %dma_start3A_83 = tpu.memref_slice %arg2[%dma_start3A_81, %dma_start3A_82] : memref<10240x128xf32, #tpu.memory_space<hbm>> -> memref<10240x128xf32, #tpu.memory_space<hbm>>
          %dma_start3A_84 = arith.constant -1 : i32
          tpu.enqueue_indirect_dma source(%dma_start3A_83 : memref<10240x128xf32, #tpu.memory_space<hbm>>) target(%arg13 : memref<128x128xf32, #tpu.memory_space<vmem>>) offsets(%arg9 : memref<128xi32, #tpu.memory_space<vmem>>) offset_filter(%dma_start3A_84) semaphore(%arg15 : memref<!tpu.dma_semaphore, #tpu.memory_space<semaphore_mem>>)
        } else {
        }
        %dma_start3A_77 = arith.constant 0 : i32
        %dma_start3A_78 = arith.constant 0 : i32
        %dma_start3A_79 = tpu.memref_slice %arg8[%dma_start3A_77, %dma_start3A_78] : memref<10240x128xf32, #tpu.memory_space<vmem_shared>> -> memref<10240x128xf32, #tpu.memory_space<vmem_shared>>
        %dma_start3A_80 = arith.constant -1 : i32
        tpu.enqueue_indirect_dma source(%arg14 : memref<128x128xf32, #tpu.memory_space<vmem>>) target(%dma_start3A_79 : memref<10240x128xf32, #tpu.memory_space<vmem_shared>>) offsets(%arg12 : memref<128xi32, #tpu.memory_space<vmem>>) offset_filter(%dma_start3A_80) semaphore(%arg18 : memref<!tpu.dma_semaphore, #tpu.memory_space<semaphore_mem>>) {add = true}
      }
      %scan3A_26 = arith.constant 40 : i32
      %dma_wait3A = arith.constant 0 : i32
      %dma_wait3A_27 = arith.constant 0 : i32
      %dma_wait3A_28 = tpu.memref_slice %arg8[%dma_wait3A, %dma_wait3A_27] : memref<10240x128xf32, #tpu.memory_space<vmem_shared>> -> memref<10240x128xf32, #tpu.memory_space<vmem_shared>>
      tpu.wait_indirect_dma semaphore(%arg17 : memref<!tpu.dma_semaphore, #tpu.memory_space<semaphore_mem>>) src(%arg13 : memref<128x128xf32, #tpu.memory_space<vmem>>) dst(%dma_wait3A_28 : memref<10240x128xf32, #tpu.memory_space<vmem_shared>>)
      %dma_wait3A_29 = arith.constant 0 : i32
      %dma_wait3A_30 = arith.constant 0 : i32
      %dma_wait3A_31 = tpu.memref_slice %arg8[%dma_wait3A_29, %dma_wait3A_30] : memref<10240x128xf32, #tpu.memory_space<vmem_shared>> -> memref<10240x128xf32, #tpu.memory_space<vmem_shared>>
      tpu.wait_indirect_dma semaphore(%arg18 : memref<!tpu.dma_semaphore, #tpu.memory_space<semaphore_mem>>) src(%arg14 : memref<128x128xf32, #tpu.memory_space<vmem>>) dst(%dma_wait3A_31 : memref<10240x128xf32, #tpu.memory_space<vmem_shared>>)
      %barrier3A_32 = arith.constant 0 : index
      tpu.barrier barrier_id(%barrier3A_32)
      %scan3A_33 = arith.constant 0 : i32
      %scan3A_34 = arith.constant 5 : i32
      %scan3A_35 = arith.addi %scan3A_33, %scan3A_34 : i32
      %scan3A_36 = arith.constant 1 : i32
      scf.for %scan3A_38 = %scan3A_33 to %scan3A_35 step %scan3A_36  : i32 {
        %mul3A_39 = arith.constant 1 : i32
        %mul3A_40 = arith.muli %scan3A_38, %mul3A_39 : i32
        %add3A_41 = arith.constant 0 : i32
        %add3A_42 = arith.addi %add3A_41, %mul3A_40 : i32
        %mul3A_43 = arith.constant 640 : i32
        %mul3A_44 = arith.muli %arg1, %mul3A_43 : i32
        %mul3A_45 = arith.constant 128 : i32
        %mul3A_46 = arith.muli %add3A_42, %mul3A_45 : i32
        %add3A_47 = arith.addi %mul3A_44, %mul3A_46 : i32
        "tpu.region"() ({
          %run_scoped3A = tpu.sem_alloc : memref<!tpu.dma_semaphore, #tpu.memory_space<semaphore_mem>>
          %dma_start3A_48 = arith.constant 0 : i32
          %dma_start3A_49 = tpu.memref_slice %arg8[%add3A_47, %dma_start3A_48] : memref<10240x128xf32, #tpu.memory_space<vmem_shared>> -> memref<128x128xf32, #tpu.memory_space<vmem_shared>>
          %dma_start3A_50 = arith.constant 0 : i32
          %dma_start3A_51 = tpu.memref_slice %arg8[%add3A_47, %dma_start3A_50] : memref<10240x128xf32, #tpu.memory_space<vmem_shared>> -> memref<128x128xf32, #tpu.memory_space<vmem_shared>>
          tpu.enqueue_dma source(%dma_start3A_51 : memref<128x128xf32, #tpu.memory_space<vmem_shared>>) target(%arg13 : memref<128x128xf32, #tpu.memory_space<vmem>>) target_semaphore(%run_scoped3A : memref<!tpu.dma_semaphore, #tpu.memory_space<semaphore_mem>>)
          %dma_wait3A_52 = arith.constant 0 : i32
          %dma_wait3A_53 = tpu.memref_slice %arg8[%add3A_47, %dma_wait3A_52] : memref<10240x128xf32, #tpu.memory_space<vmem_shared>> -> memref<128x128xf32, #tpu.memory_space<vmem_shared>>
          %dma_wait3A_54 = arith.constant 0 : i32
          %dma_wait3A_55 = tpu.memref_slice %arg8[%add3A_47, %dma_wait3A_54] : memref<10240x128xf32, #tpu.memory_space<vmem_shared>> -> memref<128x128xf32, #tpu.memory_space<vmem_shared>>
          tpu.wait_dma2 semaphore(%run_scoped3A : memref<!tpu.dma_semaphore, #tpu.memory_space<semaphore_mem>>) src(%dma_wait3A_55 : memref<128x128xf32, #tpu.memory_space<vmem_shared>>) dst(%arg13 : memref<128x128xf32, #tpu.memory_space<vmem>>)
          tpu.yield
        }) : () -> ()
        "tpu.region"() ({
          %run_scoped3A = tpu.sem_alloc : memref<!tpu.dma_semaphore, #tpu.memory_space<semaphore_mem>>
          %dma_start3A_48 = arith.constant 0 : i32
          %dma_start3A_49 = tpu.memref_slice %arg6[%add3A_47, %dma_start3A_48] : memref<10240x128xf32, #tpu.memory_space<hbm>> -> memref<128x128xf32, #tpu.memory_space<hbm>>
          %dma_start3A_50 = arith.constant 0 : i32
          %dma_start3A_51 = tpu.memref_slice %arg6[%add3A_47, %dma_start3A_50] : memref<10240x128xf32, #tpu.memory_space<hbm>> -> memref<128x128xf32, #tpu.memory_space<hbm>>
          tpu.enqueue_dma source(%arg13 : memref<128x128xf32, #tpu.memory_space<vmem>>) target(%dma_start3A_51 : memref<128x128xf32, #tpu.memory_space<hbm>>) target_semaphore(%run_scoped3A : memref<!tpu.dma_semaphore, #tpu.memory_space<semaphore_mem>>)
          %dma_wait3A_52 = arith.constant 0 : i32
          %dma_wait3A_53 = tpu.memref_slice %arg6[%add3A_47, %dma_wait3A_52] : memref<10240x128xf32, #tpu.memory_space<hbm>> -> memref<128x128xf32, #tpu.memory_space<hbm>>
          %dma_wait3A_54 = arith.constant 0 : i32
          %dma_wait3A_55 = tpu.memref_slice %arg6[%add3A_47, %dma_wait3A_54] : memref<10240x128xf32, #tpu.memory_space<hbm>> -> memref<128x128xf32, #tpu.memory_space<hbm>>
          tpu.wait_dma2 semaphore(%run_scoped3A : memref<!tpu.dma_semaphore, #tpu.memory_space<semaphore_mem>>) src(%arg13 : memref<128x128xf32, #tpu.memory_space<vmem>>) dst(%dma_wait3A_55 : memref<128x128xf32, #tpu.memory_space<hbm>>)
          tpu.yield
        }) : () -> ()
      }
      %scan3A_37 = arith.constant 5 : i32
    } else {
    }
    %mul3A_4 = arith.constant 10240 : i32
    %mul3A_5 = arith.muli %arg1, %mul3A_4 : i32
    %add3A_6 = arith.constant 163840 : i32
    %add3A_7 = arith.addi %add3A_6, %mul3A_5 : i32
    %eq3A_8 = arith.constant 1 : i32
    %eq3A_9 = arith.cmpi eq, %arg0, %eq3A_8 : i32
    %convert_element_type3A_10 = arith.extui %eq3A_9 : i1 to i32
    %cond3A_11 = arith.constant 0 : i32
    %cond3A_12 = arith.cmpi ne, %convert_element_type3A_10, %cond3A_11 : i32
    scf.if %cond3A_12 {
      %scan3A = arith.constant 0 : i32
      %scan3A_13 = arith.constant 5 : i32
      %scan3A_14 = arith.addi %scan3A, %scan3A_13 : i32
      %scan3A_15 = arith.constant 1 : i32
      scf.for %scan3A_38 = %scan3A to %scan3A_14 step %scan3A_15  : i32 {
        %mul3A_39 = arith.constant 1 : i32
        %mul3A_40 = arith.muli %scan3A_38, %mul3A_39 : i32
        %add3A_41 = arith.constant 0 : i32
        %add3A_42 = arith.addi %add3A_41, %mul3A_40 : i32
        %mul3A_43 = arith.constant 640 : i32
        %mul3A_44 = arith.muli %arg1, %mul3A_43 : i32
        %mul3A_45 = arith.constant 128 : i32
        %mul3A_46 = arith.muli %add3A_42, %mul3A_45 : i32
        %add3A_47 = arith.addi %mul3A_44, %mul3A_46 : i32
        "tpu.region"() ({
          %run_scoped3A = tpu.sem_alloc : memref<!tpu.dma_semaphore, #tpu.memory_space<semaphore_mem>>
          %dma_start3A_48 = arith.constant 0 : i32
          %dma_start3A_49 = tpu.memref_slice %arg3[%add3A_47, %dma_start3A_48] : memref<10240x128xf32, #tpu.memory_space<hbm>> -> memref<128x128xf32, #tpu.memory_space<hbm>>
          %dma_start3A_50 = arith.constant 0 : i32
          %dma_start3A_51 = tpu.memref_slice %arg3[%add3A_47, %dma_start3A_50] : memref<10240x128xf32, #tpu.memory_space<hbm>> -> memref<128x128xf32, #tpu.memory_space<hbm>>
          tpu.enqueue_dma source(%dma_start3A_51 : memref<128x128xf32, #tpu.memory_space<hbm>>) target(%arg13 : memref<128x128xf32, #tpu.memory_space<vmem>>) target_semaphore(%run_scoped3A : memref<!tpu.dma_semaphore, #tpu.memory_space<semaphore_mem>>)
          %dma_wait3A_52 = arith.constant 0 : i32
          %dma_wait3A_53 = tpu.memref_slice %arg3[%add3A_47, %dma_wait3A_52] : memref<10240x128xf32, #tpu.memory_space<hbm>> -> memref<128x128xf32, #tpu.memory_space<hbm>>
          %dma_wait3A_54 = arith.constant 0 : i32
          %dma_wait3A_55 = tpu.memref_slice %arg3[%add3A_47, %dma_wait3A_54] : memref<10240x128xf32, #tpu.memory_space<hbm>> -> memref<128x128xf32, #tpu.memory_space<hbm>>
          tpu.wait_dma2 semaphore(%run_scoped3A : memref<!tpu.dma_semaphore, #tpu.memory_space<semaphore_mem>>) src(%dma_wait3A_55 : memref<128x128xf32, #tpu.memory_space<hbm>>) dst(%arg13 : memref<128x128xf32, #tpu.memory_space<vmem>>)
          tpu.yield
        }) : () -> ()
        "tpu.region"() ({
          %run_scoped3A = tpu.sem_alloc : memref<!tpu.dma_semaphore, #tpu.memory_space<semaphore_mem>>
          %dma_start3A_48 = arith.constant 0 : i32
          %dma_start3A_49 = tpu.memref_slice %arg8[%add3A_47, %dma_start3A_48] : memref<10240x128xf32, #tpu.memory_space<vmem_shared>> -> memref<128x128xf32, #tpu.memory_space<vmem_shared>>
          %dma_start3A_50 = arith.constant 0 : i32
          %dma_start3A_51 = tpu.memref_slice %arg8[%add3A_47, %dma_start3A_50] : memref<10240x128xf32, #tpu.memory_space<vmem_shared>> -> memref<128x128xf32, #tpu.memory_space<vmem_shared>>
          tpu.enqueue_dma source(%arg13 : memref<128x128xf32, #tpu.memory_space<vmem>>) target(%dma_start3A_51 : memref<128x128xf32, #tpu.memory_space<vmem_shared>>) target_semaphore(%run_scoped3A : memref<!tpu.dma_semaphore, #tpu.memory_space<semaphore_mem>>)
          %dma_wait3A_52 = arith.constant 0 : i32
          %dma_wait3A_53 = tpu.memref_slice %arg8[%add3A_47, %dma_wait3A_52] : memref<10240x128xf32, #tpu.memory_space<vmem_shared>> -> memref<128x128xf32, #tpu.memory_space<vmem_shared>>
          %dma_wait3A_54 = arith.constant 0 : i32
          %dma_wait3A_55 = tpu.memref_slice %arg8[%add3A_47, %dma_wait3A_54] : memref<10240x128xf32, #tpu.memory_space<vmem_shared>> -> memref<128x128xf32, #tpu.memory_space<vmem_shared>>
          tpu.wait_dma2 semaphore(%run_scoped3A : memref<!tpu.dma_semaphore, #tpu.memory_space<semaphore_mem>>) src(%arg13 : memref<128x128xf32, #tpu.memory_space<vmem>>) dst(%dma_wait3A_55 : memref<128x128xf32, #tpu.memory_space<vmem_shared>>)
          tpu.yield
        }) : () -> ()
      }
      %scan3A_16 = arith.constant 5 : i32
      %barrier3A = arith.constant 0 : index
      tpu.barrier barrier_id(%barrier3A)
      %add3A_17 = arith.constant 0 : i32
      %add3A_18 = arith.addi %add3A_7, %add3A_17 : i32
      "tpu.region"() ({
        %run_scoped3A = tpu.sem_alloc : memref<!tpu.dma_semaphore, #tpu.memory_space<semaphore_mem>>
        %dma_start3A_38 = tpu.memref_slice %arg4[%add3A_18] : memref<327680xi32, #tpu.memory_space<hbm>> -> memref<128xi32, #tpu.memory_space<hbm>>
        %dma_start3A_39 = tpu.memref_slice %arg4[%add3A_18] : memref<327680xi32, #tpu.memory_space<hbm>> -> memref<128xi32, #tpu.memory_space<hbm>>
        tpu.enqueue_dma source(%dma_start3A_39 : memref<128xi32, #tpu.memory_space<hbm>>) target(%arg9 : memref<128xi32, #tpu.memory_space<vmem>>) target_semaphore(%run_scoped3A : memref<!tpu.dma_semaphore, #tpu.memory_space<semaphore_mem>>)
        %dma_wait3A_40 = tpu.memref_slice %arg4[%add3A_18] : memref<327680xi32, #tpu.memory_space<hbm>> -> memref<128xi32, #tpu.memory_space<hbm>>
        %dma_wait3A_41 = tpu.memref_slice %arg4[%add3A_18] : memref<327680xi32, #tpu.memory_space<hbm>> -> memref<128xi32, #tpu.memory_space<hbm>>
        tpu.wait_dma2 semaphore(%run_scoped3A : memref<!tpu.dma_semaphore, #tpu.memory_space<semaphore_mem>>) src(%dma_wait3A_41 : memref<128xi32, #tpu.memory_space<hbm>>) dst(%arg9 : memref<128xi32, #tpu.memory_space<vmem>>)
        tpu.yield
      }) : () -> ()
      "tpu.region"() ({
        %run_scoped3A = tpu.sem_alloc : memref<!tpu.dma_semaphore, #tpu.memory_space<semaphore_mem>>
        %dma_start3A_38 = tpu.memref_slice %arg5[%add3A_18] : memref<327680xi32, #tpu.memory_space<hbm>> -> memref<128xi32, #tpu.memory_space<hbm>>
        %dma_start3A_39 = tpu.memref_slice %arg5[%add3A_18] : memref<327680xi32, #tpu.memory_space<hbm>> -> memref<128xi32, #tpu.memory_space<hbm>>
        tpu.enqueue_dma source(%dma_start3A_39 : memref<128xi32, #tpu.memory_space<hbm>>) target(%arg11 : memref<128xi32, #tpu.memory_space<vmem>>) target_semaphore(%run_scoped3A : memref<!tpu.dma_semaphore, #tpu.memory_space<semaphore_mem>>)
        %dma_wait3A_40 = tpu.memref_slice %arg5[%add3A_18] : memref<327680xi32, #tpu.memory_space<hbm>> -> memref<128xi32, #tpu.memory_space<hbm>>
        %dma_wait3A_41 = tpu.memref_slice %arg5[%add3A_18] : memref<327680xi32, #tpu.memory_space<hbm>> -> memref<128xi32, #tpu.memory_space<hbm>>
        tpu.wait_dma2 semaphore(%run_scoped3A : memref<!tpu.dma_semaphore, #tpu.memory_space<semaphore_mem>>) src(%dma_wait3A_41 : memref<128xi32, #tpu.memory_space<hbm>>) dst(%arg11 : memref<128xi32, #tpu.memory_space<vmem>>)
        tpu.yield
      }) : () -> ()
      %dma_start3A = arith.constant 0 : i32
      %dma_start3A_19 = arith.constant 0 : i32
      %dma_start3A_20 = tpu.memref_slice %arg2[%dma_start3A, %dma_start3A_19] : memref<10240x128xf32, #tpu.memory_space<hbm>> -> memref<10240x128xf32, #tpu.memory_space<hbm>>
      %dma_start3A_21 = arith.constant -1 : i32
      tpu.enqueue_indirect_dma source(%dma_start3A_20 : memref<10240x128xf32, #tpu.memory_space<hbm>>) target(%arg13 : memref<128x128xf32, #tpu.memory_space<vmem>>) offsets(%arg9 : memref<128xi32, #tpu.memory_space<vmem>>) offset_filter(%dma_start3A_21) semaphore(%arg15 : memref<!tpu.dma_semaphore, #tpu.memory_space<semaphore_mem>>)
      %scan3A_22 = arith.constant 0 : i32
      %scan3A_23 = arith.constant 40 : i32
      %scan3A_24 = arith.addi %scan3A_22, %scan3A_23 : i32
      %scan3A_25 = arith.constant 1 : i32
      scf.for %scan3A_38 = %scan3A_22 to %scan3A_24 step %scan3A_25  : i32 {
        %mul3A_39 = arith.constant 1 : i32
        %mul3A_40 = arith.muli %scan3A_38, %mul3A_39 : i32
        %add3A_41 = arith.constant 0 : i32
        %add3A_42 = arith.addi %add3A_41, %mul3A_40 : i32
        %gt3A = arith.constant 0 : i32
        %gt3A_43 = arith.cmpi sgt, %add3A_42, %gt3A : i32
        %convert_element_type3A_44 = arith.extui %gt3A_43 : i1 to i32
        %cond3A_45 = arith.constant 0 : i32
        %cond3A_46 = arith.cmpi ne, %convert_element_type3A_44, %cond3A_45 : i32
        scf.if %cond3A_46 {
          %dma_wait3A_81 = arith.constant 0 : i32
          %dma_wait3A_82 = arith.constant 0 : i32
          %dma_wait3A_83 = tpu.memref_slice %arg8[%dma_wait3A_81, %dma_wait3A_82] : memref<10240x128xf32, #tpu.memory_space<vmem_shared>> -> memref<10240x128xf32, #tpu.memory_space<vmem_shared>>
          tpu.wait_indirect_dma semaphore(%arg18 : memref<!tpu.dma_semaphore, #tpu.memory_space<semaphore_mem>>) src(%arg14 : memref<128x128xf32, #tpu.memory_space<vmem>>) dst(%dma_wait3A_83 : memref<10240x128xf32, #tpu.memory_space<vmem_shared>>)
        } else {
        }
        %mul3A_47 = arith.constant 2 : i32
        %mul3A_48 = arith.muli %mul3A_47, %add3A_42 : i32
        %add3A_49 = arith.constant 1 : i32
        %add3A_50 = arith.addi %mul3A_48, %add3A_49 : i32
        %mul3A_51 = arith.constant 128 : i32
        %mul3A_52 = arith.muli %add3A_50, %mul3A_51 : i32
        %add3A_53 = arith.addi %add3A_7, %mul3A_52 : i32
        "tpu.region"() ({
          %run_scoped3A = tpu.sem_alloc : memref<!tpu.dma_semaphore, #tpu.memory_space<semaphore_mem>>
          %dma_start3A_81 = tpu.memref_slice %arg4[%add3A_53] : memref<327680xi32, #tpu.memory_space<hbm>> -> memref<128xi32, #tpu.memory_space<hbm>>
          %dma_start3A_82 = tpu.memref_slice %arg4[%add3A_53] : memref<327680xi32, #tpu.memory_space<hbm>> -> memref<128xi32, #tpu.memory_space<hbm>>
          tpu.enqueue_dma source(%dma_start3A_82 : memref<128xi32, #tpu.memory_space<hbm>>) target(%arg10 : memref<128xi32, #tpu.memory_space<vmem>>) target_semaphore(%run_scoped3A : memref<!tpu.dma_semaphore, #tpu.memory_space<semaphore_mem>>)
          %dma_wait3A_83 = tpu.memref_slice %arg4[%add3A_53] : memref<327680xi32, #tpu.memory_space<hbm>> -> memref<128xi32, #tpu.memory_space<hbm>>
          %dma_wait3A_84 = tpu.memref_slice %arg4[%add3A_53] : memref<327680xi32, #tpu.memory_space<hbm>> -> memref<128xi32, #tpu.memory_space<hbm>>
          tpu.wait_dma2 semaphore(%run_scoped3A : memref<!tpu.dma_semaphore, #tpu.memory_space<semaphore_mem>>) src(%dma_wait3A_84 : memref<128xi32, #tpu.memory_space<hbm>>) dst(%arg10 : memref<128xi32, #tpu.memory_space<vmem>>)
          tpu.yield
        }) : () -> ()
        "tpu.region"() ({
          %run_scoped3A = tpu.sem_alloc : memref<!tpu.dma_semaphore, #tpu.memory_space<semaphore_mem>>
          %dma_start3A_81 = tpu.memref_slice %arg5[%add3A_53] : memref<327680xi32, #tpu.memory_space<hbm>> -> memref<128xi32, #tpu.memory_space<hbm>>
          %dma_start3A_82 = tpu.memref_slice %arg5[%add3A_53] : memref<327680xi32, #tpu.memory_space<hbm>> -> memref<128xi32, #tpu.memory_space<hbm>>
          tpu.enqueue_dma source(%dma_start3A_82 : memref<128xi32, #tpu.memory_space<hbm>>) target(%arg12 : memref<128xi32, #tpu.memory_space<vmem>>) target_semaphore(%run_scoped3A : memref<!tpu.dma_semaphore, #tpu.memory_space<semaphore_mem>>)
          %dma_wait3A_83 = tpu.memref_slice %arg5[%add3A_53] : memref<327680xi32, #tpu.memory_space<hbm>> -> memref<128xi32, #tpu.memory_space<hbm>>
          %dma_wait3A_84 = tpu.memref_slice %arg5[%add3A_53] : memref<327680xi32, #tpu.memory_space<hbm>> -> memref<128xi32, #tpu.memory_space<hbm>>
          tpu.wait_dma2 semaphore(%run_scoped3A : memref<!tpu.dma_semaphore, #tpu.memory_space<semaphore_mem>>) src(%dma_wait3A_84 : memref<128xi32, #tpu.memory_space<hbm>>) dst(%arg12 : memref<128xi32, #tpu.memory_space<vmem>>)
          tpu.yield
        }) : () -> ()
        %dma_wait3A_54 = arith.constant 0 : i32
        %dma_wait3A_55 = arith.constant 0 : i32
        %dma_wait3A_56 = tpu.memref_slice %arg2[%dma_wait3A_54, %dma_wait3A_55] : memref<10240x128xf32, #tpu.memory_space<hbm>> -> memref<10240x128xf32, #tpu.memory_space<hbm>>
        tpu.wait_indirect_dma semaphore(%arg15 : memref<!tpu.dma_semaphore, #tpu.memory_space<semaphore_mem>>) src(%dma_wait3A_56 : memref<10240x128xf32, #tpu.memory_space<hbm>>) dst(%arg13 : memref<128x128xf32, #tpu.memory_space<vmem>>)
        %dma_start3A_57 = arith.constant 0 : i32
        %dma_start3A_58 = arith.constant 0 : i32
        %dma_start3A_59 = tpu.memref_slice %arg2[%dma_start3A_57, %dma_start3A_58] : memref<10240x128xf32, #tpu.memory_space<hbm>> -> memref<10240x128xf32, #tpu.memory_space<hbm>>
        %dma_start3A_60 = arith.constant -1 : i32
        tpu.enqueue_indirect_dma source(%dma_start3A_59 : memref<10240x128xf32, #tpu.memory_space<hbm>>) target(%arg14 : memref<128x128xf32, #tpu.memory_space<vmem>>) offsets(%arg10 : memref<128xi32, #tpu.memory_space<vmem>>) offset_filter(%dma_start3A_60) semaphore(%arg16 : memref<!tpu.dma_semaphore, #tpu.memory_space<semaphore_mem>>)
        %dma_start3A_61 = arith.constant 0 : i32
        %dma_start3A_62 = arith.constant 0 : i32
        %dma_start3A_63 = tpu.memref_slice %arg8[%dma_start3A_61, %dma_start3A_62] : memref<10240x128xf32, #tpu.memory_space<vmem_shared>> -> memref<10240x128xf32, #tpu.memory_space<vmem_shared>>
        %dma_start3A_64 = arith.constant -1 : i32
        tpu.enqueue_indirect_dma source(%arg13 : memref<128x128xf32, #tpu.memory_space<vmem>>) target(%dma_start3A_63 : memref<10240x128xf32, #tpu.memory_space<vmem_shared>>) offsets(%arg11 : memref<128xi32, #tpu.memory_space<vmem>>) offset_filter(%dma_start3A_64) semaphore(%arg17 : memref<!tpu.dma_semaphore, #tpu.memory_space<semaphore_mem>>) {add = true}
        %lt3A = arith.constant 39 : i32
        %lt3A_65 = arith.cmpi slt, %add3A_42, %lt3A : i32
        %convert_element_type3A_66 = arith.extui %lt3A_65 : i1 to i32
        %cond3A_67 = arith.constant 0 : i32
        %cond3A_68 = arith.cmpi ne, %convert_element_type3A_66, %cond3A_67 : i32
        scf.if %cond3A_68 {
          %dma_wait3A_81 = arith.constant 0 : i32
          %dma_wait3A_82 = arith.constant 0 : i32
          %dma_wait3A_83 = tpu.memref_slice %arg8[%dma_wait3A_81, %dma_wait3A_82] : memref<10240x128xf32, #tpu.memory_space<vmem_shared>> -> memref<10240x128xf32, #tpu.memory_space<vmem_shared>>
          tpu.wait_indirect_dma semaphore(%arg17 : memref<!tpu.dma_semaphore, #tpu.memory_space<semaphore_mem>>) src(%arg13 : memref<128x128xf32, #tpu.memory_space<vmem>>) dst(%dma_wait3A_83 : memref<10240x128xf32, #tpu.memory_space<vmem_shared>>)
          %mul3A_84 = arith.constant 2 : i32
          %mul3A_85 = arith.muli %mul3A_84, %add3A_42 : i32
          %add3A_86 = arith.constant 2 : i32
          %add3A_87 = arith.addi %mul3A_85, %add3A_86 : i32
          %mul3A_88 = arith.constant 128 : i32
          %mul3A_89 = arith.muli %add3A_87, %mul3A_88 : i32
          %add3A_90 = arith.addi %add3A_7, %mul3A_89 : i32
          "tpu.region"() ({
            %run_scoped3A = tpu.sem_alloc : memref<!tpu.dma_semaphore, #tpu.memory_space<semaphore_mem>>
            %dma_start3A_91 = tpu.memref_slice %arg4[%add3A_90] : memref<327680xi32, #tpu.memory_space<hbm>> -> memref<128xi32, #tpu.memory_space<hbm>>
            %dma_start3A_92 = tpu.memref_slice %arg4[%add3A_90] : memref<327680xi32, #tpu.memory_space<hbm>> -> memref<128xi32, #tpu.memory_space<hbm>>
            tpu.enqueue_dma source(%dma_start3A_92 : memref<128xi32, #tpu.memory_space<hbm>>) target(%arg9 : memref<128xi32, #tpu.memory_space<vmem>>) target_semaphore(%run_scoped3A : memref<!tpu.dma_semaphore, #tpu.memory_space<semaphore_mem>>)
            %dma_wait3A_93 = tpu.memref_slice %arg4[%add3A_90] : memref<327680xi32, #tpu.memory_space<hbm>> -> memref<128xi32, #tpu.memory_space<hbm>>
            %dma_wait3A_94 = tpu.memref_slice %arg4[%add3A_90] : memref<327680xi32, #tpu.memory_space<hbm>> -> memref<128xi32, #tpu.memory_space<hbm>>
            tpu.wait_dma2 semaphore(%run_scoped3A : memref<!tpu.dma_semaphore, #tpu.memory_space<semaphore_mem>>) src(%dma_wait3A_94 : memref<128xi32, #tpu.memory_space<hbm>>) dst(%arg9 : memref<128xi32, #tpu.memory_space<vmem>>)
            tpu.yield
          }) : () -> ()
          "tpu.region"() ({
            %run_scoped3A = tpu.sem_alloc : memref<!tpu.dma_semaphore, #tpu.memory_space<semaphore_mem>>
            %dma_start3A_91 = tpu.memref_slice %arg5[%add3A_90] : memref<327680xi32, #tpu.memory_space<hbm>> -> memref<128xi32, #tpu.memory_space<hbm>>
            %dma_start3A_92 = tpu.memref_slice %arg5[%add3A_90] : memref<327680xi32, #tpu.memory_space<hbm>> -> memref<128xi32, #tpu.memory_space<hbm>>
            tpu.enqueue_dma source(%dma_start3A_92 : memref<128xi32, #tpu.memory_space<hbm>>) target(%arg11 : memref<128xi32, #tpu.memory_space<vmem>>) target_semaphore(%run_scoped3A : memref<!tpu.dma_semaphore, #tpu.memory_space<semaphore_mem>>)
            %dma_wait3A_93 = tpu.memref_slice %arg5[%add3A_90] : memref<327680xi32, #tpu.memory_space<hbm>> -> memref<128xi32, #tpu.memory_space<hbm>>
            %dma_wait3A_94 = tpu.memref_slice %arg5[%add3A_90] : memref<327680xi32, #tpu.memory_space<hbm>> -> memref<128xi32, #tpu.memory_space<hbm>>
            tpu.wait_dma2 semaphore(%run_scoped3A : memref<!tpu.dma_semaphore, #tpu.memory_space<semaphore_mem>>) src(%dma_wait3A_94 : memref<128xi32, #tpu.memory_space<hbm>>) dst(%arg11 : memref<128xi32, #tpu.memory_space<vmem>>)
            tpu.yield
          }) : () -> ()
        } else {
        }
        %dma_wait3A_69 = arith.constant 0 : i32
        %dma_wait3A_70 = arith.constant 0 : i32
        %dma_wait3A_71 = tpu.memref_slice %arg2[%dma_wait3A_69, %dma_wait3A_70] : memref<10240x128xf32, #tpu.memory_space<hbm>> -> memref<10240x128xf32, #tpu.memory_space<hbm>>
        tpu.wait_indirect_dma semaphore(%arg16 : memref<!tpu.dma_semaphore, #tpu.memory_space<semaphore_mem>>) src(%dma_wait3A_71 : memref<10240x128xf32, #tpu.memory_space<hbm>>) dst(%arg14 : memref<128x128xf32, #tpu.memory_space<vmem>>)
        %lt3A_72 = arith.constant 39 : i32
        %lt3A_73 = arith.cmpi slt, %add3A_42, %lt3A_72 : i32
        %convert_element_type3A_74 = arith.extui %lt3A_73 : i1 to i32
        %cond3A_75 = arith.constant 0 : i32
        %cond3A_76 = arith.cmpi ne, %convert_element_type3A_74, %cond3A_75 : i32
        scf.if %cond3A_76 {
          %dma_start3A_81 = arith.constant 0 : i32
          %dma_start3A_82 = arith.constant 0 : i32
          %dma_start3A_83 = tpu.memref_slice %arg2[%dma_start3A_81, %dma_start3A_82] : memref<10240x128xf32, #tpu.memory_space<hbm>> -> memref<10240x128xf32, #tpu.memory_space<hbm>>
          %dma_start3A_84 = arith.constant -1 : i32
          tpu.enqueue_indirect_dma source(%dma_start3A_83 : memref<10240x128xf32, #tpu.memory_space<hbm>>) target(%arg13 : memref<128x128xf32, #tpu.memory_space<vmem>>) offsets(%arg9 : memref<128xi32, #tpu.memory_space<vmem>>) offset_filter(%dma_start3A_84) semaphore(%arg15 : memref<!tpu.dma_semaphore, #tpu.memory_space<semaphore_mem>>)
        } else {
        }
        %dma_start3A_77 = arith.constant 0 : i32
        %dma_start3A_78 = arith.constant 0 : i32
        %dma_start3A_79 = tpu.memref_slice %arg8[%dma_start3A_77, %dma_start3A_78] : memref<10240x128xf32, #tpu.memory_space<vmem_shared>> -> memref<10240x128xf32, #tpu.memory_space<vmem_shared>>
        %dma_start3A_80 = arith.constant -1 : i32
        tpu.enqueue_indirect_dma source(%arg14 : memref<128x128xf32, #tpu.memory_space<vmem>>) target(%dma_start3A_79 : memref<10240x128xf32, #tpu.memory_space<vmem_shared>>) offsets(%arg12 : memref<128xi32, #tpu.memory_space<vmem>>) offset_filter(%dma_start3A_80) semaphore(%arg18 : memref<!tpu.dma_semaphore, #tpu.memory_space<semaphore_mem>>) {add = true}
      }
      %scan3A_26 = arith.constant 40 : i32
      %dma_wait3A = arith.constant 0 : i32
      %dma_wait3A_27 = arith.constant 0 : i32
      %dma_wait3A_28 = tpu.memref_slice %arg8[%dma_wait3A, %dma_wait3A_27] : memref<10240x128xf32, #tpu.memory_space<vmem_shared>> -> memref<10240x128xf32, #tpu.memory_space<vmem_shared>>
      tpu.wait_indirect_dma semaphore(%arg17 : memref<!tpu.dma_semaphore, #tpu.memory_space<semaphore_mem>>) src(%arg13 : memref<128x128xf32, #tpu.memory_space<vmem>>) dst(%dma_wait3A_28 : memref<10240x128xf32, #tpu.memory_space<vmem_shared>>)
      %dma_wait3A_29 = arith.constant 0 : i32
      %dma_wait3A_30 = arith.constant 0 : i32
      %dma_wait3A_31 = tpu.memref_slice %arg8[%dma_wait3A_29, %dma_wait3A_30] : memref<10240x128xf32, #tpu.memory_space<vmem_shared>> -> memref<10240x128xf32, #tpu.memory_space<vmem_shared>>
      tpu.wait_indirect_dma semaphore(%arg18 : memref<!tpu.dma_semaphore, #tpu.memory_space<semaphore_mem>>) src(%arg14 : memref<128x128xf32, #tpu.memory_space<vmem>>) dst(%dma_wait3A_31 : memref<10240x128xf32, #tpu.memory_space<vmem_shared>>)
      %barrier3A_32 = arith.constant 0 : index
      tpu.barrier barrier_id(%barrier3A_32)
      %scan3A_33 = arith.constant 0 : i32
      %scan3A_34 = arith.constant 5 : i32
      %scan3A_35 = arith.addi %scan3A_33, %scan3A_34 : i32
      %scan3A_36 = arith.constant 1 : i32
      scf.for %scan3A_38 = %scan3A_33 to %scan3A_35 step %scan3A_36  : i32 {
        %mul3A_39 = arith.constant 1 : i32
        %mul3A_40 = arith.muli %scan3A_38, %mul3A_39 : i32
        %add3A_41 = arith.constant 0 : i32
        %add3A_42 = arith.addi %add3A_41, %mul3A_40 : i32
        %mul3A_43 = arith.constant 640 : i32
        %mul3A_44 = arith.muli %arg1, %mul3A_43 : i32
        %mul3A_45 = arith.constant 128 : i32
        %mul3A_46 = arith.muli %add3A_42, %mul3A_45 : i32
        %add3A_47 = arith.addi %mul3A_44, %mul3A_46 : i32
        "tpu.region"() ({
          %run_scoped3A = tpu.sem_alloc : memref<!tpu.dma_semaphore, #tpu.memory_space<semaphore_mem>>
          %dma_start3A_48 = arith.constant 0 : i32
          %dma_start3A_49 = tpu.memref_slice %arg8[%add3A_47, %dma_start3A_48] : memref<10240x128xf32, #tpu.memory_space<vmem_shared>> -> memref<128x128xf32, #tpu.memory_space<vmem_shared>>
          %dma_start3A_50 = arith.constant 0 : i32
          %dma_start3A_51 = tpu.memref_slice %arg8[%add3A_47, %dma_start3A_50] : memref<10240x128xf32, #tpu.memory_space<vmem_shared>> -> memref<128x128xf32, #tpu.memory_space<vmem_shared>>
          tpu.enqueue_dma source(%dma_start3A_51 : memref<128x128xf32, #tpu.memory_space<vmem_shared>>) target(%arg13 : memref<128x128xf32, #tpu.memory_space<vmem>>) target_semaphore(%run_scoped3A : memref<!tpu.dma_semaphore, #tpu.memory_space<semaphore_mem>>)
          %dma_wait3A_52 = arith.constant 0 : i32
          %dma_wait3A_53 = tpu.memref_slice %arg8[%add3A_47, %dma_wait3A_52] : memref<10240x128xf32, #tpu.memory_space<vmem_shared>> -> memref<128x128xf32, #tpu.memory_space<vmem_shared>>
          %dma_wait3A_54 = arith.constant 0 : i32
          %dma_wait3A_55 = tpu.memref_slice %arg8[%add3A_47, %dma_wait3A_54] : memref<10240x128xf32, #tpu.memory_space<vmem_shared>> -> memref<128x128xf32, #tpu.memory_space<vmem_shared>>
          tpu.wait_dma2 semaphore(%run_scoped3A : memref<!tpu.dma_semaphore, #tpu.memory_space<semaphore_mem>>) src(%dma_wait3A_55 : memref<128x128xf32, #tpu.memory_space<vmem_shared>>) dst(%arg13 : memref<128x128xf32, #tpu.memory_space<vmem>>)
          tpu.yield
        }) : () -> ()
        "tpu.region"() ({
          %run_scoped3A = tpu.sem_alloc : memref<!tpu.dma_semaphore, #tpu.memory_space<semaphore_mem>>
          %dma_start3A_48 = arith.constant 0 : i32
          %dma_start3A_49 = tpu.memref_slice %arg7[%add3A_47, %dma_start3A_48] : memref<10240x128xf32, #tpu.memory_space<hbm>> -> memref<128x128xf32, #tpu.memory_space<hbm>>
          %dma_start3A_50 = arith.constant 0 : i32
          %dma_start3A_51 = tpu.memref_slice %arg7[%add3A_47, %dma_start3A_50] : memref<10240x128xf32, #tpu.memory_space<hbm>> -> memref<128x128xf32, #tpu.memory_space<hbm>>
          tpu.enqueue_dma source(%arg13 : memref<128x128xf32, #tpu.memory_space<vmem>>) target(%dma_start3A_51 : memref<128x128xf32, #tpu.memory_space<hbm>>) target_semaphore(%run_scoped3A : memref<!tpu.dma_semaphore, #tpu.memory_space<semaphore_mem>>)
          %dma_wait3A_52 = arith.constant 0 : i32
          %dma_wait3A_53 = tpu.memref_slice %arg7[%add3A_47, %dma_wait3A_52] : memref<10240x128xf32, #tpu.memory_space<hbm>> -> memref<128x128xf32, #tpu.memory_space<hbm>>
          %dma_wait3A_54 = arith.constant 0 : i32
          %dma_wait3A_55 = tpu.memref_slice %arg7[%add3A_47, %dma_wait3A_54] : memref<10240x128xf32, #tpu.memory_space<hbm>> -> memref<128x128xf32, #tpu.memory_space<hbm>>
          tpu.wait_dma2 semaphore(%run_scoped3A : memref<!tpu.dma_semaphore, #tpu.memory_space<semaphore_mem>>) src(%arg13 : memref<128x128xf32, #tpu.memory_space<vmem>>) dst(%dma_wait3A_55 : memref<128x128xf32, #tpu.memory_space<hbm>>)
          tpu.yield
        }) : () -> ()
      }
      %scan3A_37 = arith.constant 5 : i32
    } else {
    }
    return
  }
}

#map = affine_map<(d0, d1) -> (0, 0)>
#map1 = affine_map<(d0, d1) -> (0)>
module attributes {stable_mosaic.version = 14 : i64} {
  func.func @agg_kernel(%arg0: i32, %arg1: i32, %arg2: memref<10240x128xf32, #tpu.memory_space<hbm>>, %arg3: memref<10240x128xf32, #tpu.memory_space<hbm>>, %arg4: memref<327680xi32, #tpu.memory_space<hbm>>, %arg5: memref<327680xi32, #tpu.memory_space<hbm>>, %arg6: memref<10240x128xf32, #tpu.memory_space<hbm>>, %arg7: memref<10240x128xf32, #tpu.memory_space<hbm>>, %arg8: memref<10240x128xf32, #tpu.memory_space<vmem_shared>>, %arg9: memref<128xi32, #tpu.memory_space<vmem>>, %arg10: memref<128xi32, #tpu.memory_space<vmem>>, %arg11: memref<128xi32, #tpu.memory_space<vmem>>, %arg12: memref<128xi32, #tpu.memory_space<vmem>>, %arg13: memref<128x128xf32, #tpu.memory_space<vmem>>, %arg14: memref<128x128xf32, #tpu.memory_space<vmem>>, %arg15: memref<!tpu.dma_semaphore, #tpu.memory_space<semaphore_mem>>, %arg16: memref<!tpu.dma_semaphore, #tpu.memory_space<semaphore_mem>>, %arg17: memref<!tpu.dma_semaphore, #tpu.memory_space<semaphore_mem>>, %arg18: memref<!tpu.dma_semaphore, #tpu.memory_space<semaphore_mem>>) attributes {dimension_semantics = [#tpu.dimension_semantics<core_parallel>, #tpu.dimension_semantics<subcore_parallel>], iteration_bounds = array<i64: 2, 16>, scalar_prefetch = 0 : i64, scratch_operands = 11 : i64, tpu.core_type = #tpu.core_type<sc_vector_subcore>, window_params = [{transform_indices = #map}, {transform_indices = #map}, {transform_indices = #map1}, {transform_indices = #map1}, {transform_indices = #map}, {transform_indices = #map}]} {
    %mul3A = arith.constant 20480 : i32
    %mul3A_0 = arith.muli %arg1, %mul3A : i32
    %eq3A = arith.constant 0 : i32
    %eq3A_1 = arith.cmpi eq, %arg0, %eq3A : i32
    %convert_element_type3A = arith.extui %eq3A_1 : i1 to i32
    %cond3A = arith.constant 0 : i32
    %cond3A_2 = arith.cmpi ne, %convert_element_type3A, %cond3A : i32
    scf.if %cond3A_2 {
      %scan3A = arith.constant 0 : i32
      %scan3A_10 = arith.constant 5 : i32
      %scan3A_11 = arith.addi %scan3A, %scan3A_10 : i32
      %scan3A_12 = arith.constant 1 : i32
      scf.for %scan3A_34 = %scan3A to %scan3A_11 step %scan3A_12  : i32 {
        %mul3A_35 = arith.constant 1 : i32
        %mul3A_36 = arith.muli %scan3A_34, %mul3A_35 : i32
        %add3A_37 = arith.constant 0 : i32
        %add3A_38 = arith.addi %add3A_37, %mul3A_36 : i32
        %mul3A_39 = arith.constant 640 : i32
        %mul3A_40 = arith.muli %arg1, %mul3A_39 : i32
        %mul3A_41 = arith.constant 128 : i32
        %mul3A_42 = arith.muli %add3A_38, %mul3A_41 : i32
        %add3A_43 = arith.addi %mul3A_40, %mul3A_42 : i32
        "tpu.region"() ({
          %run_scoped3A = tpu.sem_alloc : memref<!tpu.dma_semaphore, #tpu.memory_space<semaphore_mem>>
          %dma_start3A_44 = arith.constant 0 : i32
          %dma_start3A_45 = tpu.memref_slice %arg2[%add3A_43, %dma_start3A_44] : memref<10240x128xf32, #tpu.memory_space<hbm>> -> memref<128x128xf32, #tpu.memory_space<hbm>>
          %dma_start3A_46 = arith.constant 0 : i32
          %dma_start3A_47 = tpu.memref_slice %arg2[%add3A_43, %dma_start3A_46] : memref<10240x128xf32, #tpu.memory_space<hbm>> -> memref<128x128xf32, #tpu.memory_space<hbm>>
          tpu.enqueue_dma source(%dma_start3A_47 : memref<128x128xf32, #tpu.memory_space<hbm>>) target(%arg13 : memref<128x128xf32, #tpu.memory_space<vmem>>) target_semaphore(%run_scoped3A : memref<!tpu.dma_semaphore, #tpu.memory_space<semaphore_mem>>)
          %dma_wait3A_48 = arith.constant 0 : i32
          %dma_wait3A_49 = tpu.memref_slice %arg2[%add3A_43, %dma_wait3A_48] : memref<10240x128xf32, #tpu.memory_space<hbm>> -> memref<128x128xf32, #tpu.memory_space<hbm>>
          %dma_wait3A_50 = arith.constant 0 : i32
          %dma_wait3A_51 = tpu.memref_slice %arg2[%add3A_43, %dma_wait3A_50] : memref<10240x128xf32, #tpu.memory_space<hbm>> -> memref<128x128xf32, #tpu.memory_space<hbm>>
          tpu.wait_dma2 semaphore(%run_scoped3A : memref<!tpu.dma_semaphore, #tpu.memory_space<semaphore_mem>>) src(%dma_wait3A_51 : memref<128x128xf32, #tpu.memory_space<hbm>>) dst(%arg13 : memref<128x128xf32, #tpu.memory_space<vmem>>)
          tpu.yield
        }) : () -> ()
        "tpu.region"() ({
          %run_scoped3A = tpu.sem_alloc : memref<!tpu.dma_semaphore, #tpu.memory_space<semaphore_mem>>
          %dma_start3A_44 = arith.constant 0 : i32
          %dma_start3A_45 = tpu.memref_slice %arg8[%add3A_43, %dma_start3A_44] : memref<10240x128xf32, #tpu.memory_space<vmem_shared>> -> memref<128x128xf32, #tpu.memory_space<vmem_shared>>
          %dma_start3A_46 = arith.constant 0 : i32
          %dma_start3A_47 = tpu.memref_slice %arg8[%add3A_43, %dma_start3A_46] : memref<10240x128xf32, #tpu.memory_space<vmem_shared>> -> memref<128x128xf32, #tpu.memory_space<vmem_shared>>
          tpu.enqueue_dma source(%arg13 : memref<128x128xf32, #tpu.memory_space<vmem>>) target(%dma_start3A_47 : memref<128x128xf32, #tpu.memory_space<vmem_shared>>) target_semaphore(%run_scoped3A : memref<!tpu.dma_semaphore, #tpu.memory_space<semaphore_mem>>)
          %dma_wait3A_48 = arith.constant 0 : i32
          %dma_wait3A_49 = tpu.memref_slice %arg8[%add3A_43, %dma_wait3A_48] : memref<10240x128xf32, #tpu.memory_space<vmem_shared>> -> memref<128x128xf32, #tpu.memory_space<vmem_shared>>
          %dma_wait3A_50 = arith.constant 0 : i32
          %dma_wait3A_51 = tpu.memref_slice %arg8[%add3A_43, %dma_wait3A_50] : memref<10240x128xf32, #tpu.memory_space<vmem_shared>> -> memref<128x128xf32, #tpu.memory_space<vmem_shared>>
          tpu.wait_dma2 semaphore(%run_scoped3A : memref<!tpu.dma_semaphore, #tpu.memory_space<semaphore_mem>>) src(%arg13 : memref<128x128xf32, #tpu.memory_space<vmem>>) dst(%dma_wait3A_51 : memref<128x128xf32, #tpu.memory_space<vmem_shared>>)
          tpu.yield
        }) : () -> ()
      }
      %scan3A_13 = arith.constant 5 : i32
      %barrier3A = arith.constant 0 : index
      tpu.barrier barrier_id(%barrier3A)
      %add3A = arith.constant 0 : i32
      %add3A_14 = arith.addi %mul3A_0, %add3A : i32
      "tpu.region"() ({
        %run_scoped3A = tpu.sem_alloc : memref<!tpu.dma_semaphore, #tpu.memory_space<semaphore_mem>>
        %dma_start3A_34 = tpu.memref_slice %arg4[%add3A_14] : memref<327680xi32, #tpu.memory_space<hbm>> -> memref<128xi32, #tpu.memory_space<hbm>>
        %dma_start3A_35 = tpu.memref_slice %arg4[%add3A_14] : memref<327680xi32, #tpu.memory_space<hbm>> -> memref<128xi32, #tpu.memory_space<hbm>>
        tpu.enqueue_dma source(%dma_start3A_35 : memref<128xi32, #tpu.memory_space<hbm>>) target(%arg9 : memref<128xi32, #tpu.memory_space<vmem>>) target_semaphore(%run_scoped3A : memref<!tpu.dma_semaphore, #tpu.memory_space<semaphore_mem>>)
        %dma_wait3A_36 = tpu.memref_slice %arg4[%add3A_14] : memref<327680xi32, #tpu.memory_space<hbm>> -> memref<128xi32, #tpu.memory_space<hbm>>
        %dma_wait3A_37 = tpu.memref_slice %arg4[%add3A_14] : memref<327680xi32, #tpu.memory_space<hbm>> -> memref<128xi32, #tpu.memory_space<hbm>>
        tpu.wait_dma2 semaphore(%run_scoped3A : memref<!tpu.dma_semaphore, #tpu.memory_space<semaphore_mem>>) src(%dma_wait3A_37 : memref<128xi32, #tpu.memory_space<hbm>>) dst(%arg9 : memref<128xi32, #tpu.memory_space<vmem>>)
        tpu.yield
      }) : () -> ()
      "tpu.region"() ({
        %run_scoped3A = tpu.sem_alloc : memref<!tpu.dma_semaphore, #tpu.memory_space<semaphore_mem>>
        %dma_start3A_34 = tpu.memref_slice %arg5[%add3A_14] : memref<327680xi32, #tpu.memory_space<hbm>> -> memref<128xi32, #tpu.memory_space<hbm>>
        %dma_start3A_35 = tpu.memref_slice %arg5[%add3A_14] : memref<327680xi32, #tpu.memory_space<hbm>> -> memref<128xi32, #tpu.memory_space<hbm>>
        tpu.enqueue_dma source(%dma_start3A_35 : memref<128xi32, #tpu.memory_space<hbm>>) target(%arg11 : memref<128xi32, #tpu.memory_space<vmem>>) target_semaphore(%run_scoped3A : memref<!tpu.dma_semaphore, #tpu.memory_space<semaphore_mem>>)
        %dma_wait3A_36 = tpu.memref_slice %arg5[%add3A_14] : memref<327680xi32, #tpu.memory_space<hbm>> -> memref<128xi32, #tpu.memory_space<hbm>>
        %dma_wait3A_37 = tpu.memref_slice %arg5[%add3A_14] : memref<327680xi32, #tpu.memory_space<hbm>> -> memref<128xi32, #tpu.memory_space<hbm>>
        tpu.wait_dma2 semaphore(%run_scoped3A : memref<!tpu.dma_semaphore, #tpu.memory_space<semaphore_mem>>) src(%dma_wait3A_37 : memref<128xi32, #tpu.memory_space<hbm>>) dst(%arg11 : memref<128xi32, #tpu.memory_space<vmem>>)
        tpu.yield
      }) : () -> ()
      %dma_start3A = arith.constant 0 : i32
      %dma_start3A_15 = arith.constant 0 : i32
      %dma_start3A_16 = tpu.memref_slice %arg2[%dma_start3A, %dma_start3A_15] : memref<10240x128xf32, #tpu.memory_space<hbm>> -> memref<10240x128xf32, #tpu.memory_space<hbm>>
      %dma_start3A_17 = arith.constant -1 : i32
      tpu.enqueue_indirect_dma source(%dma_start3A_16 : memref<10240x128xf32, #tpu.memory_space<hbm>>) target(%arg13 : memref<128x128xf32, #tpu.memory_space<vmem>>) offsets(%arg9 : memref<128xi32, #tpu.memory_space<vmem>>) offset_filter(%dma_start3A_17) semaphore(%arg15 : memref<!tpu.dma_semaphore, #tpu.memory_space<semaphore_mem>>)
      %scan3A_18 = arith.constant 0 : i32
      %scan3A_19 = arith.constant 80 : i32
      %scan3A_20 = arith.addi %scan3A_18, %scan3A_19 : i32
      %scan3A_21 = arith.constant 1 : i32
      scf.for %scan3A_34 = %scan3A_18 to %scan3A_20 step %scan3A_21  : i32 {
        %mul3A_35 = arith.constant 1 : i32
        %mul3A_36 = arith.muli %scan3A_34, %mul3A_35 : i32
        %add3A_37 = arith.constant 0 : i32
        %add3A_38 = arith.addi %add3A_37, %mul3A_36 : i32
        %gt3A = arith.constant 0 : i32
        %gt3A_39 = arith.cmpi sgt, %add3A_38, %gt3A : i32
        %convert_element_type3A_40 = arith.extui %gt3A_39 : i1 to i32
        %cond3A_41 = arith.constant 0 : i32
        %cond3A_42 = arith.cmpi ne, %convert_element_type3A_40, %cond3A_41 : i32
        scf.if %cond3A_42 {
          %dma_wait3A_77 = arith.constant 0 : i32
          %dma_wait3A_78 = arith.constant 0 : i32
          %dma_wait3A_79 = tpu.memref_slice %arg8[%dma_wait3A_77, %dma_wait3A_78] : memref<10240x128xf32, #tpu.memory_space<vmem_shared>> -> memref<10240x128xf32, #tpu.memory_space<vmem_shared>>
          tpu.wait_indirect_dma semaphore(%arg18 : memref<!tpu.dma_semaphore, #tpu.memory_space<semaphore_mem>>) src(%arg14 : memref<128x128xf32, #tpu.memory_space<vmem>>) dst(%dma_wait3A_79 : memref<10240x128xf32, #tpu.memory_space<vmem_shared>>)
        } else {
        }
        %mul3A_43 = arith.constant 2 : i32
        %mul3A_44 = arith.muli %mul3A_43, %add3A_38 : i32
        %add3A_45 = arith.constant 1 : i32
        %add3A_46 = arith.addi %mul3A_44, %add3A_45 : i32
        %mul3A_47 = arith.constant 128 : i32
        %mul3A_48 = arith.muli %add3A_46, %mul3A_47 : i32
        %add3A_49 = arith.addi %mul3A_0, %mul3A_48 : i32
        "tpu.region"() ({
          %run_scoped3A = tpu.sem_alloc : memref<!tpu.dma_semaphore, #tpu.memory_space<semaphore_mem>>
          %dma_start3A_77 = tpu.memref_slice %arg4[%add3A_49] : memref<327680xi32, #tpu.memory_space<hbm>> -> memref<128xi32, #tpu.memory_space<hbm>>
          %dma_start3A_78 = tpu.memref_slice %arg4[%add3A_49] : memref<327680xi32, #tpu.memory_space<hbm>> -> memref<128xi32, #tpu.memory_space<hbm>>
          tpu.enqueue_dma source(%dma_start3A_78 : memref<128xi32, #tpu.memory_space<hbm>>) target(%arg10 : memref<128xi32, #tpu.memory_space<vmem>>) target_semaphore(%run_scoped3A : memref<!tpu.dma_semaphore, #tpu.memory_space<semaphore_mem>>)
          %dma_wait3A_79 = tpu.memref_slice %arg4[%add3A_49] : memref<327680xi32, #tpu.memory_space<hbm>> -> memref<128xi32, #tpu.memory_space<hbm>>
          %dma_wait3A_80 = tpu.memref_slice %arg4[%add3A_49] : memref<327680xi32, #tpu.memory_space<hbm>> -> memref<128xi32, #tpu.memory_space<hbm>>
          tpu.wait_dma2 semaphore(%run_scoped3A : memref<!tpu.dma_semaphore, #tpu.memory_space<semaphore_mem>>) src(%dma_wait3A_80 : memref<128xi32, #tpu.memory_space<hbm>>) dst(%arg10 : memref<128xi32, #tpu.memory_space<vmem>>)
          tpu.yield
        }) : () -> ()
        "tpu.region"() ({
          %run_scoped3A = tpu.sem_alloc : memref<!tpu.dma_semaphore, #tpu.memory_space<semaphore_mem>>
          %dma_start3A_77 = tpu.memref_slice %arg5[%add3A_49] : memref<327680xi32, #tpu.memory_space<hbm>> -> memref<128xi32, #tpu.memory_space<hbm>>
          %dma_start3A_78 = tpu.memref_slice %arg5[%add3A_49] : memref<327680xi32, #tpu.memory_space<hbm>> -> memref<128xi32, #tpu.memory_space<hbm>>
          tpu.enqueue_dma source(%dma_start3A_78 : memref<128xi32, #tpu.memory_space<hbm>>) target(%arg12 : memref<128xi32, #tpu.memory_space<vmem>>) target_semaphore(%run_scoped3A : memref<!tpu.dma_semaphore, #tpu.memory_space<semaphore_mem>>)
          %dma_wait3A_79 = tpu.memref_slice %arg5[%add3A_49] : memref<327680xi32, #tpu.memory_space<hbm>> -> memref<128xi32, #tpu.memory_space<hbm>>
          %dma_wait3A_80 = tpu.memref_slice %arg5[%add3A_49] : memref<327680xi32, #tpu.memory_space<hbm>> -> memref<128xi32, #tpu.memory_space<hbm>>
          tpu.wait_dma2 semaphore(%run_scoped3A : memref<!tpu.dma_semaphore, #tpu.memory_space<semaphore_mem>>) src(%dma_wait3A_80 : memref<128xi32, #tpu.memory_space<hbm>>) dst(%arg12 : memref<128xi32, #tpu.memory_space<vmem>>)
          tpu.yield
        }) : () -> ()
        %dma_wait3A_50 = arith.constant 0 : i32
        %dma_wait3A_51 = arith.constant 0 : i32
        %dma_wait3A_52 = tpu.memref_slice %arg2[%dma_wait3A_50, %dma_wait3A_51] : memref<10240x128xf32, #tpu.memory_space<hbm>> -> memref<10240x128xf32, #tpu.memory_space<hbm>>
        tpu.wait_indirect_dma semaphore(%arg15 : memref<!tpu.dma_semaphore, #tpu.memory_space<semaphore_mem>>) src(%dma_wait3A_52 : memref<10240x128xf32, #tpu.memory_space<hbm>>) dst(%arg13 : memref<128x128xf32, #tpu.memory_space<vmem>>)
        %dma_start3A_53 = arith.constant 0 : i32
        %dma_start3A_54 = arith.constant 0 : i32
        %dma_start3A_55 = tpu.memref_slice %arg2[%dma_start3A_53, %dma_start3A_54] : memref<10240x128xf32, #tpu.memory_space<hbm>> -> memref<10240x128xf32, #tpu.memory_space<hbm>>
        %dma_start3A_56 = arith.constant -1 : i32
        tpu.enqueue_indirect_dma source(%dma_start3A_55 : memref<10240x128xf32, #tpu.memory_space<hbm>>) target(%arg14 : memref<128x128xf32, #tpu.memory_space<vmem>>) offsets(%arg10 : memref<128xi32, #tpu.memory_space<vmem>>) offset_filter(%dma_start3A_56) semaphore(%arg16 : memref<!tpu.dma_semaphore, #tpu.memory_space<semaphore_mem>>)
        %dma_start3A_57 = arith.constant 0 : i32
        %dma_start3A_58 = arith.constant 0 : i32
        %dma_start3A_59 = tpu.memref_slice %arg8[%dma_start3A_57, %dma_start3A_58] : memref<10240x128xf32, #tpu.memory_space<vmem_shared>> -> memref<10240x128xf32, #tpu.memory_space<vmem_shared>>
        %dma_start3A_60 = arith.constant -1 : i32
        tpu.enqueue_indirect_dma source(%arg13 : memref<128x128xf32, #tpu.memory_space<vmem>>) target(%dma_start3A_59 : memref<10240x128xf32, #tpu.memory_space<vmem_shared>>) offsets(%arg11 : memref<128xi32, #tpu.memory_space<vmem>>) offset_filter(%dma_start3A_60) semaphore(%arg17 : memref<!tpu.dma_semaphore, #tpu.memory_space<semaphore_mem>>) {add = true}
        %lt3A = arith.constant 79 : i32
        %lt3A_61 = arith.cmpi slt, %add3A_38, %lt3A : i32
        %convert_element_type3A_62 = arith.extui %lt3A_61 : i1 to i32
        %cond3A_63 = arith.constant 0 : i32
        %cond3A_64 = arith.cmpi ne, %convert_element_type3A_62, %cond3A_63 : i32
        scf.if %cond3A_64 {
          %dma_wait3A_77 = arith.constant 0 : i32
          %dma_wait3A_78 = arith.constant 0 : i32
          %dma_wait3A_79 = tpu.memref_slice %arg8[%dma_wait3A_77, %dma_wait3A_78] : memref<10240x128xf32, #tpu.memory_space<vmem_shared>> -> memref<10240x128xf32, #tpu.memory_space<vmem_shared>>
          tpu.wait_indirect_dma semaphore(%arg17 : memref<!tpu.dma_semaphore, #tpu.memory_space<semaphore_mem>>) src(%arg13 : memref<128x128xf32, #tpu.memory_space<vmem>>) dst(%dma_wait3A_79 : memref<10240x128xf32, #tpu.memory_space<vmem_shared>>)
          %mul3A_80 = arith.constant 2 : i32
          %mul3A_81 = arith.muli %mul3A_80, %add3A_38 : i32
          %add3A_82 = arith.constant 2 : i32
          %add3A_83 = arith.addi %mul3A_81, %add3A_82 : i32
          %mul3A_84 = arith.constant 128 : i32
          %mul3A_85 = arith.muli %add3A_83, %mul3A_84 : i32
          %add3A_86 = arith.addi %mul3A_0, %mul3A_85 : i32
          "tpu.region"() ({
            %run_scoped3A = tpu.sem_alloc : memref<!tpu.dma_semaphore, #tpu.memory_space<semaphore_mem>>
            %dma_start3A_87 = tpu.memref_slice %arg4[%add3A_86] : memref<327680xi32, #tpu.memory_space<hbm>> -> memref<128xi32, #tpu.memory_space<hbm>>
            %dma_start3A_88 = tpu.memref_slice %arg4[%add3A_86] : memref<327680xi32, #tpu.memory_space<hbm>> -> memref<128xi32, #tpu.memory_space<hbm>>
            tpu.enqueue_dma source(%dma_start3A_88 : memref<128xi32, #tpu.memory_space<hbm>>) target(%arg9 : memref<128xi32, #tpu.memory_space<vmem>>) target_semaphore(%run_scoped3A : memref<!tpu.dma_semaphore, #tpu.memory_space<semaphore_mem>>)
            %dma_wait3A_89 = tpu.memref_slice %arg4[%add3A_86] : memref<327680xi32, #tpu.memory_space<hbm>> -> memref<128xi32, #tpu.memory_space<hbm>>
            %dma_wait3A_90 = tpu.memref_slice %arg4[%add3A_86] : memref<327680xi32, #tpu.memory_space<hbm>> -> memref<128xi32, #tpu.memory_space<hbm>>
            tpu.wait_dma2 semaphore(%run_scoped3A : memref<!tpu.dma_semaphore, #tpu.memory_space<semaphore_mem>>) src(%dma_wait3A_90 : memref<128xi32, #tpu.memory_space<hbm>>) dst(%arg9 : memref<128xi32, #tpu.memory_space<vmem>>)
            tpu.yield
          }) : () -> ()
          "tpu.region"() ({
            %run_scoped3A = tpu.sem_alloc : memref<!tpu.dma_semaphore, #tpu.memory_space<semaphore_mem>>
            %dma_start3A_87 = tpu.memref_slice %arg5[%add3A_86] : memref<327680xi32, #tpu.memory_space<hbm>> -> memref<128xi32, #tpu.memory_space<hbm>>
            %dma_start3A_88 = tpu.memref_slice %arg5[%add3A_86] : memref<327680xi32, #tpu.memory_space<hbm>> -> memref<128xi32, #tpu.memory_space<hbm>>
            tpu.enqueue_dma source(%dma_start3A_88 : memref<128xi32, #tpu.memory_space<hbm>>) target(%arg11 : memref<128xi32, #tpu.memory_space<vmem>>) target_semaphore(%run_scoped3A : memref<!tpu.dma_semaphore, #tpu.memory_space<semaphore_mem>>)
            %dma_wait3A_89 = tpu.memref_slice %arg5[%add3A_86] : memref<327680xi32, #tpu.memory_space<hbm>> -> memref<128xi32, #tpu.memory_space<hbm>>
            %dma_wait3A_90 = tpu.memref_slice %arg5[%add3A_86] : memref<327680xi32, #tpu.memory_space<hbm>> -> memref<128xi32, #tpu.memory_space<hbm>>
            tpu.wait_dma2 semaphore(%run_scoped3A : memref<!tpu.dma_semaphore, #tpu.memory_space<semaphore_mem>>) src(%dma_wait3A_90 : memref<128xi32, #tpu.memory_space<hbm>>) dst(%arg11 : memref<128xi32, #tpu.memory_space<vmem>>)
            tpu.yield
          }) : () -> ()
        } else {
        }
        %dma_wait3A_65 = arith.constant 0 : i32
        %dma_wait3A_66 = arith.constant 0 : i32
        %dma_wait3A_67 = tpu.memref_slice %arg2[%dma_wait3A_65, %dma_wait3A_66] : memref<10240x128xf32, #tpu.memory_space<hbm>> -> memref<10240x128xf32, #tpu.memory_space<hbm>>
        tpu.wait_indirect_dma semaphore(%arg16 : memref<!tpu.dma_semaphore, #tpu.memory_space<semaphore_mem>>) src(%dma_wait3A_67 : memref<10240x128xf32, #tpu.memory_space<hbm>>) dst(%arg14 : memref<128x128xf32, #tpu.memory_space<vmem>>)
        %lt3A_68 = arith.constant 79 : i32
        %lt3A_69 = arith.cmpi slt, %add3A_38, %lt3A_68 : i32
        %convert_element_type3A_70 = arith.extui %lt3A_69 : i1 to i32
        %cond3A_71 = arith.constant 0 : i32
        %cond3A_72 = arith.cmpi ne, %convert_element_type3A_70, %cond3A_71 : i32
        scf.if %cond3A_72 {
          %dma_start3A_77 = arith.constant 0 : i32
          %dma_start3A_78 = arith.constant 0 : i32
          %dma_start3A_79 = tpu.memref_slice %arg2[%dma_start3A_77, %dma_start3A_78] : memref<10240x128xf32, #tpu.memory_space<hbm>> -> memref<10240x128xf32, #tpu.memory_space<hbm>>
          %dma_start3A_80 = arith.constant -1 : i32
          tpu.enqueue_indirect_dma source(%dma_start3A_79 : memref<10240x128xf32, #tpu.memory_space<hbm>>) target(%arg13 : memref<128x128xf32, #tpu.memory_space<vmem>>) offsets(%arg9 : memref<128xi32, #tpu.memory_space<vmem>>) offset_filter(%dma_start3A_80) semaphore(%arg15 : memref<!tpu.dma_semaphore, #tpu.memory_space<semaphore_mem>>)
        } else {
        }
        %dma_start3A_73 = arith.constant 0 : i32
        %dma_start3A_74 = arith.constant 0 : i32
        %dma_start3A_75 = tpu.memref_slice %arg8[%dma_start3A_73, %dma_start3A_74] : memref<10240x128xf32, #tpu.memory_space<vmem_shared>> -> memref<10240x128xf32, #tpu.memory_space<vmem_shared>>
        %dma_start3A_76 = arith.constant -1 : i32
        tpu.enqueue_indirect_dma source(%arg14 : memref<128x128xf32, #tpu.memory_space<vmem>>) target(%dma_start3A_75 : memref<10240x128xf32, #tpu.memory_space<vmem_shared>>) offsets(%arg12 : memref<128xi32, #tpu.memory_space<vmem>>) offset_filter(%dma_start3A_76) semaphore(%arg18 : memref<!tpu.dma_semaphore, #tpu.memory_space<semaphore_mem>>) {add = true}
      }
      %scan3A_22 = arith.constant 80 : i32
      %dma_wait3A = arith.constant 0 : i32
      %dma_wait3A_23 = arith.constant 0 : i32
      %dma_wait3A_24 = tpu.memref_slice %arg8[%dma_wait3A, %dma_wait3A_23] : memref<10240x128xf32, #tpu.memory_space<vmem_shared>> -> memref<10240x128xf32, #tpu.memory_space<vmem_shared>>
      tpu.wait_indirect_dma semaphore(%arg17 : memref<!tpu.dma_semaphore, #tpu.memory_space<semaphore_mem>>) src(%arg13 : memref<128x128xf32, #tpu.memory_space<vmem>>) dst(%dma_wait3A_24 : memref<10240x128xf32, #tpu.memory_space<vmem_shared>>)
      %dma_wait3A_25 = arith.constant 0 : i32
      %dma_wait3A_26 = arith.constant 0 : i32
      %dma_wait3A_27 = tpu.memref_slice %arg8[%dma_wait3A_25, %dma_wait3A_26] : memref<10240x128xf32, #tpu.memory_space<vmem_shared>> -> memref<10240x128xf32, #tpu.memory_space<vmem_shared>>
      tpu.wait_indirect_dma semaphore(%arg18 : memref<!tpu.dma_semaphore, #tpu.memory_space<semaphore_mem>>) src(%arg14 : memref<128x128xf32, #tpu.memory_space<vmem>>) dst(%dma_wait3A_27 : memref<10240x128xf32, #tpu.memory_space<vmem_shared>>)
      %barrier3A_28 = arith.constant 0 : index
      tpu.barrier barrier_id(%barrier3A_28)
      %scan3A_29 = arith.constant 0 : i32
      %scan3A_30 = arith.constant 5 : i32
      %scan3A_31 = arith.addi %scan3A_29, %scan3A_30 : i32
      %scan3A_32 = arith.constant 1 : i32
      scf.for %scan3A_34 = %scan3A_29 to %scan3A_31 step %scan3A_32  : i32 {
        %mul3A_35 = arith.constant 1 : i32
        %mul3A_36 = arith.muli %scan3A_34, %mul3A_35 : i32
        %add3A_37 = arith.constant 0 : i32
        %add3A_38 = arith.addi %add3A_37, %mul3A_36 : i32
        %mul3A_39 = arith.constant 640 : i32
        %mul3A_40 = arith.muli %arg1, %mul3A_39 : i32
        %mul3A_41 = arith.constant 128 : i32
        %mul3A_42 = arith.muli %add3A_38, %mul3A_41 : i32
        %add3A_43 = arith.addi %mul3A_40, %mul3A_42 : i32
        "tpu.region"() ({
          %run_scoped3A = tpu.sem_alloc : memref<!tpu.dma_semaphore, #tpu.memory_space<semaphore_mem>>
          %dma_start3A_44 = arith.constant 0 : i32
          %dma_start3A_45 = tpu.memref_slice %arg8[%add3A_43, %dma_start3A_44] : memref<10240x128xf32, #tpu.memory_space<vmem_shared>> -> memref<128x128xf32, #tpu.memory_space<vmem_shared>>
          %dma_start3A_46 = arith.constant 0 : i32
          %dma_start3A_47 = tpu.memref_slice %arg8[%add3A_43, %dma_start3A_46] : memref<10240x128xf32, #tpu.memory_space<vmem_shared>> -> memref<128x128xf32, #tpu.memory_space<vmem_shared>>
          tpu.enqueue_dma source(%dma_start3A_47 : memref<128x128xf32, #tpu.memory_space<vmem_shared>>) target(%arg13 : memref<128x128xf32, #tpu.memory_space<vmem>>) target_semaphore(%run_scoped3A : memref<!tpu.dma_semaphore, #tpu.memory_space<semaphore_mem>>)
          %dma_wait3A_48 = arith.constant 0 : i32
          %dma_wait3A_49 = tpu.memref_slice %arg8[%add3A_43, %dma_wait3A_48] : memref<10240x128xf32, #tpu.memory_space<vmem_shared>> -> memref<128x128xf32, #tpu.memory_space<vmem_shared>>
          %dma_wait3A_50 = arith.constant 0 : i32
          %dma_wait3A_51 = tpu.memref_slice %arg8[%add3A_43, %dma_wait3A_50] : memref<10240x128xf32, #tpu.memory_space<vmem_shared>> -> memref<128x128xf32, #tpu.memory_space<vmem_shared>>
          tpu.wait_dma2 semaphore(%run_scoped3A : memref<!tpu.dma_semaphore, #tpu.memory_space<semaphore_mem>>) src(%dma_wait3A_51 : memref<128x128xf32, #tpu.memory_space<vmem_shared>>) dst(%arg13 : memref<128x128xf32, #tpu.memory_space<vmem>>)
          tpu.yield
        }) : () -> ()
        "tpu.region"() ({
          %run_scoped3A = tpu.sem_alloc : memref<!tpu.dma_semaphore, #tpu.memory_space<semaphore_mem>>
          %dma_start3A_44 = arith.constant 0 : i32
          %dma_start3A_45 = tpu.memref_slice %arg6[%add3A_43, %dma_start3A_44] : memref<10240x128xf32, #tpu.memory_space<hbm>> -> memref<128x128xf32, #tpu.memory_space<hbm>>
          %dma_start3A_46 = arith.constant 0 : i32
          %dma_start3A_47 = tpu.memref_slice %arg6[%add3A_43, %dma_start3A_46] : memref<10240x128xf32, #tpu.memory_space<hbm>> -> memref<128x128xf32, #tpu.memory_space<hbm>>
          tpu.enqueue_dma source(%arg13 : memref<128x128xf32, #tpu.memory_space<vmem>>) target(%dma_start3A_47 : memref<128x128xf32, #tpu.memory_space<hbm>>) target_semaphore(%run_scoped3A : memref<!tpu.dma_semaphore, #tpu.memory_space<semaphore_mem>>)
          %dma_wait3A_48 = arith.constant 0 : i32
          %dma_wait3A_49 = tpu.memref_slice %arg6[%add3A_43, %dma_wait3A_48] : memref<10240x128xf32, #tpu.memory_space<hbm>> -> memref<128x128xf32, #tpu.memory_space<hbm>>
          %dma_wait3A_50 = arith.constant 0 : i32
          %dma_wait3A_51 = tpu.memref_slice %arg6[%add3A_43, %dma_wait3A_50] : memref<10240x128xf32, #tpu.memory_space<hbm>> -> memref<128x128xf32, #tpu.memory_space<hbm>>
          tpu.wait_dma2 semaphore(%run_scoped3A : memref<!tpu.dma_semaphore, #tpu.memory_space<semaphore_mem>>) src(%arg13 : memref<128x128xf32, #tpu.memory_space<vmem>>) dst(%dma_wait3A_51 : memref<128x128xf32, #tpu.memory_space<hbm>>)
          tpu.yield
        }) : () -> ()
      }
      %scan3A_33 = arith.constant 5 : i32
    } else {
    }
    %mul3A_3 = arith.constant 20480 : i32
    %mul3A_4 = arith.muli %arg1, %mul3A_3 : i32
    %eq3A_5 = arith.constant 1 : i32
    %eq3A_6 = arith.cmpi eq, %arg0, %eq3A_5 : i32
    %convert_element_type3A_7 = arith.extui %eq3A_6 : i1 to i32
    %cond3A_8 = arith.constant 0 : i32
    %cond3A_9 = arith.cmpi ne, %convert_element_type3A_7, %cond3A_8 : i32
    scf.if %cond3A_9 {
      %scan3A = arith.constant 0 : i32
      %scan3A_10 = arith.constant 5 : i32
      %scan3A_11 = arith.addi %scan3A, %scan3A_10 : i32
      %scan3A_12 = arith.constant 1 : i32
      scf.for %scan3A_34 = %scan3A to %scan3A_11 step %scan3A_12  : i32 {
        %mul3A_35 = arith.constant 1 : i32
        %mul3A_36 = arith.muli %scan3A_34, %mul3A_35 : i32
        %add3A_37 = arith.constant 0 : i32
        %add3A_38 = arith.addi %add3A_37, %mul3A_36 : i32
        %mul3A_39 = arith.constant 640 : i32
        %mul3A_40 = arith.muli %arg1, %mul3A_39 : i32
        %mul3A_41 = arith.constant 128 : i32
        %mul3A_42 = arith.muli %add3A_38, %mul3A_41 : i32
        %add3A_43 = arith.addi %mul3A_40, %mul3A_42 : i32
        "tpu.region"() ({
          %run_scoped3A = tpu.sem_alloc : memref<!tpu.dma_semaphore, #tpu.memory_space<semaphore_mem>>
          %dma_start3A_44 = arith.constant 0 : i32
          %dma_start3A_45 = tpu.memref_slice %arg3[%add3A_43, %dma_start3A_44] : memref<10240x128xf32, #tpu.memory_space<hbm>> -> memref<128x128xf32, #tpu.memory_space<hbm>>
          %dma_start3A_46 = arith.constant 0 : i32
          %dma_start3A_47 = tpu.memref_slice %arg3[%add3A_43, %dma_start3A_46] : memref<10240x128xf32, #tpu.memory_space<hbm>> -> memref<128x128xf32, #tpu.memory_space<hbm>>
          tpu.enqueue_dma source(%dma_start3A_47 : memref<128x128xf32, #tpu.memory_space<hbm>>) target(%arg13 : memref<128x128xf32, #tpu.memory_space<vmem>>) target_semaphore(%run_scoped3A : memref<!tpu.dma_semaphore, #tpu.memory_space<semaphore_mem>>)
          %dma_wait3A_48 = arith.constant 0 : i32
          %dma_wait3A_49 = tpu.memref_slice %arg3[%add3A_43, %dma_wait3A_48] : memref<10240x128xf32, #tpu.memory_space<hbm>> -> memref<128x128xf32, #tpu.memory_space<hbm>>
          %dma_wait3A_50 = arith.constant 0 : i32
          %dma_wait3A_51 = tpu.memref_slice %arg3[%add3A_43, %dma_wait3A_50] : memref<10240x128xf32, #tpu.memory_space<hbm>> -> memref<128x128xf32, #tpu.memory_space<hbm>>
          tpu.wait_dma2 semaphore(%run_scoped3A : memref<!tpu.dma_semaphore, #tpu.memory_space<semaphore_mem>>) src(%dma_wait3A_51 : memref<128x128xf32, #tpu.memory_space<hbm>>) dst(%arg13 : memref<128x128xf32, #tpu.memory_space<vmem>>)
          tpu.yield
        }) : () -> ()
        "tpu.region"() ({
          %run_scoped3A = tpu.sem_alloc : memref<!tpu.dma_semaphore, #tpu.memory_space<semaphore_mem>>
          %dma_start3A_44 = arith.constant 0 : i32
          %dma_start3A_45 = tpu.memref_slice %arg8[%add3A_43, %dma_start3A_44] : memref<10240x128xf32, #tpu.memory_space<vmem_shared>> -> memref<128x128xf32, #tpu.memory_space<vmem_shared>>
          %dma_start3A_46 = arith.constant 0 : i32
          %dma_start3A_47 = tpu.memref_slice %arg8[%add3A_43, %dma_start3A_46] : memref<10240x128xf32, #tpu.memory_space<vmem_shared>> -> memref<128x128xf32, #tpu.memory_space<vmem_shared>>
          tpu.enqueue_dma source(%arg13 : memref<128x128xf32, #tpu.memory_space<vmem>>) target(%dma_start3A_47 : memref<128x128xf32, #tpu.memory_space<vmem_shared>>) target_semaphore(%run_scoped3A : memref<!tpu.dma_semaphore, #tpu.memory_space<semaphore_mem>>)
          %dma_wait3A_48 = arith.constant 0 : i32
          %dma_wait3A_49 = tpu.memref_slice %arg8[%add3A_43, %dma_wait3A_48] : memref<10240x128xf32, #tpu.memory_space<vmem_shared>> -> memref<128x128xf32, #tpu.memory_space<vmem_shared>>
          %dma_wait3A_50 = arith.constant 0 : i32
          %dma_wait3A_51 = tpu.memref_slice %arg8[%add3A_43, %dma_wait3A_50] : memref<10240x128xf32, #tpu.memory_space<vmem_shared>> -> memref<128x128xf32, #tpu.memory_space<vmem_shared>>
          tpu.wait_dma2 semaphore(%run_scoped3A : memref<!tpu.dma_semaphore, #tpu.memory_space<semaphore_mem>>) src(%arg13 : memref<128x128xf32, #tpu.memory_space<vmem>>) dst(%dma_wait3A_51 : memref<128x128xf32, #tpu.memory_space<vmem_shared>>)
          tpu.yield
        }) : () -> ()
      }
      %scan3A_13 = arith.constant 5 : i32
      %barrier3A = arith.constant 0 : index
      tpu.barrier barrier_id(%barrier3A)
      %add3A = arith.constant 0 : i32
      %add3A_14 = arith.addi %mul3A_4, %add3A : i32
      "tpu.region"() ({
        %run_scoped3A = tpu.sem_alloc : memref<!tpu.dma_semaphore, #tpu.memory_space<semaphore_mem>>
        %dma_start3A_34 = tpu.memref_slice %arg4[%add3A_14] : memref<327680xi32, #tpu.memory_space<hbm>> -> memref<128xi32, #tpu.memory_space<hbm>>
        %dma_start3A_35 = tpu.memref_slice %arg4[%add3A_14] : memref<327680xi32, #tpu.memory_space<hbm>> -> memref<128xi32, #tpu.memory_space<hbm>>
        tpu.enqueue_dma source(%dma_start3A_35 : memref<128xi32, #tpu.memory_space<hbm>>) target(%arg9 : memref<128xi32, #tpu.memory_space<vmem>>) target_semaphore(%run_scoped3A : memref<!tpu.dma_semaphore, #tpu.memory_space<semaphore_mem>>)
        %dma_wait3A_36 = tpu.memref_slice %arg4[%add3A_14] : memref<327680xi32, #tpu.memory_space<hbm>> -> memref<128xi32, #tpu.memory_space<hbm>>
        %dma_wait3A_37 = tpu.memref_slice %arg4[%add3A_14] : memref<327680xi32, #tpu.memory_space<hbm>> -> memref<128xi32, #tpu.memory_space<hbm>>
        tpu.wait_dma2 semaphore(%run_scoped3A : memref<!tpu.dma_semaphore, #tpu.memory_space<semaphore_mem>>) src(%dma_wait3A_37 : memref<128xi32, #tpu.memory_space<hbm>>) dst(%arg9 : memref<128xi32, #tpu.memory_space<vmem>>)
        tpu.yield
      }) : () -> ()
      "tpu.region"() ({
        %run_scoped3A = tpu.sem_alloc : memref<!tpu.dma_semaphore, #tpu.memory_space<semaphore_mem>>
        %dma_start3A_34 = tpu.memref_slice %arg5[%add3A_14] : memref<327680xi32, #tpu.memory_space<hbm>> -> memref<128xi32, #tpu.memory_space<hbm>>
        %dma_start3A_35 = tpu.memref_slice %arg5[%add3A_14] : memref<327680xi32, #tpu.memory_space<hbm>> -> memref<128xi32, #tpu.memory_space<hbm>>
        tpu.enqueue_dma source(%dma_start3A_35 : memref<128xi32, #tpu.memory_space<hbm>>) target(%arg11 : memref<128xi32, #tpu.memory_space<vmem>>) target_semaphore(%run_scoped3A : memref<!tpu.dma_semaphore, #tpu.memory_space<semaphore_mem>>)
        %dma_wait3A_36 = tpu.memref_slice %arg5[%add3A_14] : memref<327680xi32, #tpu.memory_space<hbm>> -> memref<128xi32, #tpu.memory_space<hbm>>
        %dma_wait3A_37 = tpu.memref_slice %arg5[%add3A_14] : memref<327680xi32, #tpu.memory_space<hbm>> -> memref<128xi32, #tpu.memory_space<hbm>>
        tpu.wait_dma2 semaphore(%run_scoped3A : memref<!tpu.dma_semaphore, #tpu.memory_space<semaphore_mem>>) src(%dma_wait3A_37 : memref<128xi32, #tpu.memory_space<hbm>>) dst(%arg11 : memref<128xi32, #tpu.memory_space<vmem>>)
        tpu.yield
      }) : () -> ()
      %dma_start3A = arith.constant 0 : i32
      %dma_start3A_15 = arith.constant 0 : i32
      %dma_start3A_16 = tpu.memref_slice %arg3[%dma_start3A, %dma_start3A_15] : memref<10240x128xf32, #tpu.memory_space<hbm>> -> memref<10240x128xf32, #tpu.memory_space<hbm>>
      %dma_start3A_17 = arith.constant -1 : i32
      tpu.enqueue_indirect_dma source(%dma_start3A_16 : memref<10240x128xf32, #tpu.memory_space<hbm>>) target(%arg13 : memref<128x128xf32, #tpu.memory_space<vmem>>) offsets(%arg9 : memref<128xi32, #tpu.memory_space<vmem>>) offset_filter(%dma_start3A_17) semaphore(%arg15 : memref<!tpu.dma_semaphore, #tpu.memory_space<semaphore_mem>>)
      %scan3A_18 = arith.constant 0 : i32
      %scan3A_19 = arith.constant 80 : i32
      %scan3A_20 = arith.addi %scan3A_18, %scan3A_19 : i32
      %scan3A_21 = arith.constant 1 : i32
      scf.for %scan3A_34 = %scan3A_18 to %scan3A_20 step %scan3A_21  : i32 {
        %mul3A_35 = arith.constant 1 : i32
        %mul3A_36 = arith.muli %scan3A_34, %mul3A_35 : i32
        %add3A_37 = arith.constant 0 : i32
        %add3A_38 = arith.addi %add3A_37, %mul3A_36 : i32
        %gt3A = arith.constant 0 : i32
        %gt3A_39 = arith.cmpi sgt, %add3A_38, %gt3A : i32
        %convert_element_type3A_40 = arith.extui %gt3A_39 : i1 to i32
        %cond3A_41 = arith.constant 0 : i32
        %cond3A_42 = arith.cmpi ne, %convert_element_type3A_40, %cond3A_41 : i32
        scf.if %cond3A_42 {
          %dma_wait3A_77 = arith.constant 0 : i32
          %dma_wait3A_78 = arith.constant 0 : i32
          %dma_wait3A_79 = tpu.memref_slice %arg8[%dma_wait3A_77, %dma_wait3A_78] : memref<10240x128xf32, #tpu.memory_space<vmem_shared>> -> memref<10240x128xf32, #tpu.memory_space<vmem_shared>>
          tpu.wait_indirect_dma semaphore(%arg18 : memref<!tpu.dma_semaphore, #tpu.memory_space<semaphore_mem>>) src(%arg14 : memref<128x128xf32, #tpu.memory_space<vmem>>) dst(%dma_wait3A_79 : memref<10240x128xf32, #tpu.memory_space<vmem_shared>>)
        } else {
        }
        %mul3A_43 = arith.constant 2 : i32
        %mul3A_44 = arith.muli %mul3A_43, %add3A_38 : i32
        %add3A_45 = arith.constant 1 : i32
        %add3A_46 = arith.addi %mul3A_44, %add3A_45 : i32
        %mul3A_47 = arith.constant 128 : i32
        %mul3A_48 = arith.muli %add3A_46, %mul3A_47 : i32
        %add3A_49 = arith.addi %mul3A_4, %mul3A_48 : i32
        "tpu.region"() ({
          %run_scoped3A = tpu.sem_alloc : memref<!tpu.dma_semaphore, #tpu.memory_space<semaphore_mem>>
          %dma_start3A_77 = tpu.memref_slice %arg4[%add3A_49] : memref<327680xi32, #tpu.memory_space<hbm>> -> memref<128xi32, #tpu.memory_space<hbm>>
          %dma_start3A_78 = tpu.memref_slice %arg4[%add3A_49] : memref<327680xi32, #tpu.memory_space<hbm>> -> memref<128xi32, #tpu.memory_space<hbm>>
          tpu.enqueue_dma source(%dma_start3A_78 : memref<128xi32, #tpu.memory_space<hbm>>) target(%arg10 : memref<128xi32, #tpu.memory_space<vmem>>) target_semaphore(%run_scoped3A : memref<!tpu.dma_semaphore, #tpu.memory_space<semaphore_mem>>)
          %dma_wait3A_79 = tpu.memref_slice %arg4[%add3A_49] : memref<327680xi32, #tpu.memory_space<hbm>> -> memref<128xi32, #tpu.memory_space<hbm>>
          %dma_wait3A_80 = tpu.memref_slice %arg4[%add3A_49] : memref<327680xi32, #tpu.memory_space<hbm>> -> memref<128xi32, #tpu.memory_space<hbm>>
          tpu.wait_dma2 semaphore(%run_scoped3A : memref<!tpu.dma_semaphore, #tpu.memory_space<semaphore_mem>>) src(%dma_wait3A_80 : memref<128xi32, #tpu.memory_space<hbm>>) dst(%arg10 : memref<128xi32, #tpu.memory_space<vmem>>)
          tpu.yield
        }) : () -> ()
        "tpu.region"() ({
          %run_scoped3A = tpu.sem_alloc : memref<!tpu.dma_semaphore, #tpu.memory_space<semaphore_mem>>
          %dma_start3A_77 = tpu.memref_slice %arg5[%add3A_49] : memref<327680xi32, #tpu.memory_space<hbm>> -> memref<128xi32, #tpu.memory_space<hbm>>
          %dma_start3A_78 = tpu.memref_slice %arg5[%add3A_49] : memref<327680xi32, #tpu.memory_space<hbm>> -> memref<128xi32, #tpu.memory_space<hbm>>
          tpu.enqueue_dma source(%dma_start3A_78 : memref<128xi32, #tpu.memory_space<hbm>>) target(%arg12 : memref<128xi32, #tpu.memory_space<vmem>>) target_semaphore(%run_scoped3A : memref<!tpu.dma_semaphore, #tpu.memory_space<semaphore_mem>>)
          %dma_wait3A_79 = tpu.memref_slice %arg5[%add3A_49] : memref<327680xi32, #tpu.memory_space<hbm>> -> memref<128xi32, #tpu.memory_space<hbm>>
          %dma_wait3A_80 = tpu.memref_slice %arg5[%add3A_49] : memref<327680xi32, #tpu.memory_space<hbm>> -> memref<128xi32, #tpu.memory_space<hbm>>
          tpu.wait_dma2 semaphore(%run_scoped3A : memref<!tpu.dma_semaphore, #tpu.memory_space<semaphore_mem>>) src(%dma_wait3A_80 : memref<128xi32, #tpu.memory_space<hbm>>) dst(%arg12 : memref<128xi32, #tpu.memory_space<vmem>>)
          tpu.yield
        }) : () -> ()
        %dma_wait3A_50 = arith.constant 0 : i32
        %dma_wait3A_51 = arith.constant 0 : i32
        %dma_wait3A_52 = tpu.memref_slice %arg3[%dma_wait3A_50, %dma_wait3A_51] : memref<10240x128xf32, #tpu.memory_space<hbm>> -> memref<10240x128xf32, #tpu.memory_space<hbm>>
        tpu.wait_indirect_dma semaphore(%arg15 : memref<!tpu.dma_semaphore, #tpu.memory_space<semaphore_mem>>) src(%dma_wait3A_52 : memref<10240x128xf32, #tpu.memory_space<hbm>>) dst(%arg13 : memref<128x128xf32, #tpu.memory_space<vmem>>)
        %dma_start3A_53 = arith.constant 0 : i32
        %dma_start3A_54 = arith.constant 0 : i32
        %dma_start3A_55 = tpu.memref_slice %arg3[%dma_start3A_53, %dma_start3A_54] : memref<10240x128xf32, #tpu.memory_space<hbm>> -> memref<10240x128xf32, #tpu.memory_space<hbm>>
        %dma_start3A_56 = arith.constant -1 : i32
        tpu.enqueue_indirect_dma source(%dma_start3A_55 : memref<10240x128xf32, #tpu.memory_space<hbm>>) target(%arg14 : memref<128x128xf32, #tpu.memory_space<vmem>>) offsets(%arg10 : memref<128xi32, #tpu.memory_space<vmem>>) offset_filter(%dma_start3A_56) semaphore(%arg16 : memref<!tpu.dma_semaphore, #tpu.memory_space<semaphore_mem>>)
        %dma_start3A_57 = arith.constant 0 : i32
        %dma_start3A_58 = arith.constant 0 : i32
        %dma_start3A_59 = tpu.memref_slice %arg8[%dma_start3A_57, %dma_start3A_58] : memref<10240x128xf32, #tpu.memory_space<vmem_shared>> -> memref<10240x128xf32, #tpu.memory_space<vmem_shared>>
        %dma_start3A_60 = arith.constant -1 : i32
        tpu.enqueue_indirect_dma source(%arg13 : memref<128x128xf32, #tpu.memory_space<vmem>>) target(%dma_start3A_59 : memref<10240x128xf32, #tpu.memory_space<vmem_shared>>) offsets(%arg11 : memref<128xi32, #tpu.memory_space<vmem>>) offset_filter(%dma_start3A_60) semaphore(%arg17 : memref<!tpu.dma_semaphore, #tpu.memory_space<semaphore_mem>>) {add = true}
        %lt3A = arith.constant 79 : i32
        %lt3A_61 = arith.cmpi slt, %add3A_38, %lt3A : i32
        %convert_element_type3A_62 = arith.extui %lt3A_61 : i1 to i32
        %cond3A_63 = arith.constant 0 : i32
        %cond3A_64 = arith.cmpi ne, %convert_element_type3A_62, %cond3A_63 : i32
        scf.if %cond3A_64 {
          %dma_wait3A_77 = arith.constant 0 : i32
          %dma_wait3A_78 = arith.constant 0 : i32
          %dma_wait3A_79 = tpu.memref_slice %arg8[%dma_wait3A_77, %dma_wait3A_78] : memref<10240x128xf32, #tpu.memory_space<vmem_shared>> -> memref<10240x128xf32, #tpu.memory_space<vmem_shared>>
          tpu.wait_indirect_dma semaphore(%arg17 : memref<!tpu.dma_semaphore, #tpu.memory_space<semaphore_mem>>) src(%arg13 : memref<128x128xf32, #tpu.memory_space<vmem>>) dst(%dma_wait3A_79 : memref<10240x128xf32, #tpu.memory_space<vmem_shared>>)
          %mul3A_80 = arith.constant 2 : i32
          %mul3A_81 = arith.muli %mul3A_80, %add3A_38 : i32
          %add3A_82 = arith.constant 2 : i32
          %add3A_83 = arith.addi %mul3A_81, %add3A_82 : i32
          %mul3A_84 = arith.constant 128 : i32
          %mul3A_85 = arith.muli %add3A_83, %mul3A_84 : i32
          %add3A_86 = arith.addi %mul3A_4, %mul3A_85 : i32
          "tpu.region"() ({
            %run_scoped3A = tpu.sem_alloc : memref<!tpu.dma_semaphore, #tpu.memory_space<semaphore_mem>>
            %dma_start3A_87 = tpu.memref_slice %arg4[%add3A_86] : memref<327680xi32, #tpu.memory_space<hbm>> -> memref<128xi32, #tpu.memory_space<hbm>>
            %dma_start3A_88 = tpu.memref_slice %arg4[%add3A_86] : memref<327680xi32, #tpu.memory_space<hbm>> -> memref<128xi32, #tpu.memory_space<hbm>>
            tpu.enqueue_dma source(%dma_start3A_88 : memref<128xi32, #tpu.memory_space<hbm>>) target(%arg9 : memref<128xi32, #tpu.memory_space<vmem>>) target_semaphore(%run_scoped3A : memref<!tpu.dma_semaphore, #tpu.memory_space<semaphore_mem>>)
            %dma_wait3A_89 = tpu.memref_slice %arg4[%add3A_86] : memref<327680xi32, #tpu.memory_space<hbm>> -> memref<128xi32, #tpu.memory_space<hbm>>
            %dma_wait3A_90 = tpu.memref_slice %arg4[%add3A_86] : memref<327680xi32, #tpu.memory_space<hbm>> -> memref<128xi32, #tpu.memory_space<hbm>>
            tpu.wait_dma2 semaphore(%run_scoped3A : memref<!tpu.dma_semaphore, #tpu.memory_space<semaphore_mem>>) src(%dma_wait3A_90 : memref<128xi32, #tpu.memory_space<hbm>>) dst(%arg9 : memref<128xi32, #tpu.memory_space<vmem>>)
            tpu.yield
          }) : () -> ()
          "tpu.region"() ({
            %run_scoped3A = tpu.sem_alloc : memref<!tpu.dma_semaphore, #tpu.memory_space<semaphore_mem>>
            %dma_start3A_87 = tpu.memref_slice %arg5[%add3A_86] : memref<327680xi32, #tpu.memory_space<hbm>> -> memref<128xi32, #tpu.memory_space<hbm>>
            %dma_start3A_88 = tpu.memref_slice %arg5[%add3A_86] : memref<327680xi32, #tpu.memory_space<hbm>> -> memref<128xi32, #tpu.memory_space<hbm>>
            tpu.enqueue_dma source(%dma_start3A_88 : memref<128xi32, #tpu.memory_space<hbm>>) target(%arg11 : memref<128xi32, #tpu.memory_space<vmem>>) target_semaphore(%run_scoped3A : memref<!tpu.dma_semaphore, #tpu.memory_space<semaphore_mem>>)
            %dma_wait3A_89 = tpu.memref_slice %arg5[%add3A_86] : memref<327680xi32, #tpu.memory_space<hbm>> -> memref<128xi32, #tpu.memory_space<hbm>>
            %dma_wait3A_90 = tpu.memref_slice %arg5[%add3A_86] : memref<327680xi32, #tpu.memory_space<hbm>> -> memref<128xi32, #tpu.memory_space<hbm>>
            tpu.wait_dma2 semaphore(%run_scoped3A : memref<!tpu.dma_semaphore, #tpu.memory_space<semaphore_mem>>) src(%dma_wait3A_90 : memref<128xi32, #tpu.memory_space<hbm>>) dst(%arg11 : memref<128xi32, #tpu.memory_space<vmem>>)
            tpu.yield
          }) : () -> ()
        } else {
        }
        %dma_wait3A_65 = arith.constant 0 : i32
        %dma_wait3A_66 = arith.constant 0 : i32
        %dma_wait3A_67 = tpu.memref_slice %arg3[%dma_wait3A_65, %dma_wait3A_66] : memref<10240x128xf32, #tpu.memory_space<hbm>> -> memref<10240x128xf32, #tpu.memory_space<hbm>>
        tpu.wait_indirect_dma semaphore(%arg16 : memref<!tpu.dma_semaphore, #tpu.memory_space<semaphore_mem>>) src(%dma_wait3A_67 : memref<10240x128xf32, #tpu.memory_space<hbm>>) dst(%arg14 : memref<128x128xf32, #tpu.memory_space<vmem>>)
        %lt3A_68 = arith.constant 79 : i32
        %lt3A_69 = arith.cmpi slt, %add3A_38, %lt3A_68 : i32
        %convert_element_type3A_70 = arith.extui %lt3A_69 : i1 to i32
        %cond3A_71 = arith.constant 0 : i32
        %cond3A_72 = arith.cmpi ne, %convert_element_type3A_70, %cond3A_71 : i32
        scf.if %cond3A_72 {
          %dma_start3A_77 = arith.constant 0 : i32
          %dma_start3A_78 = arith.constant 0 : i32
          %dma_start3A_79 = tpu.memref_slice %arg3[%dma_start3A_77, %dma_start3A_78] : memref<10240x128xf32, #tpu.memory_space<hbm>> -> memref<10240x128xf32, #tpu.memory_space<hbm>>
          %dma_start3A_80 = arith.constant -1 : i32
          tpu.enqueue_indirect_dma source(%dma_start3A_79 : memref<10240x128xf32, #tpu.memory_space<hbm>>) target(%arg13 : memref<128x128xf32, #tpu.memory_space<vmem>>) offsets(%arg9 : memref<128xi32, #tpu.memory_space<vmem>>) offset_filter(%dma_start3A_80) semaphore(%arg15 : memref<!tpu.dma_semaphore, #tpu.memory_space<semaphore_mem>>)
        } else {
        }
        %dma_start3A_73 = arith.constant 0 : i32
        %dma_start3A_74 = arith.constant 0 : i32
        %dma_start3A_75 = tpu.memref_slice %arg8[%dma_start3A_73, %dma_start3A_74] : memref<10240x128xf32, #tpu.memory_space<vmem_shared>> -> memref<10240x128xf32, #tpu.memory_space<vmem_shared>>
        %dma_start3A_76 = arith.constant -1 : i32
        tpu.enqueue_indirect_dma source(%arg14 : memref<128x128xf32, #tpu.memory_space<vmem>>) target(%dma_start3A_75 : memref<10240x128xf32, #tpu.memory_space<vmem_shared>>) offsets(%arg12 : memref<128xi32, #tpu.memory_space<vmem>>) offset_filter(%dma_start3A_76) semaphore(%arg18 : memref<!tpu.dma_semaphore, #tpu.memory_space<semaphore_mem>>) {add = true}
      }
      %scan3A_22 = arith.constant 80 : i32
      %dma_wait3A = arith.constant 0 : i32
      %dma_wait3A_23 = arith.constant 0 : i32
      %dma_wait3A_24 = tpu.memref_slice %arg8[%dma_wait3A, %dma_wait3A_23] : memref<10240x128xf32, #tpu.memory_space<vmem_shared>> -> memref<10240x128xf32, #tpu.memory_space<vmem_shared>>
      tpu.wait_indirect_dma semaphore(%arg17 : memref<!tpu.dma_semaphore, #tpu.memory_space<semaphore_mem>>) src(%arg13 : memref<128x128xf32, #tpu.memory_space<vmem>>) dst(%dma_wait3A_24 : memref<10240x128xf32, #tpu.memory_space<vmem_shared>>)
      %dma_wait3A_25 = arith.constant 0 : i32
      %dma_wait3A_26 = arith.constant 0 : i32
      %dma_wait3A_27 = tpu.memref_slice %arg8[%dma_wait3A_25, %dma_wait3A_26] : memref<10240x128xf32, #tpu.memory_space<vmem_shared>> -> memref<10240x128xf32, #tpu.memory_space<vmem_shared>>
      tpu.wait_indirect_dma semaphore(%arg18 : memref<!tpu.dma_semaphore, #tpu.memory_space<semaphore_mem>>) src(%arg14 : memref<128x128xf32, #tpu.memory_space<vmem>>) dst(%dma_wait3A_27 : memref<10240x128xf32, #tpu.memory_space<vmem_shared>>)
      %barrier3A_28 = arith.constant 0 : index
      tpu.barrier barrier_id(%barrier3A_28)
      %scan3A_29 = arith.constant 0 : i32
      %scan3A_30 = arith.constant 5 : i32
      %scan3A_31 = arith.addi %scan3A_29, %scan3A_30 : i32
      %scan3A_32 = arith.constant 1 : i32
      scf.for %scan3A_34 = %scan3A_29 to %scan3A_31 step %scan3A_32  : i32 {
        %mul3A_35 = arith.constant 1 : i32
        %mul3A_36 = arith.muli %scan3A_34, %mul3A_35 : i32
        %add3A_37 = arith.constant 0 : i32
        %add3A_38 = arith.addi %add3A_37, %mul3A_36 : i32
        %mul3A_39 = arith.constant 640 : i32
        %mul3A_40 = arith.muli %arg1, %mul3A_39 : i32
        %mul3A_41 = arith.constant 128 : i32
        %mul3A_42 = arith.muli %add3A_38, %mul3A_41 : i32
        %add3A_43 = arith.addi %mul3A_40, %mul3A_42 : i32
        "tpu.region"() ({
          %run_scoped3A = tpu.sem_alloc : memref<!tpu.dma_semaphore, #tpu.memory_space<semaphore_mem>>
          %dma_start3A_44 = arith.constant 0 : i32
          %dma_start3A_45 = tpu.memref_slice %arg8[%add3A_43, %dma_start3A_44] : memref<10240x128xf32, #tpu.memory_space<vmem_shared>> -> memref<128x128xf32, #tpu.memory_space<vmem_shared>>
          %dma_start3A_46 = arith.constant 0 : i32
          %dma_start3A_47 = tpu.memref_slice %arg8[%add3A_43, %dma_start3A_46] : memref<10240x128xf32, #tpu.memory_space<vmem_shared>> -> memref<128x128xf32, #tpu.memory_space<vmem_shared>>
          tpu.enqueue_dma source(%dma_start3A_47 : memref<128x128xf32, #tpu.memory_space<vmem_shared>>) target(%arg13 : memref<128x128xf32, #tpu.memory_space<vmem>>) target_semaphore(%run_scoped3A : memref<!tpu.dma_semaphore, #tpu.memory_space<semaphore_mem>>)
          %dma_wait3A_48 = arith.constant 0 : i32
          %dma_wait3A_49 = tpu.memref_slice %arg8[%add3A_43, %dma_wait3A_48] : memref<10240x128xf32, #tpu.memory_space<vmem_shared>> -> memref<128x128xf32, #tpu.memory_space<vmem_shared>>
          %dma_wait3A_50 = arith.constant 0 : i32
          %dma_wait3A_51 = tpu.memref_slice %arg8[%add3A_43, %dma_wait3A_50] : memref<10240x128xf32, #tpu.memory_space<vmem_shared>> -> memref<128x128xf32, #tpu.memory_space<vmem_shared>>
          tpu.wait_dma2 semaphore(%run_scoped3A : memref<!tpu.dma_semaphore, #tpu.memory_space<semaphore_mem>>) src(%dma_wait3A_51 : memref<128x128xf32, #tpu.memory_space<vmem_shared>>) dst(%arg13 : memref<128x128xf32, #tpu.memory_space<vmem>>)
          tpu.yield
        }) : () -> ()
        "tpu.region"() ({
          %run_scoped3A = tpu.sem_alloc : memref<!tpu.dma_semaphore, #tpu.memory_space<semaphore_mem>>
          %dma_start3A_44 = arith.constant 0 : i32
          %dma_start3A_45 = tpu.memref_slice %arg7[%add3A_43, %dma_start3A_44] : memref<10240x128xf32, #tpu.memory_space<hbm>> -> memref<128x128xf32, #tpu.memory_space<hbm>>
          %dma_start3A_46 = arith.constant 0 : i32
          %dma_start3A_47 = tpu.memref_slice %arg7[%add3A_43, %dma_start3A_46] : memref<10240x128xf32, #tpu.memory_space<hbm>> -> memref<128x128xf32, #tpu.memory_space<hbm>>
          tpu.enqueue_dma source(%arg13 : memref<128x128xf32, #tpu.memory_space<vmem>>) target(%dma_start3A_47 : memref<128x128xf32, #tpu.memory_space<hbm>>) target_semaphore(%run_scoped3A : memref<!tpu.dma_semaphore, #tpu.memory_space<semaphore_mem>>)
          %dma_wait3A_48 = arith.constant 0 : i32
          %dma_wait3A_49 = tpu.memref_slice %arg7[%add3A_43, %dma_wait3A_48] : memref<10240x128xf32, #tpu.memory_space<hbm>> -> memref<128x128xf32, #tpu.memory_space<hbm>>
          %dma_wait3A_50 = arith.constant 0 : i32
          %dma_wait3A_51 = tpu.memref_slice %arg7[%add3A_43, %dma_wait3A_50] : memref<10240x128xf32, #tpu.memory_space<hbm>> -> memref<128x128xf32, #tpu.memory_space<hbm>>
          tpu.wait_dma2 semaphore(%run_scoped3A : memref<!tpu.dma_semaphore, #tpu.memory_space<semaphore_mem>>) src(%arg13 : memref<128x128xf32, #tpu.memory_space<vmem>>) dst(%dma_wait3A_51 : memref<128x128xf32, #tpu.memory_space<hbm>>)
          tpu.yield
        }) : () -> ()
      }
      %scan3A_33 = arith.constant 5 : i32
    } else {
    }
    return
  }
}

module attributes {stable_mosaic.version = 14 : i64} {
  func.func @body(%arg0: i32, %arg1: memref<640x2xf32, #tpu.memory_space<vmem>>, %arg2: memref<640x128xf32, #tpu.memory_space<vmem>>, %arg3: memref<640x1xf32, #tpu.memory_space<vmem>>, %arg4: memref<640x128xf32, #tpu.memory_space<vmem>>) attributes {dimension_semantics = [#tpu.dimension_semantics<arbitrary>], iteration_bounds = array<i64: 16>, scalar_prefetch = 0 : i64, scratch_operands = 0 : i64, tpu.core_type = #tpu.core_type<tc>, window_params = [{transform_indices = @transform_0, window_bounds = array<i64: 640, 2>}, {transform_indices = @transform_1, window_bounds = array<i64: 640, 128>}, {transform_indices = @transform_2, window_bounds = array<i64: 640, 1>}, {transform_indices = @transform_3, window_bounds = array<i64: 640, 128>}]} {
    %get3A = arith.constant 0 : index
    %get3A_0 = arith.constant 0 : index
    %get3A_1 = vector.load %arg1[%get3A, %get3A_0] : memref<640x2xf32, #tpu.memory_space<vmem>>, vector<640x2xf32>
    %reduce_sum3A = arith.constant dense<0.000000e+00> : vector<640xf32>
    %reduce_sum3A_2 = vector.multi_reduction <add>, %get3A_1, %reduce_sum3A [1] : vector<640x2xf32> to vector<640xf32>
    %broadcast_in_dim3A = vector.shape_cast %reduce_sum3A_2 : vector<640xf32> to vector<640x1xf32>
    %add3A = arith.constant 1.000000e+00 : f32
    %add3A_3 = vector.broadcast %add3A : f32 to vector<640x1xf32>
    %add3A_4 = arith.addf %broadcast_in_dim3A, %add3A_3 : vector<640x1xf32>
    %rsqrt3A = math.rsqrt %add3A_4 : vector<640x1xf32>
    %swap3A = arith.constant 0 : index
    %swap3A_5 = arith.constant 0 : index
    %swap3A_6 = vector.load %arg3[%swap3A, %swap3A_5] : memref<640x1xf32, #tpu.memory_space<vmem>>, vector<640x1xf32>
    tpu.vector_store %arg3[%swap3A, %swap3A_5], %rsqrt3A {strides = array<i32>} : memref<640x1xf32, #tpu.memory_space<vmem>>, vector<640x1xf32>,
    %get3A_7 = arith.constant 0 : index
    %get3A_8 = arith.constant 0 : index
    %get3A_9 = vector.load %arg2[%get3A_7, %get3A_8] : memref<640x128xf32, #tpu.memory_space<vmem>>, vector<640x128xf32>
    %mul3A = vector.broadcast %rsqrt3A : vector<640x1xf32> to vector<640x128xf32>
    %mul3A_10 = arith.mulf %get3A_9, %mul3A : vector<640x128xf32>
    %swap3A_11 = arith.constant 0 : index
    %swap3A_12 = arith.constant 0 : index
    %swap3A_13 = vector.load %arg4[%swap3A_11, %swap3A_12] : memref<640x128xf32, #tpu.memory_space<vmem>>, vector<640x128xf32>
    tpu.vector_store %arg4[%swap3A_11, %swap3A_12], %mul3A_10 {strides = array<i32>} : memref<640x128xf32, #tpu.memory_space<vmem>>, vector<640x128xf32>,
    return
  }
  func.func @transform_0(%arg0: i32) -> (i32, i32) {
    %c0_i32 = arith.constant 0 : i32
    %c0_i32_0 = arith.constant 0 : i32
    return %arg0, %c0_i32 : i32, i32
  }
  func.func @transform_1(%arg0: i32) -> (i32, i32) {
    %c0_i32 = arith.constant 0 : i32
    %c0_i32_0 = arith.constant 0 : i32
    return %arg0, %c0_i32 : i32, i32
  }
  func.func @transform_2(%arg0: i32) -> (i32, i32) {
    %c0_i32 = arith.constant 0 : i32
    %c0_i32_0 = arith.constant 0 : i32
    return %arg0, %c0_i32 : i32, i32
  }
  func.func @transform_3(%arg0: i32) -> (i32, i32) {
    %c0_i32 = arith.constant 0 : i32
    %c0_i32_0 = arith.constant 0 : i32
    return %arg0, %c0_i32 : i32, i32
  }
}

module attributes {stable_mosaic.version = 14 : i64} {
  func.func @body(%arg0: i32, %arg1: memref<640x128xf32, #tpu.memory_space<vmem>>, %arg2: memref<640x128xf32, #tpu.memory_space<vmem>>, %arg3: memref<640x1xf32, #tpu.memory_space<vmem>>, %arg4: memref<128x256xf32, #tpu.memory_space<vmem>>, %arg5: memref<1x256xf32, #tpu.memory_space<vmem>>, %arg6: memref<640x128xf32, #tpu.memory_space<vmem>>, %arg7: memref<640x128xf32, #tpu.memory_space<vmem>>) attributes {dimension_semantics = [#tpu.dimension_semantics<arbitrary>], iteration_bounds = array<i64: 16>, scalar_prefetch = 0 : i64, scratch_operands = 0 : i64, tpu.core_type = #tpu.core_type<tc>, window_params = [{transform_indices = @transform_0, window_bounds = array<i64: 640, 128>}, {transform_indices = @transform_1, window_bounds = array<i64: 640, 128>}, {transform_indices = @transform_2, window_bounds = array<i64: 640, 1>}, {pipeline_mode = #tpu.pipeline_mode<synchronous>, transform_indices = @transform_3, window_bounds = array<i64: 128, 256>}, {pipeline_mode = #tpu.pipeline_mode<synchronous>, transform_indices = @transform_4, window_bounds = array<i64: 1, 256>}, {transform_indices = @transform_5, window_bounds = array<i64: 640, 128>}, {transform_indices = @transform_6, window_bounds = array<i64: 640, 128>}]} {
    %get3A = arith.constant 0 : index
    %get3A_0 = arith.constant 0 : index
    %get3A_1 = vector.load %arg3[%get3A, %get3A_0] : memref<640x1xf32, #tpu.memory_space<vmem>>, vector<640x1xf32>
    %get3A_2 = arith.constant 0 : index
    %get3A_3 = arith.constant 0 : index
    %get3A_4 = vector.load %arg4[%get3A_2, %get3A_3] : memref<128x256xf32, #tpu.memory_space<vmem>>, vector<128x256xf32>
    %get3A_5 = arith.constant 0 : index
    %get3A_6 = arith.constant 0 : index
    %get3A_7 = vector.load %arg1[%get3A_5, %get3A_6] : memref<640x128xf32, #tpu.memory_space<vmem>>, vector<640x128xf32>
    %get3A_8 = arith.constant 0 : index
    %get3A_9 = arith.constant 0 : index
    %get3A_10 = vector.load %arg2[%get3A_8, %get3A_9] : memref<640x128xf32, #tpu.memory_space<vmem>>, vector<640x128xf32>
    %add3A = arith.addf %get3A_7, %get3A_10 : vector<640x128xf32>
    %mul3A = vector.broadcast %get3A_1 : vector<640x1xf32> to vector<640x128xf32>
    %mul3A_11 = arith.mulf %add3A, %mul3A : vector<640x128xf32>
    %dot_general3A = arith.constant dense<0.000000e+00> : vector<640x256xf32>
    %dot_general3A_12 = tpu.matmul %mul3A_11, %get3A_4, %dot_general3A {dimension_numbers = #tpu.dot_dimension_numbers<[1], [0], [0], [1], [0, 0, 1, 1], [], []>, transpose_lhs_hint = false} : vector<640x128xf32>, vector<128x256xf32>, vector<640x256xf32> -> vector<640x256xf32>
    %get3A_13 = arith.constant 0 : index
    %get3A_14 = arith.constant 0 : index
    %get3A_15 = vector.load %arg5[%get3A_13, %get3A_14] : memref<1x256xf32, #tpu.memory_space<vmem>>, vector<1x256xf32>
    %add3A_16 = vector.broadcast %get3A_15 : vector<1x256xf32> to vector<640x256xf32>
    %add3A_17 = arith.addf %dot_general3A_12, %add3A_16 : vector<640x256xf32>
    %neg3A = arith.constant 0.000000e+00 : f32
    %neg3A_18 = vector.broadcast %neg3A : f32 to vector<640x256xf32>
    %neg3A_19 = arith.subf %neg3A_18, %add3A_17 : vector<640x256xf32>
    %exp3A = math.exp %neg3A_19 : vector<640x256xf32>
    %add3A_20 = arith.constant 1.000000e+00 : f32
    %add3A_21 = vector.broadcast %add3A_20 : f32 to vector<640x256xf32>
    %add3A_22 = arith.addf %add3A_21, %exp3A : vector<640x256xf32>
    %div3A = arith.constant 1.000000e+00 : f32
    %div3A_23 = vector.broadcast %div3A : f32 to vector<640x256xf32>
    %div3A_24 = arith.divf %div3A_23, %add3A_22 : vector<640x256xf32>
    %mul3A_25 = arith.mulf %add3A_17, %div3A_24 : vector<640x256xf32>
    %mul3A_26 = vector.broadcast %get3A_1 : vector<640x1xf32> to vector<640x256xf32>
    %mul3A_27 = arith.mulf %mul3A_25, %mul3A_26 : vector<640x256xf32>
    %slice3A = vector.extract_strided_slice %mul3A_27 {offsets = [0, 0], sizes = [640, 128], strides = [1, 1]} : vector<640x256xf32> to vector<640x128xf32>
    %swap3A = arith.constant 0 : index
    %swap3A_28 = arith.constant 0 : index
    %swap3A_29 = vector.load %arg6[%swap3A, %swap3A_28] : memref<640x128xf32, #tpu.memory_space<vmem>>, vector<640x128xf32>
    tpu.vector_store %arg6[%swap3A, %swap3A_28], %slice3A {strides = array<i32>} : memref<640x128xf32, #tpu.memory_space<vmem>>, vector<640x128xf32>,
    %slice3A_30 = vector.extract_strided_slice %mul3A_27 {offsets = [0, 128], sizes = [640, 128], strides = [1, 1]} : vector<640x256xf32> to vector<640x128xf32>
    %swap3A_31 = arith.constant 0 : index
    %swap3A_32 = arith.constant 0 : index
    %swap3A_33 = vector.load %arg7[%swap3A_31, %swap3A_32] : memref<640x128xf32, #tpu.memory_space<vmem>>, vector<640x128xf32>
    tpu.vector_store %arg7[%swap3A_31, %swap3A_32], %slice3A_30 {strides = array<i32>} : memref<640x128xf32, #tpu.memory_space<vmem>>, vector<640x128xf32>,
    return
  }
  func.func @transform_0(%arg0: i32) -> (i32, i32) {
    %c0_i32 = arith.constant 0 : i32
    %c0_i32_0 = arith.constant 0 : i32
    return %arg0, %c0_i32 : i32, i32
  }
  func.func @transform_1(%arg0: i32) -> (i32, i32) {
    %c0_i32 = arith.constant 0 : i32
    %c0_i32_0 = arith.constant 0 : i32
    return %arg0, %c0_i32 : i32, i32
  }
  func.func @transform_2(%arg0: i32) -> (i32, i32) {
    %c0_i32 = arith.constant 0 : i32
    %c0_i32_0 = arith.constant 0 : i32
    return %arg0, %c0_i32 : i32, i32
  }
  func.func @transform_3(%arg0: i32) -> (i32, i32) {
    %c0_i32 = arith.constant 0 : i32
    %c0_i32_0 = arith.constant 0 : i32
    %c0_i32_1 = arith.constant 0 : i32
    return %c0_i32, %c0_i32_0 : i32, i32
  }
  func.func @transform_4(%arg0: i32) -> (i32, i32) {
    %c0_i32 = arith.constant 0 : i32
    %c0_i32_0 = arith.constant 0 : i32
    %c0_i32_1 = arith.constant 0 : i32
    return %c0_i32, %c0_i32_0 : i32, i32
  }
  func.func @transform_5(%arg0: i32) -> (i32, i32) {
    %c0_i32 = arith.constant 0 : i32
    %c0_i32_0 = arith.constant 0 : i32
    return %arg0, %c0_i32 : i32, i32
  }
  func.func @transform_6(%arg0: i32) -> (i32, i32) {
    %c0_i32 = arith.constant 0 : i32
    %c0_i32_0 = arith.constant 0 : i32
    return %arg0, %c0_i32 : i32, i32
  }
}

module attributes {stable_mosaic.version = 14 : i64} {
  func.func @body(%arg0: i32, %arg1: memref<640x128xf32, #tpu.memory_space<vmem>>, %arg2: memref<640x128xf32, #tpu.memory_space<vmem>>, %arg3: memref<640x1xf32, #tpu.memory_space<vmem>>, %arg4: memref<256x256xf32, #tpu.memory_space<vmem>>, %arg5: memref<1x256xf32, #tpu.memory_space<vmem>>, %arg6: memref<640x128xf32, #tpu.memory_space<vmem>>, %arg7: memref<640x128xf32, #tpu.memory_space<vmem>>) attributes {dimension_semantics = [#tpu.dimension_semantics<arbitrary>], iteration_bounds = array<i64: 16>, scalar_prefetch = 0 : i64, scratch_operands = 0 : i64, tpu.core_type = #tpu.core_type<tc>, window_params = [{transform_indices = @transform_0, window_bounds = array<i64: 640, 128>}, {transform_indices = @transform_1, window_bounds = array<i64: 640, 128>}, {transform_indices = @transform_2, window_bounds = array<i64: 640, 1>}, {pipeline_mode = #tpu.pipeline_mode<synchronous>, transform_indices = @transform_3, window_bounds = array<i64: 256, 256>}, {pipeline_mode = #tpu.pipeline_mode<synchronous>, transform_indices = @transform_4, window_bounds = array<i64: 1, 256>}, {transform_indices = @transform_5, window_bounds = array<i64: 640, 128>}, {transform_indices = @transform_6, window_bounds = array<i64: 640, 128>}]} {
    %get3A = arith.constant 0 : index
    %get3A_0 = arith.constant 0 : index
    %get3A_1 = vector.load %arg3[%get3A, %get3A_0] : memref<640x1xf32, #tpu.memory_space<vmem>>, vector<640x1xf32>
    %get3A_2 = arith.constant 0 : index
    %get3A_3 = arith.constant 0 : index
    %get3A_4 = vector.load %arg4[%get3A_2, %get3A_3] : memref<256x256xf32, #tpu.memory_space<vmem>>, vector<256x256xf32>
    %get3A_5 = arith.constant 0 : index
    %get3A_6 = arith.constant 0 : index
    %get3A_7 = vector.load %arg1[%get3A_5, %get3A_6] : memref<640x128xf32, #tpu.memory_space<vmem>>, vector<640x128xf32>
    %mul3A = vector.broadcast %get3A_1 : vector<640x1xf32> to vector<640x128xf32>
    %mul3A_8 = arith.mulf %get3A_7, %mul3A : vector<640x128xf32>
    %get3A_9 = arith.constant 0 : index
    %get3A_10 = arith.constant 0 : index
    %get3A_11 = vector.load %arg2[%get3A_9, %get3A_10] : memref<640x128xf32, #tpu.memory_space<vmem>>, vector<640x128xf32>
    %mul3A_12 = vector.broadcast %get3A_1 : vector<640x1xf32> to vector<640x128xf32>
    %mul3A_13 = arith.mulf %get3A_11, %mul3A_12 : vector<640x128xf32>
    %slice3A = vector.extract_strided_slice %get3A_4 {offsets = [0, 0], sizes = [128, 256], strides = [1, 1]} : vector<256x256xf32> to vector<128x256xf32>
    %dot_general3A = arith.constant dense<0.000000e+00> : vector<640x256xf32>
    %dot_general3A_14 = tpu.matmul %mul3A_8, %slice3A, %dot_general3A {dimension_numbers = #tpu.dot_dimension_numbers<[1], [0], [0], [1], [0, 0, 1, 1], [], []>, transpose_lhs_hint = false} : vector<640x128xf32>, vector<128x256xf32>, vector<640x256xf32> -> vector<640x256xf32>
    %slice3A_15 = vector.extract_strided_slice %get3A_4 {offsets = [128, 0], sizes = [128, 256], strides = [1, 1]} : vector<256x256xf32> to vector<128x256xf32>
    %dot_general3A_16 = arith.constant dense<0.000000e+00> : vector<640x256xf32>
    %dot_general3A_17 = tpu.matmul %mul3A_13, %slice3A_15, %dot_general3A_16 {dimension_numbers = #tpu.dot_dimension_numbers<[1], [0], [0], [1], [0, 0, 1, 1], [], []>, transpose_lhs_hint = false} : vector<640x128xf32>, vector<128x256xf32>, vector<640x256xf32> -> vector<640x256xf32>
    %add3A = arith.addf %dot_general3A_14, %dot_general3A_17 : vector<640x256xf32>
    %get3A_18 = arith.constant 0 : index
    %get3A_19 = arith.constant 0 : index
    %get3A_20 = vector.load %arg5[%get3A_18, %get3A_19] : memref<1x256xf32, #tpu.memory_space<vmem>>, vector<1x256xf32>
    %add3A_21 = vector.broadcast %get3A_20 : vector<1x256xf32> to vector<640x256xf32>
    %add3A_22 = arith.addf %add3A, %add3A_21 : vector<640x256xf32>
    %neg3A = arith.constant 0.000000e+00 : f32
    %neg3A_23 = vector.broadcast %neg3A : f32 to vector<640x256xf32>
    %neg3A_24 = arith.subf %neg3A_23, %add3A_22 : vector<640x256xf32>
    %exp3A = math.exp %neg3A_24 : vector<640x256xf32>
    %add3A_25 = arith.constant 1.000000e+00 : f32
    %add3A_26 = vector.broadcast %add3A_25 : f32 to vector<640x256xf32>
    %add3A_27 = arith.addf %add3A_26, %exp3A : vector<640x256xf32>
    %div3A = arith.constant 1.000000e+00 : f32
    %div3A_28 = vector.broadcast %div3A : f32 to vector<640x256xf32>
    %div3A_29 = arith.divf %div3A_28, %add3A_27 : vector<640x256xf32>
    %mul3A_30 = arith.mulf %add3A_22, %div3A_29 : vector<640x256xf32>
    %mul3A_31 = vector.broadcast %get3A_1 : vector<640x1xf32> to vector<640x256xf32>
    %mul3A_32 = arith.mulf %mul3A_30, %mul3A_31 : vector<640x256xf32>
    %slice3A_33 = vector.extract_strided_slice %mul3A_32 {offsets = [0, 0], sizes = [640, 128], strides = [1, 1]} : vector<640x256xf32> to vector<640x128xf32>
    %swap3A = arith.constant 0 : index
    %swap3A_34 = arith.constant 0 : index
    %swap3A_35 = vector.load %arg6[%swap3A, %swap3A_34] : memref<640x128xf32, #tpu.memory_space<vmem>>, vector<640x128xf32>
    tpu.vector_store %arg6[%swap3A, %swap3A_34], %slice3A_33 {strides = array<i32>} : memref<640x128xf32, #tpu.memory_space<vmem>>, vector<640x128xf32>,
    %slice3A_36 = vector.extract_strided_slice %mul3A_32 {offsets = [0, 128], sizes = [640, 128], strides = [1, 1]} : vector<640x256xf32> to vector<640x128xf32>
    %swap3A_37 = arith.constant 0 : index
    %swap3A_38 = arith.constant 0 : index
    %swap3A_39 = vector.load %arg7[%swap3A_37, %swap3A_38] : memref<640x128xf32, #tpu.memory_space<vmem>>, vector<640x128xf32>
    tpu.vector_store %arg7[%swap3A_37, %swap3A_38], %slice3A_36 {strides = array<i32>} : memref<640x128xf32, #tpu.memory_space<vmem>>, vector<640x128xf32>,
    return
  }
  func.func @transform_0(%arg0: i32) -> (i32, i32) {
    %c0_i32 = arith.constant 0 : i32
    %c0_i32_0 = arith.constant 0 : i32
    return %arg0, %c0_i32 : i32, i32
  }
  func.func @transform_1(%arg0: i32) -> (i32, i32) {
    %c0_i32 = arith.constant 0 : i32
    %c0_i32_0 = arith.constant 0 : i32
    return %arg0, %c0_i32 : i32, i32
  }
  func.func @transform_2(%arg0: i32) -> (i32, i32) {
    %c0_i32 = arith.constant 0 : i32
    %c0_i32_0 = arith.constant 0 : i32
    return %arg0, %c0_i32 : i32, i32
  }
  func.func @transform_3(%arg0: i32) -> (i32, i32) {
    %c0_i32 = arith.constant 0 : i32
    %c0_i32_0 = arith.constant 0 : i32
    %c0_i32_1 = arith.constant 0 : i32
    return %c0_i32, %c0_i32_0 : i32, i32
  }
  func.func @transform_4(%arg0: i32) -> (i32, i32) {
    %c0_i32 = arith.constant 0 : i32
    %c0_i32_0 = arith.constant 0 : i32
    %c0_i32_1 = arith.constant 0 : i32
    return %c0_i32, %c0_i32_0 : i32, i32
  }
  func.func @transform_5(%arg0: i32) -> (i32, i32) {
    %c0_i32 = arith.constant 0 : i32
    %c0_i32_0 = arith.constant 0 : i32
    return %arg0, %c0_i32 : i32, i32
  }
  func.func @transform_6(%arg0: i32) -> (i32, i32) {
    %c0_i32 = arith.constant 0 : i32
    %c0_i32_0 = arith.constant 0 : i32
    return %arg0, %c0_i32 : i32, i32
  }
}

module attributes {stable_mosaic.version = 14 : i64} {
  func.func @body(%arg0: i32, %arg1: memref<640x128xf32, #tpu.memory_space<vmem>>, %arg2: memref<640x128xf32, #tpu.memory_space<vmem>>, %arg3: memref<640x1xf32, #tpu.memory_space<vmem>>, %arg4: memref<256x64xf32, #tpu.memory_space<vmem>>, %arg5: memref<1x64xf32, #tpu.memory_space<vmem>>, %arg6: memref<256x64xf32, #tpu.memory_space<vmem>>, %arg7: memref<1x64xf32, #tpu.memory_space<vmem>>, %arg8: memref<640x64xf32, #tpu.memory_space<vmem>>, %arg9: memref<640x64xf32, #tpu.memory_space<vmem>>) attributes {dimension_semantics = [#tpu.dimension_semantics<arbitrary>], iteration_bounds = array<i64: 16>, scalar_prefetch = 0 : i64, scratch_operands = 0 : i64, tpu.core_type = #tpu.core_type<tc>, window_params = [{transform_indices = @transform_0, window_bounds = array<i64: 640, 128>}, {transform_indices = @transform_1, window_bounds = array<i64: 640, 128>}, {transform_indices = @transform_2, window_bounds = array<i64: 640, 1>}, {pipeline_mode = #tpu.pipeline_mode<synchronous>, transform_indices = @transform_3, window_bounds = array<i64: 256, 64>}, {pipeline_mode = #tpu.pipeline_mode<synchronous>, transform_indices = @transform_4, window_bounds = array<i64: 1, 64>}, {pipeline_mode = #tpu.pipeline_mode<synchronous>, transform_indices = @transform_5, window_bounds = array<i64: 256, 64>}, {pipeline_mode = #tpu.pipeline_mode<synchronous>, transform_indices = @transform_6, window_bounds = array<i64: 1, 64>}, {transform_indices = @transform_7, window_bounds = array<i64: 640, 64>}, {transform_indices = @transform_8, window_bounds = array<i64: 640, 64>}]} {
    %get3A = arith.constant 0 : index
    %get3A_0 = arith.constant 0 : index
    %get3A_1 = vector.load %arg3[%get3A, %get3A_0] : memref<640x1xf32, #tpu.memory_space<vmem>>, vector<640x1xf32>
    %get3A_2 = arith.constant 0 : index
    %get3A_3 = arith.constant 0 : index
    %get3A_4 = vector.load %arg1[%get3A_2, %get3A_3] : memref<640x128xf32, #tpu.memory_space<vmem>>, vector<640x128xf32>
    %mul3A = vector.broadcast %get3A_1 : vector<640x1xf32> to vector<640x128xf32>
    %mul3A_5 = arith.mulf %get3A_4, %mul3A : vector<640x128xf32>
    %get3A_6 = arith.constant 0 : index
    %get3A_7 = arith.constant 0 : index
    %get3A_8 = vector.load %arg2[%get3A_6, %get3A_7] : memref<640x128xf32, #tpu.memory_space<vmem>>, vector<640x128xf32>
    %mul3A_9 = vector.broadcast %get3A_1 : vector<640x1xf32> to vector<640x128xf32>
    %mul3A_10 = arith.mulf %get3A_8, %mul3A_9 : vector<640x128xf32>
    %get3A_11 = arith.constant 0 : index
    %get3A_12 = arith.constant 0 : index
    %get3A_13 = vector.load %arg4[%get3A_11, %get3A_12] : memref<256x64xf32, #tpu.memory_space<vmem>>, vector<256x64xf32>
    %get3A_14 = arith.constant 0 : index
    %get3A_15 = arith.constant 0 : index
    %get3A_16 = vector.load %arg6[%get3A_14, %get3A_15] : memref<256x64xf32, #tpu.memory_space<vmem>>, vector<256x64xf32>
    %slice3A = vector.extract_strided_slice %get3A_13 {offsets = [0, 0], sizes = [128, 64], strides = [1, 1]} : vector<256x64xf32> to vector<128x64xf32>
    %dot_general3A = arith.constant dense<0.000000e+00> : vector<640x64xf32>
    %dot_general3A_17 = tpu.matmul %mul3A_5, %slice3A, %dot_general3A {dimension_numbers = #tpu.dot_dimension_numbers<[1], [0], [0], [1], [0, 0, 1, 1], [], []>, transpose_lhs_hint = false} : vector<640x128xf32>, vector<128x64xf32>, vector<640x64xf32> -> vector<640x64xf32>
    %slice3A_18 = vector.extract_strided_slice %get3A_13 {offsets = [128, 0], sizes = [128, 64], strides = [1, 1]} : vector<256x64xf32> to vector<128x64xf32>
    %dot_general3A_19 = arith.constant dense<0.000000e+00> : vector<640x64xf32>
    %dot_general3A_20 = tpu.matmul %mul3A_10, %slice3A_18, %dot_general3A_19 {dimension_numbers = #tpu.dot_dimension_numbers<[1], [0], [0], [1], [0, 0, 1, 1], [], []>, transpose_lhs_hint = false} : vector<640x128xf32>, vector<128x64xf32>, vector<640x64xf32> -> vector<640x64xf32>
    %add3A = arith.addf %dot_general3A_17, %dot_general3A_20 : vector<640x64xf32>
    %get3A_21 = arith.constant 0 : index
    %get3A_22 = arith.constant 0 : index
    %get3A_23 = vector.load %arg5[%get3A_21, %get3A_22] : memref<1x64xf32, #tpu.memory_space<vmem>>, vector<1x64xf32>
    %add3A_24 = vector.broadcast %get3A_23 : vector<1x64xf32> to vector<640x64xf32>
    %add3A_25 = arith.addf %add3A, %add3A_24 : vector<640x64xf32>
    %swap3A = arith.constant 0 : index
    %swap3A_26 = arith.constant 0 : index
    %swap3A_27 = vector.load %arg8[%swap3A, %swap3A_26] : memref<640x64xf32, #tpu.memory_space<vmem>>, vector<640x64xf32>
    tpu.vector_store %arg8[%swap3A, %swap3A_26], %add3A_25 {strides = array<i32>} : memref<640x64xf32, #tpu.memory_space<vmem>>, vector<640x64xf32>,
    %slice3A_28 = vector.extract_strided_slice %get3A_16 {offsets = [0, 0], sizes = [128, 64], strides = [1, 1]} : vector<256x64xf32> to vector<128x64xf32>
    %dot_general3A_29 = arith.constant dense<0.000000e+00> : vector<640x64xf32>
    %dot_general3A_30 = tpu.matmul %mul3A_5, %slice3A_28, %dot_general3A_29 {dimension_numbers = #tpu.dot_dimension_numbers<[1], [0], [0], [1], [0, 0, 1, 1], [], []>, transpose_lhs_hint = false} : vector<640x128xf32>, vector<128x64xf32>, vector<640x64xf32> -> vector<640x64xf32>
    %slice3A_31 = vector.extract_strided_slice %get3A_16 {offsets = [128, 0], sizes = [128, 64], strides = [1, 1]} : vector<256x64xf32> to vector<128x64xf32>
    %dot_general3A_32 = arith.constant dense<0.000000e+00> : vector<640x64xf32>
    %dot_general3A_33 = tpu.matmul %mul3A_10, %slice3A_31, %dot_general3A_32 {dimension_numbers = #tpu.dot_dimension_numbers<[1], [0], [0], [1], [0, 0, 1, 1], [], []>, transpose_lhs_hint = false} : vector<640x128xf32>, vector<128x64xf32>, vector<640x64xf32> -> vector<640x64xf32>
    %add3A_34 = arith.addf %dot_general3A_30, %dot_general3A_33 : vector<640x64xf32>
    %get3A_35 = arith.constant 0 : index
    %get3A_36 = arith.constant 0 : index
    %get3A_37 = vector.load %arg7[%get3A_35, %get3A_36] : memref<1x64xf32, #tpu.memory_space<vmem>>, vector<1x64xf32>
    %add3A_38 = vector.broadcast %get3A_37 : vector<1x64xf32> to vector<640x64xf32>
    %add3A_39 = arith.addf %add3A_34, %add3A_38 : vector<640x64xf32>
    %swap3A_40 = arith.constant 0 : index
    %swap3A_41 = arith.constant 0 : index
    %swap3A_42 = vector.load %arg9[%swap3A_40, %swap3A_41] : memref<640x64xf32, #tpu.memory_space<vmem>>, vector<640x64xf32>
    tpu.vector_store %arg9[%swap3A_40, %swap3A_41], %add3A_39 {strides = array<i32>} : memref<640x64xf32, #tpu.memory_space<vmem>>, vector<640x64xf32>,
    return
  }
  func.func @transform_0(%arg0: i32) -> (i32, i32) {
    %c0_i32 = arith.constant 0 : i32
    %c0_i32_0 = arith.constant 0 : i32
    return %arg0, %c0_i32 : i32, i32
  }
  func.func @transform_1(%arg0: i32) -> (i32, i32) {
    %c0_i32 = arith.constant 0 : i32
    %c0_i32_0 = arith.constant 0 : i32
    return %arg0, %c0_i32 : i32, i32
  }
  func.func @transform_2(%arg0: i32) -> (i32, i32) {
    %c0_i32 = arith.constant 0 : i32
    %c0_i32_0 = arith.constant 0 : i32
    return %arg0, %c0_i32 : i32, i32
  }
  func.func @transform_3(%arg0: i32) -> (i32, i32) {
    %c0_i32 = arith.constant 0 : i32
    %c0_i32_0 = arith.constant 0 : i32
    %c0_i32_1 = arith.constant 0 : i32
    return %c0_i32, %c0_i32_0 : i32, i32
  }
  func.func @transform_4(%arg0: i32) -> (i32, i32) {
    %c0_i32 = arith.constant 0 : i32
    %c0_i32_0 = arith.constant 0 : i32
    %c0_i32_1 = arith.constant 0 : i32
    return %c0_i32, %c0_i32_0 : i32, i32
  }
  func.func @transform_5(%arg0: i32) -> (i32, i32) {
    %c0_i32 = arith.constant 0 : i32
    %c0_i32_0 = arith.constant 0 : i32
    %c0_i32_1 = arith.constant 0 : i32
    return %c0_i32, %c0_i32_0 : i32, i32
  }
  func.func @transform_6(%arg0: i32) -> (i32, i32) {
    %c0_i32 = arith.constant 0 : i32
    %c0_i32_0 = arith.constant 0 : i32
    %c0_i32_1 = arith.constant 0 : i32
    return %c0_i32, %c0_i32_0 : i32, i32
  }
  func.func @transform_7(%arg0: i32) -> (i32, i32) {
    %c0_i32 = arith.constant 0 : i32
    %c0_i32_0 = arith.constant 0 : i32
    return %arg0, %c0_i32 : i32, i32
  }
  func.func @transform_8(%arg0: i32) -> (i32, i32) {
    %c0_i32 = arith.constant 0 : i32
    %c0_i32_0 = arith.constant 0 : i32
    return %arg0, %c0_i32 : i32, i32
  }
}

</mosaic_0001>

<sc_bundles>
// kernel: kernel.12.cloned.1.call-start
scs
__scs_entry_jumppad:
0x0: {  	(pc) =	sbr.rel $0x88, $3  }
0x1: {  	(tag) =	ssettag $0x0;
	lr =	simm.s32 $0x1  }
0x2: {  	[smem:$0x3F95] =	sst lr;
	_ =	strace $0xD0000000  }
0x3: {  	_ = 	snop  }
0x4: {  	_ = 	snop  }
0x5: {  	_ = 	snop  }
0x6: {  	_ = 	snop  }
0x7: {  	_ = 	snop  }
__scs_overlays_trampoline_lowered:
0x8: {  	[smem:$0x3FA4] =	sst s0  }
0x9: {  	[smem:$0x3FA5] =	sst s1  }
0xa: {  	[smem:$0x3FA6] =	sst s2  }
0xb: {  	[smem:$0x3FA7] =	sst s3  }
0xc: {  	[smem:$0x3FA8] =	sst s4  }
0xd: {  	[smem:$0x3FA9] =	sst s5  }
0xe: {  	[smem:$0x3FAA] =	sst s6  }
0xf: {  	[smem:$0x3FAB] =	sst s7  }
0x10: {  	[smem:$0x3FAC] =	sst s8  }
0x11: {  	[smem:$0x3FAD] =	sst s9;
	s0 =	simm.s32 @!p0 $0x0  }
0x12: {  	s1 =	sld [smem:$0x3F93];
	s0 =	simm.s32 @p0 $0x1  }
0x13: {  	[smem:$0x3FAE] =	sst s0;
	s0 =	simm.s32 @!p1 $0x0  }
0x14: {  	s2 =	sld [smem:$0x3F92];
	s0 =	simm.s32 @p1 $0x1  }
0x15: {  	[smem:$0x3FAF] =	sst s0;
	s0 =	simm.s32 @!p2 $0x0  }
0x16: {  	s3 =	sld [smem:$0x3FDB];
	s0 =	simm.s32 @p2 $0x1  }
0x17: {  	s4 =	simm.s32 $0x1BF5;
	[smem:$0x3FB1] =	sst s0  }
0x18: {  	s0 =	sld [smem:$0x3F94];
	_ =	swait.ge [sflag:s4], $0x0  }
0x19: {  	s7 =	sld [smem:$0x3F95]  }
0x1a: {  	s8 =	sadd.s32 $0xFFFFE003, lr  }
0x1b: {  	s9 =	sadd.s32 $0xFFFFFEF7, lr;
	s5 =	simm.s32 $0xFFFFFFFF;
	p2 =	slt.u32 s8, $0xFFFFF086  }
0x1c: {  	p1 =	slt.u32 s9, $0xF7A;
	s5 =	simm.s32 @!p2 $0x0  }
0x1d: {  	s5 =	simm.s32 @p1 $0x1;
	p0 =	seq.s32 s7, s2  }
0x1e: {  	s7 =	smul.u32 @!p0 $0xF7A, s2;
	p2 =	seq.s32 @!p0 s5, $0x0  }
0x1f: {  	s9 =	smul.u32 $0xF7A, s1;
	s8 =	simm.s32 @!p0 $0x1BF5;
	p2 =	por !p2, p0  }
0x20: {  	[sflag:s8] =	ssyncset.s32 @!p0 $0xFFFFF086;
	s6 =	sadd.s32 @!p0 s3, s7;
	s7 =	simm.s32 @!p0 $0x108  }
0x21: {  	s3 =	sadd.s32 s3, s9;
	s6 =	sadd.s32 @!p0 $0x88, s6;
	s7 =	simm.s32 @p2 $0x1082  }
0x22: {  	[simem:s7], [sflag:s8] =	dma.local @!p0 [hbm:s6], $0xF7A  }
0x23: {  	s9 =	sor.u32 $0xD0000000, s2;
	s6 =	simm.s32 $0x108;
	_ =	swait.ge @!p0 [sflag:s8], $0x0  }
0x24: {  	s3 =	sadd.s32 $0x88, s3;
	s6 =	simm.s32 @!p1 $0x1082;
	[sflag:s4] =	ssyncset.s32 $0xFFFFF086  }
0x25: {  	[simem:s6], [sflag:s4] =	dma.local [hbm:s3], $0xF7A  }
0x26: {  	[smem:$0x3F95] =	sst s1;
	(tag) =	ssettag s2;
	_ =	strace s9  }
0x27: {  	s1 =	sld [smem:$0x3FA5]  }
0x28: {  	s2 =	sld [smem:$0x3FA6]  }
0x29: {  	s4 =	sld [smem:$0x3FA8]  }
0x2a: {  	p0 =	seq.s32 s5, $0x0;
	s5 =	sld [smem:$0x3FA9]  }
0x2b: {  	s6 =	sld [smem:$0x3FAA]  }
0x2c: {  	s7 =	sld [smem:$0x3FAB]  }
0x2d: {  	s3 =	simm.s32 $0x108;
	s8 =	sld [smem:$0x3FAC]  }
0x2e: {  	s3 =	simm.s32 @!p0 $0x1082;
	s9 =	sld [smem:$0x3FAD]  }
0x2f: {  	lr =	sadd.s32 s0, s3;
	s0 =	sld [smem:$0x3FA4]  }
0x30: {  	s3 =	sld [smem:$0x3FA7]  }
0x31: {  	[smem:$0x3FB0] =	sst s10  }
0x32: {  	s10 =	sld [smem:$0x3FAE];
	_ =	sdelay $0x3  }
0x33: {  	p0 =	seq.s32 s10, $0x1;
	s10 =	sld [smem:$0x3FB0];
	_ =	sdelay $0x3  }
0x34: {  	[smem:$0x3FB0] =	sst s10  }
0x35: {  	s10 =	sld [smem:$0x3FAF];
	_ =	sdelay $0x3  }
0x36: {  	p1 =	seq.s32 s10, $0x1;
	s10 =	sld [smem:$0x3FB0];
	_ =	sdelay $0x3  }
0x37: {  	[smem:$0x3FB0] =	sst s10  }
0x38: {  	s10 =	sld [smem:$0x3FB1]  }
0x39: {  	_ = 	snop;
	(pc) =	sbr.ind lr, $3  }
0x3a: {  	_ = 	snop  }
0x3b: {  	_ = 	snop  }
0x3c: {  	p2 =	seq.s32 s10, $0x1;
	s10 =	sld [smem:$0x3FB0]  }
0x3d: {  	_ =	shalt  }
0x3e: {  	_ =	shalt  }
0x3f: {  	_ =	shalt  }
0x40: {  	_ =	shalt  }
0x41: {  	_ =	shalt  }
0x42: {  	_ =	shalt  }
0x43: {  	_ =	shalt  }
0x44: {  	_ =	shalt  }
0x45: {  	_ =	shalt  }
0x46: {  	_ =	shalt  }
0x47: {  	_ =	shalt  }
0x48: {  	_ =	shalt  }
0x49: {  	_ =	shalt  }
0x4a: {  	_ =	shalt  }
0x4b: {  	_ =	shalt  }
0x4c: {  	_ =	shalt  }
0x4d: {  	_ =	shalt  }
0x4e: {  	_ =	shalt  }
0x4f: {  	_ =	shalt  }
0x50: {  	_ =	shalt  }
0x51: {  	_ =	shalt  }
0x52: {  	_ =	shalt  }
0x53: {  	_ =	shalt  }
0x54: {  	_ =	shalt  }
0x55: {  	_ =	shalt  }
0x56: {  	_ =	shalt  }
0x57: {  	_ =	shalt  }
0x58: {  	_ =	shalt  }
0x59: {  	_ =	shalt  }
0x5a: {  	_ =	shalt  }
0x5b: {  	_ =	shalt  }
0x5c: {  	_ =	shalt  }
0x5d: {  	_ =	shalt  }
0x5e: {  	_ =	shalt  }
0x5f: {  	_ =	shalt  }
0x60: {  	_ =	shalt  }
0x61: {  	_ =	shalt  }
0x62: {  	_ =	shalt  }
0x63: {  	_ =	shalt  }
0x64: {  	_ =	shalt  }
0x65: {  	_ =	shalt  }
0x66: {  	_ =	shalt  }
0x67: {  	_ =	shalt  }
0x68: {  	_ =	shalt  }
0x69: {  	_ =	shalt  }
0x6a: {  	_ =	shalt  }
0x6b: {  	_ =	shalt  }
0x6c: {  	_ =	shalt  }
0x6d: {  	_ =	shalt  }
0x6e: {  	_ =	shalt  }
0x6f: {  	_ =	shalt  }
0x70: {  	_ =	shalt  }
0x71: {  	_ =	shalt  }
0x72: {  	_ =	shalt  }
0x73: {  	_ =	shalt  }
0x74: {  	_ =	shalt  }
0x75: {  	_ =	shalt  }
0x76: {  	_ =	shalt  }
0x77: {  	_ =	shalt  }
0x78: {  	_ =	shalt  }
0x79: {  	_ =	shalt  }
0x7a: {  	_ =	shalt  }
0x7b: {  	_ =	shalt  }
0x7c: {  	_ =	shalt  }
0x7d: {  	_ =	shalt  }
0x7e: {  	_ =	shalt  }
0x7f: {  	_ =	shalt  }
0x80: {  	_ =	shalt  }
0x81: {  	_ =	shalt  }
0x82: {  	_ =	shalt  }
0x83: {  	_ =	shalt  }
0x84: {  	_ =	shalt  }
0x85: {  	_ =	shalt  }
0x86: {  	_ =	shalt  }
0x87: {  	_ =	shalt  }
.Lfunc_end0:
.L_simem_size_0:
called_computation_lowered:
.L_overlay_start_0:
0x88: {  	s2 =	sld [smem:$0x3FD9]  }
0x89: {  	s3 =	sld [smem:$0x3FFE];
	_ =	sdelay $0x1  }
0x8a: {  	s1 =	srdreg.scid  }
0x8b: {  	s0 =	sand.u32 $0x1, s1  }
0x8c: {  	s14 =	sshll.u32 s0, $0xA;
	s2 =	sadd.s32 s3, s2  }
0x8d: {  	s2 =	sadd.s32 s2, s14  }
0x8e: {  	[smem:$0x3FBC] =	sst s2  }
0x8f: {  	_ = 	snop  }
0x90: {  	s2 =	sld [smem:$0x3FD0];
	_ =	sdelay $0x2  }
0x91: {  	s15 =	simm.s32 $0xA;
	s4 =	simm.s32 $0x10  }
0x92: {  	[smem:s4], [sflag:s15] =	dma.local [hbm:s2], $0x1  }
0x93: {  	_ =	swait.eq [sflag:s15], $0x1  }
0x94: {  	[sflag:s15] =	ssyncset.done $0x0  }
0x95: {  	[sflag:s15] =	ssyncadd.s32 $0xFFFFFFFF  }
0x96: {  	s16 =	sld [smem:$0x11];
	(tm) =	ssettm $0x1  }
0x97: {  	s17 =	sld [smem:$0x3FFB];
	_ =	sdelay $0x3  }
0x98: {  	_ =	strace s17  }
0x99: {  	s3 =	sld [smem:$0x3FFC];
	_ =	sdelay $0x3  }
0x9a: {  	_ =	strace s3  }
0x9b: {  	s3 =	sld [smem:$0x3FFD];
	_ =	sdelay $0x3  }
0x9c: {  	_ =	strace s3  }
0x9d: {  	_ =	strace $0x8FFFFFFF  }
0x9e: {  	s18 =	sld [smem:$0x3FDB];
	_ =	sdelay $0x1  }
0x9f: {  	s19 =	simm.s32 $_scs_section_size  }
0xa0: {  	s5 =	simm.s32 $_size__tile_overlayer_lowered;
	s6 =	simm.s32 $_tile_overlayer_lowered  }
0xa1: {  	s22 =	simm.s32 $0x1BFF;
	s21 =	sshll.u32 s6, $0x1;
	s3 =	sadd.s32 s19, s18  }
0xa2: {  	s7 =	simm.s32 $0x0;
	s20 =	sshll.u32 s5, $0x1;
	s5 =	sadd.s32 s21, s3  }
0xa3: {  	[timem:s7], [sflag:s22] =	dma.local [hbm:s5], s20  }
0xa4: {  	_ =	swait.ge [sflag:s22], s20  }
0xa5: {  	s4 =	ssub.s32 $0x0, s20;
	[sflag:s22] =	ssyncset.done $0x0  }
0xa6: {  	[sflag:s22] =	ssyncadd.s32 s4;
	_ =	sdelay $0x1  }
0xa7: {  	s23 =	simm.s32 $0x1B8B  }
0xa8: {  	_ =	swait.ge [sflag:s23], $0x1  }
0xa9: {  	[sflag:s23] =	ssyncset.done $0x0  }
0xaa: {  	s25 =	simm.s32 $0x1B8E;
	s24 =	sld [smem:$0x3FFE];
	[sflag:s23] =	ssyncadd.s32 $0xFFFFFFFF  }
0xab: {  	s26 =	simm.s32 $execute0_lowered;
	[smem:$0x3FD2] =	sst s25  }
0xac: {  	s5 =	sshll.u32 s26, $0x1;
	_ =	strace $0x80000046;
	[dreg:$0x1] =	wrdreg $0xFFFFFFFF  }
0xad: {  	s28 =	simm.s32 $_size_execute0_lowered;
	s3 =	sadd.s32 s3, s5;
	[dreg:$0x0] =	wrdreg $0x0  }
0xae: {  	s5 =	sshll.u32 s28, $0x1;
	[dreg:$0x2] =	wrdreg s3  }
0xaf: {  	[dreg:$0x3] =	wrdreg s5  }
0xb0: {  	[dreg:$0x4] =	wrdreg $0xC0  }
0xb1: {  	_ =	task [dreg:s7], $0x5FFFF  }
0xb2: {  	[dreg:$0x1] =	wrdreg $0xFFFFFFFF  }
0xb3: {  	[dreg:$0x0] =	wrdreg $0x60  }
0xb4: {  	[dreg:$0x2] =	wrdreg s16  }
0xb5: {  	[dreg:$0x3] =	wrdreg s24  }
0xb6: {  	[dreg:$0x4] =	wrdreg $0x0  }
0xb7: {  	[dreg:$0x5] =	wrdreg $0x9  }
0xb8: {  	_ =	task.clear_ibuf [dreg:s7], $0x6FFFF;
	_ =	strace $0x90000046  }
0xb9: {  	s29 =	simm.s32 $0x9;
	_ =	strace $0x80000048  }
0xba: {  	_ =	swait.ge [sflag:s29], $0x1  }
0xbb: {  	[sflag:s29] =	ssyncadd.s32 $0xFFFFFFFF  }
0xbc: {  	_ =	strace $0x90000048  }
0xbd: {  	_ =	sfence  }
0xbe: {  	s30 =	sld [smem:$0x0];
	_ =	sdelay $0x2  }
0xbf: {  	s31 =	sshll.u32 s1, $0xD;
	s1 =	sshrl.u32 s1, $0x2  }
0xc0: {  	s3 =	sand.u32 $0x4000, s31;
	s1 =	sadd.s32 s1, s30  }
0xc1: {  	s0 =	sor.u32 s3, s0;
	s1 =	sshll.u32 s1, $0x11  }
0xc2: {  	s0 =	sor.u32 s1, s0  }
0xc3: {  	s0 =	sadd.s32 $0x8F2B, s0  }
0xc4: {  	[sflag:s0] =	ssyncadd.remote.s32 $0x1  }
0xc5: {  	_ =	sfence.sel $0xFFFF  }
0xc6: {  	[dreg:$0x0] =	wrdreg $0xFFFFFFFF;
	(pc) =	sbr.abs _section_cstart, $3  }
0xc7: {  	[dreg:$0x1] =	wrdreg $0xFFFFFFFF  }
0xc8: {  	_ =	task.clear_ibuf [dreg:s7], $0x2FFFF;
	_ =	strace $0x9FFFFFFF  }
0xc9: {  	(tm) =	ssettm $0x7FFFFFFF  }
tec
execute0_lowered:
.L_overlay_start_1:
0x0: {  	(tag) =	ssettag $0x1  }
0x1: {  	s5 =	rddreg [dreg:$0x0]  }
0x2: {  	s4 =	rddreg [dreg:$0x1]  }
0x3: {  	s1 =	srdreg.scid;
	s0 =	stileid.u32  }
0x4: {  	s2 =	rddreg [dreg:$0x2];
	s3 =	simm.s32 $0x0;
	s11 =	simm.s32 $0x80  }
0x5: {  	s12 =	simm.s32 $0x308;
	s6 =	sand.u32 $0x1, s1;
	s7 =	smul.u32 $0x280, s0  }
0x6: {  	s13 =	simm.s32 $0x0;
	s1 =	rddreg [dreg:$0x3];
	s8 =	smul.u32 $0x2800, s6  }
0x7: {  	[smem:$0x7FF] =	sst s3;
	s9 =	ssub.s32 $0x2, s6;
	s6 =	smul.u32 $0x5000, s6  }
0x8: {  	s10 =	smul.u32 $0x500, s0;
	_ =	strace $0x80000047;
	s30 =	sshrl.u32 s9, $0x1  }
0x9: {  	s8 =	sadd.s32 s7, s8;
	s9 =	ssub.s32 s9, s30;
	s31 =	sadd.s32 s6, s5  }
0xa: {  	s8 =	sshrl.u32 s8, $0x3;
	s6 =	smax.u32 s9, $0x1;
	s9 =	simm.s32 $0x1  }
0xb: {  	s8 =	sadd.s32 s8, s4;
	s4 =	sadd.s32 s7, s2;
	s7 =	sadd.s32 s10, s31  }
0xc: {  	v0 =	vimm.f32 $1.000000000e+00;
	v1 =	vimm.f32 $0.0e+00;
	s10 =	simm.s32 $0x288;
	s5 =	sadd.s32 $0x6200, s8;
	s8 =	simm.s32 $0x388  }
.LBB2_1:
0xd: {  	[tilespmem:$0x308] =	vst v0  }
0xe: {  	[tilespmem:$0x318] =	vst v0  }
0xf: {  	[tilespmem:$0x328] =	vst v0  }
0x10: {  	[tilespmem:$0x338] =	vst v0  }
0x11: {  	[tilespmem:$0x348] =	vst v0  }
0x12: {  	[tilespmem:$0x358] =	vst v0  }
0x13: {  	[tilespmem:$0x368] =	vst v0  }
0x14: {  	[tilespmem:$0x378] =	vst v0  }
0x15: {  	[tilespmem:$0x388] =	vst v1  }
0x16: {  	[tilespmem:$0x398] =	vst v1  }
0x17: {  	[tilespmem:$0x3A8] =	vst v1  }
0x18: {  	[tilespmem:$0x3B8] =	vst v1  }
0x19: {  	[tilespmem:$0x3C8] =	vst v1  }
0x1a: {  	[tilespmem:$0x3D8] =	vst v1  }
0x1b: {  	[tilespmem:$0x3E8] =	vst v1  }
0x1c: {  	[tilespmem:$0x3F8] =	vst v1  }
0x1d: {  	[tilespmem:$0x408] =	vst v1  }
0x1e: {  	[tilespmem:$0x418] =	vst v1  }
0x1f: {  	[tilespmem:$0x428] =	vst v1  }
0x20: {  	[tilespmem:$0x438] =	vst v1  }
0x21: {  	[tilespmem:$0x448] =	vst v1  }
0x22: {  	[tilespmem:$0x458] =	vst v1  }
0x23: {  	[tilespmem:$0x468] =	vst v1  }
0x24: {  	[tilespmem:$0x478] =	vst v1  }
0x25: {  	[tilespmem:$0x488] =	vst v1  }
0x26: {  	[tilespmem:$0x498] =	vst v1  }
0x27: {  	[tilespmem:$0x4A8] =	vst v1  }
0x28: {  	[tilespmem:$0x4B8] =	vst v1  }
0x29: {  	[tilespmem:$0x4C8] =	vst v1  }
0x2a: {  	[tilespmem:$0x4D8] =	vst v1  }
0x2b: {  	[tilespmem:$0x4E8] =	vst v1  }
0x2c: {  	[tilespmem:$0x4F8] =	vst v1  }
0x2d: {  	[tilespmem:$0x508] =	vst v1  }
0x2e: {  	[tilespmem:$0x518] =	vst v1  }
0x2f: {  	[tilespmem:$0x528] =	vst v1  }
0x30: {  	[tilespmem:$0x538] =	vst v1  }
0x31: {  	[tilespmem:$0x548] =	vst v1  }
0x32: {  	[tilespmem:$0x558] =	vst v1  }
0x33: {  	[tilespmem:$0x568] =	vst v1  }
0x34: {  	[tilespmem:$0x578] =	vst v1  }
0x35: {  	[tilespmem:$0x588] =	vst v1  }
0x36: {  	[tilespmem:$0x598] =	vst v1  }
0x37: {  	[tilespmem:$0x5A8] =	vst v1  }
0x38: {  	[tilespmem:$0x5B8] =	vst v1  }
0x39: {  	[tilespmem:$0x5C8] =	vst v1  }
0x3a: {  	[tilespmem:$0x5D8] =	vst v1  }
0x3b: {  	[tilespmem:$0x5E8] =	vst v1  }
0x3c: {  	[tilespmem:$0x5F8] =	vst v1  }
0x3d: {  	[spmem:s4] =	stream.linear.scatter [tilespmem:s8], [sflag:$0x1], $0x280, $0x38;
	[tilespmem:$0x608] =	vst v63  }
0x3e: {  	_ =	swait.ge [sflag:s9], $0x280  }
0x3f: {  	[sflag:s9] =	ssyncset.done $0x0  }
0x40: {  	[sflag:s9] =	ssyncadd.s32 $0xFFFFFD80  }
0x41: {  	s14 =	sadd.s32 $0x0, s7;
	[bflag:$0x0] =	sbarrier.arrive $0xFFFF  }
0x42: {  	[tilespmem:s10], [sflag:$0x1] =	stream.linear.gather [hbm4b:s14+s3], $0x80, $0x38;
	[tilespmem:$0x608] =	vst v63  }
0x43: {  	_ =	swait.ge [sflag:s9], $0x80  }
0x44: {  	[sflag:s9] =	ssyncset.done $0x0  }
0x45: {  	[sflag:s9] =	ssyncadd.s32 $0xFFFFFF80;
	(ifvalue) =	ssetifvalue $0xFFFFFFFF  }
0x46: {  	[spmem:s2] =	stream.indirect.scatter.add.f32 [tilespmem:s12], [sflag:$0x1], $0x1, s10, s11, $0x40b8;
	[tilespmem:$0x608] =	vst v63  }
0x47: {  	_ =	swait.ge [sflag:s9], $0x80  }
0x48: {  	s15 =	simm.s32 $0x20;
	s14 =	simm.s32 $0x10;
	[sflag:s9] =	ssyncset.done $0x0  }
.LBB2_2:
0x49: {  	s16 =	sadd.s32 s14, s7  }
0x4a: {  	[sflag:s9] =	ssyncadd.s32 $0xFFFFFF80;
	s14 =	smov.u32 s15;
	s17 =	sadd.s32 $0x10, s15  }
0x4b: {  	[tilespmem:s10], [sflag:$0x1] =	stream.linear.gather [hbm4b:s16+s3], $0x80, $0x38;
	[tilespmem:$0x608] =	vst v63  }
0x4c: {  	p0 =	sne.s32 s15, $0x4F0;
	_ =	swait.ge [sflag:s9], $0x80  }
0x4d: {  	[sflag:s9] =	ssyncset.done $0x0  }
.Ltmp0:
0x4e: {  	[sflag:s9] =	ssyncadd.s32 $0xFFFFFF80;
	(pc) =	sbr.rel @p0 .LBB2_2-.Ltmp0, $4  }
0x4f: {  	(ifvalue) =	ssetifvalue $0xFFFFFFFF  }
0x50: {  	[spmem:s2] =	stream.indirect.scatter.add.f32 [tilespmem:s12], [sflag:$0x1], $0x1, s10, s11, $0x40b8;
	[tilespmem:$0x608] =	vst v63  }
0x51: {  	_ =	swait.ge [sflag:s9], $0x80  }
0x52: {  	s15 =	smov.u32 s17;
	[sflag:s9] =	ssyncset.done $0x0  }
0x53: {  	s14 =	sadd.s32 s14, s7;
	[sflag:s9] =	ssyncadd.s32 $0xFFFFFF80  }
0x54: {  	[tilespmem:s10], [sflag:$0x1] =	stream.linear.gather [hbm4b:s14+s3], $0x80, $0x38;
	[tilespmem:$0x608] =	vst v63  }
0x55: {  	_ =	swait.ge [sflag:s9], $0x80  }
0x56: {  	[sflag:s9] =	ssyncset.done $0x0  }
0x57: {  	[sflag:s9] =	ssyncadd.s32 $0xFFFFFF80;
	(ifvalue) =	ssetifvalue $0xFFFFFFFF  }
0x58: {  	[spmem:s2] =	stream.indirect.scatter.add.f32 [tilespmem:s12], [sflag:$0x1], $0x1, s10, s11, $0x40b8;
	[tilespmem:$0x608] =	vst v63  }
0x59: {  	_ =	swait.ge [sflag:s9], $0x80  }
0x5a: {  	[sflag:s9] =	ssyncset.done $0x0  }
0x5b: {  	[sflag:s9] =	ssyncadd.s32 $0xFFFFFF80  }
0x5c: {  	[bflag:$0x0] =	sbarrier.arrive $0xFFFF  }
0x5d: {  	[tilespmem:s8], [sflag:$0x1] =	stream.linear.gather [spmem:s4], $0x280, $0x38;
	[tilespmem:$0x608] =	vst v63  }
0x5e: {  	s13 =	sadd.s32 $0x1, s13;
	_ =	swait.ge [sflag:s9], $0x280  }
0x5f: {  	p0 =	sne.s32 s13, s6;
	[sflag:s9] =	ssyncset.done $0x0  }
.Ltmp1:
0x60: {  	[sflag:s9] =	ssyncadd.s32 $0xFFFFFD80;
	(pc) =	sbr.rel @p0 .LBB2_1-.Ltmp1, $4  }
0x61: {  	[hbm4b:s5+s3] =	stream.linear.scatter [tilespmem:s8], [sflag:$0x1], $0x280, $0x38;
	[tilespmem:$0x608] =	vst v63  }
0x62: {  	_ =	swait.ge [sflag:s9], $0x280  }
0x63: {  	[sflag:s9] =	ssyncset.done $0x0  }
0x64: {  	[sflag:s9] =	ssyncadd.s32 $0xFFFFFD80  }
0x65: {  	_ =	sfence.sel $0x180000  }
0x66: {  	[bflag:$0x0] =	sbarrier.arrive $0xFFFF  }
0x67: {  	p0 =	sne.s32 s0, $0x0;
	_ =	strace $0x90000047  }
0x68: {  	s0 =	sadd.s32 @!p0 $0x100000, s1;
	[bflag:$0x2] =	sbarrier.arrive $0xFFFF  }
0x69: {  	[sflag:s0] =	ssyncadd.tile.s32 @!p0 $0x1;
	_ =	shalt  }
.Lfunc_end2:
_tile_overlayer_lowered:
.L_overlay_start_2:
0x6a: {  	(tag) =	ssettag $0x2  }
0x6b: {  	s0 =	rddreg [dreg:$0x0];
	s2 =	stileid.u32  }
0x6c: {  	s1 =	rddreg [dreg:$0x1];
	p0 =	sne.s32 s2, $0x0  }
0x6d: {  	s3 =	rddreg [dreg:$0x2];
	[bflag:$0x3] =	sbarrier.arrive $0xFFFF;
	s2 =	simm.s32 @!p0 $0x1C01  }
0x6e: {  	[timem:s3], [sflag:s2] =	dma.local @!p0 [hbm:s0], s1  }
0x6f: {  	s0 =	simm.s32 @!p0 $0x1  }
0x70: {  	_ =	swait.ge @!p0 [sflag:s0], s1  }
0x71: {  	s1 =	ssub.s32 @!p0 $0x0, s1;
	[sflag:s0] =	ssyncset.done @!p0 $0x0  }
0x72: {  	[sflag:s0] =	ssyncadd.s32 @!p0 s1  }
0x73: {  	[bflag:$0x3] =	sbarrier.arrive $0xFFFF  }
0x74: {  	_ =	shalt  }

// kernel: kernel.15.cloned.1.call-start
scs
__scs_entry_jumppad:
0x0: {  	(pc) =	sbr.rel $0x88, $3  }
0x1: {  	(tag) =	ssettag $0x0;
	lr =	simm.s32 $0x1  }
0x2: {  	[smem:$0x3F95] =	sst lr;
	_ =	strace $0xD0000000  }
0x3: {  	_ = 	snop  }
0x4: {  	_ = 	snop  }
0x5: {  	_ = 	snop  }
0x6: {  	_ = 	snop  }
0x7: {  	_ = 	snop  }
__scs_overlays_trampoline_lowered:
0x8: {  	[smem:$0x3FA4] =	sst s0  }
0x9: {  	[smem:$0x3FA5] =	sst s1  }
0xa: {  	[smem:$0x3FA6] =	sst s2  }
0xb: {  	[smem:$0x3FA7] =	sst s3  }
0xc: {  	[smem:$0x3FA8] =	sst s4  }
0xd: {  	[smem:$0x3FA9] =	sst s5  }
0xe: {  	[smem:$0x3FAA] =	sst s6  }
0xf: {  	[smem:$0x3FAB] =	sst s7  }
0x10: {  	[smem:$0x3FAC] =	sst s8  }
0x11: {  	[smem:$0x3FAD] =	sst s9;
	s0 =	simm.s32 @!p0 $0x0  }
0x12: {  	s1 =	sld [smem:$0x3F93];
	s0 =	simm.s32 @p0 $0x1  }
0x13: {  	[smem:$0x3FAE] =	sst s0;
	s0 =	simm.s32 @!p1 $0x0  }
0x14: {  	s2 =	sld [smem:$0x3F92];
	s0 =	simm.s32 @p1 $0x1  }
0x15: {  	[smem:$0x3FAF] =	sst s0;
	s0 =	simm.s32 @!p2 $0x0  }
0x16: {  	s3 =	sld [smem:$0x3FDB];
	s0 =	simm.s32 @p2 $0x1  }
0x17: {  	s4 =	simm.s32 $0x1BF5;
	[smem:$0x3FB1] =	sst s0  }
0x18: {  	s0 =	sld [smem:$0x3F94];
	_ =	swait.ge [sflag:s4], $0x0  }
0x19: {  	s7 =	sld [smem:$0x3F95]  }
0x1a: {  	s8 =	sadd.s32 $0xFFFFE003, lr  }
0x1b: {  	s9 =	sadd.s32 $0xFFFFFEF7, lr;
	s5 =	simm.s32 $0xFFFFFFFF;
	p2 =	slt.u32 s8, $0xFFFFF086  }
0x1c: {  	p1 =	slt.u32 s9, $0xF7A;
	s5 =	simm.s32 @!p2 $0x0  }
0x1d: {  	s5 =	simm.s32 @p1 $0x1;
	p0 =	seq.s32 s7, s2  }
0x1e: {  	s7 =	smul.u32 @!p0 $0xF7A, s2;
	p2 =	seq.s32 @!p0 s5, $0x0  }
0x1f: {  	s9 =	smul.u32 $0xF7A, s1;
	s8 =	simm.s32 @!p0 $0x1BF5;
	p2 =	por !p2, p0  }
0x20: {  	[sflag:s8] =	ssyncset.s32 @!p0 $0xFFFFF086;
	s6 =	sadd.s32 @!p0 s3, s7;
	s7 =	simm.s32 @!p0 $0x108  }
0x21: {  	s3 =	sadd.s32 s3, s9;
	s6 =	sadd.s32 @!p0 $0x88, s6;
	s7 =	simm.s32 @p2 $0x1082  }
0x22: {  	[simem:s7], [sflag:s8] =	dma.local @!p0 [hbm:s6], $0xF7A  }
0x23: {  	s9 =	sor.u32 $0xD0000000, s2;
	s6 =	simm.s32 $0x108;
	_ =	swait.ge @!p0 [sflag:s8], $0x0  }
0x24: {  	s3 =	sadd.s32 $0x88, s3;
	s6 =	simm.s32 @!p1 $0x1082;
	[sflag:s4] =	ssyncset.s32 $0xFFFFF086  }
0x25: {  	[simem:s6], [sflag:s4] =	dma.local [hbm:s3], $0xF7A  }
0x26: {  	[smem:$0x3F95] =	sst s1;
	(tag) =	ssettag s2;
	_ =	strace s9  }
0x27: {  	s1 =	sld [smem:$0x3FA5]  }
0x28: {  	s2 =	sld [smem:$0x3FA6]  }
0x29: {  	s4 =	sld [smem:$0x3FA8]  }
0x2a: {  	p0 =	seq.s32 s5, $0x0;
	s5 =	sld [smem:$0x3FA9]  }
0x2b: {  	s6 =	sld [smem:$0x3FAA]  }
0x2c: {  	s7 =	sld [smem:$0x3FAB]  }
0x2d: {  	s3 =	simm.s32 $0x108;
	s8 =	sld [smem:$0x3FAC]  }
0x2e: {  	s3 =	simm.s32 @!p0 $0x1082;
	s9 =	sld [smem:$0x3FAD]  }
0x2f: {  	lr =	sadd.s32 s0, s3;
	s0 =	sld [smem:$0x3FA4]  }
0x30: {  	s3 =	sld [smem:$0x3FA7]  }
0x31: {  	[smem:$0x3FB0] =	sst s10  }
0x32: {  	s10 =	sld [smem:$0x3FAE];
	_ =	sdelay $0x3  }
0x33: {  	p0 =	seq.s32 s10, $0x1;
	s10 =	sld [smem:$0x3FB0];
	_ =	sdelay $0x3  }
0x34: {  	[smem:$0x3FB0] =	sst s10  }
0x35: {  	s10 =	sld [smem:$0x3FAF];
	_ =	sdelay $0x3  }
0x36: {  	p1 =	seq.s32 s10, $0x1;
	s10 =	sld [smem:$0x3FB0];
	_ =	sdelay $0x3  }
0x37: {  	[smem:$0x3FB0] =	sst s10  }
0x38: {  	s10 =	sld [smem:$0x3FB1]  }
0x39: {  	_ = 	snop;
	(pc) =	sbr.ind lr, $3  }
0x3a: {  	_ = 	snop  }
0x3b: {  	_ = 	snop  }
0x3c: {  	p2 =	seq.s32 s10, $0x1;
	s10 =	sld [smem:$0x3FB0]  }
0x3d: {  	_ =	shalt  }
0x3e: {  	_ =	shalt  }
0x3f: {  	_ =	shalt  }
0x40: {  	_ =	shalt  }
0x41: {  	_ =	shalt  }
0x42: {  	_ =	shalt  }
0x43: {  	_ =	shalt  }
0x44: {  	_ =	shalt  }
0x45: {  	_ =	shalt  }
0x46: {  	_ =	shalt  }
0x47: {  	_ =	shalt  }
0x48: {  	_ =	shalt  }
0x49: {  	_ =	shalt  }
0x4a: {  	_ =	shalt  }
0x4b: {  	_ =	shalt  }
0x4c: {  	_ =	shalt  }
0x4d: {  	_ =	shalt  }
0x4e: {  	_ =	shalt  }
0x4f: {  	_ =	shalt  }
0x50: {  	_ =	shalt  }
0x51: {  	_ =	shalt  }
0x52: {  	_ =	shalt  }
0x53: {  	_ =	shalt  }
0x54: {  	_ =	shalt  }
0x55: {  	_ =	shalt  }
0x56: {  	_ =	shalt  }
0x57: {  	_ =	shalt  }
0x58: {  	_ =	shalt  }
0x59: {  	_ =	shalt  }
0x5a: {  	_ =	shalt  }
0x5b: {  	_ =	shalt  }
0x5c: {  	_ =	shalt  }
0x5d: {  	_ =	shalt  }
0x5e: {  	_ =	shalt  }
0x5f: {  	_ =	shalt  }
0x60: {  	_ =	shalt  }
0x61: {  	_ =	shalt  }
0x62: {  	_ =	shalt  }
0x63: {  	_ =	shalt  }
0x64: {  	_ =	shalt  }
0x65: {  	_ =	shalt  }
0x66: {  	_ =	shalt  }
0x67: {  	_ =	shalt  }
0x68: {  	_ =	shalt  }
0x69: {  	_ =	shalt  }
0x6a: {  	_ =	shalt  }
0x6b: {  	_ =	shalt  }
0x6c: {  	_ =	shalt  }
0x6d: {  	_ =	shalt  }
0x6e: {  	_ =	shalt  }
0x6f: {  	_ =	shalt  }
0x70: {  	_ =	shalt  }
0x71: {  	_ =	shalt  }
0x72: {  	_ =	shalt  }
0x73: {  	_ =	shalt  }
0x74: {  	_ =	shalt  }
0x75: {  	_ =	shalt  }
0x76: {  	_ =	shalt  }
0x77: {  	_ =	shalt  }
0x78: {  	_ =	shalt  }
0x79: {  	_ =	shalt  }
0x7a: {  	_ =	shalt  }
0x7b: {  	_ =	shalt  }
0x7c: {  	_ =	shalt  }
0x7d: {  	_ =	shalt  }
0x7e: {  	_ =	shalt  }
0x7f: {  	_ =	shalt  }
0x80: {  	_ =	shalt  }
0x81: {  	_ =	shalt  }
0x82: {  	_ =	shalt  }
0x83: {  	_ =	shalt  }
0x84: {  	_ =	shalt  }
0x85: {  	_ =	shalt  }
0x86: {  	_ =	shalt  }
0x87: {  	_ =	shalt  }
.Lfunc_end0:
.L_simem_size_0:
called_computation.1_lowered:
.L_overlay_start_0:
0x88: {  	s2 =	sld [smem:$0x3FD9]  }
0x89: {  	s3 =	sld [smem:$0x3FFE];
	_ =	sdelay $0x1  }
0x8a: {  	s1 =	srdreg.scid  }
0x8b: {  	s0 =	sand.u32 $0x1, s1  }
0x8c: {  	s14 =	sshll.u32 s0, $0xA;
	s2 =	sadd.s32 s3, s2  }
0x8d: {  	s2 =	sadd.s32 s2, s14  }
0x8e: {  	[smem:$0x3FBC] =	sst s2  }
0x8f: {  	_ = 	snop  }
0x90: {  	s2 =	sld [smem:$0x3FD0];
	_ =	sdelay $0x2  }
0x91: {  	s15 =	simm.s32 $0xA;
	s4 =	simm.s32 $0x10  }
0x92: {  	[smem:s4], [sflag:s15] =	dma.local [hbm:s2], $0x1  }
0x93: {  	_ =	swait.eq [sflag:s15], $0x1  }
0x94: {  	[sflag:s15] =	ssyncset.done $0x0  }
0x95: {  	s16 =	sld [smem:$0x10];
	[sflag:s15] =	ssyncadd.s32 $0xFFFFFFFF  }
0x96: {  	s17 =	sld [smem:$0x11];
	(tm) =	ssettm $0x1  }
0x97: {  	s18 =	sld [smem:$0x3FFB];
	_ =	sdelay $0x3  }
0x98: {  	_ =	strace s18  }
0x99: {  	s4 =	sld [smem:$0x3FFC];
	_ =	sdelay $0x3  }
0x9a: {  	_ =	strace s4  }
0x9b: {  	s4 =	sld [smem:$0x3FFD];
	_ =	sdelay $0x3  }
0x9c: {  	_ =	strace s4  }
0x9d: {  	_ =	strace $0x8FFFFFFF  }
0x9e: {  	s19 =	sld [smem:$0x3FDB];
	_ =	sdelay $0x1  }
0x9f: {  	s5 =	simm.s32 $_scs_section_size  }
0xa0: {  	s6 =	simm.s32 $_size__tile_overlayer_lowered;
	s7 =	simm.s32 $_tile_overlayer_lowered  }
0xa1: {  	s22 =	simm.s32 $0x1BFF;
	s21 =	sshll.u32 s7, $0x1;
	s4 =	sadd.s32 s5, s19  }
0xa2: {  	s8 =	simm.s32 $0x0;
	s20 =	sshll.u32 s6, $0x1;
	s6 =	sadd.s32 s21, s4  }
0xa3: {  	[timem:s8], [sflag:s22] =	dma.local [hbm:s6], s20  }
0xa4: {  	_ =	swait.ge [sflag:s22], s20  }
0xa5: {  	s5 =	ssub.s32 $0x0, s20;
	[sflag:s22] =	ssyncset.done $0x0  }
0xa6: {  	[sflag:s22] =	ssyncadd.s32 s5;
	_ =	sdelay $0x1  }
0xa7: {  	s23 =	simm.s32 $0x1B8B  }
0xa8: {  	_ =	swait.ge [sflag:s23], $0x1  }
0xa9: {  	[sflag:s23] =	ssyncset.done $0x0  }
0xaa: {  	s25 =	simm.s32 $0x1B8E;
	s24 =	sld [smem:$0x3FFE];
	[sflag:s23] =	ssyncadd.s32 $0xFFFFFFFF  }
0xab: {  	s26 =	simm.s32 $execute0_lowered;
	[smem:$0x3FD2] =	sst s25  }
0xac: {  	s6 =	sshll.u32 s26, $0x1;
	_ =	strace $0x80000049;
	[dreg:$0x1] =	wrdreg $0xFFFFFFFF  }
0xad: {  	s28 =	simm.s32 $_size_execute0_lowered;
	s4 =	sadd.s32 s4, s6;
	[dreg:$0x0] =	wrdreg $0x0  }
0xae: {  	s6 =	sshll.u32 s28, $0x1;
	[dreg:$0x2] =	wrdreg s4  }
0xaf: {  	[dreg:$0x3] =	wrdreg s6  }
0xb0: {  	[dreg:$0x4] =	wrdreg $0xC0  }
0xb1: {  	_ =	task [dreg:s8], $0x5FFFF  }
0xb2: {  	[dreg:$0x1] =	wrdreg $0xFFFFFFFF  }
0xb3: {  	[dreg:$0x0] =	wrdreg $0x60  }
0xb4: {  	[dreg:$0x2] =	wrdreg s24  }
0xb5: {  	[dreg:$0x3] =	wrdreg s16  }
0xb6: {  	[dreg:$0x4] =	wrdreg s17  }
0xb7: {  	[dreg:$0x5] =	wrdreg $0x0  }
0xb8: {  	[dreg:$0x6] =	wrdreg $0x9  }
0xb9: {  	_ =	task.clear_ibuf [dreg:s8], $0x7FFFF;
	_ =	strace $0x90000049  }
0xba: {  	s29 =	simm.s32 $0x9;
	_ =	strace $0x8000004B  }
0xbb: {  	_ =	swait.ge [sflag:s29], $0x1  }
0xbc: {  	[sflag:s29] =	ssyncadd.s32 $0xFFFFFFFF  }
0xbd: {  	_ =	strace $0x9000004B  }
0xbe: {  	_ =	sfence  }
0xbf: {  	s30 =	sld [smem:$0x0];
	_ =	sdelay $0x2  }
0xc0: {  	s31 =	sshll.u32 s1, $0xD;
	s1 =	sshrl.u32 s1, $0x2  }
0xc1: {  	s3 =	sand.u32 $0x4000, s31;
	s1 =	sadd.s32 s1, s30  }
0xc2: {  	s0 =	sor.u32 s3, s0;
	s1 =	sshll.u32 s1, $0x11  }
0xc3: {  	s0 =	sor.u32 s1, s0  }
0xc4: {  	s0 =	sadd.s32 $0x8F2B, s0  }
0xc5: {  	[sflag:s0] =	ssyncadd.remote.s32 $0x1  }
0xc6: {  	_ =	sfence.sel $0xFFFF  }
0xc7: {  	[dreg:$0x0] =	wrdreg $0xFFFFFFFF;
	(pc) =	sbr.abs _section_cstart, $3  }
0xc8: {  	[dreg:$0x1] =	wrdreg $0xFFFFFFFF  }
0xc9: {  	_ =	task.clear_ibuf [dreg:s8], $0x2FFFF;
	_ =	strace $0x9FFFFFFF  }
0xca: {  	(tm) =	ssettm $0x7FFFFFFF  }
0xcb: {  	_ =	shalt  }
tec
execute0_lowered:
.L_overlay_start_1:
0x0: {  	(tag) =	ssettag $0x1  }
0x1: {  	s0 =	rddreg [dreg:$0x0]  }
0x2: {  	s2 =	rddreg [dreg:$0x1]  }
0x3: {  	s6 =	rddreg [dreg:$0x2]  }
0x4: {  	s1 =	rddreg [dreg:$0x3];
	s3 =	simm.s32 $0x0;
	s4 =	srdreg.scid  }
0x5: {  	s14 =	stileid.u32;
	[smem:$0x7FF] =	sst s3  }
0x6: {  	s7 =	sand.u32 $0x1, s4;
	s4 =	smul.u32 $0x2800, s14;
	s5 =	sadd.s32 $0x6200, s0  }
0x7: {  	s8 =	sadd.s32 $0x56200, s0;
	s10 =	sadd.s32 $0x7E200, s0;
	s25 =	smul.u32 $0x500, s14  }
0x8: {  	s0 =	sadd.s32 $0xA6200, s0;
	_ =	strace $0x8000004A;
	[dreg:$0x6] =	wrdreg s10  }
0x9: {  	s9 =	ssub.s32 $0x2, s7;
	[dreg:$0x13] =	wrdreg s0;
	p0 =	sne.s32 s7, $0x0  }
0xa: {  	s16 =	sshrl.u32 s9, $0x1;
	s11 =	sshrl.u32 s4, $0x3;
	s19 =	sor.u32 $0x80, s4  }
0xb: {  	s12 =	sor.u32 $0x100, s4;
	[dreg:$0x5] =	wrdreg s4;
	s17 =	sadd.s32 s2, s11  }
0xc: {  	s18 =	sadd.s32 s6, s11;
	s13 =	sadd.s32 $0x5000, s11;
	[dreg:$0x7] =	wrdreg s17  }
0xd: {  	s9 =	ssub.s32 s9, s16;
	[dreg:$0x8] =	wrdreg s18;
	s15 =	sadd.s32 s2, s13  }
0xe: {  	s20 =	sadd.s32 $0x5010, s11;
	s13 =	sadd.s32 s6, s13;
	[dreg:$0x9] =	wrdreg s15  }
0xf: {  	s11 =	sadd.s32 $0x5020, s11;
	s21 =	sadd.s32 s2, s20;
	[dreg:$0xa] =	wrdreg s13  }
0x10: {  	s10 =	sshrl.u32 s19, $0x3;
	s22 =	sadd.s32 s2, s11;
	[dreg:$0xb] =	wrdreg s21  }
0x11: {  	s24 =	sshrl.u32 s12, $0x3;
	s11 =	sadd.s32 s6, s11;
	[dreg:$0xd] =	wrdreg s22  }
0x12: {  	s19 =	sadd.s32 s25, s6;
	s23 =	sadd.s32 s2, s10;
	[dreg:$0xe] =	wrdreg s11  }
0x13: {  	s16 =	smul.u32 $0x50000, s14;
	s10 =	sadd.s32 s6, s10;
	[dreg:$0xf] =	wrdreg s23  }
0x14: {  	s26 =	sadd.s32 s2, s24;
	s17 =	smax.u32 s9, $0x1;
	[dreg:$0x10] =	wrdreg s10  }
0x15: {  	s13 =	sadd.s32 s6, s20;
	[dreg:$0x11] =	wrdreg s26;
	s20 =	sadd.s32 s25, s2  }
0x16: {  	s15 =	smul.u32 $0x280, s14;
	[dreg:$0x14] =	wrdreg s17;
	s0 =	sshrl.u32 s16, $0x2  }
0x17: {  	s11 =	sadd.s32 s8, s4;
	s16 =	sadd.s32 s5, s4;
	[dreg:$0xc] =	wrdreg s13  }
0x18: {  	s13 =	sadd.s32 s6, s24;
	s23 =	sadd.s32 s0, s1;
	[dreg:$0x15] =	wrdreg s11  }
0x19: {  	[dreg:$0x1a] =	wrdreg s16;
	s16 =	simm.s32 $0x5;
	s0 =	simm.s32 $0x14080  }
0x1a: {  	s11 =	simm.s32 $0x4;
	[dreg:$0x12] =	wrdreg s13;
	s18 =	sadd.s32 $0x80, s15  }
0x1b: {  	s21 =	sadd.s32 $0x100, s15;
	s22 =	sadd.s32 $0x180, s15;
	s2 =	sadd.s32 $0x200, s15  }
0x1c: {  	s24 =	sshll.u32 s18, $0x4;
	s6 =	sshll.u32 s18, $0x7;
	s26 =	sshll.u32 s21, $0x4  }
0x1d: {  	s7 =	sshll.u32 s21, $0x7;
	s29 =	sshll.u32 s22, $0x4;
	s9 =	sshll.u32 s22, $0x7  }
0x1e: {  	s31 =	sshll.u32 s2, $0x4;
	s10 =	sshll.u32 s2, $0x7;
	s2 =	simm.s32 $0x14180  }
0x1f: {  	s25 =	sadd.s32 s6, s1;
	s28 =	sadd.s32 s7, s1;
	s12 =	sadd.s32 s8, s24  }
0x20: {  	s30 =	sadd.s32 s9, s1;
	s13 =	sadd.s32 s8, s26;
	[dreg:$0x16] =	wrdreg s12  }
0x21: {  	s14 =	sadd.s32 s8, s29;
	s15 =	sadd.s32 s8, s31;
	[dreg:$0x17] =	wrdreg s13  }
0x22: {  	s9 =	sadd.s32 s10, s1;
	s17 =	sadd.s32 s5, s24;
	[dreg:$0x18] =	wrdreg s14  }
0x23: {  	s18 =	sadd.s32 s5, s26;
	s21 =	sadd.s32 s5, s29;
	[dreg:$0x19] =	wrdreg s15  }
.Ltmp0:
0x24: {  	s22 =	sadd.s32 s5, s31;
	[dreg:$0x1b] =	wrdreg s17;
	(pc) =	sbr.rel .LBB2_1-.Ltmp0, $4  }
0x25: {  	s7 =	simm.s32 $0x1;
	s6 =	simm.s32 $0x18200;
	[dreg:$0x1c] =	wrdreg s18  }
0x26: {  	s8 =	simm.s32 $0x3;
	s10 =	simm.s32 $0x2;
	[dreg:$0x1d] =	wrdreg s21  }
0x27: {  	[dreg:$0x1e] =	wrdreg s22;
	s15 =	simm.s32 $0x14200;
	s17 =	simm.s32 $0x14000  }
0x28: {  	s18 =	simm.s32 $0x14100;
	s21 =	simm.s32 $0x80;
	s12 =	simm.s32 $0x0  }
.LBB2_8:
0x29: {  	s13 =	rddreg [dreg:$0x13]  }
.LBB2_9:
0x2a: {  	_ =	swait.ge [sflag:s10], $0x4000  }
0x2b: {  	[sflag:s10] =	ssyncset.done $0x0  }
0x2c: {  	[sflag:s10] =	ssyncadd.s32 $0xFFFFC000;
	(ifvalue) =	ssetifvalue $0xFFFFFFFF  }
0x2d: {  	[spmem:s1] =	stream.indirect.scatter.add.f32 [tilespmem:s6], [sflag:$0x4], $0x80, s2, s21, $0x40b8;
	[tilespmem:$0x1C200] =	vst v63  }
0x2e: {  	_ =	swait.ge [sflag:s8], $0x4000  }
0x2f: {  	[sflag:s8] =	ssyncset.done $0x0  }
0x30: {  	[sflag:s8] =	ssyncadd.s32 $0xFFFFC000  }
0x31: {  	_ =	swait.ge [sflag:s11], $0x4000  }
0x32: {  	[sflag:s11] =	ssyncset.done $0x0  }
0x33: {  	[sflag:s11] =	ssyncadd.s32 $0xFFFFC000  }
0x34: {  	[bflag:$0x0] =	sbarrier.arrive $0xFFFF  }
0x35: {  	[tilespmem:s15], [sflag:$0x5] =	stream.linear.gather [spmem:s23], $0x4000, $0x38;
	[tilespmem:$0x1C200] =	vst v63  }
0x36: {  	_ =	swait.ge [sflag:s16], $0x4000  }
0x37: {  	[sflag:s16] =	ssyncset.done $0x0;
	s4 =	rddreg [dreg:$0x5]  }
0x38: {  	s4 =	sadd.s32 s13, s4;
	[sflag:s16] =	ssyncadd.s32 $0xFFFFC000  }
0x39: {  	[hbm4b:s4+s3] =	stream.linear.scatter [tilespmem:s15], [sflag:$0x5], $0x4000, $0x38;
	[tilespmem:$0x1C200] =	vst v63  }
0x3a: {  	_ =	swait.ge [sflag:s16], $0x4000  }
0x3b: {  	[sflag:s16] =	ssyncset.done $0x0  }
0x3c: {  	[sflag:s16] =	ssyncadd.s32 $0xFFFFC000  }
0x3d: {  	[tilespmem:s15], [sflag:$0x5] =	stream.linear.gather [spmem:s25], $0x4000, $0x38;
	[tilespmem:$0x1C200] =	vst v63  }
0x3e: {  	_ =	swait.ge [sflag:s16], $0x4000  }
0x3f: {  	[sflag:s16] =	ssyncset.done $0x0  }
0x40: {  	s22 =	sadd.s32 s13, s24;
	[sflag:s16] =	ssyncadd.s32 $0xFFFFC000  }
0x41: {  	[hbm4b:s22+s3] =	stream.linear.scatter [tilespmem:s15], [sflag:$0x5], $0x4000, $0x38;
	[tilespmem:$0x1C200] =	vst v63  }
0x42: {  	_ =	swait.ge [sflag:s16], $0x4000  }
0x43: {  	[sflag:s16] =	ssyncset.done $0x0  }
0x44: {  	[sflag:s16] =	ssyncadd.s32 $0xFFFFC000  }
0x45: {  	[tilespmem:s15], [sflag:$0x5] =	stream.linear.gather [spmem:s28], $0x4000, $0x38;
	[tilespmem:$0x1C200] =	vst v63  }
0x46: {  	_ =	swait.ge [sflag:s16], $0x4000  }
0x47: {  	[sflag:s16] =	ssyncset.done $0x0  }
0x48: {  	s14 =	sadd.s32 s13, s26;
	[sflag:s16] =	ssyncadd.s32 $0xFFFFC000  }
0x49: {  	[hbm4b:s14+s3] =	stream.linear.scatter [tilespmem:s15], [sflag:$0x5], $0x4000, $0x38;
	[tilespmem:$0x1C200] =	vst v63  }
0x4a: {  	_ =	swait.ge [sflag:s16], $0x4000  }
0x4b: {  	[sflag:s16] =	ssyncset.done $0x0  }
0x4c: {  	[sflag:s16] =	ssyncadd.s32 $0xFFFFC000  }
0x4d: {  	[tilespmem:s15], [sflag:$0x5] =	stream.linear.gather [spmem:s30], $0x4000, $0x38;
	[tilespmem:$0x1C200] =	vst v63  }
0x4e: {  	_ =	swait.ge [sflag:s16], $0x4000  }
0x4f: {  	[sflag:s16] =	ssyncset.done $0x0  }
0x50: {  	s22 =	sadd.s32 s13, s29;
	[sflag:s16] =	ssyncadd.s32 $0xFFFFC000  }
0x51: {  	[hbm4b:s22+s3] =	stream.linear.scatter [tilespmem:s15], [sflag:$0x5], $0x4000, $0x38;
	[tilespmem:$0x1C200] =	vst v63  }
0x52: {  	_ =	swait.ge [sflag:s16], $0x4000  }
0x53: {  	[sflag:s16] =	ssyncset.done $0x0  }
0x54: {  	[sflag:s16] =	ssyncadd.s32 $0xFFFFC000  }
0x55: {  	[tilespmem:s15], [sflag:$0x5] =	stream.linear.gather [spmem:s9], $0x4000, $0x38;
	[tilespmem:$0x1C200] =	vst v63  }
0x56: {  	_ =	swait.ge [sflag:s16], $0x4000  }
0x57: {  	[sflag:s16] =	ssyncset.done $0x0  }
0x58: {  	s14 =	sadd.s32 s13, s31;
	[sflag:s16] =	ssyncadd.s32 $0xFFFFC000  }
0x59: {  	[hbm4b:s14+s3] =	stream.linear.scatter [tilespmem:s15], [sflag:$0x5], $0x4000, $0x38;
	[tilespmem:$0x1C200] =	vst v63  }
0x5a: {  	_ =	swait.ge [sflag:s16], $0x4000  }
0x5b: {  	s12 =	sadd.s32 $0x1, s12;
	s22 =	rddreg [dreg:$0x14]  }
0x5c: {  	p1 =	sne.s32 s12, s22  }
.Ltmp1:
0x5d: {  	_ = 	snop;
	(pc) =	sbr.rel @!p1 .LBB2_10-.Ltmp1, $3  }
0x5e: {  	_ =	sdelay $0x1  }
0x5f: {  	[sflag:s16] =	ssyncset.done $0x0  }
0x60: {  	[sflag:s16] =	ssyncadd.s32 $0xFFFFC000  }
.LBB2_1:
.Ltmp2:
0x61: {  	(pc) =	sbr.rel @p0 .LBB2_6-.Ltmp2, $1  }
0x62: {  	_ =	sdelay $0x3  }
0x63: {  	s4 =	rddreg [dreg:$0x1a]  }
0x64: {  	[tilespmem:s15], [sflag:$0x5] =	stream.linear.gather [hbm4b:s4+s3], $0x4000, $0x38;
	[tilespmem:$0x1C200] =	vst v63  }
0x65: {  	_ =	swait.ge [sflag:s16], $0x4000  }
0x66: {  	[sflag:s16] =	ssyncset.done $0x0  }
0x67: {  	[sflag:s16] =	ssyncadd.s32 $0xFFFFC000  }
0x68: {  	[spmem:s23] =	stream.linear.scatter [tilespmem:s15], [sflag:$0x5], $0x4000, $0x38;
	[tilespmem:$0x1C200] =	vst v63  }
0x69: {  	_ =	swait.ge [sflag:s16], $0x4000  }
0x6a: {  	[sflag:s16] =	ssyncset.done $0x0  }
0x6b: {  	s22 =	rddreg [dreg:$0x1b];
	[sflag:s16] =	ssyncadd.s32 $0xFFFFC000  }
0x6c: {  	[tilespmem:s15], [sflag:$0x5] =	stream.linear.gather [hbm4b:s22+s3], $0x4000, $0x38;
	[tilespmem:$0x1C200] =	vst v63  }
0x6d: {  	_ =	swait.ge [sflag:s16], $0x4000  }
0x6e: {  	[sflag:s16] =	ssyncset.done $0x0  }
0x6f: {  	[sflag:s16] =	ssyncadd.s32 $0xFFFFC000  }
0x70: {  	[spmem:s25] =	stream.linear.scatter [tilespmem:s15], [sflag:$0x5], $0x4000, $0x38;
	[tilespmem:$0x1C200] =	vst v63  }
0x71: {  	_ =	swait.ge [sflag:s16], $0x4000  }
0x72: {  	[sflag:s16] =	ssyncset.done $0x0  }
0x73: {  	s13 =	rddreg [dreg:$0x1c];
	[sflag:s16] =	ssyncadd.s32 $0xFFFFC000  }
0x74: {  	[tilespmem:s15], [sflag:$0x5] =	stream.linear.gather [hbm4b:s13+s3], $0x4000, $0x38;
	[tilespmem:$0x1C200] =	vst v63  }
0x75: {  	_ =	swait.ge [sflag:s16], $0x4000  }
0x76: {  	[sflag:s16] =	ssyncset.done $0x0  }
0x77: {  	[sflag:s16] =	ssyncadd.s32 $0xFFFFC000  }
0x78: {  	[spmem:s28] =	stream.linear.scatter [tilespmem:s15], [sflag:$0x5], $0x4000, $0x38;
	[tilespmem:$0x1C200] =	vst v63  }
0x79: {  	_ =	swait.ge [sflag:s16], $0x4000  }
0x7a: {  	[sflag:s16] =	ssyncset.done $0x0  }
0x7b: {  	s14 =	rddreg [dreg:$0x1d];
	[sflag:s16] =	ssyncadd.s32 $0xFFFFC000  }
0x7c: {  	[tilespmem:s15], [sflag:$0x5] =	stream.linear.gather [hbm4b:s14+s3], $0x4000, $0x38;
	[tilespmem:$0x1C200] =	vst v63  }
0x7d: {  	_ =	swait.ge [sflag:s16], $0x4000  }
0x7e: {  	[sflag:s16] =	ssyncset.done $0x0  }
0x7f: {  	[sflag:s16] =	ssyncadd.s32 $0xFFFFC000  }
0x80: {  	[spmem:s30] =	stream.linear.scatter [tilespmem:s15], [sflag:$0x5], $0x4000, $0x38;
	[tilespmem:$0x1C200] =	vst v63  }
0x81: {  	_ =	swait.ge [sflag:s16], $0x4000  }
0x82: {  	[sflag:s16] =	ssyncset.done $0x0  }
0x83: {  	s22 =	rddreg [dreg:$0x1e];
	[sflag:s16] =	ssyncadd.s32 $0xFFFFC000  }
0x84: {  	[tilespmem:s15], [sflag:$0x5] =	stream.linear.gather [hbm4b:s22+s3], $0x4000, $0x38;
	[tilespmem:$0x1C200] =	vst v63  }
0x85: {  	_ =	swait.ge [sflag:s16], $0x4000  }
0x86: {  	[sflag:s16] =	ssyncset.done $0x0  }
0x87: {  	[sflag:s16] =	ssyncadd.s32 $0xFFFFC000  }
0x88: {  	[spmem:s9] =	stream.linear.scatter [tilespmem:s15], [sflag:$0x5], $0x4000, $0x38;
	[tilespmem:$0x1C200] =	vst v63  }
0x89: {  	_ =	swait.ge [sflag:s16], $0x4000  }
0x8a: {  	[sflag:s16] =	ssyncset.done $0x0  }
0x8b: {  	[sflag:s16] =	ssyncadd.s32 $0xFFFFC000  }
0x8c: {  	[bflag:$0x0] =	sbarrier.arrive $0xFFFF  }
0x8d: {  	s13 =	rddreg [dreg:$0x7]  }
0x8e: {  	[tilespmem:s17], [sflag:$0x5] =	stream.linear.gather [hbm4b:s13+s3], $0x80, $0x38;
	[tilespmem:$0x1C200] =	vst v63  }
0x8f: {  	_ =	swait.ge [sflag:s16], $0x80  }
0x90: {  	[sflag:s16] =	ssyncset.done $0x0  }
0x91: {  	s14 =	rddreg [dreg:$0x8];
	[sflag:s16] =	ssyncadd.s32 $0xFFFFFF80  }
0x92: {  	[tilespmem:s18], [sflag:$0x5] =	stream.linear.gather [hbm4b:s14+s3], $0x80, $0x38;
	[tilespmem:$0x1C200] =	vst v63  }
0x93: {  	_ =	swait.ge [sflag:s16], $0x80  }
0x94: {  	[sflag:s16] =	ssyncset.done $0x0  }
0x95: {  	[sflag:s16] =	ssyncadd.s32 $0xFFFFFF80;
	(ifvalue) =	ssetifvalue $0xFFFFFFFF  }
0x96: {  	(ifvalue) =	ssetifvalue $0xFFFFFFFF  }
0x97: {  	[tilespmem:s15], [sflag:$0x1] =	stream.indirect.gather [hbm4b:s5+s21], $0x80, s17, s21, $0x40b8;
	[tilespmem:$0x1C200] =	vst v63  }
0x98: {  	s22 =	rddreg [dreg:$0xf]  }
0x99: {  	[tilespmem:s0], [sflag:$0x5] =	stream.linear.gather [hbm4b:s22+s3], $0x80, $0x38;
	[tilespmem:$0x1C200] =	vst v63  }
0x9a: {  	_ =	swait.ge [sflag:s16], $0x80  }
0x9b: {  	[sflag:s16] =	ssyncset.done $0x0  }
0x9c: {  	s13 =	rddreg [dreg:$0x10];
	[sflag:s16] =	ssyncadd.s32 $0xFFFFFF80  }
0x9d: {  	[tilespmem:s2], [sflag:$0x5] =	stream.linear.gather [hbm4b:s13+s3], $0x80, $0x38;
	[tilespmem:$0x1C200] =	vst v63  }
0x9e: {  	_ =	swait.ge [sflag:s16], $0x80  }
0x9f: {  	[sflag:s16] =	ssyncset.done $0x0  }
0xa0: {  	[sflag:s16] =	ssyncadd.s32 $0xFFFFFF80  }
0xa1: {  	_ =	swait.ge [sflag:s7], $0x4000  }
0xa2: {  	[sflag:s7] =	ssyncset.done $0x0  }
0xa3: {  	[sflag:s7] =	ssyncadd.s32 $0xFFFFC000;
	(ifvalue) =	ssetifvalue $0xFFFFFFFF  }
0xa4: {  	(ifvalue) =	ssetifvalue $0xFFFFFFFF  }
0xa5: {  	[tilespmem:s6], [sflag:$0x2] =	stream.indirect.gather [hbm4b:s5+s21], $0x80, s0, s21, $0x40b8;
	[tilespmem:$0x1C200] =	vst v63  }
0xa6: {  	(ifvalue) =	ssetifvalue $0xFFFFFFFF  }
0xa7: {  	[spmem:s1] =	stream.indirect.scatter.add.f32 [tilespmem:s15], [sflag:$0x3], $0x80, s18, s21, $0x40b8;
	[tilespmem:$0x1C200] =	vst v63  }
0xa8: {  	_ =	swait.ge [sflag:s8], $0x4000  }
0xa9: {  	[sflag:s8] =	ssyncset.done $0x0  }
0xaa: {  	s14 =	rddreg [dreg:$0x11];
	[sflag:s8] =	ssyncadd.s32 $0xFFFFC000  }
0xab: {  	[tilespmem:s17], [sflag:$0x5] =	stream.linear.gather [hbm4b:s14+s3], $0x80, $0x38;
	[tilespmem:$0x1C200] =	vst v63  }
0xac: {  	_ =	swait.ge [sflag:s16], $0x80  }
0xad: {  	[sflag:s16] =	ssyncset.done $0x0  }
0xae: {  	s22 =	rddreg [dreg:$0x12];
	[sflag:s16] =	ssyncadd.s32 $0xFFFFFF80  }
0xaf: {  	[tilespmem:s18], [sflag:$0x5] =	stream.linear.gather [hbm4b:s22+s3], $0x80, $0x38;
	[tilespmem:$0x1C200] =	vst v63  }
0xb0: {  	_ =	swait.ge [sflag:s16], $0x80  }
0xb1: {  	[sflag:s16] =	ssyncset.done $0x0  }
0xb2: {  	[sflag:s16] =	ssyncadd.s32 $0xFFFFFF80  }
0xb3: {  	_ =	swait.ge [sflag:s10], $0x4000  }
0xb4: {  	[sflag:s10] =	ssyncset.done $0x0  }
0xb5: {  	[sflag:s10] =	ssyncadd.s32 $0xFFFFC000;
	(ifvalue) =	ssetifvalue $0xFFFFFFFF  }
0xb6: {  	(ifvalue) =	ssetifvalue $0xFFFFFFFF  }
0xb7: {  	[tilespmem:s15], [sflag:$0x1] =	stream.indirect.gather [hbm4b:s5+s21], $0x80, s17, s21, $0x40b8;
	[tilespmem:$0x1C200] =	vst v63  }
0xb8: {  	s13 =	simm.s32 $0xFFFFFB40;
	(ifvalue) =	ssetifvalue $0xFFFFFFFF  }
0xb9: {  	[spmem:s1] =	stream.indirect.scatter.add.f32 [tilespmem:s6], [sflag:$0x4], $0x80, s2, s21, $0x40b8;
	[tilespmem:$0x1C200] =	vst v63  }
.LBB2_3:
0xba: {  	_ =	swait.ge [sflag:s11], $0x4000  }
0xbb: {  	s14 =	sadd.s32 s13, s20;
	[sflag:s11] =	ssyncset.done $0x0  }
0xbc: {  	s22 =	sadd.s32 $0x4F0, s14;
	[sflag:s11] =	ssyncadd.s32 $0xFFFFC000  }
0xbd: {  	[tilespmem:s0], [sflag:$0x5] =	stream.linear.gather [hbm4b:s22+s3], $0x80, $0x38;
	[tilespmem:$0x1C200] =	vst v63  }
0xbe: {  	_ =	swait.ge [sflag:s16], $0x80  }
0xbf: {  	s22 =	sadd.s32 s13, s19;
	[sflag:s16] =	ssyncset.done $0x0  }
0xc0: {  	s4 =	sadd.s32 $0x4F0, s22;
	[sflag:s16] =	ssyncadd.s32 $0xFFFFFF80  }
0xc1: {  	[tilespmem:s2], [sflag:$0x5] =	stream.linear.gather [hbm4b:s4+s3], $0x80, $0x38;
	[tilespmem:$0x1C200] =	vst v63  }
0xc2: {  	_ =	swait.ge [sflag:s16], $0x80  }
0xc3: {  	[sflag:s16] =	ssyncset.done $0x0  }
0xc4: {  	[sflag:s16] =	ssyncadd.s32 $0xFFFFFF80  }
0xc5: {  	_ =	swait.ge [sflag:s7], $0x4000  }
0xc6: {  	p1 =	seq.s32 s13, $0x0;
	[sflag:s7] =	ssyncset.done $0x0  }
.Ltmp3:
0xc7: {  	[sflag:s7] =	ssyncadd.s32 $0xFFFFC000;
	(ifvalue) =	ssetifvalue $0xFFFFFFFF;
	(pc) =	sbr.rel @p1 .LBB2_4-.Ltmp3, $4  }
0xc8: {  	(ifvalue) =	ssetifvalue $0xFFFFFFFF  }
0xc9: {  	[tilespmem:s6], [sflag:$0x2] =	stream.indirect.gather [hbm4b:s5+s21], $0x80, s0, s21, $0x40b8;
	[tilespmem:$0x1C200] =	vst v63  }
0xca: {  	(ifvalue) =	ssetifvalue $0xFFFFFFFF  }
0xcb: {  	[spmem:s1] =	stream.indirect.scatter.add.f32 [tilespmem:s15], [sflag:$0x3], $0x80, s18, s21, $0x40b8;
	[tilespmem:$0x1C200] =	vst v63  }
0xcc: {  	_ =	swait.ge [sflag:s8], $0x4000  }
0xcd: {  	[sflag:s8] =	ssyncset.done $0x0  }
0xce: {  	s4 =	sadd.s32 $0x500, s14;
	[sflag:s8] =	ssyncadd.s32 $0xFFFFC000  }
0xcf: {  	[tilespmem:s17], [sflag:$0x5] =	stream.linear.gather [hbm4b:s4+s3], $0x80, $0x38;
	[tilespmem:$0x1C200] =	vst v63  }
0xd0: {  	_ =	swait.ge [sflag:s16], $0x80  }
0xd1: {  	[sflag:s16] =	ssyncset.done $0x0  }
0xd2: {  	s22 =	sadd.s32 $0x500, s22;
	[sflag:s16] =	ssyncadd.s32 $0xFFFFFF80  }
0xd3: {  	[tilespmem:s18], [sflag:$0x5] =	stream.linear.gather [hbm4b:s22+s3], $0x80, $0x38;
	[tilespmem:$0x1C200] =	vst v63  }
0xd4: {  	_ =	swait.ge [sflag:s16], $0x80  }
0xd5: {  	[sflag:s16] =	ssyncset.done $0x0  }
0xd6: {  	[sflag:s16] =	ssyncadd.s32 $0xFFFFFF80  }
0xd7: {  	_ =	swait.ge [sflag:s10], $0x4000  }
0xd8: {  	[sflag:s10] =	ssyncset.done $0x0  }
.Ltmp4:
0xd9: {  	[sflag:s10] =	ssyncadd.s32 $0xFFFFC000;
	(ifvalue) =	ssetifvalue $0xFFFFFFFF;
	(pc) =	sbr.rel .LBB2_3-.Ltmp4, $4  }
0xda: {  	(ifvalue) =	ssetifvalue $0xFFFFFFFF  }
0xdb: {  	[tilespmem:s15], [sflag:$0x1] =	stream.indirect.gather [hbm4b:s5+s21], $0x80, s17, s21, $0x40b8;
	[tilespmem:$0x1C200] =	vst v63  }
0xdc: {  	s13 =	sadd.s32 $0x20, s13;
	(ifvalue) =	ssetifvalue $0xFFFFFFFF  }
0xdd: {  	[spmem:s1] =	stream.indirect.scatter.add.f32 [tilespmem:s6], [sflag:$0x4], $0x80, s2, s21, $0x40b8;
	[tilespmem:$0x1C200] =	vst v63  }
.LBB2_6:
0xde: {  	s4 =	rddreg [dreg:$0x15]  }
0xdf: {  	[tilespmem:s15], [sflag:$0x5] =	stream.linear.gather [hbm4b:s4+s3], $0x4000, $0x38;
	[tilespmem:$0x1C200] =	vst v63  }
0xe0: {  	_ =	swait.ge [sflag:s16], $0x4000  }
0xe1: {  	[sflag:s16] =	ssyncset.done $0x0  }
0xe2: {  	[sflag:s16] =	ssyncadd.s32 $0xFFFFC000  }
0xe3: {  	[spmem:s23] =	stream.linear.scatter [tilespmem:s15], [sflag:$0x5], $0x4000, $0x38;
	[tilespmem:$0x1C200] =	vst v63  }
0xe4: {  	_ =	swait.ge [sflag:s16], $0x4000  }
0xe5: {  	[sflag:s16] =	ssyncset.done $0x0  }
0xe6: {  	s22 =	rddreg [dreg:$0x16];
	[sflag:s16] =	ssyncadd.s32 $0xFFFFC000  }
0xe7: {  	[tilespmem:s15], [sflag:$0x5] =	stream.linear.gather [hbm4b:s22+s3], $0x4000, $0x38;
	[tilespmem:$0x1C200] =	vst v63  }
0xe8: {  	_ =	swait.ge [sflag:s16], $0x4000  }
0xe9: {  	[sflag:s16] =	ssyncset.done $0x0  }
0xea: {  	[sflag:s16] =	ssyncadd.s32 $0xFFFFC000  }
0xeb: {  	[spmem:s25] =	stream.linear.scatter [tilespmem:s15], [sflag:$0x5], $0x4000, $0x38;
	[tilespmem:$0x1C200] =	vst v63  }
0xec: {  	_ =	swait.ge [sflag:s16], $0x4000  }
0xed: {  	[sflag:s16] =	ssyncset.done $0x0  }
0xee: {  	s13 =	rddreg [dreg:$0x17];
	[sflag:s16] =	ssyncadd.s32 $0xFFFFC000  }
0xef: {  	[tilespmem:s15], [sflag:$0x5] =	stream.linear.gather [hbm4b:s13+s3], $0x4000, $0x38;
	[tilespmem:$0x1C200] =	vst v63  }
0xf0: {  	_ =	swait.ge [sflag:s16], $0x4000  }
0xf1: {  	[sflag:s16] =	ssyncset.done $0x0  }
0xf2: {  	[sflag:s16] =	ssyncadd.s32 $0xFFFFC000  }
0xf3: {  	[spmem:s28] =	stream.linear.scatter [tilespmem:s15], [sflag:$0x5], $0x4000, $0x38;
	[tilespmem:$0x1C200] =	vst v63  }
0xf4: {  	_ =	swait.ge [sflag:s16], $0x4000  }
0xf5: {  	[sflag:s16] =	ssyncset.done $0x0  }
0xf6: {  	s14 =	rddreg [dreg:$0x18];
	[sflag:s16] =	ssyncadd.s32 $0xFFFFC000  }
0xf7: {  	[tilespmem:s15], [sflag:$0x5] =	stream.linear.gather [hbm4b:s14+s3], $0x4000, $0x38;
	[tilespmem:$0x1C200] =	vst v63  }
0xf8: {  	_ =	swait.ge [sflag:s16], $0x4000  }
0xf9: {  	[sflag:s16] =	ssyncset.done $0x0  }
0xfa: {  	[sflag:s16] =	ssyncadd.s32 $0xFFFFC000  }
0xfb: {  	[spmem:s30] =	stream.linear.scatter [tilespmem:s15], [sflag:$0x5], $0x4000, $0x38;
	[tilespmem:$0x1C200] =	vst v63  }
0xfc: {  	_ =	swait.ge [sflag:s16], $0x4000  }
0xfd: {  	[sflag:s16] =	ssyncset.done $0x0  }
0xfe: {  	s22 =	rddreg [dreg:$0x19];
	[sflag:s16] =	ssyncadd.s32 $0xFFFFC000  }
0xff: {  	[tilespmem:s15], [sflag:$0x5] =	stream.linear.gather [hbm4b:s22+s3], $0x4000, $0x38;
	[tilespmem:$0x1C200] =	vst v63  }
0x100: {  	_ =	swait.ge [sflag:s16], $0x4000  }
0x101: {  	[sflag:s16] =	ssyncset.done $0x0  }
0x102: {  	[sflag:s16] =	ssyncadd.s32 $0xFFFFC000  }
0x103: {  	[spmem:s9] =	stream.linear.scatter [tilespmem:s15], [sflag:$0x5], $0x4000, $0x38;
	[tilespmem:$0x1C200] =	vst v63  }
0x104: {  	_ =	swait.ge [sflag:s16], $0x4000  }
0x105: {  	[sflag:s16] =	ssyncset.done $0x0  }
0x106: {  	[sflag:s16] =	ssyncadd.s32 $0xFFFFC000  }
0x107: {  	[bflag:$0x0] =	sbarrier.arrive $0xFFFF  }
0x108: {  	s13 =	rddreg [dreg:$0x9]  }
0x109: {  	[tilespmem:s17], [sflag:$0x5] =	stream.linear.gather [hbm4b:s13+s3], $0x80, $0x38;
	[tilespmem:$0x1C200] =	vst v63  }
0x10a: {  	_ =	swait.ge [sflag:s16], $0x80  }
0x10b: {  	[sflag:s16] =	ssyncset.done $0x0  }
0x10c: {  	s14 =	rddreg [dreg:$0xa];
	[sflag:s16] =	ssyncadd.s32 $0xFFFFFF80  }
0x10d: {  	[tilespmem:s18], [sflag:$0x5] =	stream.linear.gather [hbm4b:s14+s3], $0x80, $0x38;
	[tilespmem:$0x1C200] =	vst v63  }
0x10e: {  	_ =	swait.ge [sflag:s16], $0x80  }
0x10f: {  	[sflag:s16] =	ssyncset.done $0x0  }
0x110: {  	[sflag:s16] =	ssyncadd.s32 $0xFFFFFF80;
	(ifvalue) =	ssetifvalue $0xFFFFFFFF  }
0x111: {  	(ifvalue) =	ssetifvalue $0xFFFFFFFF  }
0x112: {  	[tilespmem:s15], [sflag:$0x1] =	stream.indirect.gather [hbm4b:s5+s21], $0x80, s17, s21, $0x40b8;
	[tilespmem:$0x1C200] =	vst v63  }
0x113: {  	s22 =	rddreg [dreg:$0xb]  }
0x114: {  	[tilespmem:s0], [sflag:$0x5] =	stream.linear.gather [hbm4b:s22+s3], $0x80, $0x38;
	[tilespmem:$0x1C200] =	vst v63  }
0x115: {  	_ =	swait.ge [sflag:s16], $0x80  }
0x116: {  	[sflag:s16] =	ssyncset.done $0x0  }
0x117: {  	s13 =	rddreg [dreg:$0xc];
	[sflag:s16] =	ssyncadd.s32 $0xFFFFFF80  }
0x118: {  	[tilespmem:s2], [sflag:$0x5] =	stream.linear.gather [hbm4b:s13+s3], $0x80, $0x38;
	[tilespmem:$0x1C200] =	vst v63  }
0x119: {  	_ =	swait.ge [sflag:s16], $0x80  }
0x11a: {  	[sflag:s16] =	ssyncset.done $0x0  }
0x11b: {  	[sflag:s16] =	ssyncadd.s32 $0xFFFFFF80  }
0x11c: {  	_ =	swait.ge [sflag:s7], $0x4000  }
0x11d: {  	[sflag:s7] =	ssyncset.done $0x0  }
0x11e: {  	[sflag:s7] =	ssyncadd.s32 $0xFFFFC000;
	(ifvalue) =	ssetifvalue $0xFFFFFFFF  }
0x11f: {  	(ifvalue) =	ssetifvalue $0xFFFFFFFF  }
0x120: {  	[tilespmem:s6], [sflag:$0x2] =	stream.indirect.gather [hbm4b:s5+s21], $0x80, s0, s21, $0x40b8;
	[tilespmem:$0x1C200] =	vst v63  }
0x121: {  	(ifvalue) =	ssetifvalue $0xFFFFFFFF  }
0x122: {  	[spmem:s1] =	stream.indirect.scatter.add.f32 [tilespmem:s15], [sflag:$0x3], $0x80, s18, s21, $0x40b8;
	[tilespmem:$0x1C200] =	vst v63  }
0x123: {  	_ =	swait.ge [sflag:s8], $0x4000  }
0x124: {  	[sflag:s8] =	ssyncset.done $0x0  }
0x125: {  	s14 =	rddreg [dreg:$0xd];
	[sflag:s8] =	ssyncadd.s32 $0xFFFFC000  }
0x126: {  	[tilespmem:s17], [sflag:$0x5] =	stream.linear.gather [hbm4b:s14+s3], $0x80, $0x38;
	[tilespmem:$0x1C200] =	vst v63  }
0x127: {  	_ =	swait.ge [sflag:s16], $0x80  }
0x128: {  	[sflag:s16] =	ssyncset.done $0x0  }
0x129: {  	s22 =	rddreg [dreg:$0xe];
	[sflag:s16] =	ssyncadd.s32 $0xFFFFFF80  }
0x12a: {  	[tilespmem:s18], [sflag:$0x5] =	stream.linear.gather [hbm4b:s22+s3], $0x80, $0x38;
	[tilespmem:$0x1C200] =	vst v63  }
0x12b: {  	_ =	swait.ge [sflag:s16], $0x80  }
0x12c: {  	[sflag:s16] =	ssyncset.done $0x0  }
0x12d: {  	[sflag:s16] =	ssyncadd.s32 $0xFFFFFF80  }
0x12e: {  	_ =	swait.ge [sflag:s10], $0x4000  }
0x12f: {  	[sflag:s10] =	ssyncset.done $0x0  }
0x130: {  	[sflag:s10] =	ssyncadd.s32 $0xFFFFC000;
	(ifvalue) =	ssetifvalue $0xFFFFFFFF  }
0x131: {  	(ifvalue) =	ssetifvalue $0xFFFFFFFF  }
0x132: {  	[tilespmem:s15], [sflag:$0x1] =	stream.indirect.gather [hbm4b:s5+s21], $0x80, s17, s21, $0x40b8;
	[tilespmem:$0x1C200] =	vst v63  }
0x133: {  	s13 =	simm.s32 $0xFFFFFB40;
	(ifvalue) =	ssetifvalue $0xFFFFFFFF  }
0x134: {  	[spmem:s1] =	stream.indirect.scatter.add.f32 [tilespmem:s6], [sflag:$0x4], $0x80, s2, s21, $0x40b8;
	[tilespmem:$0x1C200] =	vst v63  }
.LBB2_7:
0x135: {  	_ =	swait.ge [sflag:s11], $0x4000  }
0x136: {  	s14 =	sadd.s32 s13, s20;
	[sflag:s11] =	ssyncset.done $0x0  }
0x137: {  	s4 =	sadd.s32 $0x54F0, s14;
	[sflag:s11] =	ssyncadd.s32 $0xFFFFC000  }
0x138: {  	[tilespmem:s0], [sflag:$0x5] =	stream.linear.gather [hbm4b:s4+s3], $0x80, $0x38;
	[tilespmem:$0x1C200] =	vst v63  }
0x139: {  	_ =	swait.ge [sflag:s16], $0x80  }
0x13a: {  	s22 =	sadd.s32 s13, s19;
	[sflag:s16] =	ssyncset.done $0x0  }
0x13b: {  	s4 =	sadd.s32 $0x54F0, s22;
	[sflag:s16] =	ssyncadd.s32 $0xFFFFFF80  }
0x13c: {  	[tilespmem:s2], [sflag:$0x5] =	stream.linear.gather [hbm4b:s4+s3], $0x80, $0x38;
	[tilespmem:$0x1C200] =	vst v63  }
0x13d: {  	_ =	swait.ge [sflag:s16], $0x80  }
0x13e: {  	[sflag:s16] =	ssyncset.done $0x0  }
0x13f: {  	[sflag:s16] =	ssyncadd.s32 $0xFFFFFF80  }
0x140: {  	_ =	swait.ge [sflag:s7], $0x4000  }
0x141: {  	p1 =	seq.s32 s13, $0x0;
	[sflag:s7] =	ssyncset.done $0x0  }
.Ltmp5:
0x142: {  	[sflag:s7] =	ssyncadd.s32 $0xFFFFC000;
	(ifvalue) =	ssetifvalue $0xFFFFFFFF;
	(pc) =	sbr.rel @p1 .LBB2_8-.Ltmp5, $4  }
0x143: {  	(ifvalue) =	ssetifvalue $0xFFFFFFFF  }
0x144: {  	[tilespmem:s6], [sflag:$0x2] =	stream.indirect.gather [hbm4b:s5+s21], $0x80, s0, s21, $0x40b8;
	[tilespmem:$0x1C200] =	vst v63  }
0x145: {  	(ifvalue) =	ssetifvalue $0xFFFFFFFF  }
0x146: {  	[spmem:s1] =	stream.indirect.scatter.add.f32 [tilespmem:s15], [sflag:$0x3], $0x80, s18, s21, $0x40b8;
	[tilespmem:$0x1C200] =	vst v63  }
0x147: {  	_ =	swait.ge [sflag:s8], $0x4000  }
0x148: {  	[sflag:s8] =	ssyncset.done $0x0  }
0x149: {  	s4 =	sadd.s32 $0x5500, s14;
	[sflag:s8] =	ssyncadd.s32 $0xFFFFC000  }
0x14a: {  	[tilespmem:s17], [sflag:$0x5] =	stream.linear.gather [hbm4b:s4+s3], $0x80, $0x38;
	[tilespmem:$0x1C200] =	vst v63  }
0x14b: {  	_ =	swait.ge [sflag:s16], $0x80  }
0x14c: {  	[sflag:s16] =	ssyncset.done $0x0  }
0x14d: {  	s22 =	sadd.s32 $0x5500, s22;
	[sflag:s16] =	ssyncadd.s32 $0xFFFFFF80  }
0x14e: {  	[tilespmem:s18], [sflag:$0x5] =	stream.linear.gather [hbm4b:s22+s3], $0x80, $0x38;
	[tilespmem:$0x1C200] =	vst v63  }
0x14f: {  	_ =	swait.ge [sflag:s16], $0x80  }
0x150: {  	[sflag:s16] =	ssyncset.done $0x0  }
0x151: {  	[sflag:s16] =	ssyncadd.s32 $0xFFFFFF80  }
0x152: {  	_ =	swait.ge [sflag:s10], $0x4000  }
0x153: {  	[sflag:s10] =	ssyncset.done $0x0  }
.Ltmp6:
0x154: {  	[sflag:s10] =	ssyncadd.s32 $0xFFFFC000;
	(ifvalue) =	ssetifvalue $0xFFFFFFFF;
	(pc) =	sbr.rel .LBB2_7-.Ltmp6, $4  }
0x155: {  	(ifvalue) =	ssetifvalue $0xFFFFFFFF  }
0x156: {  	[tilespmem:s15], [sflag:$0x1] =	stream.indirect.gather [hbm4b:s5+s21], $0x80, s17, s21, $0x40b8;
	[tilespmem:$0x1C200] =	vst v63  }
0x157: {  	s13 =	sadd.s32 $0x20, s13;
	(ifvalue) =	ssetifvalue $0xFFFFFFFF  }
0x158: {  	[spmem:s1] =	stream.indirect.scatter.add.f32 [tilespmem:s6], [sflag:$0x4], $0x80, s2, s21, $0x40b8;
	[tilespmem:$0x1C200] =	vst v63  }
.LBB2_4:
.Ltmp7:
0x159: {  	(pc) =	sbr.rel .LBB2_9-.Ltmp7, $2  }
0x15a: {  	_ =	sdelay $0x2  }
0x15b: {  	s13 =	rddreg [dreg:$0x6]  }
.LBB2_10:
0x15c: {  	_ =	sfence.sel $0x180000  }
0x15d: {  	[bflag:$0x0] =	sbarrier.arrive $0xFFFF  }
0x15e: {  	_ =	strace $0x9000004A  }
0x15f: {  	s0 =	stileid.u32;
	[bflag:$0x2] =	sbarrier.arrive $0xFFFF  }
0x160: {  	p0 =	sne.s32 s0, $0x0;
	s0 =	rddreg [dreg:$0x4]  }
0x161: {  	s0 =	sadd.s32 @!p0 $0x100000, s0  }
0x162: {  	[sflag:s0] =	ssyncadd.tile.s32 @!p0 $0x1;
	_ =	shalt  }
.Lfunc_end2:
_tile_overlayer_lowered:
.L_overlay_start_2:
0x163: {  	(tag) =	ssettag $0x2  }
0x164: {  	s0 =	rddreg [dreg:$0x0];
	s2 =	stileid.u32  }
0x165: {  	s1 =	rddreg [dreg:$0x1];
	p0 =	sne.s32 s2, $0x0  }
0x166: {  	s3 =	rddreg [dreg:$0x2];
	[bflag:$0x3] =	sbarrier.arrive $0xFFFF;
	s2 =	simm.s32 @!p0 $0x1C05  }
0x167: {  	[timem:s3], [sflag:s2] =	dma.local @!p0 [hbm:s0], s1  }
0x168: {  	s0 =	simm.s32 @!p0 $0x5  }
0x169: {  	_ =	swait.ge @!p0 [sflag:s0], s1  }
0x16a: {  	s1 =	ssub.s32 @!p0 $0x0, s1;
	[sflag:s0] =	ssyncset.done @!p0 $0x0  }
0x16b: {  	[sflag:s0] =	ssyncadd.s32 @!p0 s1  }
0x16c: {  	[bflag:$0x3] =	sbarrier.arrive $0xFFFF  }
0x16d: {  	_ =	shalt  }

// kernel: kernel.18.cloned.1.call-start
scs
__scs_entry_jumppad:
0x0: {  	(pc) =	sbr.rel $0x88, $3  }
0x1: {  	(tag) =	ssettag $0x0;
	lr =	simm.s32 $0x1  }
0x2: {  	[smem:$0x3F95] =	sst lr;
	_ =	strace $0xD0000000  }
0x3: {  	_ = 	snop  }
0x4: {  	_ = 	snop  }
0x5: {  	_ = 	snop  }
0x6: {  	_ = 	snop  }
0x7: {  	_ = 	snop  }
__scs_overlays_trampoline_lowered:
0x8: {  	[smem:$0x3FA4] =	sst s0  }
0x9: {  	[smem:$0x3FA5] =	sst s1  }
0xa: {  	[smem:$0x3FA6] =	sst s2  }
0xb: {  	[smem:$0x3FA7] =	sst s3  }
0xc: {  	[smem:$0x3FA8] =	sst s4  }
0xd: {  	[smem:$0x3FA9] =	sst s5  }
0xe: {  	[smem:$0x3FAA] =	sst s6  }
0xf: {  	[smem:$0x3FAB] =	sst s7  }
0x10: {  	[smem:$0x3FAC] =	sst s8  }
0x11: {  	[smem:$0x3FAD] =	sst s9;
	s0 =	simm.s32 @!p0 $0x0  }
0x12: {  	s1 =	sld [smem:$0x3F93];
	s0 =	simm.s32 @p0 $0x1  }
0x13: {  	[smem:$0x3FAE] =	sst s0;
	s0 =	simm.s32 @!p1 $0x0  }
0x14: {  	s2 =	sld [smem:$0x3F92];
	s0 =	simm.s32 @p1 $0x1  }
0x15: {  	[smem:$0x3FAF] =	sst s0;
	s0 =	simm.s32 @!p2 $0x0  }
0x16: {  	s3 =	sld [smem:$0x3FDB];
	s0 =	simm.s32 @p2 $0x1  }
0x17: {  	s4 =	simm.s32 $0x1BF5;
	[smem:$0x3FB1] =	sst s0  }
0x18: {  	s0 =	sld [smem:$0x3F94];
	_ =	swait.ge [sflag:s4], $0x0  }
0x19: {  	s7 =	sld [smem:$0x3F95]  }
0x1a: {  	s8 =	sadd.s32 $0xFFFFE003, lr  }
0x1b: {  	s9 =	sadd.s32 $0xFFFFFEF7, lr;
	s5 =	simm.s32 $0xFFFFFFFF;
	p2 =	slt.u32 s8, $0xFFFFF086  }
0x1c: {  	p1 =	slt.u32 s9, $0xF7A;
	s5 =	simm.s32 @!p2 $0x0  }
0x1d: {  	s5 =	simm.s32 @p1 $0x1;
	p0 =	seq.s32 s7, s2  }
0x1e: {  	s7 =	smul.u32 @!p0 $0xF7A, s2;
	p2 =	seq.s32 @!p0 s5, $0x0  }
0x1f: {  	s9 =	smul.u32 $0xF7A, s1;
	s8 =	simm.s32 @!p0 $0x1BF5;
	p2 =	por !p2, p0  }
0x20: {  	[sflag:s8] =	ssyncset.s32 @!p0 $0xFFFFF086;
	s6 =	sadd.s32 @!p0 s3, s7;
	s7 =	simm.s32 @!p0 $0x108  }
0x21: {  	s3 =	sadd.s32 s3, s9;
	s6 =	sadd.s32 @!p0 $0x88, s6;
	s7 =	simm.s32 @p2 $0x1082  }
0x22: {  	[simem:s7], [sflag:s8] =	dma.local @!p0 [hbm:s6], $0xF7A  }
0x23: {  	s9 =	sor.u32 $0xD0000000, s2;
	s6 =	simm.s32 $0x108;
	_ =	swait.ge @!p0 [sflag:s8], $0x0  }
0x24: {  	s3 =	sadd.s32 $0x88, s3;
	s6 =	simm.s32 @!p1 $0x1082;
	[sflag:s4] =	ssyncset.s32 $0xFFFFF086  }
0x25: {  	[simem:s6], [sflag:s4] =	dma.local [hbm:s3], $0xF7A  }
0x26: {  	[smem:$0x3F95] =	sst s1;
	(tag) =	ssettag s2;
	_ =	strace s9  }
0x27: {  	s1 =	sld [smem:$0x3FA5]  }
0x28: {  	s2 =	sld [smem:$0x3FA6]  }
0x29: {  	s4 =	sld [smem:$0x3FA8]  }
0x2a: {  	p0 =	seq.s32 s5, $0x0;
	s5 =	sld [smem:$0x3FA9]  }
0x2b: {  	s6 =	sld [smem:$0x3FAA]  }
0x2c: {  	s7 =	sld [smem:$0x3FAB]  }
0x2d: {  	s3 =	simm.s32 $0x108;
	s8 =	sld [smem:$0x3FAC]  }
0x2e: {  	s3 =	simm.s32 @!p0 $0x1082;
	s9 =	sld [smem:$0x3FAD]  }
0x2f: {  	lr =	sadd.s32 s0, s3;
	s0 =	sld [smem:$0x3FA4]  }
0x30: {  	s3 =	sld [smem:$0x3FA7]  }
0x31: {  	[smem:$0x3FB0] =	sst s10  }
0x32: {  	s10 =	sld [smem:$0x3FAE];
	_ =	sdelay $0x3  }
0x33: {  	p0 =	seq.s32 s10, $0x1;
	s10 =	sld [smem:$0x3FB0];
	_ =	sdelay $0x3  }
0x34: {  	[smem:$0x3FB0] =	sst s10  }
0x35: {  	s10 =	sld [smem:$0x3FAF];
	_ =	sdelay $0x3  }
0x36: {  	p1 =	seq.s32 s10, $0x1;
	s10 =	sld [smem:$0x3FB0];
	_ =	sdelay $0x3  }
0x37: {  	[smem:$0x3FB0] =	sst s10  }
0x38: {  	s10 =	sld [smem:$0x3FB1]  }
0x39: {  	_ = 	snop;
	(pc) =	sbr.ind lr, $3  }
0x3a: {  	_ = 	snop  }
0x3b: {  	_ = 	snop  }
0x3c: {  	p2 =	seq.s32 s10, $0x1;
	s10 =	sld [smem:$0x3FB0]  }
0x3d: {  	_ =	shalt  }
0x3e: {  	_ =	shalt  }
0x3f: {  	_ =	shalt  }
0x40: {  	_ =	shalt  }
0x41: {  	_ =	shalt  }
0x42: {  	_ =	shalt  }
0x43: {  	_ =	shalt  }
0x44: {  	_ =	shalt  }
0x45: {  	_ =	shalt  }
0x46: {  	_ =	shalt  }
0x47: {  	_ =	shalt  }
0x48: {  	_ =	shalt  }
0x49: {  	_ =	shalt  }
0x4a: {  	_ =	shalt  }
0x4b: {  	_ =	shalt  }
0x4c: {  	_ =	shalt  }
0x4d: {  	_ =	shalt  }
0x4e: {  	_ =	shalt  }
0x4f: {  	_ =	shalt  }
0x50: {  	_ =	shalt  }
0x51: {  	_ =	shalt  }
0x52: {  	_ =	shalt  }
0x53: {  	_ =	shalt  }
0x54: {  	_ =	shalt  }
0x55: {  	_ =	shalt  }
0x56: {  	_ =	shalt  }
0x57: {  	_ =	shalt  }
0x58: {  	_ =	shalt  }
0x59: {  	_ =	shalt  }
0x5a: {  	_ =	shalt  }
0x5b: {  	_ =	shalt  }
0x5c: {  	_ =	shalt  }
0x5d: {  	_ =	shalt  }
0x5e: {  	_ =	shalt  }
0x5f: {  	_ =	shalt  }
0x60: {  	_ =	shalt  }
0x61: {  	_ =	shalt  }
0x62: {  	_ =	shalt  }
0x63: {  	_ =	shalt  }
0x64: {  	_ =	shalt  }
0x65: {  	_ =	shalt  }
0x66: {  	_ =	shalt  }
0x67: {  	_ =	shalt  }
0x68: {  	_ =	shalt  }
0x69: {  	_ =	shalt  }
0x6a: {  	_ =	shalt  }
0x6b: {  	_ =	shalt  }
0x6c: {  	_ =	shalt  }
0x6d: {  	_ =	shalt  }
0x6e: {  	_ =	shalt  }
0x6f: {  	_ =	shalt  }
0x70: {  	_ =	shalt  }
0x71: {  	_ =	shalt  }
0x72: {  	_ =	shalt  }
0x73: {  	_ =	shalt  }
0x74: {  	_ =	shalt  }
0x75: {  	_ =	shalt  }
0x76: {  	_ =	shalt  }
0x77: {  	_ =	shalt  }
0x78: {  	_ =	shalt  }
0x79: {  	_ =	shalt  }
0x7a: {  	_ =	shalt  }
0x7b: {  	_ =	shalt  }
0x7c: {  	_ =	shalt  }
0x7d: {  	_ =	shalt  }
0x7e: {  	_ =	shalt  }
0x7f: {  	_ =	shalt  }
0x80: {  	_ =	shalt  }
0x81: {  	_ =	shalt  }
0x82: {  	_ =	shalt  }
0x83: {  	_ =	shalt  }
0x84: {  	_ =	shalt  }
0x85: {  	_ =	shalt  }
0x86: {  	_ =	shalt  }
0x87: {  	_ =	shalt  }
.Lfunc_end0:
.L_simem_size_0:
called_computation.2_lowered:
.L_overlay_start_0:
0x88: {  	s2 =	sld [smem:$0x3FD9]  }
0x89: {  	s3 =	sld [smem:$0x3FFE];
	_ =	sdelay $0x1  }
0x8a: {  	s1 =	srdreg.scid  }
0x8b: {  	s0 =	sand.u32 $0x1, s1  }
0x8c: {  	s14 =	sshll.u32 s0, $0xA;
	s2 =	sadd.s32 s3, s2  }
0x8d: {  	s2 =	sadd.s32 s2, s14  }
0x8e: {  	[smem:$0x3FBC] =	sst s2  }
0x8f: {  	_ = 	snop  }
0x90: {  	s2 =	sld [smem:$0x3FD0];
	_ =	sdelay $0x2  }
0x91: {  	s15 =	simm.s32 $0xA;
	s4 =	simm.s32 $0x10  }
0x92: {  	[smem:s4], [sflag:s15] =	dma.local [hbm:s2], $0x1  }
0x93: {  	_ =	swait.eq [sflag:s15], $0x1  }
0x94: {  	[sflag:s15] =	ssyncset.done $0x0  }
0x95: {  	s16 =	sld [smem:$0x10];
	[sflag:s15] =	ssyncadd.s32 $0xFFFFFFFF  }
0x96: {  	s17 =	sld [smem:$0x11];
	(tm) =	ssettm $0x1  }
0x97: {  	s18 =	sld [smem:$0x3FFB];
	_ =	sdelay $0x3  }
0x98: {  	_ =	strace s18  }
0x99: {  	s4 =	sld [smem:$0x3FFC];
	_ =	sdelay $0x3  }
0x9a: {  	_ =	strace s4  }
0x9b: {  	s4 =	sld [smem:$0x3FFD];
	_ =	sdelay $0x3  }
0x9c: {  	_ =	strace s4  }
0x9d: {  	_ =	strace $0x8FFFFFFF  }
0x9e: {  	s19 =	sld [smem:$0x3FDB];
	_ =	sdelay $0x1  }
0x9f: {  	s5 =	simm.s32 $_scs_section_size  }
0xa0: {  	s6 =	simm.s32 $_size__tile_overlayer_lowered;
	s7 =	simm.s32 $_tile_overlayer_lowered  }
0xa1: {  	s22 =	simm.s32 $0x1BFF;
	s21 =	sshll.u32 s7, $0x1;
	s4 =	sadd.s32 s5, s19  }
0xa2: {  	s8 =	simm.s32 $0x0;
	s20 =	sshll.u32 s6, $0x1;
	s6 =	sadd.s32 s21, s4  }
0xa3: {  	[timem:s8], [sflag:s22] =	dma.local [hbm:s6], s20  }
0xa4: {  	_ =	swait.ge [sflag:s22], s20  }
0xa5: {  	s5 =	ssub.s32 $0x0, s20;
	[sflag:s22] =	ssyncset.done $0x0  }
0xa6: {  	[sflag:s22] =	ssyncadd.s32 s5;
	_ =	sdelay $0x1  }
0xa7: {  	s23 =	simm.s32 $0x1B8B  }
0xa8: {  	_ =	swait.ge [sflag:s23], $0x1  }
0xa9: {  	[sflag:s23] =	ssyncset.done $0x0  }
0xaa: {  	s25 =	simm.s32 $0x1B8E;
	s24 =	sld [smem:$0x3FFE];
	[sflag:s23] =	ssyncadd.s32 $0xFFFFFFFF  }
0xab: {  	s26 =	simm.s32 $execute0_lowered;
	[smem:$0x3FD2] =	sst s25  }
0xac: {  	s6 =	sshll.u32 s26, $0x1;
	_ =	strace $0x8000004C;
	[dreg:$0x1] =	wrdreg $0xFFFFFFFF  }
0xad: {  	s28 =	simm.s32 $_size_execute0_lowered;
	s4 =	sadd.s32 s4, s6;
	[dreg:$0x0] =	wrdreg $0x0  }
0xae: {  	s6 =	sshll.u32 s28, $0x1;
	[dreg:$0x2] =	wrdreg s4  }
0xaf: {  	[dreg:$0x3] =	wrdreg s6  }
0xb0: {  	[dreg:$0x4] =	wrdreg $0xC0  }
0xb1: {  	_ =	task [dreg:s8], $0x5FFFF  }
0xb2: {  	[dreg:$0x1] =	wrdreg $0xFFFFFFFF  }
0xb3: {  	[dreg:$0x0] =	wrdreg $0x60  }
0xb4: {  	[dreg:$0x2] =	wrdreg s24  }
0xb5: {  	[dreg:$0x3] =	wrdreg s16  }
0xb6: {  	[dreg:$0x4] =	wrdreg s17  }
0xb7: {  	[dreg:$0x5] =	wrdreg $0x0  }
0xb8: {  	[dreg:$0x6] =	wrdreg $0x9  }
0xb9: {  	_ =	task.clear_ibuf [dreg:s8], $0x7FFFF;
	_ =	strace $0x9000004C  }
0xba: {  	s29 =	simm.s32 $0x9;
	_ =	strace $0x8000004E  }
0xbb: {  	_ =	swait.ge [sflag:s29], $0x1  }
0xbc: {  	[sflag:s29] =	ssyncadd.s32 $0xFFFFFFFF  }
0xbd: {  	_ =	strace $0x9000004E  }
0xbe: {  	_ =	sfence  }
0xbf: {  	s30 =	sld [smem:$0x0];
	_ =	sdelay $0x2  }
0xc0: {  	s31 =	sshll.u32 s1, $0xD;
	s1 =	sshrl.u32 s1, $0x2  }
0xc1: {  	s3 =	sand.u32 $0x4000, s31;
	s1 =	sadd.s32 s1, s30  }
0xc2: {  	s0 =	sor.u32 s3, s0;
	s1 =	sshll.u32 s1, $0x11  }
0xc3: {  	s0 =	sor.u32 s1, s0  }
0xc4: {  	s0 =	sadd.s32 $0x8F2B, s0  }
0xc5: {  	[sflag:s0] =	ssyncadd.remote.s32 $0x1  }
0xc6: {  	_ =	sfence.sel $0xFFFF  }
0xc7: {  	[dreg:$0x0] =	wrdreg $0xFFFFFFFF;
	(pc) =	sbr.abs _section_cstart, $3  }
0xc8: {  	[dreg:$0x1] =	wrdreg $0xFFFFFFFF  }
0xc9: {  	_ =	task.clear_ibuf [dreg:s8], $0x2FFFF;
	_ =	strace $0x9FFFFFFF  }
0xca: {  	(tm) =	ssettm $0x7FFFFFFF  }
0xcb: {  	_ =	shalt  }
tec
execute0_lowered:
.L_overlay_start_1:
0x0: {  	(tag) =	ssettag $0x1  }
0x1: {  	s0 =	rddreg [dreg:$0x0]  }
0x2: {  	s3 =	rddreg [dreg:$0x1]  }
0x3: {  	s6 =	rddreg [dreg:$0x2]  }
0x4: {  	s1 =	rddreg [dreg:$0x3];
	s2 =	simm.s32 $0x0  }
0x5: {  	s4 =	srdreg.scid;
	s13 =	stileid.u32;
	s30 =	simm.s32 $0x14200  }
0x6: {  	s31 =	simm.s32 $0x5;
	s28 =	simm.s32 $0x14180;
	s29 =	simm.s32 $0x1  }
0x7: {  	[smem:$0x7FF] =	sst s2;
	s7 =	sand.u32 $0x1, s4;
	s10 =	smul.u32 $0x5000, s13  }
0x8: {  	s4 =	sadd.s32 $0x6200, s0;
	s5 =	sadd.s32 $0x56200, s0;
	s25 =	smul.u32 $0x50000, s13  }
0x9: {  	s11 =	sadd.s32 $0x7E200, s0;
	s0 =	sadd.s32 $0xA6200, s0;
	s17 =	smul.u32 $0x2800, s13  }
0xa: {  	_ =	strace $0x8000004D;
	s8 =	ssub.s32 $0x2, s7;
	[dreg:$0x5] =	wrdreg s11  }
0xb: {  	[dreg:$0x6] =	wrdreg s0;
	p0 =	seq.s32 s7, $0x1;
	s7 =	smul.u32 $0x280, s13  }
0xc: {  	s9 =	sshrl.u32 s8, $0x1;
	s23 =	sshrl.u32 s10, $0x3;
	s26 =	sor.u32 $0x80, s10  }
0xd: {  	s10 =	sor.u32 $0x100, s10;
	[dreg:$0xa] =	wrdreg s17;
	s22 =	ssub.s32 s8, s9  }
0xe: {  	s24 =	sadd.s32 s3, s23;
	s8 =	sadd.s32 s6, s23;
	s11 =	sadd.s32 $0x80, s7  }
0xf: {  	s15 =	sadd.s32 $0x100, s7;
	s19 =	sadd.s32 $0x180, s7;
	s20 =	sshrl.u32 s26, $0x3  }
0x10: {  	s21 =	sshrl.u32 s10, $0x3;
	s26 =	sadd.s32 $0x200, s7;
	[dreg:$0x7] =	wrdreg s24  }
0x11: {  	s7 =	sadd.s32 s4, s17;
	[dreg:$0x8] =	wrdreg s8;
	s0 =	smax.u32 s22, $0x1  }
0x12: {  	s8 =	sshrl.u32 s25, $0x2;
	s14 =	sshll.u32 s11, $0x7;
	s18 =	sshll.u32 s11, $0x4  }
0x13: {  	s16 =	sshll.u32 s15, $0x7;
	s11 =	sshll.u32 s15, $0x4;
	s22 =	smul.u32 $0xA00, s13  }
0x14: {  	s23 =	sadd.s32 s3, s20;
	s24 =	sadd.s32 s3, s21;
	[dreg:$0x10] =	wrdreg s7  }
0x15: {  	s25 =	sadd.s32 s6, s21;
	s15 =	sadd.s32 s5, s17;
	[dreg:$0x9] =	wrdreg s0  }
0x16: {  	s7 =	simm.s32 $0x14080;
	s12 =	sadd.s32 s8, s1;
	[dreg:$0xc] =	wrdreg s23  }
0x17: {  	s14 =	sadd.s32 s14, s1;
	s16 =	sadd.s32 s16, s1;
	[dreg:$0xe] =	wrdreg s24  }
0x18: {  	s8 =	sadd.s32 s6, s20;
	[dreg:$0xf] =	wrdreg s25;
	s23 =	sshll.u32 s19, $0x4  }
0x19: {  	s0 =	sshll.u32 s19, $0x7;
	s25 =	sshll.u32 s26, $0x4;
	[dreg:$0x15] =	wrdreg s15  }
0x1a: {  	s9 =	sadd.s32 s4, s11;
	[dreg:$0xb] =	wrdreg s18;
	s17 =	sadd.s32 s5, s18  }
0x1b: {  	s15 =	smov.u32 s11;
	[dreg:$0xd] =	wrdreg s8;
	s21 =	sadd.s32 s22, s6  }
0x1c: {  	s22 =	sadd.s32 s22, s3;
	s24 =	sadd.s32 s0, s1;
	[dreg:$0x12] =	wrdreg s9  }
0x1d: {  	s6 =	sshll.u32 s26, $0x7;
	s8 =	sadd.s32 s4, s18;
	[dreg:$0x16] =	wrdreg s17  }
0x1e: {  	s10 =	sadd.s32 s4, s23;
	s13 =	sadd.s32 s4, s25;
	[dreg:$0x11] =	wrdreg s8  }
0x1f: {  	s18 =	sadd.s32 s5, s11;
	s19 =	sadd.s32 s5, s23;
	[dreg:$0x13] =	wrdreg s10  }
.Ltmp0:
0x20: {  	s20 =	sadd.s32 s5, s25;
	[dreg:$0x14] =	wrdreg s13;
	(pc) =	sbr.rel .LBB2_1-.Ltmp0, $4  }
0x21: {  	s0 =	simm.s32 $0x14000;
	s3 =	simm.s32 $0x14100;
	[dreg:$0x17] =	wrdreg s18  }
0x22: {  	s9 =	simm.s32 $0x3;
	s17 =	simm.s32 $0x4;
	[dreg:$0x18] =	wrdreg s19  }
0x23: {  	s26 =	sadd.s32 s6, s1;
	[dreg:$0x19] =	wrdreg s20;
	s6 =	simm.s32 $0x80  }
0x24: {  	s8 =	simm.s32 $0x18200;
	s10 =	simm.s32 $0x2;
	s18 =	simm.s32 $0x0  }
.LBB2_8:
0x25: {  	s19 =	rddreg [dreg:$0x6]  }
.LBB2_9:
0x26: {  	_ =	swait.ge [sflag:s10], $0x4000  }
0x27: {  	[sflag:s10] =	ssyncset.done $0x0  }
0x28: {  	[sflag:s10] =	ssyncadd.s32 $0xFFFFC000;
	(ifvalue) =	ssetifvalue $0xFFFFFFFF  }
0x29: {  	[spmem:s1] =	stream.indirect.scatter.add.f32 [tilespmem:s8], [sflag:$0x4], $0x80, s28, s6, $0x40b8;
	[tilespmem:$0x1C200] =	vst v63  }
0x2a: {  	_ =	swait.ge [sflag:s9], $0x4000  }
0x2b: {  	[sflag:s9] =	ssyncset.done $0x0  }
0x2c: {  	[sflag:s9] =	ssyncadd.s32 $0xFFFFC000  }
0x2d: {  	_ =	swait.ge [sflag:s17], $0x4000  }
0x2e: {  	[sflag:s17] =	ssyncset.done $0x0  }
0x2f: {  	[sflag:s17] =	ssyncadd.s32 $0xFFFFC000  }
0x30: {  	[bflag:$0x0] =	sbarrier.arrive $0xFFFF  }
0x31: {  	[tilespmem:s30], [sflag:$0x5] =	stream.linear.gather [spmem:s12], $0x4000, $0x38;
	[tilespmem:$0x1C200] =	vst v63  }
0x32: {  	_ =	swait.ge [sflag:s31], $0x4000  }
0x33: {  	[sflag:s31] =	ssyncset.done $0x0;
	s11 =	rddreg [dreg:$0xa]  }
0x34: {  	s11 =	sadd.s32 s19, s11;
	[sflag:s31] =	ssyncadd.s32 $0xFFFFC000  }
0x35: {  	[hbm4b:s11+s2] =	stream.linear.scatter [tilespmem:s30], [sflag:$0x5], $0x4000, $0x38;
	[tilespmem:$0x1C200] =	vst v63  }
0x36: {  	_ =	swait.ge [sflag:s31], $0x4000  }
0x37: {  	[sflag:s31] =	ssyncset.done $0x0  }
0x38: {  	[sflag:s31] =	ssyncadd.s32 $0xFFFFC000  }
0x39: {  	[tilespmem:s30], [sflag:$0x5] =	stream.linear.gather [spmem:s14], $0x4000, $0x38;
	[tilespmem:$0x1C200] =	vst v63  }
0x3a: {  	_ =	swait.ge [sflag:s31], $0x4000  }
0x3b: {  	[sflag:s31] =	ssyncset.done $0x0;
	s13 =	rddreg [dreg:$0xb]  }
0x3c: {  	s11 =	sadd.s32 s19, s13;
	[sflag:s31] =	ssyncadd.s32 $0xFFFFC000  }
0x3d: {  	[hbm4b:s11+s2] =	stream.linear.scatter [tilespmem:s30], [sflag:$0x5], $0x4000, $0x38;
	[tilespmem:$0x1C200] =	vst v63  }
0x3e: {  	_ =	swait.ge [sflag:s31], $0x4000  }
0x3f: {  	[sflag:s31] =	ssyncset.done $0x0  }
0x40: {  	[sflag:s31] =	ssyncadd.s32 $0xFFFFC000  }
0x41: {  	[tilespmem:s30], [sflag:$0x5] =	stream.linear.gather [spmem:s16], $0x4000, $0x38;
	[tilespmem:$0x1C200] =	vst v63  }
0x42: {  	_ =	swait.ge [sflag:s31], $0x4000  }
0x43: {  	[sflag:s31] =	ssyncset.done $0x0  }
0x44: {  	s20 =	sadd.s32 s19, s15;
	[sflag:s31] =	ssyncadd.s32 $0xFFFFC000  }
0x45: {  	[hbm4b:s20+s2] =	stream.linear.scatter [tilespmem:s30], [sflag:$0x5], $0x4000, $0x38;
	[tilespmem:$0x1C200] =	vst v63  }
0x46: {  	_ =	swait.ge [sflag:s31], $0x4000  }
0x47: {  	[sflag:s31] =	ssyncset.done $0x0  }
0x48: {  	[sflag:s31] =	ssyncadd.s32 $0xFFFFC000  }
0x49: {  	[tilespmem:s30], [sflag:$0x5] =	stream.linear.gather [spmem:s24], $0x4000, $0x38;
	[tilespmem:$0x1C200] =	vst v63  }
0x4a: {  	_ =	swait.ge [sflag:s31], $0x4000  }
0x4b: {  	[sflag:s31] =	ssyncset.done $0x0  }
0x4c: {  	s13 =	sadd.s32 s19, s23;
	[sflag:s31] =	ssyncadd.s32 $0xFFFFC000  }
0x4d: {  	[hbm4b:s13+s2] =	stream.linear.scatter [tilespmem:s30], [sflag:$0x5], $0x4000, $0x38;
	[tilespmem:$0x1C200] =	vst v63  }
0x4e: {  	_ =	swait.ge [sflag:s31], $0x4000  }
0x4f: {  	[sflag:s31] =	ssyncset.done $0x0  }
0x50: {  	[sflag:s31] =	ssyncadd.s32 $0xFFFFC000  }
0x51: {  	[tilespmem:s30], [sflag:$0x5] =	stream.linear.gather [spmem:s26], $0x4000, $0x38;
	[tilespmem:$0x1C200] =	vst v63  }
0x52: {  	_ =	swait.ge [sflag:s31], $0x4000  }
0x53: {  	[sflag:s31] =	ssyncset.done $0x0  }
0x54: {  	s19 =	sadd.s32 s19, s25;
	[sflag:s31] =	ssyncadd.s32 $0xFFFFC000  }
0x55: {  	[hbm4b:s19+s2] =	stream.linear.scatter [tilespmem:s30], [sflag:$0x5], $0x4000, $0x38;
	[tilespmem:$0x1C200] =	vst v63  }
0x56: {  	_ =	swait.ge [sflag:s31], $0x4000  }
0x57: {  	s18 =	sadd.s32 $0x1, s18;
	s20 =	rddreg [dreg:$0x9]  }
0x58: {  	p1 =	sne.s32 s18, s20  }
.Ltmp1:
0x59: {  	_ = 	snop;
	(pc) =	sbr.rel @!p1 .LBB2_10-.Ltmp1, $3  }
0x5a: {  	_ =	sdelay $0x1  }
0x5b: {  	[sflag:s31] =	ssyncset.done $0x0  }
0x5c: {  	[sflag:s31] =	ssyncadd.s32 $0xFFFFC000  }
.LBB2_1:
.Ltmp2:
0x5d: {  	(pc) =	sbr.rel @!p0 .LBB2_2-.Ltmp2, $1  }
0x5e: {  	_ =	sdelay $0x3  }
0x5f: {  	s11 =	rddreg [dreg:$0x15]  }
0x60: {  	[tilespmem:s30], [sflag:$0x5] =	stream.linear.gather [hbm4b:s11+s2], $0x4000, $0x38;
	[tilespmem:$0x1C200] =	vst v63  }
0x61: {  	_ =	swait.ge [sflag:s31], $0x4000  }
0x62: {  	[sflag:s31] =	ssyncset.done $0x0  }
0x63: {  	[sflag:s31] =	ssyncadd.s32 $0xFFFFC000  }
0x64: {  	[spmem:s12] =	stream.linear.scatter [tilespmem:s30], [sflag:$0x5], $0x4000, $0x38;
	[tilespmem:$0x1C200] =	vst v63  }
0x65: {  	_ =	swait.ge [sflag:s31], $0x4000  }
0x66: {  	[sflag:s31] =	ssyncset.done $0x0  }
0x67: {  	s20 =	rddreg [dreg:$0x16];
	[sflag:s31] =	ssyncadd.s32 $0xFFFFC000  }
0x68: {  	[tilespmem:s30], [sflag:$0x5] =	stream.linear.gather [hbm4b:s20+s2], $0x4000, $0x38;
	[tilespmem:$0x1C200] =	vst v63  }
0x69: {  	_ =	swait.ge [sflag:s31], $0x4000  }
0x6a: {  	[sflag:s31] =	ssyncset.done $0x0  }
0x6b: {  	[sflag:s31] =	ssyncadd.s32 $0xFFFFC000  }
0x6c: {  	[spmem:s14] =	stream.linear.scatter [tilespmem:s30], [sflag:$0x5], $0x4000, $0x38;
	[tilespmem:$0x1C200] =	vst v63  }
0x6d: {  	_ =	swait.ge [sflag:s31], $0x4000  }
0x6e: {  	[sflag:s31] =	ssyncset.done $0x0  }
0x6f: {  	s13 =	rddreg [dreg:$0x17];
	[sflag:s31] =	ssyncadd.s32 $0xFFFFC000  }
0x70: {  	[tilespmem:s30], [sflag:$0x5] =	stream.linear.gather [hbm4b:s13+s2], $0x4000, $0x38;
	[tilespmem:$0x1C200] =	vst v63  }
0x71: {  	_ =	swait.ge [sflag:s31], $0x4000  }
0x72: {  	[sflag:s31] =	ssyncset.done $0x0  }
0x73: {  	[sflag:s31] =	ssyncadd.s32 $0xFFFFC000  }
0x74: {  	[spmem:s16] =	stream.linear.scatter [tilespmem:s30], [sflag:$0x5], $0x4000, $0x38;
	[tilespmem:$0x1C200] =	vst v63  }
0x75: {  	_ =	swait.ge [sflag:s31], $0x4000  }
0x76: {  	[sflag:s31] =	ssyncset.done $0x0  }
0x77: {  	s19 =	rddreg [dreg:$0x18];
	[sflag:s31] =	ssyncadd.s32 $0xFFFFC000  }
0x78: {  	[tilespmem:s30], [sflag:$0x5] =	stream.linear.gather [hbm4b:s19+s2], $0x4000, $0x38;
	[tilespmem:$0x1C200] =	vst v63  }
0x79: {  	_ =	swait.ge [sflag:s31], $0x4000  }
0x7a: {  	[sflag:s31] =	ssyncset.done $0x0  }
0x7b: {  	[sflag:s31] =	ssyncadd.s32 $0xFFFFC000  }
0x7c: {  	[spmem:s24] =	stream.linear.scatter [tilespmem:s30], [sflag:$0x5], $0x4000, $0x38;
	[tilespmem:$0x1C200] =	vst v63  }
0x7d: {  	_ =	swait.ge [sflag:s31], $0x4000  }
0x7e: {  	[sflag:s31] =	ssyncset.done $0x0  }
0x7f: {  	s20 =	rddreg [dreg:$0x19];
	[sflag:s31] =	ssyncadd.s32 $0xFFFFC000  }
0x80: {  	[tilespmem:s30], [sflag:$0x5] =	stream.linear.gather [hbm4b:s20+s2], $0x4000, $0x38;
	[tilespmem:$0x1C200] =	vst v63  }
0x81: {  	_ =	swait.ge [sflag:s31], $0x4000  }
0x82: {  	[sflag:s31] =	ssyncset.done $0x0  }
0x83: {  	[sflag:s31] =	ssyncadd.s32 $0xFFFFC000  }
0x84: {  	[spmem:s26] =	stream.linear.scatter [tilespmem:s30], [sflag:$0x5], $0x4000, $0x38;
	[tilespmem:$0x1C200] =	vst v63  }
0x85: {  	_ =	swait.ge [sflag:s31], $0x4000  }
0x86: {  	[sflag:s31] =	ssyncset.done $0x0  }
0x87: {  	[sflag:s31] =	ssyncadd.s32 $0xFFFFC000  }
0x88: {  	[bflag:$0x0] =	sbarrier.arrive $0xFFFF  }
0x89: {  	s13 =	rddreg [dreg:$0x7]  }
0x8a: {  	[tilespmem:s0], [sflag:$0x5] =	stream.linear.gather [hbm4b:s13+s2], $0x80, $0x38;
	[tilespmem:$0x1C200] =	vst v63  }
0x8b: {  	_ =	swait.ge [sflag:s31], $0x80  }
0x8c: {  	[sflag:s31] =	ssyncset.done $0x0  }
0x8d: {  	s19 =	rddreg [dreg:$0x8];
	[sflag:s31] =	ssyncadd.s32 $0xFFFFFF80  }
0x8e: {  	[tilespmem:s3], [sflag:$0x5] =	stream.linear.gather [hbm4b:s19+s2], $0x80, $0x38;
	[tilespmem:$0x1C200] =	vst v63  }
0x8f: {  	_ =	swait.ge [sflag:s31], $0x80  }
0x90: {  	[sflag:s31] =	ssyncset.done $0x0  }
0x91: {  	[sflag:s31] =	ssyncadd.s32 $0xFFFFFF80;
	(ifvalue) =	ssetifvalue $0xFFFFFFFF  }
0x92: {  	(ifvalue) =	ssetifvalue $0xFFFFFFFF  }
0x93: {  	[tilespmem:s30], [sflag:$0x1] =	stream.indirect.gather [hbm4b:s5+s6], $0x80, s0, s6, $0x40b8;
	[tilespmem:$0x1C200] =	vst v63  }
0x94: {  	s20 =	rddreg [dreg:$0xc]  }
0x95: {  	[tilespmem:s7], [sflag:$0x5] =	stream.linear.gather [hbm4b:s20+s2], $0x80, $0x38;
	[tilespmem:$0x1C200] =	vst v63  }
0x96: {  	_ =	swait.ge [sflag:s31], $0x80  }
0x97: {  	[sflag:s31] =	ssyncset.done $0x0  }
0x98: {  	s13 =	rddreg [dreg:$0xd];
	[sflag:s31] =	ssyncadd.s32 $0xFFFFFF80  }
0x99: {  	[tilespmem:s28], [sflag:$0x5] =	stream.linear.gather [hbm4b:s13+s2], $0x80, $0x38;
	[tilespmem:$0x1C200] =	vst v63  }
0x9a: {  	_ =	swait.ge [sflag:s31], $0x80  }
0x9b: {  	[sflag:s31] =	ssyncset.done $0x0  }
0x9c: {  	[sflag:s31] =	ssyncadd.s32 $0xFFFFFF80  }
0x9d: {  	_ =	swait.ge [sflag:s29], $0x4000  }
0x9e: {  	[sflag:s29] =	ssyncset.done $0x0  }
0x9f: {  	[sflag:s29] =	ssyncadd.s32 $0xFFFFC000;
	(ifvalue) =	ssetifvalue $0xFFFFFFFF  }
0xa0: {  	(ifvalue) =	ssetifvalue $0xFFFFFFFF  }
0xa1: {  	[tilespmem:s8], [sflag:$0x2] =	stream.indirect.gather [hbm4b:s5+s6], $0x80, s7, s6, $0x40b8;
	[tilespmem:$0x1C200] =	vst v63  }
0xa2: {  	(ifvalue) =	ssetifvalue $0xFFFFFFFF  }
0xa3: {  	[spmem:s1] =	stream.indirect.scatter.add.f32 [tilespmem:s30], [sflag:$0x3], $0x80, s3, s6, $0x40b8;
	[tilespmem:$0x1C200] =	vst v63  }
0xa4: {  	_ =	swait.ge [sflag:s9], $0x4000  }
0xa5: {  	[sflag:s9] =	ssyncset.done $0x0  }
0xa6: {  	s19 =	rddreg [dreg:$0xe];
	[sflag:s9] =	ssyncadd.s32 $0xFFFFC000  }
0xa7: {  	[tilespmem:s0], [sflag:$0x5] =	stream.linear.gather [hbm4b:s19+s2], $0x80, $0x38;
	[tilespmem:$0x1C200] =	vst v63  }
0xa8: {  	_ =	swait.ge [sflag:s31], $0x80  }
0xa9: {  	[sflag:s31] =	ssyncset.done $0x0  }
0xaa: {  	s20 =	rddreg [dreg:$0xf];
	[sflag:s31] =	ssyncadd.s32 $0xFFFFFF80  }
0xab: {  	[tilespmem:s3], [sflag:$0x5] =	stream.linear.gather [hbm4b:s20+s2], $0x80, $0x38;
	[tilespmem:$0x1C200] =	vst v63  }
0xac: {  	_ =	swait.ge [sflag:s31], $0x80  }
0xad: {  	[sflag:s31] =	ssyncset.done $0x0  }
0xae: {  	[sflag:s31] =	ssyncadd.s32 $0xFFFFFF80  }
0xaf: {  	_ =	swait.ge [sflag:s10], $0x4000  }
0xb0: {  	[sflag:s10] =	ssyncset.done $0x0  }
0xb1: {  	[sflag:s10] =	ssyncadd.s32 $0xFFFFC000;
	(ifvalue) =	ssetifvalue $0xFFFFFFFF  }
0xb2: {  	(ifvalue) =	ssetifvalue $0xFFFFFFFF  }
0xb3: {  	[tilespmem:s30], [sflag:$0x1] =	stream.indirect.gather [hbm4b:s5+s6], $0x80, s0, s6, $0x40b8;
	[tilespmem:$0x1C200] =	vst v63  }
0xb4: {  	s19 =	simm.s32 $0xFFFFF640;
	(ifvalue) =	ssetifvalue $0xFFFFFFFF  }
0xb5: {  	[spmem:s1] =	stream.indirect.scatter.add.f32 [tilespmem:s8], [sflag:$0x4], $0x80, s28, s6, $0x40b8;
	[tilespmem:$0x1C200] =	vst v63  }
.LBB2_7:
0xb6: {  	_ =	swait.ge [sflag:s17], $0x4000  }
0xb7: {  	s20 =	sadd.s32 s19, s22;
	[sflag:s17] =	ssyncset.done $0x0  }
0xb8: {  	s11 =	sadd.s32 $0x9F0, s20;
	[sflag:s17] =	ssyncadd.s32 $0xFFFFC000  }
0xb9: {  	[tilespmem:s7], [sflag:$0x5] =	stream.linear.gather [hbm4b:s11+s2], $0x80, $0x38;
	[tilespmem:$0x1C200] =	vst v63  }
0xba: {  	_ =	swait.ge [sflag:s31], $0x80  }
0xbb: {  	s11 =	sadd.s32 s19, s21;
	[sflag:s31] =	ssyncset.done $0x0  }
0xbc: {  	s13 =	sadd.s32 $0x9F0, s11;
	[sflag:s31] =	ssyncadd.s32 $0xFFFFFF80  }
0xbd: {  	[tilespmem:s28], [sflag:$0x5] =	stream.linear.gather [hbm4b:s13+s2], $0x80, $0x38;
	[tilespmem:$0x1C200] =	vst v63  }
0xbe: {  	_ =	swait.ge [sflag:s31], $0x80  }
0xbf: {  	[sflag:s31] =	ssyncset.done $0x0  }
0xc0: {  	[sflag:s31] =	ssyncadd.s32 $0xFFFFFF80  }
0xc1: {  	_ =	swait.ge [sflag:s29], $0x4000  }
0xc2: {  	p1 =	seq.s32 s19, $0x0;
	[sflag:s29] =	ssyncset.done $0x0  }
.Ltmp3:
0xc3: {  	[sflag:s29] =	ssyncadd.s32 $0xFFFFC000;
	(ifvalue) =	ssetifvalue $0xFFFFFFFF;
	(pc) =	sbr.rel @p1 .LBB2_8-.Ltmp3, $4  }
0xc4: {  	(ifvalue) =	ssetifvalue $0xFFFFFFFF  }
0xc5: {  	[tilespmem:s8], [sflag:$0x2] =	stream.indirect.gather [hbm4b:s5+s6], $0x80, s7, s6, $0x40b8;
	[tilespmem:$0x1C200] =	vst v63  }
0xc6: {  	(ifvalue) =	ssetifvalue $0xFFFFFFFF  }
0xc7: {  	[spmem:s1] =	stream.indirect.scatter.add.f32 [tilespmem:s30], [sflag:$0x3], $0x80, s3, s6, $0x40b8;
	[tilespmem:$0x1C200] =	vst v63  }
0xc8: {  	_ =	swait.ge [sflag:s9], $0x4000  }
0xc9: {  	[sflag:s9] =	ssyncset.done $0x0  }
0xca: {  	s13 =	sadd.s32 $0xA00, s20;
	[sflag:s9] =	ssyncadd.s32 $0xFFFFC000  }
0xcb: {  	[tilespmem:s0], [sflag:$0x5] =	stream.linear.gather [hbm4b:s13+s2], $0x80, $0x38;
	[tilespmem:$0x1C200] =	vst v63  }
0xcc: {  	_ =	swait.ge [sflag:s31], $0x80  }
0xcd: {  	[sflag:s31] =	ssyncset.done $0x0  }
0xce: {  	s11 =	sadd.s32 $0xA00, s11;
	[sflag:s31] =	ssyncadd.s32 $0xFFFFFF80  }
0xcf: {  	[tilespmem:s3], [sflag:$0x5] =	stream.linear.gather [hbm4b:s11+s2], $0x80, $0x38;
	[tilespmem:$0x1C200] =	vst v63  }
0xd0: {  	_ =	swait.ge [sflag:s31], $0x80  }
0xd1: {  	[sflag:s31] =	ssyncset.done $0x0  }
0xd2: {  	[sflag:s31] =	ssyncadd.s32 $0xFFFFFF80  }
0xd3: {  	_ =	swait.ge [sflag:s10], $0x4000  }
0xd4: {  	[sflag:s10] =	ssyncset.done $0x0  }
.Ltmp4:
0xd5: {  	[sflag:s10] =	ssyncadd.s32 $0xFFFFC000;
	(ifvalue) =	ssetifvalue $0xFFFFFFFF;
	(pc) =	sbr.rel .LBB2_7-.Ltmp4, $4  }
0xd6: {  	(ifvalue) =	ssetifvalue $0xFFFFFFFF  }
0xd7: {  	[tilespmem:s30], [sflag:$0x1] =	stream.indirect.gather [hbm4b:s5+s6], $0x80, s0, s6, $0x40b8;
	[tilespmem:$0x1C200] =	vst v63  }
0xd8: {  	s19 =	sadd.s32 $0x20, s19;
	(ifvalue) =	ssetifvalue $0xFFFFFFFF  }
0xd9: {  	[spmem:s1] =	stream.indirect.scatter.add.f32 [tilespmem:s8], [sflag:$0x4], $0x80, s28, s6, $0x40b8;
	[tilespmem:$0x1C200] =	vst v63  }
.LBB2_2:
0xda: {  	s11 =	rddreg [dreg:$0x10]  }
0xdb: {  	[tilespmem:s30], [sflag:$0x5] =	stream.linear.gather [hbm4b:s11+s2], $0x4000, $0x38;
	[tilespmem:$0x1C200] =	vst v63  }
0xdc: {  	_ =	swait.ge [sflag:s31], $0x4000  }
0xdd: {  	[sflag:s31] =	ssyncset.done $0x0  }
0xde: {  	[sflag:s31] =	ssyncadd.s32 $0xFFFFC000  }
0xdf: {  	[spmem:s12] =	stream.linear.scatter [tilespmem:s30], [sflag:$0x5], $0x4000, $0x38;
	[tilespmem:$0x1C200] =	vst v63  }
0xe0: {  	_ =	swait.ge [sflag:s31], $0x4000  }
0xe1: {  	[sflag:s31] =	ssyncset.done $0x0  }
0xe2: {  	s20 =	rddreg [dreg:$0x11];
	[sflag:s31] =	ssyncadd.s32 $0xFFFFC000  }
0xe3: {  	[tilespmem:s30], [sflag:$0x5] =	stream.linear.gather [hbm4b:s20+s2], $0x4000, $0x38;
	[tilespmem:$0x1C200] =	vst v63  }
0xe4: {  	_ =	swait.ge [sflag:s31], $0x4000  }
0xe5: {  	[sflag:s31] =	ssyncset.done $0x0  }
0xe6: {  	[sflag:s31] =	ssyncadd.s32 $0xFFFFC000  }
0xe7: {  	[spmem:s14] =	stream.linear.scatter [tilespmem:s30], [sflag:$0x5], $0x4000, $0x38;
	[tilespmem:$0x1C200] =	vst v63  }
0xe8: {  	_ =	swait.ge [sflag:s31], $0x4000  }
0xe9: {  	[sflag:s31] =	ssyncset.done $0x0  }
0xea: {  	s13 =	rddreg [dreg:$0x12];
	[sflag:s31] =	ssyncadd.s32 $0xFFFFC000  }
0xeb: {  	[tilespmem:s30], [sflag:$0x5] =	stream.linear.gather [hbm4b:s13+s2], $0x4000, $0x38;
	[tilespmem:$0x1C200] =	vst v63  }
0xec: {  	_ =	swait.ge [sflag:s31], $0x4000  }
0xed: {  	[sflag:s31] =	ssyncset.done $0x0  }
0xee: {  	[sflag:s31] =	ssyncadd.s32 $0xFFFFC000  }
0xef: {  	[spmem:s16] =	stream.linear.scatter [tilespmem:s30], [sflag:$0x5], $0x4000, $0x38;
	[tilespmem:$0x1C200] =	vst v63  }
0xf0: {  	_ =	swait.ge [sflag:s31], $0x4000  }
0xf1: {  	[sflag:s31] =	ssyncset.done $0x0  }
0xf2: {  	s19 =	rddreg [dreg:$0x13];
	[sflag:s31] =	ssyncadd.s32 $0xFFFFC000  }
0xf3: {  	[tilespmem:s30], [sflag:$0x5] =	stream.linear.gather [hbm4b:s19+s2], $0x4000, $0x38;
	[tilespmem:$0x1C200] =	vst v63  }
0xf4: {  	_ =	swait.ge [sflag:s31], $0x4000  }
0xf5: {  	[sflag:s31] =	ssyncset.done $0x0  }
0xf6: {  	[sflag:s31] =	ssyncadd.s32 $0xFFFFC000  }
0xf7: {  	[spmem:s24] =	stream.linear.scatter [tilespmem:s30], [sflag:$0x5], $0x4000, $0x38;
	[tilespmem:$0x1C200] =	vst v63  }
0xf8: {  	_ =	swait.ge [sflag:s31], $0x4000  }
0xf9: {  	[sflag:s31] =	ssyncset.done $0x0  }
0xfa: {  	s20 =	rddreg [dreg:$0x14];
	[sflag:s31] =	ssyncadd.s32 $0xFFFFC000  }
0xfb: {  	[tilespmem:s30], [sflag:$0x5] =	stream.linear.gather [hbm4b:s20+s2], $0x4000, $0x38;
	[tilespmem:$0x1C200] =	vst v63  }
0xfc: {  	_ =	swait.ge [sflag:s31], $0x4000  }
0xfd: {  	[sflag:s31] =	ssyncset.done $0x0  }
0xfe: {  	[sflag:s31] =	ssyncadd.s32 $0xFFFFC000  }
0xff: {  	[spmem:s26] =	stream.linear.scatter [tilespmem:s30], [sflag:$0x5], $0x4000, $0x38;
	[tilespmem:$0x1C200] =	vst v63  }
0x100: {  	_ =	swait.ge [sflag:s31], $0x4000  }
0x101: {  	[sflag:s31] =	ssyncset.done $0x0  }
0x102: {  	[sflag:s31] =	ssyncadd.s32 $0xFFFFC000  }
0x103: {  	[bflag:$0x0] =	sbarrier.arrive $0xFFFF  }
0x104: {  	s13 =	rddreg [dreg:$0x7]  }
0x105: {  	[tilespmem:s0], [sflag:$0x5] =	stream.linear.gather [hbm4b:s13+s2], $0x80, $0x38;
	[tilespmem:$0x1C200] =	vst v63  }
0x106: {  	_ =	swait.ge [sflag:s31], $0x80  }
0x107: {  	[sflag:s31] =	ssyncset.done $0x0  }
0x108: {  	s19 =	rddreg [dreg:$0x8];
	[sflag:s31] =	ssyncadd.s32 $0xFFFFFF80  }
0x109: {  	[tilespmem:s3], [sflag:$0x5] =	stream.linear.gather [hbm4b:s19+s2], $0x80, $0x38;
	[tilespmem:$0x1C200] =	vst v63  }
0x10a: {  	_ =	swait.ge [sflag:s31], $0x80  }
0x10b: {  	[sflag:s31] =	ssyncset.done $0x0  }
0x10c: {  	[sflag:s31] =	ssyncadd.s32 $0xFFFFFF80;
	(ifvalue) =	ssetifvalue $0xFFFFFFFF  }
0x10d: {  	(ifvalue) =	ssetifvalue $0xFFFFFFFF  }
0x10e: {  	[tilespmem:s30], [sflag:$0x1] =	stream.indirect.gather [hbm4b:s4+s6], $0x80, s0, s6, $0x40b8;
	[tilespmem:$0x1C200] =	vst v63  }
0x10f: {  	s20 =	rddreg [dreg:$0xc]  }
0x110: {  	[tilespmem:s7], [sflag:$0x5] =	stream.linear.gather [hbm4b:s20+s2], $0x80, $0x38;
	[tilespmem:$0x1C200] =	vst v63  }
0x111: {  	_ =	swait.ge [sflag:s31], $0x80  }
0x112: {  	[sflag:s31] =	ssyncset.done $0x0  }
0x113: {  	s13 =	rddreg [dreg:$0xd];
	[sflag:s31] =	ssyncadd.s32 $0xFFFFFF80  }
0x114: {  	[tilespmem:s28], [sflag:$0x5] =	stream.linear.gather [hbm4b:s13+s2], $0x80, $0x38;
	[tilespmem:$0x1C200] =	vst v63  }
0x115: {  	_ =	swait.ge [sflag:s31], $0x80  }
0x116: {  	[sflag:s31] =	ssyncset.done $0x0  }
0x117: {  	[sflag:s31] =	ssyncadd.s32 $0xFFFFFF80  }
0x118: {  	_ =	swait.ge [sflag:s29], $0x4000  }
0x119: {  	[sflag:s29] =	ssyncset.done $0x0  }
0x11a: {  	[sflag:s29] =	ssyncadd.s32 $0xFFFFC000;
	(ifvalue) =	ssetifvalue $0xFFFFFFFF  }
0x11b: {  	(ifvalue) =	ssetifvalue $0xFFFFFFFF  }
0x11c: {  	[tilespmem:s8], [sflag:$0x2] =	stream.indirect.gather [hbm4b:s4+s6], $0x80, s7, s6, $0x40b8;
	[tilespmem:$0x1C200] =	vst v63  }
0x11d: {  	(ifvalue) =	ssetifvalue $0xFFFFFFFF  }
0x11e: {  	[spmem:s1] =	stream.indirect.scatter.add.f32 [tilespmem:s30], [sflag:$0x3], $0x80, s3, s6, $0x40b8;
	[tilespmem:$0x1C200] =	vst v63  }
0x11f: {  	_ =	swait.ge [sflag:s9], $0x4000  }
0x120: {  	[sflag:s9] =	ssyncset.done $0x0  }
0x121: {  	s19 =	rddreg [dreg:$0xe];
	[sflag:s9] =	ssyncadd.s32 $0xFFFFC000  }
0x122: {  	[tilespmem:s0], [sflag:$0x5] =	stream.linear.gather [hbm4b:s19+s2], $0x80, $0x38;
	[tilespmem:$0x1C200] =	vst v63  }
0x123: {  	_ =	swait.ge [sflag:s31], $0x80  }
0x124: {  	[sflag:s31] =	ssyncset.done $0x0  }
0x125: {  	s20 =	rddreg [dreg:$0xf];
	[sflag:s31] =	ssyncadd.s32 $0xFFFFFF80  }
0x126: {  	[tilespmem:s3], [sflag:$0x5] =	stream.linear.gather [hbm4b:s20+s2], $0x80, $0x38;
	[tilespmem:$0x1C200] =	vst v63  }
0x127: {  	_ =	swait.ge [sflag:s31], $0x80  }
0x128: {  	[sflag:s31] =	ssyncset.done $0x0  }
0x129: {  	[sflag:s31] =	ssyncadd.s32 $0xFFFFFF80  }
0x12a: {  	_ =	swait.ge [sflag:s10], $0x4000  }
0x12b: {  	[sflag:s10] =	ssyncset.done $0x0  }
0x12c: {  	[sflag:s10] =	ssyncadd.s32 $0xFFFFC000;
	(ifvalue) =	ssetifvalue $0xFFFFFFFF  }
0x12d: {  	(ifvalue) =	ssetifvalue $0xFFFFFFFF  }
0x12e: {  	[tilespmem:s30], [sflag:$0x1] =	stream.indirect.gather [hbm4b:s4+s6], $0x80, s0, s6, $0x40b8;
	[tilespmem:$0x1C200] =	vst v63  }
0x12f: {  	s19 =	simm.s32 $0xFFFFF640;
	(ifvalue) =	ssetifvalue $0xFFFFFFFF  }
0x130: {  	[spmem:s1] =	stream.indirect.scatter.add.f32 [tilespmem:s8], [sflag:$0x4], $0x80, s28, s6, $0x40b8;
	[tilespmem:$0x1C200] =	vst v63  }
.LBB2_3:
0x131: {  	_ =	swait.ge [sflag:s17], $0x4000  }
0x132: {  	s20 =	sadd.s32 s19, s22;
	[sflag:s17] =	ssyncset.done $0x0  }
0x133: {  	s11 =	sadd.s32 $0x9F0, s20;
	[sflag:s17] =	ssyncadd.s32 $0xFFFFC000  }
0x134: {  	[tilespmem:s7], [sflag:$0x5] =	stream.linear.gather [hbm4b:s11+s2], $0x80, $0x38;
	[tilespmem:$0x1C200] =	vst v63  }
0x135: {  	_ =	swait.ge [sflag:s31], $0x80  }
0x136: {  	s11 =	sadd.s32 s19, s21;
	[sflag:s31] =	ssyncset.done $0x0  }
0x137: {  	s13 =	sadd.s32 $0x9F0, s11;
	[sflag:s31] =	ssyncadd.s32 $0xFFFFFF80  }
0x138: {  	[tilespmem:s28], [sflag:$0x5] =	stream.linear.gather [hbm4b:s13+s2], $0x80, $0x38;
	[tilespmem:$0x1C200] =	vst v63  }
0x139: {  	_ =	swait.ge [sflag:s31], $0x80  }
0x13a: {  	[sflag:s31] =	ssyncset.done $0x0  }
0x13b: {  	[sflag:s31] =	ssyncadd.s32 $0xFFFFFF80  }
0x13c: {  	_ =	swait.ge [sflag:s29], $0x4000  }
0x13d: {  	p1 =	seq.s32 s19, $0x0;
	[sflag:s29] =	ssyncset.done $0x0  }
.Ltmp5:
0x13e: {  	[sflag:s29] =	ssyncadd.s32 $0xFFFFC000;
	(ifvalue) =	ssetifvalue $0xFFFFFFFF;
	(pc) =	sbr.rel @p1 .LBB2_4-.Ltmp5, $4  }
0x13f: {  	(ifvalue) =	ssetifvalue $0xFFFFFFFF  }
0x140: {  	[tilespmem:s8], [sflag:$0x2] =	stream.indirect.gather [hbm4b:s4+s6], $0x80, s7, s6, $0x40b8;
	[tilespmem:$0x1C200] =	vst v63  }
0x141: {  	(ifvalue) =	ssetifvalue $0xFFFFFFFF  }
0x142: {  	[spmem:s1] =	stream.indirect.scatter.add.f32 [tilespmem:s30], [sflag:$0x3], $0x80, s3, s6, $0x40b8;
	[tilespmem:$0x1C200] =	vst v63  }
0x143: {  	_ =	swait.ge [sflag:s9], $0x4000  }
0x144: {  	[sflag:s9] =	ssyncset.done $0x0  }
0x145: {  	s13 =	sadd.s32 $0xA00, s20;
	[sflag:s9] =	ssyncadd.s32 $0xFFFFC000  }
0x146: {  	[tilespmem:s0], [sflag:$0x5] =	stream.linear.gather [hbm4b:s13+s2], $0x80, $0x38;
	[tilespmem:$0x1C200] =	vst v63  }
0x147: {  	_ =	swait.ge [sflag:s31], $0x80  }
0x148: {  	[sflag:s31] =	ssyncset.done $0x0  }
0x149: {  	s11 =	sadd.s32 $0xA00, s11;
	[sflag:s31] =	ssyncadd.s32 $0xFFFFFF80  }
0x14a: {  	[tilespmem:s3], [sflag:$0x5] =	stream.linear.gather [hbm4b:s11+s2], $0x80, $0x38;
	[tilespmem:$0x1C200] =	vst v63  }
0x14b: {  	_ =	swait.ge [sflag:s31], $0x80  }
0x14c: {  	[sflag:s31] =	ssyncset.done $0x0  }
0x14d: {  	[sflag:s31] =	ssyncadd.s32 $0xFFFFFF80  }
0x14e: {  	_ =	swait.ge [sflag:s10], $0x4000  }
0x14f: {  	[sflag:s10] =	ssyncset.done $0x0  }
.Ltmp6:
0x150: {  	[sflag:s10] =	ssyncadd.s32 $0xFFFFC000;
	(ifvalue) =	ssetifvalue $0xFFFFFFFF;
	(pc) =	sbr.rel .LBB2_3-.Ltmp6, $4  }
0x151: {  	(ifvalue) =	ssetifvalue $0xFFFFFFFF  }
0x152: {  	[tilespmem:s30], [sflag:$0x1] =	stream.indirect.gather [hbm4b:s4+s6], $0x80, s0, s6, $0x40b8;
	[tilespmem:$0x1C200] =	vst v63  }
0x153: {  	s19 =	sadd.s32 $0x20, s19;
	(ifvalue) =	ssetifvalue $0xFFFFFFFF  }
0x154: {  	[spmem:s1] =	stream.indirect.scatter.add.f32 [tilespmem:s8], [sflag:$0x4], $0x80, s28, s6, $0x40b8;
	[tilespmem:$0x1C200] =	vst v63  }
.LBB2_4:
.Ltmp7:
0x155: {  	(pc) =	sbr.rel .LBB2_9-.Ltmp7, $2  }
0x156: {  	_ =	sdelay $0x2  }
0x157: {  	s19 =	rddreg [dreg:$0x5]  }
.LBB2_10:
0x158: {  	_ =	sfence.sel $0x180000  }
0x159: {  	[bflag:$0x0] =	sbarrier.arrive $0xFFFF  }
0x15a: {  	_ =	strace $0x9000004D  }
0x15b: {  	s0 =	stileid.u32;
	[bflag:$0x2] =	sbarrier.arrive $0xFFFF  }
0x15c: {  	p0 =	sne.s32 s0, $0x0;
	s0 =	rddreg [dreg:$0x4]  }
0x15d: {  	s0 =	sadd.s32 @!p0 $0x100000, s0  }
0x15e: {  	[sflag:s0] =	ssyncadd.tile.s32 @!p0 $0x1;
	_ =	shalt  }
.Lfunc_end2:
_tile_overlayer_lowered:
.L_overlay_start_2:
0x15f: {  	(tag) =	ssettag $0x2  }
0x160: {  	s0 =	rddreg [dreg:$0x0];
	s2 =	stileid.u32  }
0x161: {  	s1 =	rddreg [dreg:$0x1];
	p0 =	sne.s32 s2, $0x0  }
0x162: {  	s3 =	rddreg [dreg:$0x2];
	[bflag:$0x3] =	sbarrier.arrive $0xFFFF;
	s2 =	simm.s32 @!p0 $0x1C05  }
0x163: {  	[timem:s3], [sflag:s2] =	dma.local @!p0 [hbm:s0], s1  }
0x164: {  	s0 =	simm.s32 @!p0 $0x5  }
0x165: {  	_ =	swait.ge @!p0 [sflag:s0], s1  }
0x166: {  	s1 =	ssub.s32 @!p0 $0x0, s1;
	[sflag:s0] =	ssyncset.done @!p0 $0x0  }
0x167: {  	[sflag:s0] =	ssyncadd.s32 @!p0 s1  }
0x168: {  	[bflag:$0x3] =	sbarrier.arrive $0xFFFF  }
0x169: {  	_ =	shalt  }

// kernel: kernel.21.cloned.1.call-start
scs
__scs_entry_jumppad:
0x0: {  	(pc) =	sbr.rel $0x88, $3  }
0x1: {  	(tag) =	ssettag $0x0;
	lr =	simm.s32 $0x1  }
0x2: {  	[smem:$0x3F95] =	sst lr;
	_ =	strace $0xD0000000  }
0x3: {  	_ = 	snop  }
0x4: {  	_ = 	snop  }
0x5: {  	_ = 	snop  }
0x6: {  	_ = 	snop  }
0x7: {  	_ = 	snop  }
__scs_overlays_trampoline_lowered:
0x8: {  	[smem:$0x3FA4] =	sst s0  }
0x9: {  	[smem:$0x3FA5] =	sst s1  }
0xa: {  	[smem:$0x3FA6] =	sst s2  }
0xb: {  	[smem:$0x3FA7] =	sst s3  }
0xc: {  	[smem:$0x3FA8] =	sst s4  }
0xd: {  	[smem:$0x3FA9] =	sst s5  }
0xe: {  	[smem:$0x3FAA] =	sst s6  }
0xf: {  	[smem:$0x3FAB] =	sst s7  }
0x10: {  	[smem:$0x3FAC] =	sst s8  }
0x11: {  	[smem:$0x3FAD] =	sst s9;
	s0 =	simm.s32 @!p0 $0x0  }
0x12: {  	s1 =	sld [smem:$0x3F93];
	s0 =	simm.s32 @p0 $0x1  }
0x13: {  	[smem:$0x3FAE] =	sst s0;
	s0 =	simm.s32 @!p1 $0x0  }
0x14: {  	s2 =	sld [smem:$0x3F92];
	s0 =	simm.s32 @p1 $0x1  }
0x15: {  	[smem:$0x3FAF] =	sst s0;
	s0 =	simm.s32 @!p2 $0x0  }
0x16: {  	s3 =	sld [smem:$0x3FDB];
	s0 =	simm.s32 @p2 $0x1  }
0x17: {  	s4 =	simm.s32 $0x1BF5;
	[smem:$0x3FB1] =	sst s0  }
0x18: {  	s0 =	sld [smem:$0x3F94];
	_ =	swait.ge [sflag:s4], $0x0  }
0x19: {  	s7 =	sld [smem:$0x3F95]  }
0x1a: {  	s8 =	sadd.s32 $0xFFFFE003, lr  }
0x1b: {  	s9 =	sadd.s32 $0xFFFFFEF7, lr;
	s5 =	simm.s32 $0xFFFFFFFF;
	p2 =	slt.u32 s8, $0xFFFFF086  }
0x1c: {  	p1 =	slt.u32 s9, $0xF7A;
	s5 =	simm.s32 @!p2 $0x0  }
0x1d: {  	s5 =	simm.s32 @p1 $0x1;
	p0 =	seq.s32 s7, s2  }
0x1e: {  	s7 =	smul.u32 @!p0 $0xF7A, s2;
	p2 =	seq.s32 @!p0 s5, $0x0  }
0x1f: {  	s9 =	smul.u32 $0xF7A, s1;
	s8 =	simm.s32 @!p0 $0x1BF5;
	p2 =	por !p2, p0  }
0x20: {  	[sflag:s8] =	ssyncset.s32 @!p0 $0xFFFFF086;
	s6 =	sadd.s32 @!p0 s3, s7;
	s7 =	simm.s32 @!p0 $0x108  }
0x21: {  	s3 =	sadd.s32 s3, s9;
	s6 =	sadd.s32 @!p0 $0x88, s6;
	s7 =	simm.s32 @p2 $0x1082  }
0x22: {  	[simem:s7], [sflag:s8] =	dma.local @!p0 [hbm:s6], $0xF7A  }
0x23: {  	s9 =	sor.u32 $0xD0000000, s2;
	s6 =	simm.s32 $0x108;
	_ =	swait.ge @!p0 [sflag:s8], $0x0  }
0x24: {  	s3 =	sadd.s32 $0x88, s3;
	s6 =	simm.s32 @!p1 $0x1082;
	[sflag:s4] =	ssyncset.s32 $0xFFFFF086  }
0x25: {  	[simem:s6], [sflag:s4] =	dma.local [hbm:s3], $0xF7A  }
0x26: {  	[smem:$0x3F95] =	sst s1;
	(tag) =	ssettag s2;
	_ =	strace s9  }
0x27: {  	s1 =	sld [smem:$0x3FA5]  }
0x28: {  	s2 =	sld [smem:$0x3FA6]  }
0x29: {  	s4 =	sld [smem:$0x3FA8]  }
0x2a: {  	p0 =	seq.s32 s5, $0x0;
	s5 =	sld [smem:$0x3FA9]  }
0x2b: {  	s6 =	sld [smem:$0x3FAA]  }
0x2c: {  	s7 =	sld [smem:$0x3FAB]  }
0x2d: {  	s3 =	simm.s32 $0x108;
	s8 =	sld [smem:$0x3FAC]  }
0x2e: {  	s3 =	simm.s32 @!p0 $0x1082;
	s9 =	sld [smem:$0x3FAD]  }
0x2f: {  	lr =	sadd.s32 s0, s3;
	s0 =	sld [smem:$0x3FA4]  }
0x30: {  	s3 =	sld [smem:$0x3FA7]  }
0x31: {  	[smem:$0x3FB0] =	sst s10  }
0x32: {  	s10 =	sld [smem:$0x3FAE];
	_ =	sdelay $0x3  }
0x33: {  	p0 =	seq.s32 s10, $0x1;
	s10 =	sld [smem:$0x3FB0];
	_ =	sdelay $0x3  }
0x34: {  	[smem:$0x3FB0] =	sst s10  }
0x35: {  	s10 =	sld [smem:$0x3FAF];
	_ =	sdelay $0x3  }
0x36: {  	p1 =	seq.s32 s10, $0x1;
	s10 =	sld [smem:$0x3FB0];
	_ =	sdelay $0x3  }
0x37: {  	[smem:$0x3FB0] =	sst s10  }
0x38: {  	s10 =	sld [smem:$0x3FB1]  }
0x39: {  	_ = 	snop;
	(pc) =	sbr.ind lr, $3  }
0x3a: {  	_ = 	snop  }
0x3b: {  	_ = 	snop  }
0x3c: {  	p2 =	seq.s32 s10, $0x1;
	s10 =	sld [smem:$0x3FB0]  }
0x3d: {  	_ =	shalt  }
0x3e: {  	_ =	shalt  }
0x3f: {  	_ =	shalt  }
0x40: {  	_ =	shalt  }
0x41: {  	_ =	shalt  }
0x42: {  	_ =	shalt  }
0x43: {  	_ =	shalt  }
0x44: {  	_ =	shalt  }
0x45: {  	_ =	shalt  }
0x46: {  	_ =	shalt  }
0x47: {  	_ =	shalt  }
0x48: {  	_ =	shalt  }
0x49: {  	_ =	shalt  }
0x4a: {  	_ =	shalt  }
0x4b: {  	_ =	shalt  }
0x4c: {  	_ =	shalt  }
0x4d: {  	_ =	shalt  }
0x4e: {  	_ =	shalt  }
0x4f: {  	_ =	shalt  }
0x50: {  	_ =	shalt  }
0x51: {  	_ =	shalt  }
0x52: {  	_ =	shalt  }
0x53: {  	_ =	shalt  }
0x54: {  	_ =	shalt  }
0x55: {  	_ =	shalt  }
0x56: {  	_ =	shalt  }
0x57: {  	_ =	shalt  }
0x58: {  	_ =	shalt  }
0x59: {  	_ =	shalt  }
0x5a: {  	_ =	shalt  }
0x5b: {  	_ =	shalt  }
0x5c: {  	_ =	shalt  }
0x5d: {  	_ =	shalt  }
0x5e: {  	_ =	shalt  }
0x5f: {  	_ =	shalt  }
0x60: {  	_ =	shalt  }
0x61: {  	_ =	shalt  }
0x62: {  	_ =	shalt  }
0x63: {  	_ =	shalt  }
0x64: {  	_ =	shalt  }
0x65: {  	_ =	shalt  }
0x66: {  	_ =	shalt  }
0x67: {  	_ =	shalt  }
0x68: {  	_ =	shalt  }
0x69: {  	_ =	shalt  }
0x6a: {  	_ =	shalt  }
0x6b: {  	_ =	shalt  }
0x6c: {  	_ =	shalt  }
0x6d: {  	_ =	shalt  }
0x6e: {  	_ =	shalt  }
0x6f: {  	_ =	shalt  }
0x70: {  	_ =	shalt  }
0x71: {  	_ =	shalt  }
0x72: {  	_ =	shalt  }
0x73: {  	_ =	shalt  }
0x74: {  	_ =	shalt  }
0x75: {  	_ =	shalt  }
0x76: {  	_ =	shalt  }
0x77: {  	_ =	shalt  }
0x78: {  	_ =	shalt  }
0x79: {  	_ =	shalt  }
0x7a: {  	_ =	shalt  }
0x7b: {  	_ =	shalt  }
0x7c: {  	_ =	shalt  }
0x7d: {  	_ =	shalt  }
0x7e: {  	_ =	shalt  }
0x7f: {  	_ =	shalt  }
0x80: {  	_ =	shalt  }
0x81: {  	_ =	shalt  }
0x82: {  	_ =	shalt  }
0x83: {  	_ =	shalt  }
0x84: {  	_ =	shalt  }
0x85: {  	_ =	shalt  }
0x86: {  	_ =	shalt  }
0x87: {  	_ =	shalt  }
.Lfunc_end0:
.L_simem_size_0:
called_computation.3_lowered:
.L_overlay_start_0:
0x88: {  	s2 =	sld [smem:$0x3FD9]  }
0x89: {  	s3 =	sld [smem:$0x3FFE];
	_ =	sdelay $0x1  }
0x8a: {  	s1 =	srdreg.scid  }
0x8b: {  	s0 =	sand.u32 $0x1, s1  }
0x8c: {  	s14 =	sshll.u32 s0, $0xA;
	s2 =	sadd.s32 s3, s2  }
0x8d: {  	s2 =	sadd.s32 s2, s14  }
0x8e: {  	[smem:$0x3FBC] =	sst s2  }
0x8f: {  	_ = 	snop  }
0x90: {  	s2 =	sld [smem:$0x3FD0];
	_ =	sdelay $0x2  }
0x91: {  	s15 =	simm.s32 $0xA;
	s4 =	simm.s32 $0x10  }
0x92: {  	[smem:s4], [sflag:s15] =	dma.local [hbm:s2], $0x1  }
0x93: {  	_ =	swait.eq [sflag:s15], $0x1  }
0x94: {  	[sflag:s15] =	ssyncset.done $0x0  }
0x95: {  	s16 =	sld [smem:$0x10];
	[sflag:s15] =	ssyncadd.s32 $0xFFFFFFFF  }
0x96: {  	s17 =	sld [smem:$0x11];
	(tm) =	ssettm $0x1  }
0x97: {  	s18 =	sld [smem:$0x3FFB];
	_ =	sdelay $0x3  }
0x98: {  	_ =	strace s18  }
0x99: {  	s4 =	sld [smem:$0x3FFC];
	_ =	sdelay $0x3  }
0x9a: {  	_ =	strace s4  }
0x9b: {  	s4 =	sld [smem:$0x3FFD];
	_ =	sdelay $0x3  }
0x9c: {  	_ =	strace s4  }
0x9d: {  	_ =	strace $0x8FFFFFFF  }
0x9e: {  	s19 =	sld [smem:$0x3FDB];
	_ =	sdelay $0x1  }
0x9f: {  	s5 =	simm.s32 $_scs_section_size  }
0xa0: {  	s6 =	simm.s32 $_size__tile_overlayer_lowered;
	s7 =	simm.s32 $_tile_overlayer_lowered  }
0xa1: {  	s22 =	simm.s32 $0x1BFF;
	s21 =	sshll.u32 s7, $0x1;
	s4 =	sadd.s32 s5, s19  }
0xa2: {  	s8 =	simm.s32 $0x0;
	s20 =	sshll.u32 s6, $0x1;
	s6 =	sadd.s32 s21, s4  }
0xa3: {  	[timem:s8], [sflag:s22] =	dma.local [hbm:s6], s20  }
0xa4: {  	_ =	swait.ge [sflag:s22], s20  }
0xa5: {  	s5 =	ssub.s32 $0x0, s20;
	[sflag:s22] =	ssyncset.done $0x0  }
0xa6: {  	[sflag:s22] =	ssyncadd.s32 s5;
	_ =	sdelay $0x1  }
0xa7: {  	s23 =	simm.s32 $0x1B8B  }
0xa8: {  	_ =	swait.ge [sflag:s23], $0x1  }
0xa9: {  	[sflag:s23] =	ssyncset.done $0x0  }
0xaa: {  	s25 =	simm.s32 $0x1B8E;
	s24 =	sld [smem:$0x3FFE];
	[sflag:s23] =	ssyncadd.s32 $0xFFFFFFFF  }
0xab: {  	s26 =	simm.s32 $execute0_lowered;
	[smem:$0x3FD2] =	sst s25  }
0xac: {  	s6 =	sshll.u32 s26, $0x1;
	_ =	strace $0x8000004F;
	[dreg:$0x1] =	wrdreg $0xFFFFFFFF  }
0xad: {  	s28 =	simm.s32 $_size_execute0_lowered;
	s4 =	sadd.s32 s4, s6;
	[dreg:$0x0] =	wrdreg $0x0  }
0xae: {  	s6 =	sshll.u32 s28, $0x1;
	[dreg:$0x2] =	wrdreg s4  }
0xaf: {  	[dreg:$0x3] =	wrdreg s6  }
0xb0: {  	[dreg:$0x4] =	wrdreg $0xC0  }
0xb1: {  	_ =	task [dreg:s8], $0x5FFFF  }
0xb2: {  	[dreg:$0x1] =	wrdreg $0xFFFFFFFF  }
0xb3: {  	[dreg:$0x0] =	wrdreg $0x60  }
0xb4: {  	[dreg:$0x2] =	wrdreg s24  }
0xb5: {  	[dreg:$0x3] =	wrdreg s16  }
0xb6: {  	[dreg:$0x4] =	wrdreg s17  }
0xb7: {  	[dreg:$0x5] =	wrdreg $0x0  }
0xb8: {  	[dreg:$0x6] =	wrdreg $0x9  }
0xb9: {  	_ =	task.clear_ibuf [dreg:s8], $0x7FFFF;
	_ =	strace $0x9000004F  }
0xba: {  	s29 =	simm.s32 $0x9;
	_ =	strace $0x80000051  }
0xbb: {  	_ =	swait.ge [sflag:s29], $0x1  }
0xbc: {  	[sflag:s29] =	ssyncadd.s32 $0xFFFFFFFF  }
0xbd: {  	_ =	strace $0x90000051  }
0xbe: {  	_ =	sfence  }
0xbf: {  	s30 =	sld [smem:$0x0];
	_ =	sdelay $0x2  }
0xc0: {  	s31 =	sshll.u32 s1, $0xD;
	s1 =	sshrl.u32 s1, $0x2  }
0xc1: {  	s3 =	sand.u32 $0x4000, s31;
	s1 =	sadd.s32 s1, s30  }
0xc2: {  	s0 =	sor.u32 s3, s0;
	s1 =	sshll.u32 s1, $0x11  }
0xc3: {  	s0 =	sor.u32 s1, s0  }
0xc4: {  	s0 =	sadd.s32 $0x8F2B, s0  }
0xc5: {  	[sflag:s0] =	ssyncadd.remote.s32 $0x1  }
0xc6: {  	_ =	sfence.sel $0xFFFF  }
0xc7: {  	[dreg:$0x0] =	wrdreg $0xFFFFFFFF;
	(pc) =	sbr.abs _section_cstart, $3  }
0xc8: {  	[dreg:$0x1] =	wrdreg $0xFFFFFFFF  }
0xc9: {  	_ =	task.clear_ibuf [dreg:s8], $0x2FFFF;
	_ =	strace $0x9FFFFFFF  }
0xca: {  	(tm) =	ssettm $0x7FFFFFFF  }
0xcb: {  	_ =	shalt  }
tec
execute0_lowered:
.L_overlay_start_1:
0x0: {  	(tag) =	ssettag $0x1  }
0x1: {  	s0 =	rddreg [dreg:$0x0]  }
0x2: {  	s3 =	rddreg [dreg:$0x1]  }
0x3: {  	s6 =	rddreg [dreg:$0x2]  }
0x4: {  	s1 =	rddreg [dreg:$0x3];
	s2 =	simm.s32 $0x0  }
0x5: {  	s4 =	srdreg.scid;
	s13 =	stileid.u32;
	s30 =	simm.s32 $0x14200  }
0x6: {  	s31 =	simm.s32 $0x5;
	s28 =	simm.s32 $0x14180;
	s29 =	simm.s32 $0x1  }
0x7: {  	[smem:$0x7FF] =	sst s2;
	s7 =	sand.u32 $0x1, s4;
	s10 =	smul.u32 $0x5000, s13  }
0x8: {  	s4 =	sadd.s32 $0x6200, s0;
	s5 =	sadd.s32 $0x56200, s0;
	s25 =	smul.u32 $0x50000, s13  }
0x9: {  	s11 =	sadd.s32 $0x7E200, s0;
	s0 =	sadd.s32 $0xA6200, s0;
	s17 =	smul.u32 $0x2800, s13  }
0xa: {  	_ =	strace $0x80000050;
	s8 =	ssub.s32 $0x2, s7;
	[dreg:$0x5] =	wrdreg s11  }
0xb: {  	[dreg:$0x6] =	wrdreg s0;
	p0 =	seq.s32 s7, $0x1;
	s7 =	smul.u32 $0x280, s13  }
0xc: {  	s9 =	sshrl.u32 s8, $0x1;
	s23 =	sshrl.u32 s10, $0x3;
	s26 =	sor.u32 $0x80, s10  }
0xd: {  	s10 =	sor.u32 $0x100, s10;
	[dreg:$0xa] =	wrdreg s17;
	s22 =	ssub.s32 s8, s9  }
0xe: {  	s24 =	sadd.s32 s3, s23;
	s8 =	sadd.s32 s6, s23;
	s11 =	sadd.s32 $0x80, s7  }
0xf: {  	s15 =	sadd.s32 $0x100, s7;
	s19 =	sadd.s32 $0x180, s7;
	s20 =	sshrl.u32 s26, $0x3  }
0x10: {  	s21 =	sshrl.u32 s10, $0x3;
	s26 =	sadd.s32 $0x200, s7;
	[dreg:$0x7] =	wrdreg s24  }
0x11: {  	s7 =	sadd.s32 s4, s17;
	[dreg:$0x8] =	wrdreg s8;
	s0 =	smax.u32 s22, $0x1  }
0x12: {  	s8 =	sshrl.u32 s25, $0x2;
	s14 =	sshll.u32 s11, $0x7;
	s18 =	sshll.u32 s11, $0x4  }
0x13: {  	s16 =	sshll.u32 s15, $0x7;
	s11 =	sshll.u32 s15, $0x4;
	s22 =	smul.u32 $0xA00, s13  }
0x14: {  	s23 =	sadd.s32 s3, s20;
	s24 =	sadd.s32 s3, s21;
	[dreg:$0x10] =	wrdreg s7  }
0x15: {  	s25 =	sadd.s32 s6, s21;
	s15 =	sadd.s32 s5, s17;
	[dreg:$0x9] =	wrdreg s0  }
0x16: {  	s7 =	simm.s32 $0x14080;
	s12 =	sadd.s32 s8, s1;
	[dreg:$0xc] =	wrdreg s23  }
0x17: {  	s14 =	sadd.s32 s14, s1;
	s16 =	sadd.s32 s16, s1;
	[dreg:$0xe] =	wrdreg s24  }
0x18: {  	s8 =	sadd.s32 s6, s20;
	[dreg:$0xf] =	wrdreg s25;
	s23 =	sshll.u32 s19, $0x4  }
0x19: {  	s0 =	sshll.u32 s19, $0x7;
	s25 =	sshll.u32 s26, $0x4;
	[dreg:$0x15] =	wrdreg s15  }
0x1a: {  	s9 =	sadd.s32 s4, s11;
	[dreg:$0xb] =	wrdreg s18;
	s17 =	sadd.s32 s5, s18  }
0x1b: {  	s15 =	smov.u32 s11;
	[dreg:$0xd] =	wrdreg s8;
	s21 =	sadd.s32 s22, s6  }
0x1c: {  	s22 =	sadd.s32 s22, s3;
	s24 =	sadd.s32 s0, s1;
	[dreg:$0x12] =	wrdreg s9  }
0x1d: {  	s6 =	sshll.u32 s26, $0x7;
	s8 =	sadd.s32 s4, s18;
	[dreg:$0x16] =	wrdreg s17  }
0x1e: {  	s10 =	sadd.s32 s4, s23;
	s13 =	sadd.s32 s4, s25;
	[dreg:$0x11] =	wrdreg s8  }
0x1f: {  	s18 =	sadd.s32 s5, s11;
	s19 =	sadd.s32 s5, s23;
	[dreg:$0x13] =	wrdreg s10  }
.Ltmp0:
0x20: {  	s20 =	sadd.s32 s5, s25;
	[dreg:$0x14] =	wrdreg s13;
	(pc) =	sbr.rel .LBB2_1-.Ltmp0, $4  }
0x21: {  	s0 =	simm.s32 $0x14000;
	s3 =	simm.s32 $0x14100;
	[dreg:$0x17] =	wrdreg s18  }
0x22: {  	s9 =	simm.s32 $0x3;
	s17 =	simm.s32 $0x4;
	[dreg:$0x18] =	wrdreg s19  }
0x23: {  	s26 =	sadd.s32 s6, s1;
	[dreg:$0x19] =	wrdreg s20;
	s6 =	simm.s32 $0x80  }
0x24: {  	s8 =	simm.s32 $0x18200;
	s10 =	simm.s32 $0x2;
	s18 =	simm.s32 $0x0  }
.LBB2_8:
0x25: {  	s19 =	rddreg [dreg:$0x6]  }
.LBB2_9:
0x26: {  	_ =	swait.ge [sflag:s10], $0x4000  }
0x27: {  	[sflag:s10] =	ssyncset.done $0x0  }
0x28: {  	[sflag:s10] =	ssyncadd.s32 $0xFFFFC000;
	(ifvalue) =	ssetifvalue $0xFFFFFFFF  }
0x29: {  	[spmem:s1] =	stream.indirect.scatter.add.f32 [tilespmem:s8], [sflag:$0x4], $0x80, s28, s6, $0x40b8;
	[tilespmem:$0x1C200] =	vst v63  }
0x2a: {  	_ =	swait.ge [sflag:s9], $0x4000  }
0x2b: {  	[sflag:s9] =	ssyncset.done $0x0  }
0x2c: {  	[sflag:s9] =	ssyncadd.s32 $0xFFFFC000  }
0x2d: {  	_ =	swait.ge [sflag:s17], $0x4000  }
0x2e: {  	[sflag:s17] =	ssyncset.done $0x0  }
0x2f: {  	[sflag:s17] =	ssyncadd.s32 $0xFFFFC000  }
0x30: {  	[bflag:$0x0] =	sbarrier.arrive $0xFFFF  }
0x31: {  	[tilespmem:s30], [sflag:$0x5] =	stream.linear.gather [spmem:s12], $0x4000, $0x38;
	[tilespmem:$0x1C200] =	vst v63  }
0x32: {  	_ =	swait.ge [sflag:s31], $0x4000  }
0x33: {  	[sflag:s31] =	ssyncset.done $0x0;
	s11 =	rddreg [dreg:$0xa]  }
0x34: {  	s11 =	sadd.s32 s19, s11;
	[sflag:s31] =	ssyncadd.s32 $0xFFFFC000  }
0x35: {  	[hbm4b:s11+s2] =	stream.linear.scatter [tilespmem:s30], [sflag:$0x5], $0x4000, $0x38;
	[tilespmem:$0x1C200] =	vst v63  }
0x36: {  	_ =	swait.ge [sflag:s31], $0x4000  }
0x37: {  	[sflag:s31] =	ssyncset.done $0x0  }
0x38: {  	[sflag:s31] =	ssyncadd.s32 $0xFFFFC000  }
0x39: {  	[tilespmem:s30], [sflag:$0x5] =	stream.linear.gather [spmem:s14], $0x4000, $0x38;
	[tilespmem:$0x1C200] =	vst v63  }
0x3a: {  	_ =	swait.ge [sflag:s31], $0x4000  }
0x3b: {  	[sflag:s31] =	ssyncset.done $0x0;
	s13 =	rddreg [dreg:$0xb]  }
0x3c: {  	s11 =	sadd.s32 s19, s13;
	[sflag:s31] =	ssyncadd.s32 $0xFFFFC000  }
0x3d: {  	[hbm4b:s11+s2] =	stream.linear.scatter [tilespmem:s30], [sflag:$0x5], $0x4000, $0x38;
	[tilespmem:$0x1C200] =	vst v63  }
0x3e: {  	_ =	swait.ge [sflag:s31], $0x4000  }
0x3f: {  	[sflag:s31] =	ssyncset.done $0x0  }
0x40: {  	[sflag:s31] =	ssyncadd.s32 $0xFFFFC000  }
0x41: {  	[tilespmem:s30], [sflag:$0x5] =	stream.linear.gather [spmem:s16], $0x4000, $0x38;
	[tilespmem:$0x1C200] =	vst v63  }
0x42: {  	_ =	swait.ge [sflag:s31], $0x4000  }
0x43: {  	[sflag:s31] =	ssyncset.done $0x0  }
0x44: {  	s20 =	sadd.s32 s19, s15;
	[sflag:s31] =	ssyncadd.s32 $0xFFFFC000  }
0x45: {  	[hbm4b:s20+s2] =	stream.linear.scatter [tilespmem:s30], [sflag:$0x5], $0x4000, $0x38;
	[tilespmem:$0x1C200] =	vst v63  }
0x46: {  	_ =	swait.ge [sflag:s31], $0x4000  }
0x47: {  	[sflag:s31] =	ssyncset.done $0x0  }
0x48: {  	[sflag:s31] =	ssyncadd.s32 $0xFFFFC000  }
0x49: {  	[tilespmem:s30], [sflag:$0x5] =	stream.linear.gather [spmem:s24], $0x4000, $0x38;
	[tilespmem:$0x1C200] =	vst v63  }
0x4a: {  	_ =	swait.ge [sflag:s31], $0x4000  }
0x4b: {  	[sflag:s31] =	ssyncset.done $0x0  }
0x4c: {  	s13 =	sadd.s32 s19, s23;
	[sflag:s31] =	ssyncadd.s32 $0xFFFFC000  }
0x4d: {  	[hbm4b:s13+s2] =	stream.linear.scatter [tilespmem:s30], [sflag:$0x5], $0x4000, $0x38;
	[tilespmem:$0x1C200] =	vst v63  }
0x4e: {  	_ =	swait.ge [sflag:s31], $0x4000  }
0x4f: {  	[sflag:s31] =	ssyncset.done $0x0  }
0x50: {  	[sflag:s31] =	ssyncadd.s32 $0xFFFFC000  }
0x51: {  	[tilespmem:s30], [sflag:$0x5] =	stream.linear.gather [spmem:s26], $0x4000, $0x38;
	[tilespmem:$0x1C200] =	vst v63  }
0x52: {  	_ =	swait.ge [sflag:s31], $0x4000  }
0x53: {  	[sflag:s31] =	ssyncset.done $0x0  }
0x54: {  	s19 =	sadd.s32 s19, s25;
	[sflag:s31] =	ssyncadd.s32 $0xFFFFC000  }
0x55: {  	[hbm4b:s19+s2] =	stream.linear.scatter [tilespmem:s30], [sflag:$0x5], $0x4000, $0x38;
	[tilespmem:$0x1C200] =	vst v63  }
0x56: {  	_ =	swait.ge [sflag:s31], $0x4000  }
0x57: {  	s18 =	sadd.s32 $0x1, s18;
	s20 =	rddreg [dreg:$0x9]  }
0x58: {  	p1 =	sne.s32 s18, s20  }
.Ltmp1:
0x59: {  	_ = 	snop;
	(pc) =	sbr.rel @!p1 .LBB2_10-.Ltmp1, $3  }
0x5a: {  	_ =	sdelay $0x1  }
0x5b: {  	[sflag:s31] =	ssyncset.done $0x0  }
0x5c: {  	[sflag:s31] =	ssyncadd.s32 $0xFFFFC000  }
.LBB2_1:
.Ltmp2:
0x5d: {  	(pc) =	sbr.rel @!p0 .LBB2_2-.Ltmp2, $1  }
0x5e: {  	_ =	sdelay $0x3  }
0x5f: {  	s11 =	rddreg [dreg:$0x15]  }
0x60: {  	[tilespmem:s30], [sflag:$0x5] =	stream.linear.gather [hbm4b:s11+s2], $0x4000, $0x38;
	[tilespmem:$0x1C200] =	vst v63  }
0x61: {  	_ =	swait.ge [sflag:s31], $0x4000  }
0x62: {  	[sflag:s31] =	ssyncset.done $0x0  }
0x63: {  	[sflag:s31] =	ssyncadd.s32 $0xFFFFC000  }
0x64: {  	[spmem:s12] =	stream.linear.scatter [tilespmem:s30], [sflag:$0x5], $0x4000, $0x38;
	[tilespmem:$0x1C200] =	vst v63  }
0x65: {  	_ =	swait.ge [sflag:s31], $0x4000  }
0x66: {  	[sflag:s31] =	ssyncset.done $0x0  }
0x67: {  	s20 =	rddreg [dreg:$0x16];
	[sflag:s31] =	ssyncadd.s32 $0xFFFFC000  }
0x68: {  	[tilespmem:s30], [sflag:$0x5] =	stream.linear.gather [hbm4b:s20+s2], $0x4000, $0x38;
	[tilespmem:$0x1C200] =	vst v63  }
0x69: {  	_ =	swait.ge [sflag:s31], $0x4000  }
0x6a: {  	[sflag:s31] =	ssyncset.done $0x0  }
0x6b: {  	[sflag:s31] =	ssyncadd.s32 $0xFFFFC000  }
0x6c: {  	[spmem:s14] =	stream.linear.scatter [tilespmem:s30], [sflag:$0x5], $0x4000, $0x38;
	[tilespmem:$0x1C200] =	vst v63  }
0x6d: {  	_ =	swait.ge [sflag:s31], $0x4000  }
0x6e: {  	[sflag:s31] =	ssyncset.done $0x0  }
0x6f: {  	s13 =	rddreg [dreg:$0x17];
	[sflag:s31] =	ssyncadd.s32 $0xFFFFC000  }
0x70: {  	[tilespmem:s30], [sflag:$0x5] =	stream.linear.gather [hbm4b:s13+s2], $0x4000, $0x38;
	[tilespmem:$0x1C200] =	vst v63  }
0x71: {  	_ =	swait.ge [sflag:s31], $0x4000  }
0x72: {  	[sflag:s31] =	ssyncset.done $0x0  }
0x73: {  	[sflag:s31] =	ssyncadd.s32 $0xFFFFC000  }
0x74: {  	[spmem:s16] =	stream.linear.scatter [tilespmem:s30], [sflag:$0x5], $0x4000, $0x38;
	[tilespmem:$0x1C200] =	vst v63  }
0x75: {  	_ =	swait.ge [sflag:s31], $0x4000  }
0x76: {  	[sflag:s31] =	ssyncset.done $0x0  }
0x77: {  	s19 =	rddreg [dreg:$0x18];
	[sflag:s31] =	ssyncadd.s32 $0xFFFFC000  }
0x78: {  	[tilespmem:s30], [sflag:$0x5] =	stream.linear.gather [hbm4b:s19+s2], $0x4000, $0x38;
	[tilespmem:$0x1C200] =	vst v63  }
0x79: {  	_ =	swait.ge [sflag:s31], $0x4000  }
0x7a: {  	[sflag:s31] =	ssyncset.done $0x0  }
0x7b: {  	[sflag:s31] =	ssyncadd.s32 $0xFFFFC000  }
0x7c: {  	[spmem:s24] =	stream.linear.scatter [tilespmem:s30], [sflag:$0x5], $0x4000, $0x38;
	[tilespmem:$0x1C200] =	vst v63  }
0x7d: {  	_ =	swait.ge [sflag:s31], $0x4000  }
0x7e: {  	[sflag:s31] =	ssyncset.done $0x0  }
0x7f: {  	s20 =	rddreg [dreg:$0x19];
	[sflag:s31] =	ssyncadd.s32 $0xFFFFC000  }
0x80: {  	[tilespmem:s30], [sflag:$0x5] =	stream.linear.gather [hbm4b:s20+s2], $0x4000, $0x38;
	[tilespmem:$0x1C200] =	vst v63  }
0x81: {  	_ =	swait.ge [sflag:s31], $0x4000  }
0x82: {  	[sflag:s31] =	ssyncset.done $0x0  }
0x83: {  	[sflag:s31] =	ssyncadd.s32 $0xFFFFC000  }
0x84: {  	[spmem:s26] =	stream.linear.scatter [tilespmem:s30], [sflag:$0x5], $0x4000, $0x38;
	[tilespmem:$0x1C200] =	vst v63  }
0x85: {  	_ =	swait.ge [sflag:s31], $0x4000  }
0x86: {  	[sflag:s31] =	ssyncset.done $0x0  }
0x87: {  	[sflag:s31] =	ssyncadd.s32 $0xFFFFC000  }
0x88: {  	[bflag:$0x0] =	sbarrier.arrive $0xFFFF  }
0x89: {  	s13 =	rddreg [dreg:$0x7]  }
0x8a: {  	[tilespmem:s0], [sflag:$0x5] =	stream.linear.gather [hbm4b:s13+s2], $0x80, $0x38;
	[tilespmem:$0x1C200] =	vst v63  }
0x8b: {  	_ =	swait.ge [sflag:s31], $0x80  }
0x8c: {  	[sflag:s31] =	ssyncset.done $0x0  }
0x8d: {  	s19 =	rddreg [dreg:$0x8];
	[sflag:s31] =	ssyncadd.s32 $0xFFFFFF80  }
0x8e: {  	[tilespmem:s3], [sflag:$0x5] =	stream.linear.gather [hbm4b:s19+s2], $0x80, $0x38;
	[tilespmem:$0x1C200] =	vst v63  }
0x8f: {  	_ =	swait.ge [sflag:s31], $0x80  }
0x90: {  	[sflag:s31] =	ssyncset.done $0x0  }
0x91: {  	[sflag:s31] =	ssyncadd.s32 $0xFFFFFF80;
	(ifvalue) =	ssetifvalue $0xFFFFFFFF  }
0x92: {  	(ifvalue) =	ssetifvalue $0xFFFFFFFF  }
0x93: {  	[tilespmem:s30], [sflag:$0x1] =	stream.indirect.gather [hbm4b:s5+s6], $0x80, s0, s6, $0x40b8;
	[tilespmem:$0x1C200] =	vst v63  }
0x94: {  	s20 =	rddreg [dreg:$0xc]  }
0x95: {  	[tilespmem:s7], [sflag:$0x5] =	stream.linear.gather [hbm4b:s20+s2], $0x80, $0x38;
	[tilespmem:$0x1C200] =	vst v63  }
0x96: {  	_ =	swait.ge [sflag:s31], $0x80  }
0x97: {  	[sflag:s31] =	ssyncset.done $0x0  }
0x98: {  	s13 =	rddreg [dreg:$0xd];
	[sflag:s31] =	ssyncadd.s32 $0xFFFFFF80  }
0x99: {  	[tilespmem:s28], [sflag:$0x5] =	stream.linear.gather [hbm4b:s13+s2], $0x80, $0x38;
	[tilespmem:$0x1C200] =	vst v63  }
0x9a: {  	_ =	swait.ge [sflag:s31], $0x80  }
0x9b: {  	[sflag:s31] =	ssyncset.done $0x0  }
0x9c: {  	[sflag:s31] =	ssyncadd.s32 $0xFFFFFF80  }
0x9d: {  	_ =	swait.ge [sflag:s29], $0x4000  }
0x9e: {  	[sflag:s29] =	ssyncset.done $0x0  }
0x9f: {  	[sflag:s29] =	ssyncadd.s32 $0xFFFFC000;
	(ifvalue) =	ssetifvalue $0xFFFFFFFF  }
0xa0: {  	(ifvalue) =	ssetifvalue $0xFFFFFFFF  }
0xa1: {  	[tilespmem:s8], [sflag:$0x2] =	stream.indirect.gather [hbm4b:s5+s6], $0x80, s7, s6, $0x40b8;
	[tilespmem:$0x1C200] =	vst v63  }
0xa2: {  	(ifvalue) =	ssetifvalue $0xFFFFFFFF  }
0xa3: {  	[spmem:s1] =	stream.indirect.scatter.add.f32 [tilespmem:s30], [sflag:$0x3], $0x80, s3, s6, $0x40b8;
	[tilespmem:$0x1C200] =	vst v63  }
0xa4: {  	_ =	swait.ge [sflag:s9], $0x4000  }
0xa5: {  	[sflag:s9] =	ssyncset.done $0x0  }
0xa6: {  	s19 =	rddreg [dreg:$0xe];
	[sflag:s9] =	ssyncadd.s32 $0xFFFFC000  }
0xa7: {  	[tilespmem:s0], [sflag:$0x5] =	stream.linear.gather [hbm4b:s19+s2], $0x80, $0x38;
	[tilespmem:$0x1C200] =	vst v63  }
0xa8: {  	_ =	swait.ge [sflag:s31], $0x80  }
0xa9: {  	[sflag:s31] =	ssyncset.done $0x0  }
0xaa: {  	s20 =	rddreg [dreg:$0xf];
	[sflag:s31] =	ssyncadd.s32 $0xFFFFFF80  }
0xab: {  	[tilespmem:s3], [sflag:$0x5] =	stream.linear.gather [hbm4b:s20+s2], $0x80, $0x38;
	[tilespmem:$0x1C200] =	vst v63  }
0xac: {  	_ =	swait.ge [sflag:s31], $0x80  }
0xad: {  	[sflag:s31] =	ssyncset.done $0x0  }
0xae: {  	[sflag:s31] =	ssyncadd.s32 $0xFFFFFF80  }
0xaf: {  	_ =	swait.ge [sflag:s10], $0x4000  }
0xb0: {  	[sflag:s10] =	ssyncset.done $0x0  }
0xb1: {  	[sflag:s10] =	ssyncadd.s32 $0xFFFFC000;
	(ifvalue) =	ssetifvalue $0xFFFFFFFF  }
0xb2: {  	(ifvalue) =	ssetifvalue $0xFFFFFFFF  }
0xb3: {  	[tilespmem:s30], [sflag:$0x1] =	stream.indirect.gather [hbm4b:s5+s6], $0x80, s0, s6, $0x40b8;
	[tilespmem:$0x1C200] =	vst v63  }
0xb4: {  	s19 =	simm.s32 $0xFFFFF640;
	(ifvalue) =	ssetifvalue $0xFFFFFFFF  }
0xb5: {  	[spmem:s1] =	stream.indirect.scatter.add.f32 [tilespmem:s8], [sflag:$0x4], $0x80, s28, s6, $0x40b8;
	[tilespmem:$0x1C200] =	vst v63  }
.LBB2_7:
0xb6: {  	_ =	swait.ge [sflag:s17], $0x4000  }
0xb7: {  	s20 =	sadd.s32 s19, s22;
	[sflag:s17] =	ssyncset.done $0x0  }
0xb8: {  	s11 =	sadd.s32 $0x9F0, s20;
	[sflag:s17] =	ssyncadd.s32 $0xFFFFC000  }
0xb9: {  	[tilespmem:s7], [sflag:$0x5] =	stream.linear.gather [hbm4b:s11+s2], $0x80, $0x38;
	[tilespmem:$0x1C200] =	vst v63  }
0xba: {  	_ =	swait.ge [sflag:s31], $0x80  }
0xbb: {  	s11 =	sadd.s32 s19, s21;
	[sflag:s31] =	ssyncset.done $0x0  }
0xbc: {  	s13 =	sadd.s32 $0x9F0, s11;
	[sflag:s31] =	ssyncadd.s32 $0xFFFFFF80  }
0xbd: {  	[tilespmem:s28], [sflag:$0x5] =	stream.linear.gather [hbm4b:s13+s2], $0x80, $0x38;
	[tilespmem:$0x1C200] =	vst v63  }
0xbe: {  	_ =	swait.ge [sflag:s31], $0x80  }
0xbf: {  	[sflag:s31] =	ssyncset.done $0x0  }
0xc0: {  	[sflag:s31] =	ssyncadd.s32 $0xFFFFFF80  }
0xc1: {  	_ =	swait.ge [sflag:s29], $0x4000  }
0xc2: {  	p1 =	seq.s32 s19, $0x0;
	[sflag:s29] =	ssyncset.done $0x0  }
.Ltmp3:
0xc3: {  	[sflag:s29] =	ssyncadd.s32 $0xFFFFC000;
	(ifvalue) =	ssetifvalue $0xFFFFFFFF;
	(pc) =	sbr.rel @p1 .LBB2_8-.Ltmp3, $4  }
0xc4: {  	(ifvalue) =	ssetifvalue $0xFFFFFFFF  }
0xc5: {  	[tilespmem:s8], [sflag:$0x2] =	stream.indirect.gather [hbm4b:s5+s6], $0x80, s7, s6, $0x40b8;
	[tilespmem:$0x1C200] =	vst v63  }
0xc6: {  	(ifvalue) =	ssetifvalue $0xFFFFFFFF  }
0xc7: {  	[spmem:s1] =	stream.indirect.scatter.add.f32 [tilespmem:s30], [sflag:$0x3], $0x80, s3, s6, $0x40b8;
	[tilespmem:$0x1C200] =	vst v63  }
0xc8: {  	_ =	swait.ge [sflag:s9], $0x4000  }
0xc9: {  	[sflag:s9] =	ssyncset.done $0x0  }
0xca: {  	s13 =	sadd.s32 $0xA00, s20;
	[sflag:s9] =	ssyncadd.s32 $0xFFFFC000  }
0xcb: {  	[tilespmem:s0], [sflag:$0x5] =	stream.linear.gather [hbm4b:s13+s2], $0x80, $0x38;
	[tilespmem:$0x1C200] =	vst v63  }
0xcc: {  	_ =	swait.ge [sflag:s31], $0x80  }
0xcd: {  	[sflag:s31] =	ssyncset.done $0x0  }
0xce: {  	s11 =	sadd.s32 $0xA00, s11;
	[sflag:s31] =	ssyncadd.s32 $0xFFFFFF80  }
0xcf: {  	[tilespmem:s3], [sflag:$0x5] =	stream.linear.gather [hbm4b:s11+s2], $0x80, $0x38;
	[tilespmem:$0x1C200] =	vst v63  }
0xd0: {  	_ =	swait.ge [sflag:s31], $0x80  }
0xd1: {  	[sflag:s31] =	ssyncset.done $0x0  }
0xd2: {  	[sflag:s31] =	ssyncadd.s32 $0xFFFFFF80  }
0xd3: {  	_ =	swait.ge [sflag:s10], $0x4000  }
0xd4: {  	[sflag:s10] =	ssyncset.done $0x0  }
.Ltmp4:
0xd5: {  	[sflag:s10] =	ssyncadd.s32 $0xFFFFC000;
	(ifvalue) =	ssetifvalue $0xFFFFFFFF;
	(pc) =	sbr.rel .LBB2_7-.Ltmp4, $4  }
0xd6: {  	(ifvalue) =	ssetifvalue $0xFFFFFFFF  }
0xd7: {  	[tilespmem:s30], [sflag:$0x1] =	stream.indirect.gather [hbm4b:s5+s6], $0x80, s0, s6, $0x40b8;
	[tilespmem:$0x1C200] =	vst v63  }
0xd8: {  	s19 =	sadd.s32 $0x20, s19;
	(ifvalue) =	ssetifvalue $0xFFFFFFFF  }
0xd9: {  	[spmem:s1] =	stream.indirect.scatter.add.f32 [tilespmem:s8], [sflag:$0x4], $0x80, s28, s6, $0x40b8;
	[tilespmem:$0x1C200] =	vst v63  }
.LBB2_2:
0xda: {  	s11 =	rddreg [dreg:$0x10]  }
0xdb: {  	[tilespmem:s30], [sflag:$0x5] =	stream.linear.gather [hbm4b:s11+s2], $0x4000, $0x38;
	[tilespmem:$0x1C200] =	vst v63  }
0xdc: {  	_ =	swait.ge [sflag:s31], $0x4000  }
0xdd: {  	[sflag:s31] =	ssyncset.done $0x0  }
0xde: {  	[sflag:s31] =	ssyncadd.s32 $0xFFFFC000  }
0xdf: {  	[spmem:s12] =	stream.linear.scatter [tilespmem:s30], [sflag:$0x5], $0x4000, $0x38;
	[tilespmem:$0x1C200] =	vst v63  }
0xe0: {  	_ =	swait.ge [sflag:s31], $0x4000  }
0xe1: {  	[sflag:s31] =	ssyncset.done $0x0  }
0xe2: {  	s20 =	rddreg [dreg:$0x11];
	[sflag:s31] =	ssyncadd.s32 $0xFFFFC000  }
0xe3: {  	[tilespmem:s30], [sflag:$0x5] =	stream.linear.gather [hbm4b:s20+s2], $0x4000, $0x38;
	[tilespmem:$0x1C200] =	vst v63  }
0xe4: {  	_ =	swait.ge [sflag:s31], $0x4000  }
0xe5: {  	[sflag:s31] =	ssyncset.done $0x0  }
0xe6: {  	[sflag:s31] =	ssyncadd.s32 $0xFFFFC000  }
0xe7: {  	[spmem:s14] =	stream.linear.scatter [tilespmem:s30], [sflag:$0x5], $0x4000, $0x38;
	[tilespmem:$0x1C200] =	vst v63  }
0xe8: {  	_ =	swait.ge [sflag:s31], $0x4000  }
0xe9: {  	[sflag:s31] =	ssyncset.done $0x0  }
0xea: {  	s13 =	rddreg [dreg:$0x12];
	[sflag:s31] =	ssyncadd.s32 $0xFFFFC000  }
0xeb: {  	[tilespmem:s30], [sflag:$0x5] =	stream.linear.gather [hbm4b:s13+s2], $0x4000, $0x38;
	[tilespmem:$0x1C200] =	vst v63  }
0xec: {  	_ =	swait.ge [sflag:s31], $0x4000  }
0xed: {  	[sflag:s31] =	ssyncset.done $0x0  }
0xee: {  	[sflag:s31] =	ssyncadd.s32 $0xFFFFC000  }
0xef: {  	[spmem:s16] =	stream.linear.scatter [tilespmem:s30], [sflag:$0x5], $0x4000, $0x38;
	[tilespmem:$0x1C200] =	vst v63  }
0xf0: {  	_ =	swait.ge [sflag:s31], $0x4000  }
0xf1: {  	[sflag:s31] =	ssyncset.done $0x0  }
0xf2: {  	s19 =	rddreg [dreg:$0x13];
	[sflag:s31] =	ssyncadd.s32 $0xFFFFC000  }
0xf3: {  	[tilespmem:s30], [sflag:$0x5] =	stream.linear.gather [hbm4b:s19+s2], $0x4000, $0x38;
	[tilespmem:$0x1C200] =	vst v63  }
0xf4: {  	_ =	swait.ge [sflag:s31], $0x4000  }
0xf5: {  	[sflag:s31] =	ssyncset.done $0x0  }
0xf6: {  	[sflag:s31] =	ssyncadd.s32 $0xFFFFC000  }
0xf7: {  	[spmem:s24] =	stream.linear.scatter [tilespmem:s30], [sflag:$0x5], $0x4000, $0x38;
	[tilespmem:$0x1C200] =	vst v63  }
0xf8: {  	_ =	swait.ge [sflag:s31], $0x4000  }
0xf9: {  	[sflag:s31] =	ssyncset.done $0x0  }
0xfa: {  	s20 =	rddreg [dreg:$0x14];
	[sflag:s31] =	ssyncadd.s32 $0xFFFFC000  }
0xfb: {  	[tilespmem:s30], [sflag:$0x5] =	stream.linear.gather [hbm4b:s20+s2], $0x4000, $0x38;
	[tilespmem:$0x1C200] =	vst v63  }
0xfc: {  	_ =	swait.ge [sflag:s31], $0x4000  }
0xfd: {  	[sflag:s31] =	ssyncset.done $0x0  }
0xfe: {  	[sflag:s31] =	ssyncadd.s32 $0xFFFFC000  }
0xff: {  	[spmem:s26] =	stream.linear.scatter [tilespmem:s30], [sflag:$0x5], $0x4000, $0x38;
	[tilespmem:$0x1C200] =	vst v63  }
0x100: {  	_ =	swait.ge [sflag:s31], $0x4000  }
0x101: {  	[sflag:s31] =	ssyncset.done $0x0  }
0x102: {  	[sflag:s31] =	ssyncadd.s32 $0xFFFFC000  }
0x103: {  	[bflag:$0x0] =	sbarrier.arrive $0xFFFF  }
0x104: {  	s13 =	rddreg [dreg:$0x7]  }
0x105: {  	[tilespmem:s0], [sflag:$0x5] =	stream.linear.gather [hbm4b:s13+s2], $0x80, $0x38;
	[tilespmem:$0x1C200] =	vst v63  }
0x106: {  	_ =	swait.ge [sflag:s31], $0x80  }
0x107: {  	[sflag:s31] =	ssyncset.done $0x0  }
0x108: {  	s19 =	rddreg [dreg:$0x8];
	[sflag:s31] =	ssyncadd.s32 $0xFFFFFF80  }
0x109: {  	[tilespmem:s3], [sflag:$0x5] =	stream.linear.gather [hbm4b:s19+s2], $0x80, $0x38;
	[tilespmem:$0x1C200] =	vst v63  }
0x10a: {  	_ =	swait.ge [sflag:s31], $0x80  }
0x10b: {  	[sflag:s31] =	ssyncset.done $0x0  }
0x10c: {  	[sflag:s31] =	ssyncadd.s32 $0xFFFFFF80;
	(ifvalue) =	ssetifvalue $0xFFFFFFFF  }
0x10d: {  	(ifvalue) =	ssetifvalue $0xFFFFFFFF  }
0x10e: {  	[tilespmem:s30], [sflag:$0x1] =	stream.indirect.gather [hbm4b:s4+s6], $0x80, s0, s6, $0x40b8;
	[tilespmem:$0x1C200] =	vst v63  }
0x10f: {  	s20 =	rddreg [dreg:$0xc]  }
0x110: {  	[tilespmem:s7], [sflag:$0x5] =	stream.linear.gather [hbm4b:s20+s2], $0x80, $0x38;
	[tilespmem:$0x1C200] =	vst v63  }
0x111: {  	_ =	swait.ge [sflag:s31], $0x80  }
0x112: {  	[sflag:s31] =	ssyncset.done $0x0  }
0x113: {  	s13 =	rddreg [dreg:$0xd];
	[sflag:s31] =	ssyncadd.s32 $0xFFFFFF80  }
0x114: {  	[tilespmem:s28], [sflag:$0x5] =	stream.linear.gather [hbm4b:s13+s2], $0x80, $0x38;
	[tilespmem:$0x1C200] =	vst v63  }
0x115: {  	_ =	swait.ge [sflag:s31], $0x80  }
0x116: {  	[sflag:s31] =	ssyncset.done $0x0  }
0x117: {  	[sflag:s31] =	ssyncadd.s32 $0xFFFFFF80  }
0x118: {  	_ =	swait.ge [sflag:s29], $0x4000  }
0x119: {  	[sflag:s29] =	ssyncset.done $0x0  }
0x11a: {  	[sflag:s29] =	ssyncadd.s32 $0xFFFFC000;
	(ifvalue) =	ssetifvalue $0xFFFFFFFF  }
0x11b: {  	(ifvalue) =	ssetifvalue $0xFFFFFFFF  }
0x11c: {  	[tilespmem:s8], [sflag:$0x2] =	stream.indirect.gather [hbm4b:s4+s6], $0x80, s7, s6, $0x40b8;
	[tilespmem:$0x1C200] =	vst v63  }
0x11d: {  	(ifvalue) =	ssetifvalue $0xFFFFFFFF  }
0x11e: {  	[spmem:s1] =	stream.indirect.scatter.add.f32 [tilespmem:s30], [sflag:$0x3], $0x80, s3, s6, $0x40b8;
	[tilespmem:$0x1C200] =	vst v63  }
0x11f: {  	_ =	swait.ge [sflag:s9], $0x4000  }
0x120: {  	[sflag:s9] =	ssyncset.done $0x0  }
0x121: {  	s19 =	rddreg [dreg:$0xe];
	[sflag:s9] =	ssyncadd.s32 $0xFFFFC000  }
0x122: {  	[tilespmem:s0], [sflag:$0x5] =	stream.linear.gather [hbm4b:s19+s2], $0x80, $0x38;
	[tilespmem:$0x1C200] =	vst v63  }
0x123: {  	_ =	swait.ge [sflag:s31], $0x80  }
0x124: {  	[sflag:s31] =	ssyncset.done $0x0  }
0x125: {  	s20 =	rddreg [dreg:$0xf];
	[sflag:s31] =	ssyncadd.s32 $0xFFFFFF80  }
0x126: {  	[tilespmem:s3], [sflag:$0x5] =	stream.linear.gather [hbm4b:s20+s2], $0x80, $0x38;
	[tilespmem:$0x1C200] =	vst v63  }
0x127: {  	_ =	swait.ge [sflag:s31], $0x80  }
0x128: {  	[sflag:s31] =	ssyncset.done $0x0  }
0x129: {  	[sflag:s31] =	ssyncadd.s32 $0xFFFFFF80  }
0x12a: {  	_ =	swait.ge [sflag:s10], $0x4000  }
0x12b: {  	[sflag:s10] =	ssyncset.done $0x0  }
0x12c: {  	[sflag:s10] =	ssyncadd.s32 $0xFFFFC000;
	(ifvalue) =	ssetifvalue $0xFFFFFFFF  }
0x12d: {  	(ifvalue) =	ssetifvalue $0xFFFFFFFF  }
0x12e: {  	[tilespmem:s30], [sflag:$0x1] =	stream.indirect.gather [hbm4b:s4+s6], $0x80, s0, s6, $0x40b8;
	[tilespmem:$0x1C200] =	vst v63  }
0x12f: {  	s19 =	simm.s32 $0xFFFFF640;
	(ifvalue) =	ssetifvalue $0xFFFFFFFF  }
0x130: {  	[spmem:s1] =	stream.indirect.scatter.add.f32 [tilespmem:s8], [sflag:$0x4], $0x80, s28, s6, $0x40b8;
	[tilespmem:$0x1C200] =	vst v63  }
.LBB2_3:
0x131: {  	_ =	swait.ge [sflag:s17], $0x4000  }
0x132: {  	s20 =	sadd.s32 s19, s22;
	[sflag:s17] =	ssyncset.done $0x0  }
0x133: {  	s11 =	sadd.s32 $0x9F0, s20;
	[sflag:s17] =	ssyncadd.s32 $0xFFFFC000  }
0x134: {  	[tilespmem:s7], [sflag:$0x5] =	stream.linear.gather [hbm4b:s11+s2], $0x80, $0x38;
	[tilespmem:$0x1C200] =	vst v63  }
0x135: {  	_ =	swait.ge [sflag:s31], $0x80  }
0x136: {  	s11 =	sadd.s32 s19, s21;
	[sflag:s31] =	ssyncset.done $0x0  }
0x137: {  	s13 =	sadd.s32 $0x9F0, s11;
	[sflag:s31] =	ssyncadd.s32 $0xFFFFFF80  }
0x138: {  	[tilespmem:s28], [sflag:$0x5] =	stream.linear.gather [hbm4b:s13+s2], $0x80, $0x38;
	[tilespmem:$0x1C200] =	vst v63  }
0x139: {  	_ =	swait.ge [sflag:s31], $0x80  }
0x13a: {  	[sflag:s31] =	ssyncset.done $0x0  }
0x13b: {  	[sflag:s31] =	ssyncadd.s32 $0xFFFFFF80  }
0x13c: {  	_ =	swait.ge [sflag:s29], $0x4000  }
0x13d: {  	p1 =	seq.s32 s19, $0x0;
	[sflag:s29] =	ssyncset.done $0x0  }
.Ltmp5:
0x13e: {  	[sflag:s29] =	ssyncadd.s32 $0xFFFFC000;
	(ifvalue) =	ssetifvalue $0xFFFFFFFF;
	(pc) =	sbr.rel @p1 .LBB2_4-.Ltmp5, $4  }
0x13f: {  	(ifvalue) =	ssetifvalue $0xFFFFFFFF  }
0x140: {  	[tilespmem:s8], [sflag:$0x2] =	stream.indirect.gather [hbm4b:s4+s6], $0x80, s7, s6, $0x40b8;
	[tilespmem:$0x1C200] =	vst v63  }
0x141: {  	(ifvalue) =	ssetifvalue $0xFFFFFFFF  }
0x142: {  	[spmem:s1] =	stream.indirect.scatter.add.f32 [tilespmem:s30], [sflag:$0x3], $0x80, s3, s6, $0x40b8;
	[tilespmem:$0x1C200] =	vst v63  }
0x143: {  	_ =	swait.ge [sflag:s9], $0x4000  }
0x144: {  	[sflag:s9] =	ssyncset.done $0x0  }
0x145: {  	s13 =	sadd.s32 $0xA00, s20;
	[sflag:s9] =	ssyncadd.s32 $0xFFFFC000  }
0x146: {  	[tilespmem:s0], [sflag:$0x5] =	stream.linear.gather [hbm4b:s13+s2], $0x80, $0x38;
	[tilespmem:$0x1C200] =	vst v63  }
0x147: {  	_ =	swait.ge [sflag:s31], $0x80  }
0x148: {  	[sflag:s31] =	ssyncset.done $0x0  }
0x149: {  	s11 =	sadd.s32 $0xA00, s11;
	[sflag:s31] =	ssyncadd.s32 $0xFFFFFF80  }
0x14a: {  	[tilespmem:s3], [sflag:$0x5] =	stream.linear.gather [hbm4b:s11+s2], $0x80, $0x38;
	[tilespmem:$0x1C200] =	vst v63  }
0x14b: {  	_ =	swait.ge [sflag:s31], $0x80  }
0x14c: {  	[sflag:s31] =	ssyncset.done $0x0  }
0x14d: {  	[sflag:s31] =	ssyncadd.s32 $0xFFFFFF80  }
0x14e: {  	_ =	swait.ge [sflag:s10], $0x4000  }
0x14f: {  	[sflag:s10] =	ssyncset.done $0x0  }
.Ltmp6:
0x150: {  	[sflag:s10] =	ssyncadd.s32 $0xFFFFC000;
	(ifvalue) =	ssetifvalue $0xFFFFFFFF;
	(pc) =	sbr.rel .LBB2_3-.Ltmp6, $4  }
0x151: {  	(ifvalue) =	ssetifvalue $0xFFFFFFFF  }
0x152: {  	[tilespmem:s30], [sflag:$0x1] =	stream.indirect.gather [hbm4b:s4+s6], $0x80, s0, s6, $0x40b8;
	[tilespmem:$0x1C200] =	vst v63  }
0x153: {  	s19 =	sadd.s32 $0x20, s19;
	(ifvalue) =	ssetifvalue $0xFFFFFFFF  }
0x154: {  	[spmem:s1] =	stream.indirect.scatter.add.f32 [tilespmem:s8], [sflag:$0x4], $0x80, s28, s6, $0x40b8;
	[tilespmem:$0x1C200] =	vst v63  }
.LBB2_4:
.Ltmp7:
0x155: {  	(pc) =	sbr.rel .LBB2_9-.Ltmp7, $2  }
0x156: {  	_ =	sdelay $0x2  }
0x157: {  	s19 =	rddreg [dreg:$0x5]  }
.LBB2_10:
0x158: {  	_ =	sfence.sel $0x180000  }
0x159: {  	[bflag:$0x0] =	sbarrier.arrive $0xFFFF  }
0x15a: {  	_ =	strace $0x90000050  }
0x15b: {  	s0 =	stileid.u32;
	[bflag:$0x2] =	sbarrier.arrive $0xFFFF  }
0x15c: {  	p0 =	sne.s32 s0, $0x0;
	s0 =	rddreg [dreg:$0x4]  }
0x15d: {  	s0 =	sadd.s32 @!p0 $0x100000, s0  }
0x15e: {  	[sflag:s0] =	ssyncadd.tile.s32 @!p0 $0x1;
	_ =	shalt  }
.Lfunc_end2:
_tile_overlayer_lowered:
.L_overlay_start_2:
0x15f: {  	(tag) =	ssettag $0x2  }
0x160: {  	s0 =	rddreg [dreg:$0x0];
	s2 =	stileid.u32  }
0x161: {  	s1 =	rddreg [dreg:$0x1];
	p0 =	sne.s32 s2, $0x0  }
0x162: {  	s3 =	rddreg [dreg:$0x2];
	[bflag:$0x3] =	sbarrier.arrive $0xFFFF;
	s2 =	simm.s32 @!p0 $0x1C05  }
0x163: {  	[timem:s3], [sflag:s2] =	dma.local @!p0 [hbm:s0], s1  }
0x164: {  	s0 =	simm.s32 @!p0 $0x5  }
0x165: {  	_ =	swait.ge @!p0 [sflag:s0], s1  }
0x166: {  	s1 =	ssub.s32 @!p0 $0x0, s1;
	[sflag:s0] =	ssyncset.done @!p0 $0x0  }
0x167: {  	[sflag:s0] =	ssyncadd.s32 @!p0 s1  }
0x168: {  	[bflag:$0x3] =	sbarrier.arrive $0xFFFF  }
0x169: {  	_ =	shalt  }

// kernel: kernel.24.cloned.1.call-start
scs
__scs_entry_jumppad:
0x0: {  	(pc) =	sbr.rel $0x88, $3  }
0x1: {  	(tag) =	ssettag $0x0;
	lr =	simm.s32 $0x1  }
0x2: {  	[smem:$0x3F95] =	sst lr;
	_ =	strace $0xD0000000  }
0x3: {  	_ = 	snop  }
0x4: {  	_ = 	snop  }
0x5: {  	_ = 	snop  }
0x6: {  	_ = 	snop  }
0x7: {  	_ = 	snop  }
__scs_overlays_trampoline_lowered:
0x8: {  	[smem:$0x3FA4] =	sst s0  }
0x9: {  	[smem:$0x3FA5] =	sst s1  }
0xa: {  	[smem:$0x3FA6] =	sst s2  }
0xb: {  	[smem:$0x3FA7] =	sst s3  }
0xc: {  	[smem:$0x3FA8] =	sst s4  }
0xd: {  	[smem:$0x3FA9] =	sst s5  }
0xe: {  	[smem:$0x3FAA] =	sst s6  }
0xf: {  	[smem:$0x3FAB] =	sst s7  }
0x10: {  	[smem:$0x3FAC] =	sst s8  }
0x11: {  	[smem:$0x3FAD] =	sst s9;
	s0 =	simm.s32 @!p0 $0x0  }
0x12: {  	s1 =	sld [smem:$0x3F93];
	s0 =	simm.s32 @p0 $0x1  }
0x13: {  	[smem:$0x3FAE] =	sst s0;
	s0 =	simm.s32 @!p1 $0x0  }
0x14: {  	s2 =	sld [smem:$0x3F92];
	s0 =	simm.s32 @p1 $0x1  }
0x15: {  	[smem:$0x3FAF] =	sst s0;
	s0 =	simm.s32 @!p2 $0x0  }
0x16: {  	s3 =	sld [smem:$0x3FDB];
	s0 =	simm.s32 @p2 $0x1  }
0x17: {  	s4 =	simm.s32 $0x1BF5;
	[smem:$0x3FB1] =	sst s0  }
0x18: {  	s0 =	sld [smem:$0x3F94];
	_ =	swait.ge [sflag:s4], $0x0  }
0x19: {  	s7 =	sld [smem:$0x3F95]  }
0x1a: {  	s8 =	sadd.s32 $0xFFFFE003, lr  }
0x1b: {  	s9 =	sadd.s32 $0xFFFFFEF7, lr;
	s5 =	simm.s32 $0xFFFFFFFF;
	p2 =	slt.u32 s8, $0xFFFFF086  }
0x1c: {  	p1 =	slt.u32 s9, $0xF7A;
	s5 =	simm.s32 @!p2 $0x0  }
0x1d: {  	s5 =	simm.s32 @p1 $0x1;
	p0 =	seq.s32 s7, s2  }
0x1e: {  	s7 =	smul.u32 @!p0 $0xF7A, s2;
	p2 =	seq.s32 @!p0 s5, $0x0  }
0x1f: {  	s9 =	smul.u32 $0xF7A, s1;
	s8 =	simm.s32 @!p0 $0x1BF5;
	p2 =	por !p2, p0  }
0x20: {  	[sflag:s8] =	ssyncset.s32 @!p0 $0xFFFFF086;
	s6 =	sadd.s32 @!p0 s3, s7;
	s7 =	simm.s32 @!p0 $0x108  }
0x21: {  	s3 =	sadd.s32 s3, s9;
	s6 =	sadd.s32 @!p0 $0x88, s6;
	s7 =	simm.s32 @p2 $0x1082  }
0x22: {  	[simem:s7], [sflag:s8] =	dma.local @!p0 [hbm:s6], $0xF7A  }
0x23: {  	s9 =	sor.u32 $0xD0000000, s2;
	s6 =	simm.s32 $0x108;
	_ =	swait.ge @!p0 [sflag:s8], $0x0  }
0x24: {  	s3 =	sadd.s32 $0x88, s3;
	s6 =	simm.s32 @!p1 $0x1082;
	[sflag:s4] =	ssyncset.s32 $0xFFFFF086  }
0x25: {  	[simem:s6], [sflag:s4] =	dma.local [hbm:s3], $0xF7A  }
0x26: {  	[smem:$0x3F95] =	sst s1;
	(tag) =	ssettag s2;
	_ =	strace s9  }
0x27: {  	s1 =	sld [smem:$0x3FA5]  }
0x28: {  	s2 =	sld [smem:$0x3FA6]  }
0x29: {  	s4 =	sld [smem:$0x3FA8]  }
0x2a: {  	p0 =	seq.s32 s5, $0x0;
	s5 =	sld [smem:$0x3FA9]  }
0x2b: {  	s6 =	sld [smem:$0x3FAA]  }
0x2c: {  	s7 =	sld [smem:$0x3FAB]  }
0x2d: {  	s3 =	simm.s32 $0x108;
	s8 =	sld [smem:$0x3FAC]  }
0x2e: {  	s3 =	simm.s32 @!p0 $0x1082;
	s9 =	sld [smem:$0x3FAD]  }
0x2f: {  	lr =	sadd.s32 s0, s3;
	s0 =	sld [smem:$0x3FA4]  }
0x30: {  	s3 =	sld [smem:$0x3FA7]  }
0x31: {  	[smem:$0x3FB0] =	sst s10  }
0x32: {  	s10 =	sld [smem:$0x3FAE];
	_ =	sdelay $0x3  }
0x33: {  	p0 =	seq.s32 s10, $0x1;
	s10 =	sld [smem:$0x3FB0];
	_ =	sdelay $0x3  }
0x34: {  	[smem:$0x3FB0] =	sst s10  }
0x35: {  	s10 =	sld [smem:$0x3FAF];
	_ =	sdelay $0x3  }
0x36: {  	p1 =	seq.s32 s10, $0x1;
	s10 =	sld [smem:$0x3FB0];
	_ =	sdelay $0x3  }
0x37: {  	[smem:$0x3FB0] =	sst s10  }
0x38: {  	s10 =	sld [smem:$0x3FB1]  }
0x39: {  	_ = 	snop;
	(pc) =	sbr.ind lr, $3  }
0x3a: {  	_ = 	snop  }
0x3b: {  	_ = 	snop  }
0x3c: {  	p2 =	seq.s32 s10, $0x1;
	s10 =	sld [smem:$0x3FB0]  }
0x3d: {  	_ =	shalt  }
0x3e: {  	_ =	shalt  }
0x3f: {  	_ =	shalt  }
0x40: {  	_ =	shalt  }
0x41: {  	_ =	shalt  }
0x42: {  	_ =	shalt  }
0x43: {  	_ =	shalt  }
0x44: {  	_ =	shalt  }
0x45: {  	_ =	shalt  }
0x46: {  	_ =	shalt  }
0x47: {  	_ =	shalt  }
0x48: {  	_ =	shalt  }
0x49: {  	_ =	shalt  }
0x4a: {  	_ =	shalt  }
0x4b: {  	_ =	shalt  }
0x4c: {  	_ =	shalt  }
0x4d: {  	_ =	shalt  }
0x4e: {  	_ =	shalt  }
0x4f: {  	_ =	shalt  }
0x50: {  	_ =	shalt  }
0x51: {  	_ =	shalt  }
0x52: {  	_ =	shalt  }
0x53: {  	_ =	shalt  }
0x54: {  	_ =	shalt  }
0x55: {  	_ =	shalt  }
0x56: {  	_ =	shalt  }
0x57: {  	_ =	shalt  }
0x58: {  	_ =	shalt  }
0x59: {  	_ =	shalt  }
0x5a: {  	_ =	shalt  }
0x5b: {  	_ =	shalt  }
0x5c: {  	_ =	shalt  }
0x5d: {  	_ =	shalt  }
0x5e: {  	_ =	shalt  }
0x5f: {  	_ =	shalt  }
0x60: {  	_ =	shalt  }
0x61: {  	_ =	shalt  }
0x62: {  	_ =	shalt  }
0x63: {  	_ =	shalt  }
0x64: {  	_ =	shalt  }
0x65: {  	_ =	shalt  }
0x66: {  	_ =	shalt  }
0x67: {  	_ =	shalt  }
0x68: {  	_ =	shalt  }
0x69: {  	_ =	shalt  }
0x6a: {  	_ =	shalt  }
0x6b: {  	_ =	shalt  }
0x6c: {  	_ =	shalt  }
0x6d: {  	_ =	shalt  }
0x6e: {  	_ =	shalt  }
0x6f: {  	_ =	shalt  }
0x70: {  	_ =	shalt  }
0x71: {  	_ =	shalt  }
0x72: {  	_ =	shalt  }
0x73: {  	_ =	shalt  }
0x74: {  	_ =	shalt  }
0x75: {  	_ =	shalt  }
0x76: {  	_ =	shalt  }
0x77: {  	_ =	shalt  }
0x78: {  	_ =	shalt  }
0x79: {  	_ =	shalt  }
0x7a: {  	_ =	shalt  }
0x7b: {  	_ =	shalt  }
0x7c: {  	_ =	shalt  }
0x7d: {  	_ =	shalt  }
0x7e: {  	_ =	shalt  }
0x7f: {  	_ =	shalt  }
0x80: {  	_ =	shalt  }
0x81: {  	_ =	shalt  }
0x82: {  	_ =	shalt  }
0x83: {  	_ =	shalt  }
0x84: {  	_ =	shalt  }
0x85: {  	_ =	shalt  }
0x86: {  	_ =	shalt  }
0x87: {  	_ =	shalt  }
.Lfunc_end0:
.L_simem_size_0:
called_computation.4_lowered:
.L_overlay_start_0:
0x88: {  	s2 =	sld [smem:$0x3FD9]  }
0x89: {  	s3 =	sld [smem:$0x3FFE];
	_ =	sdelay $0x1  }
0x8a: {  	s1 =	srdreg.scid  }
0x8b: {  	s0 =	sand.u32 $0x1, s1  }
0x8c: {  	s14 =	sshll.u32 s0, $0xA;
	s2 =	sadd.s32 s3, s2  }
0x8d: {  	s2 =	sadd.s32 s2, s14  }
0x8e: {  	[smem:$0x3FBC] =	sst s2  }
0x8f: {  	_ = 	snop  }
0x90: {  	s2 =	sld [smem:$0x3FD0];
	_ =	sdelay $0x2  }
0x91: {  	s15 =	simm.s32 $0xA;
	s4 =	simm.s32 $0x10  }
0x92: {  	[smem:s4], [sflag:s15] =	dma.local [hbm:s2], $0x1  }
0x93: {  	_ =	swait.eq [sflag:s15], $0x1  }
0x94: {  	[sflag:s15] =	ssyncset.done $0x0  }
0x95: {  	s16 =	sld [smem:$0x10];
	[sflag:s15] =	ssyncadd.s32 $0xFFFFFFFF  }
0x96: {  	s17 =	sld [smem:$0x11];
	(tm) =	ssettm $0x1  }
0x97: {  	s18 =	sld [smem:$0x3FFB];
	_ =	sdelay $0x3  }
0x98: {  	_ =	strace s18  }
0x99: {  	s4 =	sld [smem:$0x3FFC];
	_ =	sdelay $0x3  }
0x9a: {  	_ =	strace s4  }
0x9b: {  	s4 =	sld [smem:$0x3FFD];
	_ =	sdelay $0x3  }
0x9c: {  	_ =	strace s4  }
0x9d: {  	_ =	strace $0x8FFFFFFF  }
0x9e: {  	s19 =	sld [smem:$0x3FDB];
	_ =	sdelay $0x1  }
0x9f: {  	s5 =	simm.s32 $_scs_section_size  }
0xa0: {  	s6 =	simm.s32 $_size__tile_overlayer_lowered;
	s7 =	simm.s32 $_tile_overlayer_lowered  }
0xa1: {  	s22 =	simm.s32 $0x1BFF;
	s21 =	sshll.u32 s7, $0x1;
	s4 =	sadd.s32 s5, s19  }
0xa2: {  	s8 =	simm.s32 $0x0;
	s20 =	sshll.u32 s6, $0x1;
	s6 =	sadd.s32 s21, s4  }
0xa3: {  	[timem:s8], [sflag:s22] =	dma.local [hbm:s6], s20  }
0xa4: {  	_ =	swait.ge [sflag:s22], s20  }
0xa5: {  	s5 =	ssub.s32 $0x0, s20;
	[sflag:s22] =	ssyncset.done $0x0  }
0xa6: {  	[sflag:s22] =	ssyncadd.s32 s5;
	_ =	sdelay $0x1  }
0xa7: {  	s23 =	simm.s32 $0x1B8B  }
0xa8: {  	_ =	swait.ge [sflag:s23], $0x1  }
0xa9: {  	[sflag:s23] =	ssyncset.done $0x0  }
0xaa: {  	s25 =	simm.s32 $0x1B8E;
	s24 =	sld [smem:$0x3FFE];
	[sflag:s23] =	ssyncadd.s32 $0xFFFFFFFF  }
0xab: {  	s26 =	simm.s32 $execute0_lowered;
	[smem:$0x3FD2] =	sst s25  }
0xac: {  	s6 =	sshll.u32 s26, $0x1;
	_ =	strace $0x80000052;
	[dreg:$0x1] =	wrdreg $0xFFFFFFFF  }
0xad: {  	s28 =	simm.s32 $_size_execute0_lowered;
	s4 =	sadd.s32 s4, s6;
	[dreg:$0x0] =	wrdreg $0x0  }
0xae: {  	s6 =	sshll.u32 s28, $0x1;
	[dreg:$0x2] =	wrdreg s4  }
0xaf: {  	[dreg:$0x3] =	wrdreg s6  }
0xb0: {  	[dreg:$0x4] =	wrdreg $0xC0  }
0xb1: {  	_ =	task [dreg:s8], $0x5FFFF  }
0xb2: {  	[dreg:$0x1] =	wrdreg $0xFFFFFFFF  }
0xb3: {  	[dreg:$0x0] =	wrdreg $0x60  }
0xb4: {  	[dreg:$0x2] =	wrdreg s24  }
0xb5: {  	[dreg:$0x3] =	wrdreg s16  }
0xb6: {  	[dreg:$0x4] =	wrdreg s17  }
0xb7: {  	[dreg:$0x5] =	wrdreg $0x0  }
0xb8: {  	[dreg:$0x6] =	wrdreg $0x9  }
0xb9: {  	_ =	task.clear_ibuf [dreg:s8], $0x7FFFF;
	_ =	strace $0x90000052  }
0xba: {  	s29 =	simm.s32 $0x9;
	_ =	strace $0x80000054  }
0xbb: {  	_ =	swait.ge [sflag:s29], $0x1  }
0xbc: {  	[sflag:s29] =	ssyncadd.s32 $0xFFFFFFFF  }
0xbd: {  	_ =	strace $0x90000054  }
0xbe: {  	_ =	sfence  }
0xbf: {  	s30 =	sld [smem:$0x0];
	_ =	sdelay $0x2  }
0xc0: {  	s31 =	sshll.u32 s1, $0xD;
	s1 =	sshrl.u32 s1, $0x2  }
0xc1: {  	s3 =	sand.u32 $0x4000, s31;
	s1 =	sadd.s32 s1, s30  }
0xc2: {  	s0 =	sor.u32 s3, s0;
	s1 =	sshll.u32 s1, $0x11  }
0xc3: {  	s0 =	sor.u32 s1, s0  }
0xc4: {  	s0 =	sadd.s32 $0x8F2B, s0  }
0xc5: {  	[sflag:s0] =	ssyncadd.remote.s32 $0x1  }
0xc6: {  	_ =	sfence.sel $0xFFFF  }
0xc7: {  	[dreg:$0x0] =	wrdreg $0xFFFFFFFF;
	(pc) =	sbr.abs _section_cstart, $3  }
0xc8: {  	[dreg:$0x1] =	wrdreg $0xFFFFFFFF  }
0xc9: {  	_ =	task.clear_ibuf [dreg:s8], $0x2FFFF;
	_ =	strace $0x9FFFFFFF  }
0xca: {  	(tm) =	ssettm $0x7FFFFFFF  }
0xcb: {  	_ =	shalt  }
tec
execute0_lowered:
.L_overlay_start_1:
0x0: {  	(tag) =	ssettag $0x1  }
0x1: {  	s0 =	rddreg [dreg:$0x0]  }
0x2: {  	s3 =	rddreg [dreg:$0x1]  }
0x3: {  	s6 =	rddreg [dreg:$0x2]  }
0x4: {  	s1 =	rddreg [dreg:$0x3];
	s2 =	simm.s32 $0x0  }
0x5: {  	s4 =	srdreg.scid;
	s13 =	stileid.u32;
	s30 =	simm.s32 $0x14200  }
0x6: {  	s31 =	simm.s32 $0x5;
	s28 =	simm.s32 $0x14180;
	s29 =	simm.s32 $0x1  }
0x7: {  	[smem:$0x7FF] =	sst s2;
	s7 =	sand.u32 $0x1, s4;
	s10 =	smul.u32 $0x5000, s13  }
0x8: {  	s4 =	sadd.s32 $0x6200, s0;
	s5 =	sadd.s32 $0x56200, s0;
	s25 =	smul.u32 $0x50000, s13  }
0x9: {  	s11 =	sadd.s32 $0x7E200, s0;
	s0 =	sadd.s32 $0xA6200, s0;
	s17 =	smul.u32 $0x2800, s13  }
0xa: {  	_ =	strace $0x80000053;
	s8 =	ssub.s32 $0x2, s7;
	[dreg:$0x5] =	wrdreg s11  }
0xb: {  	[dreg:$0x6] =	wrdreg s0;
	p0 =	seq.s32 s7, $0x1;
	s7 =	smul.u32 $0x280, s13  }
0xc: {  	s9 =	sshrl.u32 s8, $0x1;
	s23 =	sshrl.u32 s10, $0x3;
	s26 =	sor.u32 $0x80, s10  }
0xd: {  	s10 =	sor.u32 $0x100, s10;
	[dreg:$0xa] =	wrdreg s17;
	s22 =	ssub.s32 s8, s9  }
0xe: {  	s24 =	sadd.s32 s3, s23;
	s8 =	sadd.s32 s6, s23;
	s11 =	sadd.s32 $0x80, s7  }
0xf: {  	s15 =	sadd.s32 $0x100, s7;
	s19 =	sadd.s32 $0x180, s7;
	s20 =	sshrl.u32 s26, $0x3  }
0x10: {  	s21 =	sshrl.u32 s10, $0x3;
	s26 =	sadd.s32 $0x200, s7;
	[dreg:$0x7] =	wrdreg s24  }
0x11: {  	s7 =	sadd.s32 s4, s17;
	[dreg:$0x8] =	wrdreg s8;
	s0 =	smax.u32 s22, $0x1  }
0x12: {  	s8 =	sshrl.u32 s25, $0x2;
	s14 =	sshll.u32 s11, $0x7;
	s18 =	sshll.u32 s11, $0x4  }
0x13: {  	s16 =	sshll.u32 s15, $0x7;
	s11 =	sshll.u32 s15, $0x4;
	s22 =	smul.u32 $0xA00, s13  }
0x14: {  	s23 =	sadd.s32 s3, s20;
	s24 =	sadd.s32 s3, s21;
	[dreg:$0x10] =	wrdreg s7  }
0x15: {  	s25 =	sadd.s32 s6, s21;
	s15 =	sadd.s32 s5, s17;
	[dreg:$0x9] =	wrdreg s0  }
0x16: {  	s7 =	simm.s32 $0x14080;
	s12 =	sadd.s32 s8, s1;
	[dreg:$0xc] =	wrdreg s23  }
0x17: {  	s14 =	sadd.s32 s14, s1;
	s16 =	sadd.s32 s16, s1;
	[dreg:$0xe] =	wrdreg s24  }
0x18: {  	s8 =	sadd.s32 s6, s20;
	[dreg:$0xf] =	wrdreg s25;
	s23 =	sshll.u32 s19, $0x4  }
0x19: {  	s0 =	sshll.u32 s19, $0x7;
	s25 =	sshll.u32 s26, $0x4;
	[dreg:$0x15] =	wrdreg s15  }
0x1a: {  	s9 =	sadd.s32 s4, s11;
	[dreg:$0xb] =	wrdreg s18;
	s17 =	sadd.s32 s5, s18  }
0x1b: {  	s15 =	smov.u32 s11;
	[dreg:$0xd] =	wrdreg s8;
	s21 =	sadd.s32 s22, s6  }
0x1c: {  	s22 =	sadd.s32 s22, s3;
	s24 =	sadd.s32 s0, s1;
	[dreg:$0x12] =	wrdreg s9  }
0x1d: {  	s6 =	sshll.u32 s26, $0x7;
	s8 =	sadd.s32 s4, s18;
	[dreg:$0x16] =	wrdreg s17  }
0x1e: {  	s10 =	sadd.s32 s4, s23;
	s13 =	sadd.s32 s4, s25;
	[dreg:$0x11] =	wrdreg s8  }
0x1f: {  	s18 =	sadd.s32 s5, s11;
	s19 =	sadd.s32 s5, s23;
	[dreg:$0x13] =	wrdreg s10  }
.Ltmp0:
0x20: {  	s20 =	sadd.s32 s5, s25;
	[dreg:$0x14] =	wrdreg s13;
	(pc) =	sbr.rel .LBB2_1-.Ltmp0, $4  }
0x21: {  	s0 =	simm.s32 $0x14000;
	s3 =	simm.s32 $0x14100;
	[dreg:$0x17] =	wrdreg s18  }
0x22: {  	s9 =	simm.s32 $0x3;
	s17 =	simm.s32 $0x4;
	[dreg:$0x18] =	wrdreg s19  }
0x23: {  	s26 =	sadd.s32 s6, s1;
	[dreg:$0x19] =	wrdreg s20;
	s6 =	simm.s32 $0x80  }
0x24: {  	s8 =	simm.s32 $0x18200;
	s10 =	simm.s32 $0x2;
	s18 =	simm.s32 $0x0  }
.LBB2_8:
0x25: {  	s19 =	rddreg [dreg:$0x6]  }
.LBB2_9:
0x26: {  	_ =	swait.ge [sflag:s10], $0x4000  }
0x27: {  	[sflag:s10] =	ssyncset.done $0x0  }
0x28: {  	[sflag:s10] =	ssyncadd.s32 $0xFFFFC000;
	(ifvalue) =	ssetifvalue $0xFFFFFFFF  }
0x29: {  	[spmem:s1] =	stream.indirect.scatter.add.f32 [tilespmem:s8], [sflag:$0x4], $0x80, s28, s6, $0x40b8;
	[tilespmem:$0x1C200] =	vst v63  }
0x2a: {  	_ =	swait.ge [sflag:s9], $0x4000  }
0x2b: {  	[sflag:s9] =	ssyncset.done $0x0  }
0x2c: {  	[sflag:s9] =	ssyncadd.s32 $0xFFFFC000  }
0x2d: {  	_ =	swait.ge [sflag:s17], $0x4000  }
0x2e: {  	[sflag:s17] =	ssyncset.done $0x0  }
0x2f: {  	[sflag:s17] =	ssyncadd.s32 $0xFFFFC000  }
0x30: {  	[bflag:$0x0] =	sbarrier.arrive $0xFFFF  }
0x31: {  	[tilespmem:s30], [sflag:$0x5] =	stream.linear.gather [spmem:s12], $0x4000, $0x38;
	[tilespmem:$0x1C200] =	vst v63  }
0x32: {  	_ =	swait.ge [sflag:s31], $0x4000  }
0x33: {  	[sflag:s31] =	ssyncset.done $0x0;
	s11 =	rddreg [dreg:$0xa]  }
0x34: {  	s11 =	sadd.s32 s19, s11;
	[sflag:s31] =	ssyncadd.s32 $0xFFFFC000  }
0x35: {  	[hbm4b:s11+s2] =	stream.linear.scatter [tilespmem:s30], [sflag:$0x5], $0x4000, $0x38;
	[tilespmem:$0x1C200] =	vst v63  }
0x36: {  	_ =	swait.ge [sflag:s31], $0x4000  }
0x37: {  	[sflag:s31] =	ssyncset.done $0x0  }
0x38: {  	[sflag:s31] =	ssyncadd.s32 $0xFFFFC000  }
0x39: {  	[tilespmem:s30], [sflag:$0x5] =	stream.linear.gather [spmem:s14], $0x4000, $0x38;
	[tilespmem:$0x1C200] =	vst v63  }
0x3a: {  	_ =	swait.ge [sflag:s31], $0x4000  }
0x3b: {  	[sflag:s31] =	ssyncset.done $0x0;
	s13 =	rddreg [dreg:$0xb]  }
0x3c: {  	s11 =	sadd.s32 s19, s13;
	[sflag:s31] =	ssyncadd.s32 $0xFFFFC000  }
0x3d: {  	[hbm4b:s11+s2] =	stream.linear.scatter [tilespmem:s30], [sflag:$0x5], $0x4000, $0x38;
	[tilespmem:$0x1C200] =	vst v63  }
0x3e: {  	_ =	swait.ge [sflag:s31], $0x4000  }
0x3f: {  	[sflag:s31] =	ssyncset.done $0x0  }
0x40: {  	[sflag:s31] =	ssyncadd.s32 $0xFFFFC000  }
0x41: {  	[tilespmem:s30], [sflag:$0x5] =	stream.linear.gather [spmem:s16], $0x4000, $0x38;
	[tilespmem:$0x1C200] =	vst v63  }
0x42: {  	_ =	swait.ge [sflag:s31], $0x4000  }
0x43: {  	[sflag:s31] =	ssyncset.done $0x0  }
0x44: {  	s20 =	sadd.s32 s19, s15;
	[sflag:s31] =	ssyncadd.s32 $0xFFFFC000  }
0x45: {  	[hbm4b:s20+s2] =	stream.linear.scatter [tilespmem:s30], [sflag:$0x5], $0x4000, $0x38;
	[tilespmem:$0x1C200] =	vst v63  }
0x46: {  	_ =	swait.ge [sflag:s31], $0x4000  }
0x47: {  	[sflag:s31] =	ssyncset.done $0x0  }
0x48: {  	[sflag:s31] =	ssyncadd.s32 $0xFFFFC000  }
0x49: {  	[tilespmem:s30], [sflag:$0x5] =	stream.linear.gather [spmem:s24], $0x4000, $0x38;
	[tilespmem:$0x1C200] =	vst v63  }
0x4a: {  	_ =	swait.ge [sflag:s31], $0x4000  }
0x4b: {  	[sflag:s31] =	ssyncset.done $0x0  }
0x4c: {  	s13 =	sadd.s32 s19, s23;
	[sflag:s31] =	ssyncadd.s32 $0xFFFFC000  }
0x4d: {  	[hbm4b:s13+s2] =	stream.linear.scatter [tilespmem:s30], [sflag:$0x5], $0x4000, $0x38;
	[tilespmem:$0x1C200] =	vst v63  }
0x4e: {  	_ =	swait.ge [sflag:s31], $0x4000  }
0x4f: {  	[sflag:s31] =	ssyncset.done $0x0  }
0x50: {  	[sflag:s31] =	ssyncadd.s32 $0xFFFFC000  }
0x51: {  	[tilespmem:s30], [sflag:$0x5] =	stream.linear.gather [spmem:s26], $0x4000, $0x38;
	[tilespmem:$0x1C200] =	vst v63  }
0x52: {  	_ =	swait.ge [sflag:s31], $0x4000  }
0x53: {  	[sflag:s31] =	ssyncset.done $0x0  }
0x54: {  	s19 =	sadd.s32 s19, s25;
	[sflag:s31] =	ssyncadd.s32 $0xFFFFC000  }
0x55: {  	[hbm4b:s19+s2] =	stream.linear.scatter [tilespmem:s30], [sflag:$0x5], $0x4000, $0x38;
	[tilespmem:$0x1C200] =	vst v63  }
0x56: {  	_ =	swait.ge [sflag:s31], $0x4000  }
0x57: {  	s18 =	sadd.s32 $0x1, s18;
	s20 =	rddreg [dreg:$0x9]  }
0x58: {  	p1 =	sne.s32 s18, s20  }
.Ltmp1:
0x59: {  	_ = 	snop;
	(pc) =	sbr.rel @!p1 .LBB2_10-.Ltmp1, $3  }
0x5a: {  	_ =	sdelay $0x1  }
0x5b: {  	[sflag:s31] =	ssyncset.done $0x0  }
0x5c: {  	[sflag:s31] =	ssyncadd.s32 $0xFFFFC000  }
.LBB2_1:
.Ltmp2:
0x5d: {  	(pc) =	sbr.rel @!p0 .LBB2_2-.Ltmp2, $1  }
0x5e: {  	_ =	sdelay $0x3  }
0x5f: {  	s11 =	rddreg [dreg:$0x15]  }
0x60: {  	[tilespmem:s30], [sflag:$0x5] =	stream.linear.gather [hbm4b:s11+s2], $0x4000, $0x38;
	[tilespmem:$0x1C200] =	vst v63  }
0x61: {  	_ =	swait.ge [sflag:s31], $0x4000  }
0x62: {  	[sflag:s31] =	ssyncset.done $0x0  }
0x63: {  	[sflag:s31] =	ssyncadd.s32 $0xFFFFC000  }
0x64: {  	[spmem:s12] =	stream.linear.scatter [tilespmem:s30], [sflag:$0x5], $0x4000, $0x38;
	[tilespmem:$0x1C200] =	vst v63  }
0x65: {  	_ =	swait.ge [sflag:s31], $0x4000  }
0x66: {  	[sflag:s31] =	ssyncset.done $0x0  }
0x67: {  	s20 =	rddreg [dreg:$0x16];
	[sflag:s31] =	ssyncadd.s32 $0xFFFFC000  }
0x68: {  	[tilespmem:s30], [sflag:$0x5] =	stream.linear.gather [hbm4b:s20+s2], $0x4000, $0x38;
	[tilespmem:$0x1C200] =	vst v63  }
0x69: {  	_ =	swait.ge [sflag:s31], $0x4000  }
0x6a: {  	[sflag:s31] =	ssyncset.done $0x0  }
0x6b: {  	[sflag:s31] =	ssyncadd.s32 $0xFFFFC000  }
0x6c: {  	[spmem:s14] =	stream.linear.scatter [tilespmem:s30], [sflag:$0x5], $0x4000, $0x38;
	[tilespmem:$0x1C200] =	vst v63  }
0x6d: {  	_ =	swait.ge [sflag:s31], $0x4000  }
0x6e: {  	[sflag:s31] =	ssyncset.done $0x0  }
0x6f: {  	s13 =	rddreg [dreg:$0x17];
	[sflag:s31] =	ssyncadd.s32 $0xFFFFC000  }
0x70: {  	[tilespmem:s30], [sflag:$0x5] =	stream.linear.gather [hbm4b:s13+s2], $0x4000, $0x38;
	[tilespmem:$0x1C200] =	vst v63  }
0x71: {  	_ =	swait.ge [sflag:s31], $0x4000  }
0x72: {  	[sflag:s31] =	ssyncset.done $0x0  }
0x73: {  	[sflag:s31] =	ssyncadd.s32 $0xFFFFC000  }
0x74: {  	[spmem:s16] =	stream.linear.scatter [tilespmem:s30], [sflag:$0x5], $0x4000, $0x38;
	[tilespmem:$0x1C200] =	vst v63  }
0x75: {  	_ =	swait.ge [sflag:s31], $0x4000  }
0x76: {  	[sflag:s31] =	ssyncset.done $0x0  }
0x77: {  	s19 =	rddreg [dreg:$0x18];
	[sflag:s31] =	ssyncadd.s32 $0xFFFFC000  }
0x78: {  	[tilespmem:s30], [sflag:$0x5] =	stream.linear.gather [hbm4b:s19+s2], $0x4000, $0x38;
	[tilespmem:$0x1C200] =	vst v63  }
0x79: {  	_ =	swait.ge [sflag:s31], $0x4000  }
0x7a: {  	[sflag:s31] =	ssyncset.done $0x0  }
0x7b: {  	[sflag:s31] =	ssyncadd.s32 $0xFFFFC000  }
0x7c: {  	[spmem:s24] =	stream.linear.scatter [tilespmem:s30], [sflag:$0x5], $0x4000, $0x38;
	[tilespmem:$0x1C200] =	vst v63  }
0x7d: {  	_ =	swait.ge [sflag:s31], $0x4000  }
0x7e: {  	[sflag:s31] =	ssyncset.done $0x0  }
0x7f: {  	s20 =	rddreg [dreg:$0x19];
	[sflag:s31] =	ssyncadd.s32 $0xFFFFC000  }
0x80: {  	[tilespmem:s30], [sflag:$0x5] =	stream.linear.gather [hbm4b:s20+s2], $0x4000, $0x38;
	[tilespmem:$0x1C200] =	vst v63  }
0x81: {  	_ =	swait.ge [sflag:s31], $0x4000  }
0x82: {  	[sflag:s31] =	ssyncset.done $0x0  }
0x83: {  	[sflag:s31] =	ssyncadd.s32 $0xFFFFC000  }
0x84: {  	[spmem:s26] =	stream.linear.scatter [tilespmem:s30], [sflag:$0x5], $0x4000, $0x38;
	[tilespmem:$0x1C200] =	vst v63  }
0x85: {  	_ =	swait.ge [sflag:s31], $0x4000  }
0x86: {  	[sflag:s31] =	ssyncset.done $0x0  }
0x87: {  	[sflag:s31] =	ssyncadd.s32 $0xFFFFC000  }
0x88: {  	[bflag:$0x0] =	sbarrier.arrive $0xFFFF  }
0x89: {  	s13 =	rddreg [dreg:$0x7]  }
0x8a: {  	[tilespmem:s0], [sflag:$0x5] =	stream.linear.gather [hbm4b:s13+s2], $0x80, $0x38;
	[tilespmem:$0x1C200] =	vst v63  }
0x8b: {  	_ =	swait.ge [sflag:s31], $0x80  }
0x8c: {  	[sflag:s31] =	ssyncset.done $0x0  }
0x8d: {  	s19 =	rddreg [dreg:$0x8];
	[sflag:s31] =	ssyncadd.s32 $0xFFFFFF80  }
0x8e: {  	[tilespmem:s3], [sflag:$0x5] =	stream.linear.gather [hbm4b:s19+s2], $0x80, $0x38;
	[tilespmem:$0x1C200] =	vst v63  }
0x8f: {  	_ =	swait.ge [sflag:s31], $0x80  }
0x90: {  	[sflag:s31] =	ssyncset.done $0x0  }
0x91: {  	[sflag:s31] =	ssyncadd.s32 $0xFFFFFF80;
	(ifvalue) =	ssetifvalue $0xFFFFFFFF  }
0x92: {  	(ifvalue) =	ssetifvalue $0xFFFFFFFF  }
0x93: {  	[tilespmem:s30], [sflag:$0x1] =	stream.indirect.gather [hbm4b:s5+s6], $0x80, s0, s6, $0x40b8;
	[tilespmem:$0x1C200] =	vst v63  }
0x94: {  	s20 =	rddreg [dreg:$0xc]  }
0x95: {  	[tilespmem:s7], [sflag:$0x5] =	stream.linear.gather [hbm4b:s20+s2], $0x80, $0x38;
	[tilespmem:$0x1C200] =	vst v63  }
0x96: {  	_ =	swait.ge [sflag:s31], $0x80  }
0x97: {  	[sflag:s31] =	ssyncset.done $0x0  }
0x98: {  	s13 =	rddreg [dreg:$0xd];
	[sflag:s31] =	ssyncadd.s32 $0xFFFFFF80  }
0x99: {  	[tilespmem:s28], [sflag:$0x5] =	stream.linear.gather [hbm4b:s13+s2], $0x80, $0x38;
	[tilespmem:$0x1C200] =	vst v63  }
0x9a: {  	_ =	swait.ge [sflag:s31], $0x80  }
0x9b: {  	[sflag:s31] =	ssyncset.done $0x0  }
0x9c: {  	[sflag:s31] =	ssyncadd.s32 $0xFFFFFF80  }
0x9d: {  	_ =	swait.ge [sflag:s29], $0x4000  }
0x9e: {  	[sflag:s29] =	ssyncset.done $0x0  }
0x9f: {  	[sflag:s29] =	ssyncadd.s32 $0xFFFFC000;
	(ifvalue) =	ssetifvalue $0xFFFFFFFF  }
0xa0: {  	(ifvalue) =	ssetifvalue $0xFFFFFFFF  }
0xa1: {  	[tilespmem:s8], [sflag:$0x2] =	stream.indirect.gather [hbm4b:s5+s6], $0x80, s7, s6, $0x40b8;
	[tilespmem:$0x1C200] =	vst v63  }
0xa2: {  	(ifvalue) =	ssetifvalue $0xFFFFFFFF  }
0xa3: {  	[spmem:s1] =	stream.indirect.scatter.add.f32 [tilespmem:s30], [sflag:$0x3], $0x80, s3, s6, $0x40b8;
	[tilespmem:$0x1C200] =	vst v63  }
0xa4: {  	_ =	swait.ge [sflag:s9], $0x4000  }
0xa5: {  	[sflag:s9] =	ssyncset.done $0x0  }
0xa6: {  	s19 =	rddreg [dreg:$0xe];
	[sflag:s9] =	ssyncadd.s32 $0xFFFFC000  }
0xa7: {  	[tilespmem:s0], [sflag:$0x5] =	stream.linear.gather [hbm4b:s19+s2], $0x80, $0x38;
	[tilespmem:$0x1C200] =	vst v63  }
0xa8: {  	_ =	swait.ge [sflag:s31], $0x80  }
0xa9: {  	[sflag:s31] =	ssyncset.done $0x0  }
0xaa: {  	s20 =	rddreg [dreg:$0xf];
	[sflag:s31] =	ssyncadd.s32 $0xFFFFFF80  }
0xab: {  	[tilespmem:s3], [sflag:$0x5] =	stream.linear.gather [hbm4b:s20+s2], $0x80, $0x38;
	[tilespmem:$0x1C200] =	vst v63  }
0xac: {  	_ =	swait.ge [sflag:s31], $0x80  }
0xad: {  	[sflag:s31] =	ssyncset.done $0x0  }
0xae: {  	[sflag:s31] =	ssyncadd.s32 $0xFFFFFF80  }
0xaf: {  	_ =	swait.ge [sflag:s10], $0x4000  }
0xb0: {  	[sflag:s10] =	ssyncset.done $0x0  }
0xb1: {  	[sflag:s10] =	ssyncadd.s32 $0xFFFFC000;
	(ifvalue) =	ssetifvalue $0xFFFFFFFF  }
0xb2: {  	(ifvalue) =	ssetifvalue $0xFFFFFFFF  }
0xb3: {  	[tilespmem:s30], [sflag:$0x1] =	stream.indirect.gather [hbm4b:s5+s6], $0x80, s0, s6, $0x40b8;
	[tilespmem:$0x1C200] =	vst v63  }
0xb4: {  	s19 =	simm.s32 $0xFFFFF640;
	(ifvalue) =	ssetifvalue $0xFFFFFFFF  }
0xb5: {  	[spmem:s1] =	stream.indirect.scatter.add.f32 [tilespmem:s8], [sflag:$0x4], $0x80, s28, s6, $0x40b8;
	[tilespmem:$0x1C200] =	vst v63  }
.LBB2_7:
0xb6: {  	_ =	swait.ge [sflag:s17], $0x4000  }
0xb7: {  	s20 =	sadd.s32 s19, s22;
	[sflag:s17] =	ssyncset.done $0x0  }
0xb8: {  	s11 =	sadd.s32 $0x9F0, s20;
	[sflag:s17] =	ssyncadd.s32 $0xFFFFC000  }
0xb9: {  	[tilespmem:s7], [sflag:$0x5] =	stream.linear.gather [hbm4b:s11+s2], $0x80, $0x38;
	[tilespmem:$0x1C200] =	vst v63  }
0xba: {  	_ =	swait.ge [sflag:s31], $0x80  }
0xbb: {  	s11 =	sadd.s32 s19, s21;
	[sflag:s31] =	ssyncset.done $0x0  }
0xbc: {  	s13 =	sadd.s32 $0x9F0, s11;
	[sflag:s31] =	ssyncadd.s32 $0xFFFFFF80  }
0xbd: {  	[tilespmem:s28], [sflag:$0x5] =	stream.linear.gather [hbm4b:s13+s2], $0x80, $0x38;
	[tilespmem:$0x1C200] =	vst v63  }
0xbe: {  	_ =	swait.ge [sflag:s31], $0x80  }
0xbf: {  	[sflag:s31] =	ssyncset.done $0x0  }
0xc0: {  	[sflag:s31] =	ssyncadd.s32 $0xFFFFFF80  }
0xc1: {  	_ =	swait.ge [sflag:s29], $0x4000  }
0xc2: {  	p1 =	seq.s32 s19, $0x0;
	[sflag:s29] =	ssyncset.done $0x0  }
.Ltmp3:
0xc3: {  	[sflag:s29] =	ssyncadd.s32 $0xFFFFC000;
	(ifvalue) =	ssetifvalue $0xFFFFFFFF;
	(pc) =	sbr.rel @p1 .LBB2_8-.Ltmp3, $4  }
0xc4: {  	(ifvalue) =	ssetifvalue $0xFFFFFFFF  }
0xc5: {  	[tilespmem:s8], [sflag:$0x2] =	stream.indirect.gather [hbm4b:s5+s6], $0x80, s7, s6, $0x40b8;
	[tilespmem:$0x1C200] =	vst v63  }
0xc6: {  	(ifvalue) =	ssetifvalue $0xFFFFFFFF  }
0xc7: {  	[spmem:s1] =	stream.indirect.scatter.add.f32 [tilespmem:s30], [sflag:$0x3], $0x80, s3, s6, $0x40b8;
	[tilespmem:$0x1C200] =	vst v63  }
0xc8: {  	_ =	swait.ge [sflag:s9], $0x4000  }
0xc9: {  	[sflag:s9] =	ssyncset.done $0x0  }
0xca: {  	s13 =	sadd.s32 $0xA00, s20;
	[sflag:s9] =	ssyncadd.s32 $0xFFFFC000  }
0xcb: {  	[tilespmem:s0], [sflag:$0x5] =	stream.linear.gather [hbm4b:s13+s2], $0x80, $0x38;
	[tilespmem:$0x1C200] =	vst v63  }
0xcc: {  	_ =	swait.ge [sflag:s31], $0x80  }
0xcd: {  	[sflag:s31] =	ssyncset.done $0x0  }
0xce: {  	s11 =	sadd.s32 $0xA00, s11;
	[sflag:s31] =	ssyncadd.s32 $0xFFFFFF80  }
0xcf: {  	[tilespmem:s3], [sflag:$0x5] =	stream.linear.gather [hbm4b:s11+s2], $0x80, $0x38;
	[tilespmem:$0x1C200] =	vst v63  }
0xd0: {  	_ =	swait.ge [sflag:s31], $0x80  }
0xd1: {  	[sflag:s31] =	ssyncset.done $0x0  }
0xd2: {  	[sflag:s31] =	ssyncadd.s32 $0xFFFFFF80  }
0xd3: {  	_ =	swait.ge [sflag:s10], $0x4000  }
0xd4: {  	[sflag:s10] =	ssyncset.done $0x0  }
.Ltmp4:
0xd5: {  	[sflag:s10] =	ssyncadd.s32 $0xFFFFC000;
	(ifvalue) =	ssetifvalue $0xFFFFFFFF;
	(pc) =	sbr.rel .LBB2_7-.Ltmp4, $4  }
0xd6: {  	(ifvalue) =	ssetifvalue $0xFFFFFFFF  }
0xd7: {  	[tilespmem:s30], [sflag:$0x1] =	stream.indirect.gather [hbm4b:s5+s6], $0x80, s0, s6, $0x40b8;
	[tilespmem:$0x1C200] =	vst v63  }
0xd8: {  	s19 =	sadd.s32 $0x20, s19;
	(ifvalue) =	ssetifvalue $0xFFFFFFFF  }
0xd9: {  	[spmem:s1] =	stream.indirect.scatter.add.f32 [tilespmem:s8], [sflag:$0x4], $0x80, s28, s6, $0x40b8;
	[tilespmem:$0x1C200] =	vst v63  }
.LBB2_2:
0xda: {  	s11 =	rddreg [dreg:$0x10]  }
0xdb: {  	[tilespmem:s30], [sflag:$0x5] =	stream.linear.gather [hbm4b:s11+s2], $0x4000, $0x38;
	[tilespmem:$0x1C200] =	vst v63  }
0xdc: {  	_ =	swait.ge [sflag:s31], $0x4000  }
0xdd: {  	[sflag:s31] =	ssyncset.done $0x0  }
0xde: {  	[sflag:s31] =	ssyncadd.s32 $0xFFFFC000  }
0xdf: {  	[spmem:s12] =	stream.linear.scatter [tilespmem:s30], [sflag:$0x5], $0x4000, $0x38;
	[tilespmem:$0x1C200] =	vst v63  }
0xe0: {  	_ =	swait.ge [sflag:s31], $0x4000  }
0xe1: {  	[sflag:s31] =	ssyncset.done $0x0  }
0xe2: {  	s20 =	rddreg [dreg:$0x11];
	[sflag:s31] =	ssyncadd.s32 $0xFFFFC000  }
0xe3: {  	[tilespmem:s30], [sflag:$0x5] =	stream.linear.gather [hbm4b:s20+s2], $0x4000, $0x38;
	[tilespmem:$0x1C200] =	vst v63  }
0xe4: {  	_ =	swait.ge [sflag:s31], $0x4000  }
0xe5: {  	[sflag:s31] =	ssyncset.done $0x0  }
0xe6: {  	[sflag:s31] =	ssyncadd.s32 $0xFFFFC000  }
0xe7: {  	[spmem:s14] =	stream.linear.scatter [tilespmem:s30], [sflag:$0x5], $0x4000, $0x38;
	[tilespmem:$0x1C200] =	vst v63  }
0xe8: {  	_ =	swait.ge [sflag:s31], $0x4000  }
0xe9: {  	[sflag:s31] =	ssyncset.done $0x0  }
0xea: {  	s13 =	rddreg [dreg:$0x12];
	[sflag:s31] =	ssyncadd.s32 $0xFFFFC000  }
0xeb: {  	[tilespmem:s30], [sflag:$0x5] =	stream.linear.gather [hbm4b:s13+s2], $0x4000, $0x38;
	[tilespmem:$0x1C200] =	vst v63  }
0xec: {  	_ =	swait.ge [sflag:s31], $0x4000  }
0xed: {  	[sflag:s31] =	ssyncset.done $0x0  }
0xee: {  	[sflag:s31] =	ssyncadd.s32 $0xFFFFC000  }
0xef: {  	[spmem:s16] =	stream.linear.scatter [tilespmem:s30], [sflag:$0x5], $0x4000, $0x38;
	[tilespmem:$0x1C200] =	vst v63  }
0xf0: {  	_ =	swait.ge [sflag:s31], $0x4000  }
0xf1: {  	[sflag:s31] =	ssyncset.done $0x0  }
0xf2: {  	s19 =	rddreg [dreg:$0x13];
	[sflag:s31] =	ssyncadd.s32 $0xFFFFC000  }
0xf3: {  	[tilespmem:s30], [sflag:$0x5] =	stream.linear.gather [hbm4b:s19+s2], $0x4000, $0x38;
	[tilespmem:$0x1C200] =	vst v63  }
0xf4: {  	_ =	swait.ge [sflag:s31], $0x4000  }
0xf5: {  	[sflag:s31] =	ssyncset.done $0x0  }
0xf6: {  	[sflag:s31] =	ssyncadd.s32 $0xFFFFC000  }
0xf7: {  	[spmem:s24] =	stream.linear.scatter [tilespmem:s30], [sflag:$0x5], $0x4000, $0x38;
	[tilespmem:$0x1C200] =	vst v63  }
0xf8: {  	_ =	swait.ge [sflag:s31], $0x4000  }
0xf9: {  	[sflag:s31] =	ssyncset.done $0x0  }
0xfa: {  	s20 =	rddreg [dreg:$0x14];
	[sflag:s31] =	ssyncadd.s32 $0xFFFFC000  }
0xfb: {  	[tilespmem:s30], [sflag:$0x5] =	stream.linear.gather [hbm4b:s20+s2], $0x4000, $0x38;
	[tilespmem:$0x1C200] =	vst v63  }
0xfc: {  	_ =	swait.ge [sflag:s31], $0x4000  }
0xfd: {  	[sflag:s31] =	ssyncset.done $0x0  }
0xfe: {  	[sflag:s31] =	ssyncadd.s32 $0xFFFFC000  }
0xff: {  	[spmem:s26] =	stream.linear.scatter [tilespmem:s30], [sflag:$0x5], $0x4000, $0x38;
	[tilespmem:$0x1C200] =	vst v63  }
0x100: {  	_ =	swait.ge [sflag:s31], $0x4000  }
0x101: {  	[sflag:s31] =	ssyncset.done $0x0  }
0x102: {  	[sflag:s31] =	ssyncadd.s32 $0xFFFFC000  }
0x103: {  	[bflag:$0x0] =	sbarrier.arrive $0xFFFF  }
0x104: {  	s13 =	rddreg [dreg:$0x7]  }
0x105: {  	[tilespmem:s0], [sflag:$0x5] =	stream.linear.gather [hbm4b:s13+s2], $0x80, $0x38;
	[tilespmem:$0x1C200] =	vst v63  }
0x106: {  	_ =	swait.ge [sflag:s31], $0x80  }
0x107: {  	[sflag:s31] =	ssyncset.done $0x0  }
0x108: {  	s19 =	rddreg [dreg:$0x8];
	[sflag:s31] =	ssyncadd.s32 $0xFFFFFF80  }
0x109: {  	[tilespmem:s3], [sflag:$0x5] =	stream.linear.gather [hbm4b:s19+s2], $0x80, $0x38;
	[tilespmem:$0x1C200] =	vst v63  }
0x10a: {  	_ =	swait.ge [sflag:s31], $0x80  }
0x10b: {  	[sflag:s31] =	ssyncset.done $0x0  }
0x10c: {  	[sflag:s31] =	ssyncadd.s32 $0xFFFFFF80;
	(ifvalue) =	ssetifvalue $0xFFFFFFFF  }
0x10d: {  	(ifvalue) =	ssetifvalue $0xFFFFFFFF  }
0x10e: {  	[tilespmem:s30], [sflag:$0x1] =	stream.indirect.gather [hbm4b:s4+s6], $0x80, s0, s6, $0x40b8;
	[tilespmem:$0x1C200] =	vst v63  }
0x10f: {  	s20 =	rddreg [dreg:$0xc]  }
0x110: {  	[tilespmem:s7], [sflag:$0x5] =	stream.linear.gather [hbm4b:s20+s2], $0x80, $0x38;
	[tilespmem:$0x1C200] =	vst v63  }
0x111: {  	_ =	swait.ge [sflag:s31], $0x80  }
0x112: {  	[sflag:s31] =	ssyncset.done $0x0  }
0x113: {  	s13 =	rddreg [dreg:$0xd];
	[sflag:s31] =	ssyncadd.s32 $0xFFFFFF80  }
0x114: {  	[tilespmem:s28], [sflag:$0x5] =	stream.linear.gather [hbm4b:s13+s2], $0x80, $0x38;
	[tilespmem:$0x1C200] =	vst v63  }
0x115: {  	_ =	swait.ge [sflag:s31], $0x80  }
0x116: {  	[sflag:s31] =	ssyncset.done $0x0  }
0x117: {  	[sflag:s31] =	ssyncadd.s32 $0xFFFFFF80  }
0x118: {  	_ =	swait.ge [sflag:s29], $0x4000  }
0x119: {  	[sflag:s29] =	ssyncset.done $0x0  }
0x11a: {  	[sflag:s29] =	ssyncadd.s32 $0xFFFFC000;
	(ifvalue) =	ssetifvalue $0xFFFFFFFF  }
0x11b: {  	(ifvalue) =	ssetifvalue $0xFFFFFFFF  }
0x11c: {  	[tilespmem:s8], [sflag:$0x2] =	stream.indirect.gather [hbm4b:s4+s6], $0x80, s7, s6, $0x40b8;
	[tilespmem:$0x1C200] =	vst v63  }
0x11d: {  	(ifvalue) =	ssetifvalue $0xFFFFFFFF  }
0x11e: {  	[spmem:s1] =	stream.indirect.scatter.add.f32 [tilespmem:s30], [sflag:$0x3], $0x80, s3, s6, $0x40b8;
	[tilespmem:$0x1C200] =	vst v63  }
0x11f: {  	_ =	swait.ge [sflag:s9], $0x4000  }
0x120: {  	[sflag:s9] =	ssyncset.done $0x0  }
0x121: {  	s19 =	rddreg [dreg:$0xe];
	[sflag:s9] =	ssyncadd.s32 $0xFFFFC000  }
0x122: {  	[tilespmem:s0], [sflag:$0x5] =	stream.linear.gather [hbm4b:s19+s2], $0x80, $0x38;
	[tilespmem:$0x1C200] =	vst v63  }
0x123: {  	_ =	swait.ge [sflag:s31], $0x80  }
0x124: {  	[sflag:s31] =	ssyncset.done $0x0  }
0x125: {  	s20 =	rddreg [dreg:$0xf];
	[sflag:s31] =	ssyncadd.s32 $0xFFFFFF80  }
0x126: {  	[tilespmem:s3], [sflag:$0x5] =	stream.linear.gather [hbm4b:s20+s2], $0x80, $0x38;
	[tilespmem:$0x1C200] =	vst v63  }
0x127: {  	_ =	swait.ge [sflag:s31], $0x80  }
0x128: {  	[sflag:s31] =	ssyncset.done $0x0  }
0x129: {  	[sflag:s31] =	ssyncadd.s32 $0xFFFFFF80  }
0x12a: {  	_ =	swait.ge [sflag:s10], $0x4000  }
0x12b: {  	[sflag:s10] =	ssyncset.done $0x0  }
0x12c: {  	[sflag:s10] =	ssyncadd.s32 $0xFFFFC000;
	(ifvalue) =	ssetifvalue $0xFFFFFFFF  }
0x12d: {  	(ifvalue) =	ssetifvalue $0xFFFFFFFF  }
0x12e: {  	[tilespmem:s30], [sflag:$0x1] =	stream.indirect.gather [hbm4b:s4+s6], $0x80, s0, s6, $0x40b8;
	[tilespmem:$0x1C200] =	vst v63  }
0x12f: {  	s19 =	simm.s32 $0xFFFFF640;
	(ifvalue) =	ssetifvalue $0xFFFFFFFF  }
0x130: {  	[spmem:s1] =	stream.indirect.scatter.add.f32 [tilespmem:s8], [sflag:$0x4], $0x80, s28, s6, $0x40b8;
	[tilespmem:$0x1C200] =	vst v63  }
.LBB2_3:
0x131: {  	_ =	swait.ge [sflag:s17], $0x4000  }
0x132: {  	s20 =	sadd.s32 s19, s22;
	[sflag:s17] =	ssyncset.done $0x0  }
0x133: {  	s11 =	sadd.s32 $0x9F0, s20;
	[sflag:s17] =	ssyncadd.s32 $0xFFFFC000  }
0x134: {  	[tilespmem:s7], [sflag:$0x5] =	stream.linear.gather [hbm4b:s11+s2], $0x80, $0x38;
	[tilespmem:$0x1C200] =	vst v63  }
0x135: {  	_ =	swait.ge [sflag:s31], $0x80  }
0x136: {  	s11 =	sadd.s32 s19, s21;
	[sflag:s31] =	ssyncset.done $0x0  }
0x137: {  	s13 =	sadd.s32 $0x9F0, s11;
	[sflag:s31] =	ssyncadd.s32 $0xFFFFFF80  }
0x138: {  	[tilespmem:s28], [sflag:$0x5] =	stream.linear.gather [hbm4b:s13+s2], $0x80, $0x38;
	[tilespmem:$0x1C200] =	vst v63  }
0x139: {  	_ =	swait.ge [sflag:s31], $0x80  }
0x13a: {  	[sflag:s31] =	ssyncset.done $0x0  }
0x13b: {  	[sflag:s31] =	ssyncadd.s32 $0xFFFFFF80  }
0x13c: {  	_ =	swait.ge [sflag:s29], $0x4000  }
0x13d: {  	p1 =	seq.s32 s19, $0x0;
	[sflag:s29] =	ssyncset.done $0x0  }
.Ltmp5:
0x13e: {  	[sflag:s29] =	ssyncadd.s32 $0xFFFFC000;
	(ifvalue) =	ssetifvalue $0xFFFFFFFF;
	(pc) =	sbr.rel @p1 .LBB2_4-.Ltmp5, $4  }
0x13f: {  	(ifvalue) =	ssetifvalue $0xFFFFFFFF  }
0x140: {  	[tilespmem:s8], [sflag:$0x2] =	stream.indirect.gather [hbm4b:s4+s6], $0x80, s7, s6, $0x40b8;
	[tilespmem:$0x1C200] =	vst v63  }
0x141: {  	(ifvalue) =	ssetifvalue $0xFFFFFFFF  }
0x142: {  	[spmem:s1] =	stream.indirect.scatter.add.f32 [tilespmem:s30], [sflag:$0x3], $0x80, s3, s6, $0x40b8;
	[tilespmem:$0x1C200] =	vst v63  }
0x143: {  	_ =	swait.ge [sflag:s9], $0x4000  }
0x144: {  	[sflag:s9] =	ssyncset.done $0x0  }
0x145: {  	s13 =	sadd.s32 $0xA00, s20;
	[sflag:s9] =	ssyncadd.s32 $0xFFFFC000  }
0x146: {  	[tilespmem:s0], [sflag:$0x5] =	stream.linear.gather [hbm4b:s13+s2], $0x80, $0x38;
	[tilespmem:$0x1C200] =	vst v63  }
0x147: {  	_ =	swait.ge [sflag:s31], $0x80  }
0x148: {  	[sflag:s31] =	ssyncset.done $0x0  }
0x149: {  	s11 =	sadd.s32 $0xA00, s11;
	[sflag:s31] =	ssyncadd.s32 $0xFFFFFF80  }
0x14a: {  	[tilespmem:s3], [sflag:$0x5] =	stream.linear.gather [hbm4b:s11+s2], $0x80, $0x38;
	[tilespmem:$0x1C200] =	vst v63  }
0x14b: {  	_ =	swait.ge [sflag:s31], $0x80  }
0x14c: {  	[sflag:s31] =	ssyncset.done $0x0  }
0x14d: {  	[sflag:s31] =	ssyncadd.s32 $0xFFFFFF80  }
0x14e: {  	_ =	swait.ge [sflag:s10], $0x4000  }
0x14f: {  	[sflag:s10] =	ssyncset.done $0x0  }
.Ltmp6:
0x150: {  	[sflag:s10] =	ssyncadd.s32 $0xFFFFC000;
	(ifvalue) =	ssetifvalue $0xFFFFFFFF;
	(pc) =	sbr.rel .LBB2_3-.Ltmp6, $4  }
0x151: {  	(ifvalue) =	ssetifvalue $0xFFFFFFFF  }
0x152: {  	[tilespmem:s30], [sflag:$0x1] =	stream.indirect.gather [hbm4b:s4+s6], $0x80, s0, s6, $0x40b8;
	[tilespmem:$0x1C200] =	vst v63  }
0x153: {  	s19 =	sadd.s32 $0x20, s19;
	(ifvalue) =	ssetifvalue $0xFFFFFFFF  }
0x154: {  	[spmem:s1] =	stream.indirect.scatter.add.f32 [tilespmem:s8], [sflag:$0x4], $0x80, s28, s6, $0x40b8;
	[tilespmem:$0x1C200] =	vst v63  }
.LBB2_4:
.Ltmp7:
0x155: {  	(pc) =	sbr.rel .LBB2_9-.Ltmp7, $2  }
0x156: {  	_ =	sdelay $0x2  }
0x157: {  	s19 =	rddreg [dreg:$0x5]  }
.LBB2_10:
0x158: {  	_ =	sfence.sel $0x180000  }
0x159: {  	[bflag:$0x0] =	sbarrier.arrive $0xFFFF  }
0x15a: {  	_ =	strace $0x90000053  }
0x15b: {  	s0 =	stileid.u32;
	[bflag:$0x2] =	sbarrier.arrive $0xFFFF  }
0x15c: {  	p0 =	sne.s32 s0, $0x0;
	s0 =	rddreg [dreg:$0x4]  }
0x15d: {  	s0 =	sadd.s32 @!p0 $0x100000, s0  }
0x15e: {  	[sflag:s0] =	ssyncadd.tile.s32 @!p0 $0x1;
	_ =	shalt  }
.Lfunc_end2:
_tile_overlayer_lowered:
.L_overlay_start_2:
0x15f: {  	(tag) =	ssettag $0x2  }
0x160: {  	s0 =	rddreg [dreg:$0x0];
	s2 =	stileid.u32  }
0x161: {  	s1 =	rddreg [dreg:$0x1];
	p0 =	sne.s32 s2, $0x0  }
0x162: {  	s3 =	rddreg [dreg:$0x2];
	[bflag:$0x3] =	sbarrier.arrive $0xFFFF;
	s2 =	simm.s32 @!p0 $0x1C05  }
0x163: {  	[timem:s3], [sflag:s2] =	dma.local @!p0 [hbm:s0], s1  }
0x164: {  	s0 =	simm.s32 @!p0 $0x5  }
0x165: {  	_ =	swait.ge @!p0 [sflag:s0], s1  }
0x166: {  	s1 =	ssub.s32 @!p0 $0x0, s1;
	[sflag:s0] =	ssyncset.done @!p0 $0x0  }
0x167: {  	[sflag:s0] =	ssyncadd.s32 @!p0 s1  }
0x168: {  	[bflag:$0x3] =	sbarrier.arrive $0xFFFF  }
0x169: {  	_ =	shalt  }

</sc_bundles>
